<compile_context>
chip_gen: v7x
topology: tpu7x:2x2x1
jax: 0.10.2.dev20260603
libtpu: 0.0.44.dev20260713+nightly
codegen_flags: <defaults>
</compile_context>

<pallas_src>
import functools

import jax
import jax.numpy as jnp
from jax import lax
from jax.experimental import pallas as pl
from jax.experimental.pallas import tpu as pltpu
from jax.experimental.pallas import tpu_sc as plsc

N_NODES = 10000
N_EDGES = 320000
D_IN = 128
D_OUT = 128

NUM_CORES = 2
NUM_SUBCORES = 16

CHUNK = 64
NB = 8
CHUNKS_PER_TILE = 160
NBLOCKS = CHUNKS_PER_TILE // NB
DCHUNK = 128
DNBLOCKS = CHUNKS_PER_TILE * CHUNK // (NB * DCHUNK)
EDGES_PER_TILE = CHUNK * CHUNKS_PER_TILE
E_PAD = EDGES_PER_TILE * NUM_SUBCORES * NUM_CORES
N_PAD = 10240
ZROWS = N_PAD // NUM_SUBCORES
SROWS = ZROWS // 8


def _sc_aggregate(x, srcdst, dst2, ones_blk, zeros_blk):
  mesh = plsc.VectorSubcoreMesh(core_axis_name="c", subcore_axis_name="s")

  @functools.partial(
      pl.kernel,
      out_type=(
          jax.ShapeDtypeStruct((NUM_CORES, N_PAD, D_IN), jnp.float32),
          jax.ShapeDtypeStruct((NUM_CORES, N_PAD, D_IN), jnp.float32),
      ),
      mesh=mesh,
      scratch_types=[
          pltpu.VMEM((2, NB, CHUNK), jnp.int32),
          pltpu.VMEM((2, NB, CHUNK), jnp.int32),
          pltpu.VMEM((2, NB, DCHUNK), jnp.int32),
          pltpu.VMEM((2, CHUNK, D_IN), jnp.float32),
          pltpu.VMEM((DCHUNK, D_IN), jnp.float32),
          pltpu.VMEM((SROWS, D_IN), jnp.float32),
          pltpu.VMEM_SHARED((N_PAD, D_IN), jnp.float32),
          pltpu.SemaphoreType.DMA,
          pltpu.SemaphoreType.DMA,
          pltpu.SemaphoreType.DMA,
          pltpu.SemaphoreType.DMA,
      ],
  )
  def k(x_hbm, sd_hbm, dst2_hbm, ones_hbm, z_hbm, psum_hbm, pdeg_hbm,
        srcb_v, dstb_v, dstb2_v, rows_v, ones_v, stage_v, acc_sh,
        rsem0, rsem1, isem0, isem1):
    c = lax.axis_index("c")
    s = lax.axis_index("s")
    rsems = (rsem0, rsem1)
    isems = (isem0, isem1)
    zbase = s * ZROWS

    def zero_acc():
      for kk in range(8):
        pltpu.sync_copy(stage_v, acc_sh.at[pl.ds(zbase + kk * SROWS, SROWS)])

    def write_acc(out_hbm):
      for kk in range(8):
        pltpu.sync_copy(acc_sh.at[pl.ds(zbase + kk * SROWS, SROWS)], stage_v)
        pltpu.sync_copy(stage_v,
                        out_hbm.at[c, pl.ds(zbase + kk * SROWS, SROWS)])

    def load_block(g, slot, with_src):
      if with_src:
        pltpu.async_copy(sd_hbm.at[0, c, s, g], srcb_v.at[slot], isems[slot])
      pltpu.async_copy(sd_hbm.at[1, c, s, g], dstb_v.at[slot], isems[slot])

    def wait_block(slot, with_src):
      if with_src:
        pltpu.make_async_copy(sd_hbm.at[0, c, s, 0], srcb_v.at[slot],
                              isems[slot]).wait()
      pltpu.make_async_copy(sd_hbm.at[1, c, s, 0], dstb_v.at[slot],
                            isems[slot]).wait()

    pltpu.sync_copy(ones_hbm, ones_v)
    pltpu.sync_copy(z_hbm, stage_v)
    zero_acc()
    plsc.subcore_barrier()

    def fire(bslot, jj, rslot):
      pltpu.async_copy(x_hbm.at[srcb_v.at[bslot, jj]], rows_v.at[rslot],
                       rsems[rslot])

    def wait_rows(rslot):
      pltpu.make_async_copy(x_hbm.at[srcb_v.at[0, 0]], rows_v.at[rslot],
                            rsems[rslot]).wait()

    def drain(bslot, jj, rslot):
      pltpu.sync_copy(rows_v.at[rslot], acc_sh.at[dstb_v.at[bslot, jj]],
                      add=True)

    load_block(0, 0, True)
    load_block(1, 1, True)
    wait_block(0, True)
    fire(0, 0, 0)
    fire(0, 1, 1)

    def step(p, carry):
      for jj in range(16):
        rslot = jj & 1
        bslot, bjj = (0, jj) if jj < 8 else (1, jj - 8)
        wait_rows(rslot)
        drain(bslot, bjj, rslot)
        nxt = jj + 2
        if nxt < 8:
          fire(0, nxt, rslot)
        elif nxt == 8:
          wait_block(1, True)
          fire(1, 0, rslot)
        elif nxt == 9:
          load_block(2 * p + 2, 0, True)
          fire(1, 1, rslot)
        elif nxt < 16:
          fire(1, nxt - 8, rslot)
        elif nxt == 16:
          wait_block(0, True)
          fire(0, 0, rslot)
        else:
          load_block(2 * p + 3, 1, True)
          fire(0, 1, rslot)
      return carry

    lax.fori_loop(0, NBLOCKS // 2 - 1, step, 0)

    for jj in range(16):
      rslot = jj & 1
      bslot, bjj = (0, jj) if jj < 8 else (1, jj - 8)
      wait_rows(rslot)
      drain(bslot, bjj, rslot)
      nxt = jj + 2
      if nxt < 8:
        fire(0, nxt, rslot)
      elif nxt == 8:
        wait_block(1, True)
        fire(1, 0, rslot)
      elif nxt < 16:
        fire(1, nxt - 8, rslot)

    plsc.subcore_barrier()
    write_acc(psum_hbm)
    plsc.subcore_barrier()
    pltpu.sync_copy(z_hbm, stage_v)
    zero_acc()
    plsc.subcore_barrier()

    def load_dblock(g, slot):
      pltpu.async_copy(dst2_hbm.at[c, s, g], dstb2_v.at[slot], isems[slot])

    def wait_dblock(slot):
      pltpu.make_async_copy(dst2_hbm.at[c, s, 0], dstb2_v.at[slot],
                            isems[slot]).wait()

    load_dblock(0, 0)
    load_dblock(1, 1)

    def dstep(p, carry):
      for bslot in range(2):
        wait_dblock(bslot)
        for jj in range(NB):
          pltpu.sync_copy(ones_v, acc_sh.at[dstb2_v.at[bslot, jj]], add=True)
        load_dblock(2 * p + 2 + bslot, bslot)
      return carry

    lax.fori_loop(0, DNBLOCKS // 2 - 1, dstep, 0)
    for bslot in range(2):
      wait_dblock(bslot)
      for jj in range(NB):
        pltpu.sync_copy(ones_v, acc_sh.at[dstb2_v.at[bslot, jj]], add=True)

    plsc.subcore_barrier()
    write_acc(pdeg_hbm)

  return k(x, srcdst, dst2, ones_blk, zeros_blk)


BLK_N = 1000


def _tc_body(p0_ref, p1_ref, d0_ref, d1_ref, x_ref, wl_ref, wr_ref, b_ref,
             o_ref):
  deg = jnp.maximum((d0_ref[0] + d1_ref[0])[:, 0:1], 1.0)
  aggr = (p0_ref[0] + p1_ref[0]) / deg
  o_ref[...] = (
      jnp.dot(aggr, wl_ref[...], preferred_element_type=jnp.float32)
      + jnp.dot(x_ref[...], wr_ref[...], preferred_element_type=jnp.float32)
      + b_ref[...]
  )


def kernel(x, edge_index, W_l, b_l, W_r):
  pad = E_PAD - N_EDGES
  src = jnp.concatenate([edge_index[0], jnp.zeros((pad,), jnp.int32)])
  dst = jnp.concatenate(
      [edge_index[1], jnp.full((pad,), N_NODES, jnp.int32)])
  srcdst = jnp.stack([src, dst]).reshape(
      2, NUM_CORES, NUM_SUBCORES, NBLOCKS, NB, CHUNK)
  dst2 = dst.reshape(NUM_CORES, NUM_SUBCORES, DNBLOCKS, NB, DCHUNK)

  ones_blk = jnp.ones((DCHUNK, D_IN), jnp.float32)
  zeros_blk = jnp.zeros((SROWS, D_IN), jnp.float32)

  psum, pdeg = _sc_aggregate(x, srcdst, dst2, ones_blk, zeros_blk)

  grid = N_NODES // BLK_N
  out = pl.pallas_call(
      _tc_body,
      grid=(grid,),
      in_specs=[
          pl.BlockSpec((1, BLK_N, D_IN), lambda i: (0, i, 0)),
          pl.BlockSpec((1, BLK_N, D_IN), lambda i: (1, i, 0)),
          pl.BlockSpec((1, BLK_N, D_IN), lambda i: (0, i, 0)),
          pl.BlockSpec((1, BLK_N, D_IN), lambda i: (1, i, 0)),
          pl.BlockSpec((BLK_N, D_IN), lambda i: (i, 0)),
          pl.BlockSpec((D_IN, D_OUT), lambda i: (0, 0)),
          pl.BlockSpec((D_IN, D_OUT), lambda i: (0, 0)),
          pl.BlockSpec((1, D_OUT), lambda i: (0, 0)),
      ],
      out_specs=pl.BlockSpec((BLK_N, D_OUT), lambda i: (i, 0)),
      out_shape=jax.ShapeDtypeStruct((N_NODES, D_OUT), jnp.float32),
  )(psum, psum, pdeg, pdeg, x, W_l.T, W_r.T, b_l.reshape(1, D_OUT))
  return out

# --- scband reference (transcript-rebuilt; emitter-appended) ---
"""Pipeline reference for scband-graph-sage-66005057405233 (READ-ONLY COPY).

The authoritative reference and input builder live on the scoring server;
editing this copy changes nothing except your own understanding.
"""

import jax, jax.numpy as jnp
import numpy as np

N = 10000
E = 320000
D = 128
H = 128

def setup_inputs(seed: int = 0) -> dict:
    key = jax.random.key(seed)
    k1, k2, k3, k4, k5 = jax.random.split(key, 5)
    x = jax.random.normal(k1, (N, D), dtype=jnp.float32)
    edge_index = jax.random.randint(k2, (2, E), 0, N, dtype=jnp.int32)
    # SAGEConv parameters: lin_l applied to aggregated neighbor features (with bias),
    # lin_r applied to root/self features (no bias), per PyG defaults.
    W_l = jax.random.normal(k3, (H, D), dtype=jnp.float32) * (1.0 / np.sqrt(D))
    b_l = jnp.zeros((H,), dtype=jnp.float32)
    W_r = jax.random.normal(k4, (H, D), dtype=jnp.float32) * (1.0 / np.sqrt(D))
    return {"x": x, "edge_index": edge_index, "W_l": W_l, "b_l": b_l, "W_r": W_r}

def reference(x, edge_index, W_l, b_l, W_r):
    # SAGEConv with mean aggregation:
    # out = lin_l(mean_{j in N(i)} x_j) + lin_r(x_i)
    src = edge_index[0]
    dst = edge_index[1]
    msgs = jnp.take(x, src, axis=0)                      # gather source features [E, D]
    aggr_sum = jax.ops.segment_sum(msgs, dst, num_segments=N)   # scatter-add to dst [N, D]
    deg = jax.ops.segment_sum(jnp.ones((E,), dtype=jnp.float32), dst, num_segments=N)
    aggr = aggr_sum / jnp.clip(deg, 1.0, None)[:, None]  # mean aggregation
    out = aggr @ W_l.T + b_l + x @ W_r.T
    return out

if __name__ == "__main__":
    import jax
    _d = setup_inputs()
    print(jax.jit(kernel)(*tuple(_d.values())))

</pallas_src>

<mosaic_0001>
#map = affine_map<(d0, d1) -> (0, 0)>
#map1 = affine_map<(d0, d1) -> (0, 0, 0, 0, 0, 0)>
#map2 = affine_map<(d0, d1) -> (0, 0, 0, 0, 0)>
#map3 = affine_map<(d0, d1) -> (0, 0, 0)>
module attributes {stable_mosaic.version = 14 : i64} {
  func.func @k(%arg0: i32, %arg1: i32, %arg2: memref<10000x128xf32, #tpu.memory_space<hbm>>, %arg3: memref<2x2x16x20x8x64xi32, #tpu.memory_space<hbm>>, %arg4: memref<2x16x10x8x128xi32, #tpu.memory_space<hbm>>, %arg5: memref<128x128xf32, #tpu.memory_space<hbm>>, %arg6: memref<80x128xf32, #tpu.memory_space<hbm>>, %arg7: memref<2x10240x128xf32, #tpu.memory_space<hbm>>, %arg8: memref<2x10240x128xf32, #tpu.memory_space<hbm>>, %arg9: memref<2x8x64xi32, #tpu.memory_space<vmem>>, %arg10: memref<2x8x64xi32, #tpu.memory_space<vmem>>, %arg11: memref<2x8x128xi32, #tpu.memory_space<vmem>>, %arg12: memref<2x64x128xf32, #tpu.memory_space<vmem>>, %arg13: memref<128x128xf32, #tpu.memory_space<vmem>>, %arg14: memref<80x128xf32, #tpu.memory_space<vmem>>, %arg15: memref<10240x128xf32, #tpu.memory_space<vmem_shared>>, %arg16: memref<!tpu.dma_semaphore, #tpu.memory_space<semaphore_mem>>, %arg17: memref<!tpu.dma_semaphore, #tpu.memory_space<semaphore_mem>>, %arg18: memref<!tpu.dma_semaphore, #tpu.memory_space<semaphore_mem>>, %arg19: memref<!tpu.dma_semaphore, #tpu.memory_space<semaphore_mem>>) attributes {dimension_semantics = [#tpu.dimension_semantics<core_parallel>, #tpu.dimension_semantics<subcore_parallel>], iteration_bounds = array<i64: 2, 16>, scalar_prefetch = 0 : i64, scratch_operands = 11 : i64, tpu.core_type = #tpu.core_type<sc_vector_subcore>, window_params = [{transform_indices = #map}, {transform_indices = #map1}, {transform_indices = #map2}, {transform_indices = #map}, {transform_indices = #map}, {transform_indices = #map3}, {transform_indices = #map3}]} {
    %mul3A = arith.constant 640 : i32
    %mul3A_0 = arith.muli %arg1, %mul3A : i32
    "tpu.region"() ({
      %run_scoped3A_828 = tpu.sem_alloc : memref<!tpu.dma_semaphore, #tpu.memory_space<semaphore_mem>>
      tpu.enqueue_dma source(%arg5 : memref<128x128xf32, #tpu.memory_space<hbm>>) target(%arg13 : memref<128x128xf32, #tpu.memory_space<vmem>>) target_semaphore(%run_scoped3A_828 : memref<!tpu.dma_semaphore, #tpu.memory_space<semaphore_mem>>)
      tpu.wait_dma2 semaphore(%run_scoped3A_828 : memref<!tpu.dma_semaphore, #tpu.memory_space<semaphore_mem>>) src(%arg5 : memref<128x128xf32, #tpu.memory_space<hbm>>) dst(%arg13 : memref<128x128xf32, #tpu.memory_space<vmem>>)
      tpu.yield
    }) : () -> ()
    "tpu.region"() ({
      %run_scoped3A_828 = tpu.sem_alloc : memref<!tpu.dma_semaphore, #tpu.memory_space<semaphore_mem>>
      tpu.enqueue_dma source(%arg6 : memref<80x128xf32, #tpu.memory_space<hbm>>) target(%arg14 : memref<80x128xf32, #tpu.memory_space<vmem>>) target_semaphore(%run_scoped3A_828 : memref<!tpu.dma_semaphore, #tpu.memory_space<semaphore_mem>>)
      tpu.wait_dma2 semaphore(%run_scoped3A_828 : memref<!tpu.dma_semaphore, #tpu.memory_space<semaphore_mem>>) src(%arg6 : memref<80x128xf32, #tpu.memory_space<hbm>>) dst(%arg14 : memref<80x128xf32, #tpu.memory_space<vmem>>)
      tpu.yield
    }) : () -> ()
    %add3A = arith.constant 0 : i32
    %add3A_1 = arith.addi %mul3A_0, %add3A : i32
    "tpu.region"() ({
      %run_scoped3A_828 = tpu.sem_alloc : memref<!tpu.dma_semaphore, #tpu.memory_space<semaphore_mem>>
      %dma_start3A_829 = arith.constant 0 : i32
      %dma_start3A_830 = tpu.memref_slice %arg15[%add3A_1, %dma_start3A_829] : memref<10240x128xf32, #tpu.memory_space<vmem_shared>> -> memref<80x128xf32, #tpu.memory_space<vmem_shared>>
      %dma_start3A_831 = arith.constant 0 : i32
      %dma_start3A_832 = tpu.memref_slice %arg15[%add3A_1, %dma_start3A_831] : memref<10240x128xf32, #tpu.memory_space<vmem_shared>> -> memref<80x128xf32, #tpu.memory_space<vmem_shared>>
      tpu.enqueue_dma source(%arg14 : memref<80x128xf32, #tpu.memory_space<vmem>>) target(%dma_start3A_832 : memref<80x128xf32, #tpu.memory_space<vmem_shared>>) target_semaphore(%run_scoped3A_828 : memref<!tpu.dma_semaphore, #tpu.memory_space<semaphore_mem>>)
      %dma_wait3A_833 = arith.constant 0 : i32
      %dma_wait3A_834 = tpu.memref_slice %arg15[%add3A_1, %dma_wait3A_833] : memref<10240x128xf32, #tpu.memory_space<vmem_shared>> -> memref<80x128xf32, #tpu.memory_space<vmem_shared>>
      %dma_wait3A_835 = arith.constant 0 : i32
      %dma_wait3A_836 = tpu.memref_slice %arg15[%add3A_1, %dma_wait3A_835] : memref<10240x128xf32, #tpu.memory_space<vmem_shared>> -> memref<80x128xf32, #tpu.memory_space<vmem_shared>>
      tpu.wait_dma2 semaphore(%run_scoped3A_828 : memref<!tpu.dma_semaphore, #tpu.memory_space<semaphore_mem>>) src(%arg14 : memref<80x128xf32, #tpu.memory_space<vmem>>) dst(%dma_wait3A_836 : memref<80x128xf32, #tpu.memory_space<vmem_shared>>)
      tpu.yield
    }) : () -> ()
    %add3A_2 = arith.constant 80 : i32
    %add3A_3 = arith.addi %mul3A_0, %add3A_2 : i32
    "tpu.region"() ({
      %run_scoped3A_828 = tpu.sem_alloc : memref<!tpu.dma_semaphore, #tpu.memory_space<semaphore_mem>>
      %dma_start3A_829 = arith.constant 0 : i32
      %dma_start3A_830 = tpu.memref_slice %arg15[%add3A_3, %dma_start3A_829] : memref<10240x128xf32, #tpu.memory_space<vmem_shared>> -> memref<80x128xf32, #tpu.memory_space<vmem_shared>>
      %dma_start3A_831 = arith.constant 0 : i32
      %dma_start3A_832 = tpu.memref_slice %arg15[%add3A_3, %dma_start3A_831] : memref<10240x128xf32, #tpu.memory_space<vmem_shared>> -> memref<80x128xf32, #tpu.memory_space<vmem_shared>>
      tpu.enqueue_dma source(%arg14 : memref<80x128xf32, #tpu.memory_space<vmem>>) target(%dma_start3A_832 : memref<80x128xf32, #tpu.memory_space<vmem_shared>>) target_semaphore(%run_scoped3A_828 : memref<!tpu.dma_semaphore, #tpu.memory_space<semaphore_mem>>)
      %dma_wait3A_833 = arith.constant 0 : i32
      %dma_wait3A_834 = tpu.memref_slice %arg15[%add3A_3, %dma_wait3A_833] : memref<10240x128xf32, #tpu.memory_space<vmem_shared>> -> memref<80x128xf32, #tpu.memory_space<vmem_shared>>
      %dma_wait3A_835 = arith.constant 0 : i32
      %dma_wait3A_836 = tpu.memref_slice %arg15[%add3A_3, %dma_wait3A_835] : memref<10240x128xf32, #tpu.memory_space<vmem_shared>> -> memref<80x128xf32, #tpu.memory_space<vmem_shared>>
      tpu.wait_dma2 semaphore(%run_scoped3A_828 : memref<!tpu.dma_semaphore, #tpu.memory_space<semaphore_mem>>) src(%arg14 : memref<80x128xf32, #tpu.memory_space<vmem>>) dst(%dma_wait3A_836 : memref<80x128xf32, #tpu.memory_space<vmem_shared>>)
      tpu.yield
    }) : () -> ()
    %add3A_4 = arith.constant 160 : i32
    %add3A_5 = arith.addi %mul3A_0, %add3A_4 : i32
    "tpu.region"() ({
      %run_scoped3A_828 = tpu.sem_alloc : memref<!tpu.dma_semaphore, #tpu.memory_space<semaphore_mem>>
      %dma_start3A_829 = arith.constant 0 : i32
      %dma_start3A_830 = tpu.memref_slice %arg15[%add3A_5, %dma_start3A_829] : memref<10240x128xf32, #tpu.memory_space<vmem_shared>> -> memref<80x128xf32, #tpu.memory_space<vmem_shared>>
      %dma_start3A_831 = arith.constant 0 : i32
      %dma_start3A_832 = tpu.memref_slice %arg15[%add3A_5, %dma_start3A_831] : memref<10240x128xf32, #tpu.memory_space<vmem_shared>> -> memref<80x128xf32, #tpu.memory_space<vmem_shared>>
      tpu.enqueue_dma source(%arg14 : memref<80x128xf32, #tpu.memory_space<vmem>>) target(%dma_start3A_832 : memref<80x128xf32, #tpu.memory_space<vmem_shared>>) target_semaphore(%run_scoped3A_828 : memref<!tpu.dma_semaphore, #tpu.memory_space<semaphore_mem>>)
      %dma_wait3A_833 = arith.constant 0 : i32
      %dma_wait3A_834 = tpu.memref_slice %arg15[%add3A_5, %dma_wait3A_833] : memref<10240x128xf32, #tpu.memory_space<vmem_shared>> -> memref<80x128xf32, #tpu.memory_space<vmem_shared>>
      %dma_wait3A_835 = arith.constant 0 : i32
      %dma_wait3A_836 = tpu.memref_slice %arg15[%add3A_5, %dma_wait3A_835] : memref<10240x128xf32, #tpu.memory_space<vmem_shared>> -> memref<80x128xf32, #tpu.memory_space<vmem_shared>>
      tpu.wait_dma2 semaphore(%run_scoped3A_828 : memref<!tpu.dma_semaphore, #tpu.memory_space<semaphore_mem>>) src(%arg14 : memref<80x128xf32, #tpu.memory_space<vmem>>) dst(%dma_wait3A_836 : memref<80x128xf32, #tpu.memory_space<vmem_shared>>)
      tpu.yield
    }) : () -> ()
    %add3A_6 = arith.constant 240 : i32
    %add3A_7 = arith.addi %mul3A_0, %add3A_6 : i32
    "tpu.region"() ({
      %run_scoped3A_828 = tpu.sem_alloc : memref<!tpu.dma_semaphore, #tpu.memory_space<semaphore_mem>>
      %dma_start3A_829 = arith.constant 0 : i32
      %dma_start3A_830 = tpu.memref_slice %arg15[%add3A_7, %dma_start3A_829] : memref<10240x128xf32, #tpu.memory_space<vmem_shared>> -> memref<80x128xf32, #tpu.memory_space<vmem_shared>>
      %dma_start3A_831 = arith.constant 0 : i32
      %dma_start3A_832 = tpu.memref_slice %arg15[%add3A_7, %dma_start3A_831] : memref<10240x128xf32, #tpu.memory_space<vmem_shared>> -> memref<80x128xf32, #tpu.memory_space<vmem_shared>>
      tpu.enqueue_dma source(%arg14 : memref<80x128xf32, #tpu.memory_space<vmem>>) target(%dma_start3A_832 : memref<80x128xf32, #tpu.memory_space<vmem_shared>>) target_semaphore(%run_scoped3A_828 : memref<!tpu.dma_semaphore, #tpu.memory_space<semaphore_mem>>)
      %dma_wait3A_833 = arith.constant 0 : i32
      %dma_wait3A_834 = tpu.memref_slice %arg15[%add3A_7, %dma_wait3A_833] : memref<10240x128xf32, #tpu.memory_space<vmem_shared>> -> memref<80x128xf32, #tpu.memory_space<vmem_shared>>
      %dma_wait3A_835 = arith.constant 0 : i32
      %dma_wait3A_836 = tpu.memref_slice %arg15[%add3A_7, %dma_wait3A_835] : memref<10240x128xf32, #tpu.memory_space<vmem_shared>> -> memref<80x128xf32, #tpu.memory_space<vmem_shared>>
      tpu.wait_dma2 semaphore(%run_scoped3A_828 : memref<!tpu.dma_semaphore, #tpu.memory_space<semaphore_mem>>) src(%arg14 : memref<80x128xf32, #tpu.memory_space<vmem>>) dst(%dma_wait3A_836 : memref<80x128xf32, #tpu.memory_space<vmem_shared>>)
      tpu.yield
    }) : () -> ()
    %add3A_8 = arith.constant 320 : i32
    %add3A_9 = arith.addi %mul3A_0, %add3A_8 : i32
    "tpu.region"() ({
      %run_scoped3A_828 = tpu.sem_alloc : memref<!tpu.dma_semaphore, #tpu.memory_space<semaphore_mem>>
      %dma_start3A_829 = arith.constant 0 : i32
      %dma_start3A_830 = tpu.memref_slice %arg15[%add3A_9, %dma_start3A_829] : memref<10240x128xf32, #tpu.memory_space<vmem_shared>> -> memref<80x128xf32, #tpu.memory_space<vmem_shared>>
      %dma_start3A_831 = arith.constant 0 : i32
      %dma_start3A_832 = tpu.memref_slice %arg15[%add3A_9, %dma_start3A_831] : memref<10240x128xf32, #tpu.memory_space<vmem_shared>> -> memref<80x128xf32, #tpu.memory_space<vmem_shared>>
      tpu.enqueue_dma source(%arg14 : memref<80x128xf32, #tpu.memory_space<vmem>>) target(%dma_start3A_832 : memref<80x128xf32, #tpu.memory_space<vmem_shared>>) target_semaphore(%run_scoped3A_828 : memref<!tpu.dma_semaphore, #tpu.memory_space<semaphore_mem>>)
      %dma_wait3A_833 = arith.constant 0 : i32
      %dma_wait3A_834 = tpu.memref_slice %arg15[%add3A_9, %dma_wait3A_833] : memref<10240x128xf32, #tpu.memory_space<vmem_shared>> -> memref<80x128xf32, #tpu.memory_space<vmem_shared>>
      %dma_wait3A_835 = arith.constant 0 : i32
      %dma_wait3A_836 = tpu.memref_slice %arg15[%add3A_9, %dma_wait3A_835] : memref<10240x128xf32, #tpu.memory_space<vmem_shared>> -> memref<80x128xf32, #tpu.memory_space<vmem_shared>>
      tpu.wait_dma2 semaphore(%run_scoped3A_828 : memref<!tpu.dma_semaphore, #tpu.memory_space<semaphore_mem>>) src(%arg14 : memref<80x128xf32, #tpu.memory_space<vmem>>) dst(%dma_wait3A_836 : memref<80x128xf32, #tpu.memory_space<vmem_shared>>)
      tpu.yield
    }) : () -> ()
    %add3A_10 = arith.constant 400 : i32
    %add3A_11 = arith.addi %mul3A_0, %add3A_10 : i32
    "tpu.region"() ({
      %run_scoped3A_828 = tpu.sem_alloc : memref<!tpu.dma_semaphore, #tpu.memory_space<semaphore_mem>>
      %dma_start3A_829 = arith.constant 0 : i32
      %dma_start3A_830 = tpu.memref_slice %arg15[%add3A_11, %dma_start3A_829] : memref<10240x128xf32, #tpu.memory_space<vmem_shared>> -> memref<80x128xf32, #tpu.memory_space<vmem_shared>>
      %dma_start3A_831 = arith.constant 0 : i32
      %dma_start3A_832 = tpu.memref_slice %arg15[%add3A_11, %dma_start3A_831] : memref<10240x128xf32, #tpu.memory_space<vmem_shared>> -> memref<80x128xf32, #tpu.memory_space<vmem_shared>>
      tpu.enqueue_dma source(%arg14 : memref<80x128xf32, #tpu.memory_space<vmem>>) target(%dma_start3A_832 : memref<80x128xf32, #tpu.memory_space<vmem_shared>>) target_semaphore(%run_scoped3A_828 : memref<!tpu.dma_semaphore, #tpu.memory_space<semaphore_mem>>)
      %dma_wait3A_833 = arith.constant 0 : i32
      %dma_wait3A_834 = tpu.memref_slice %arg15[%add3A_11, %dma_wait3A_833] : memref<10240x128xf32, #tpu.memory_space<vmem_shared>> -> memref<80x128xf32, #tpu.memory_space<vmem_shared>>
      %dma_wait3A_835 = arith.constant 0 : i32
      %dma_wait3A_836 = tpu.memref_slice %arg15[%add3A_11, %dma_wait3A_835] : memref<10240x128xf32, #tpu.memory_space<vmem_shared>> -> memref<80x128xf32, #tpu.memory_space<vmem_shared>>
      tpu.wait_dma2 semaphore(%run_scoped3A_828 : memref<!tpu.dma_semaphore, #tpu.memory_space<semaphore_mem>>) src(%arg14 : memref<80x128xf32, #tpu.memory_space<vmem>>) dst(%dma_wait3A_836 : memref<80x128xf32, #tpu.memory_space<vmem_shared>>)
      tpu.yield
    }) : () -> ()
    %add3A_12 = arith.constant 480 : i32
    %add3A_13 = arith.addi %mul3A_0, %add3A_12 : i32
    "tpu.region"() ({
      %run_scoped3A_828 = tpu.sem_alloc : memref<!tpu.dma_semaphore, #tpu.memory_space<semaphore_mem>>
      %dma_start3A_829 = arith.constant 0 : i32
      %dma_start3A_830 = tpu.memref_slice %arg15[%add3A_13, %dma_start3A_829] : memref<10240x128xf32, #tpu.memory_space<vmem_shared>> -> memref<80x128xf32, #tpu.memory_space<vmem_shared>>
      %dma_start3A_831 = arith.constant 0 : i32
      %dma_start3A_832 = tpu.memref_slice %arg15[%add3A_13, %dma_start3A_831] : memref<10240x128xf32, #tpu.memory_space<vmem_shared>> -> memref<80x128xf32, #tpu.memory_space<vmem_shared>>
      tpu.enqueue_dma source(%arg14 : memref<80x128xf32, #tpu.memory_space<vmem>>) target(%dma_start3A_832 : memref<80x128xf32, #tpu.memory_space<vmem_shared>>) target_semaphore(%run_scoped3A_828 : memref<!tpu.dma_semaphore, #tpu.memory_space<semaphore_mem>>)
      %dma_wait3A_833 = arith.constant 0 : i32
      %dma_wait3A_834 = tpu.memref_slice %arg15[%add3A_13, %dma_wait3A_833] : memref<10240x128xf32, #tpu.memory_space<vmem_shared>> -> memref<80x128xf32, #tpu.memory_space<vmem_shared>>
      %dma_wait3A_835 = arith.constant 0 : i32
      %dma_wait3A_836 = tpu.memref_slice %arg15[%add3A_13, %dma_wait3A_835] : memref<10240x128xf32, #tpu.memory_space<vmem_shared>> -> memref<80x128xf32, #tpu.memory_space<vmem_shared>>
      tpu.wait_dma2 semaphore(%run_scoped3A_828 : memref<!tpu.dma_semaphore, #tpu.memory_space<semaphore_mem>>) src(%arg14 : memref<80x128xf32, #tpu.memory_space<vmem>>) dst(%dma_wait3A_836 : memref<80x128xf32, #tpu.memory_space<vmem_shared>>)
      tpu.yield
    }) : () -> ()
    %add3A_14 = arith.constant 560 : i32
    %add3A_15 = arith.addi %mul3A_0, %add3A_14 : i32
    "tpu.region"() ({
      %run_scoped3A_828 = tpu.sem_alloc : memref<!tpu.dma_semaphore, #tpu.memory_space<semaphore_mem>>
      %dma_start3A_829 = arith.constant 0 : i32
      %dma_start3A_830 = tpu.memref_slice %arg15[%add3A_15, %dma_start3A_829] : memref<10240x128xf32, #tpu.memory_space<vmem_shared>> -> memref<80x128xf32, #tpu.memory_space<vmem_shared>>
      %dma_start3A_831 = arith.constant 0 : i32
      %dma_start3A_832 = tpu.memref_slice %arg15[%add3A_15, %dma_start3A_831] : memref<10240x128xf32, #tpu.memory_space<vmem_shared>> -> memref<80x128xf32, #tpu.memory_space<vmem_shared>>
      tpu.enqueue_dma source(%arg14 : memref<80x128xf32, #tpu.memory_space<vmem>>) target(%dma_start3A_832 : memref<80x128xf32, #tpu.memory_space<vmem_shared>>) target_semaphore(%run_scoped3A_828 : memref<!tpu.dma_semaphore, #tpu.memory_space<semaphore_mem>>)
      %dma_wait3A_833 = arith.constant 0 : i32
      %dma_wait3A_834 = tpu.memref_slice %arg15[%add3A_15, %dma_wait3A_833] : memref<10240x128xf32, #tpu.memory_space<vmem_shared>> -> memref<80x128xf32, #tpu.memory_space<vmem_shared>>
      %dma_wait3A_835 = arith.constant 0 : i32
      %dma_wait3A_836 = tpu.memref_slice %arg15[%add3A_15, %dma_wait3A_835] : memref<10240x128xf32, #tpu.memory_space<vmem_shared>> -> memref<80x128xf32, #tpu.memory_space<vmem_shared>>
      tpu.wait_dma2 semaphore(%run_scoped3A_828 : memref<!tpu.dma_semaphore, #tpu.memory_space<semaphore_mem>>) src(%arg14 : memref<80x128xf32, #tpu.memory_space<vmem>>) dst(%dma_wait3A_836 : memref<80x128xf32, #tpu.memory_space<vmem_shared>>)
      tpu.yield
    }) : () -> ()
    %barrier3A = arith.constant 0 : index
    tpu.barrier barrier_id(%barrier3A)
    %dma_start3A = arith.constant 0 : i32
    %dma_start3A_16 = arith.constant 0 : i32
    %dma_start3A_17 = arith.constant 0 : i32
    %dma_start3A_18 = arith.constant 0 : i32
    %dma_start3A_19 = arith.constant 0 : i32
    %dma_start3A_20 = tpu.memref_slice %arg9[%dma_start3A_17, %dma_start3A_18, %dma_start3A_19] : memref<2x8x64xi32, #tpu.memory_space<vmem>> -> memref<1x8x64xi32, #tpu.memory_space<vmem>>
    %dma_start3A_21 = tpu.memref_squeeze %dma_start3A_20 : memref<1x8x64xi32, #tpu.memory_space<vmem>> -> memref<8x64xi32, #tpu.memory_space<vmem>>
    %dma_start3A_22 = arith.constant 0 : i32
    %dma_start3A_23 = arith.constant 0 : i32
    %dma_start3A_24 = tpu.memref_slice %arg3[%dma_start3A, %arg0, %arg1, %dma_start3A_16, %dma_start3A_22, %dma_start3A_23] : memref<2x2x16x20x8x64xi32, #tpu.memory_space<hbm>> -> memref<1x1x1x1x8x64xi32, #tpu.memory_space<hbm>>
    %dma_start3A_25 = tpu.memref_squeeze %dma_start3A_24 : memref<1x1x1x1x8x64xi32, #tpu.memory_space<hbm>> -> memref<8x64xi32, #tpu.memory_space<hbm>>
    %dma_start3A_26 = arith.constant 0 : i32
    %dma_start3A_27 = arith.constant 0 : i32
    %dma_start3A_28 = tpu.memref_slice %arg9[%dma_start3A_17, %dma_start3A_26, %dma_start3A_27] : memref<2x8x64xi32, #tpu.memory_space<vmem>> -> memref<1x8x64xi32, #tpu.memory_space<vmem>>
    %dma_start3A_29 = tpu.memref_squeeze %dma_start3A_28 : memref<1x8x64xi32, #tpu.memory_space<vmem>> -> memref<8x64xi32, #tpu.memory_space<vmem>>
    %dma_start3A_30 = arith.constant 0 : i32
    %dma_start3A_31 = arith.constant 0 : i32
    %dma_start3A_32 = tpu.memref_slice %arg3[%dma_start3A, %arg0, %arg1, %dma_start3A_16, %dma_start3A_30, %dma_start3A_31] : memref<2x2x16x20x8x64xi32, #tpu.memory_space<hbm>> -> memref<1x1x1x1x8x64xi32, #tpu.memory_space<hbm>>
    %dma_start3A_33 = tpu.memref_squeeze %dma_start3A_32 : memref<1x1x1x1x8x64xi32, #tpu.memory_space<hbm>> -> memref<8x64xi32, #tpu.memory_space<hbm>>
    tpu.enqueue_dma source(%dma_start3A_33 : memref<8x64xi32, #tpu.memory_space<hbm>>) target(%dma_start3A_29 : memref<8x64xi32, #tpu.memory_space<vmem>>) target_semaphore(%arg18 : memref<!tpu.dma_semaphore, #tpu.memory_space<semaphore_mem>>)
    %dma_start3A_34 = arith.constant 1 : i32
    %dma_start3A_35 = arith.constant 0 : i32
    %dma_start3A_36 = arith.constant 0 : i32
    %dma_start3A_37 = arith.constant 0 : i32
    %dma_start3A_38 = arith.constant 0 : i32
    %dma_start3A_39 = tpu.memref_slice %arg10[%dma_start3A_36, %dma_start3A_37, %dma_start3A_38] : memref<2x8x64xi32, #tpu.memory_space<vmem>> -> memref<1x8x64xi32, #tpu.memory_space<vmem>>
    %dma_start3A_40 = tpu.memref_squeeze %dma_start3A_39 : memref<1x8x64xi32, #tpu.memory_space<vmem>> -> memref<8x64xi32, #tpu.memory_space<vmem>>
    %dma_start3A_41 = arith.constant 0 : i32
    %dma_start3A_42 = arith.constant 0 : i32
    %dma_start3A_43 = tpu.memref_slice %arg3[%dma_start3A_34, %arg0, %arg1, %dma_start3A_35, %dma_start3A_41, %dma_start3A_42] : memref<2x2x16x20x8x64xi32, #tpu.memory_space<hbm>> -> memref<1x1x1x1x8x64xi32, #tpu.memory_space<hbm>>
    %dma_start3A_44 = tpu.memref_squeeze %dma_start3A_43 : memref<1x1x1x1x8x64xi32, #tpu.memory_space<hbm>> -> memref<8x64xi32, #tpu.memory_space<hbm>>
    %dma_start3A_45 = arith.constant 0 : i32
    %dma_start3A_46 = arith.constant 0 : i32
    %dma_start3A_47 = tpu.memref_slice %arg10[%dma_start3A_36, %dma_start3A_45, %dma_start3A_46] : memref<2x8x64xi32, #tpu.memory_space<vmem>> -> memref<1x8x64xi32, #tpu.memory_space<vmem>>
    %dma_start3A_48 = tpu.memref_squeeze %dma_start3A_47 : memref<1x8x64xi32, #tpu.memory_space<vmem>> -> memref<8x64xi32, #tpu.memory_space<vmem>>
    %dma_start3A_49 = arith.constant 0 : i32
    %dma_start3A_50 = arith.constant 0 : i32
    %dma_start3A_51 = tpu.memref_slice %arg3[%dma_start3A_34, %arg0, %arg1, %dma_start3A_35, %dma_start3A_49, %dma_start3A_50] : memref<2x2x16x20x8x64xi32, #tpu.memory_space<hbm>> -> memref<1x1x1x1x8x64xi32, #tpu.memory_space<hbm>>
    %dma_start3A_52 = tpu.memref_squeeze %dma_start3A_51 : memref<1x1x1x1x8x64xi32, #tpu.memory_space<hbm>> -> memref<8x64xi32, #tpu.memory_space<hbm>>
    tpu.enqueue_dma source(%dma_start3A_52 : memref<8x64xi32, #tpu.memory_space<hbm>>) target(%dma_start3A_48 : memref<8x64xi32, #tpu.memory_space<vmem>>) target_semaphore(%arg18 : memref<!tpu.dma_semaphore, #tpu.memory_space<semaphore_mem>>)
    %dma_start3A_53 = arith.constant 0 : i32
    %dma_start3A_54 = arith.constant 1 : i32
    %dma_start3A_55 = arith.constant 1 : i32
    %dma_start3A_56 = arith.constant 0 : i32
    %dma_start3A_57 = arith.constant 0 : i32
    %dma_start3A_58 = tpu.memref_slice %arg9[%dma_start3A_55, %dma_start3A_56, %dma_start3A_57] : memref<2x8x64xi32, #tpu.memory_space<vmem>> -> memref<1x8x64xi32, #tpu.memory_space<vmem>>
    %dma_start3A_59 = tpu.memref_squeeze %dma_start3A_58 : memref<1x8x64xi32, #tpu.memory_space<vmem>> -> memref<8x64xi32, #tpu.memory_space<vmem>>
    %dma_start3A_60 = arith.constant 0 : i32
    %dma_start3A_61 = arith.constant 0 : i32
    %dma_start3A_62 = tpu.memref_slice %arg3[%dma_start3A_53, %arg0, %arg1, %dma_start3A_54, %dma_start3A_60, %dma_start3A_61] : memref<2x2x16x20x8x64xi32, #tpu.memory_space<hbm>> -> memref<1x1x1x1x8x64xi32, #tpu.memory_space<hbm>>
    %dma_start3A_63 = tpu.memref_squeeze %dma_start3A_62 : memref<1x1x1x1x8x64xi32, #tpu.memory_space<hbm>> -> memref<8x64xi32, #tpu.memory_space<hbm>>
    %dma_start3A_64 = arith.constant 0 : i32
    %dma_start3A_65 = arith.constant 0 : i32
    %dma_start3A_66 = tpu.memref_slice %arg9[%dma_start3A_55, %dma_start3A_64, %dma_start3A_65] : memref<2x8x64xi32, #tpu.memory_space<vmem>> -> memref<1x8x64xi32, #tpu.memory_space<vmem>>
    %dma_start3A_67 = tpu.memref_squeeze %dma_start3A_66 : memref<1x8x64xi32, #tpu.memory_space<vmem>> -> memref<8x64xi32, #tpu.memory_space<vmem>>
    %dma_start3A_68 = arith.constant 0 : i32
    %dma_start3A_69 = arith.constant 0 : i32
    %dma_start3A_70 = tpu.memref_slice %arg3[%dma_start3A_53, %arg0, %arg1, %dma_start3A_54, %dma_start3A_68, %dma_start3A_69] : memref<2x2x16x20x8x64xi32, #tpu.memory_space<hbm>> -> memref<1x1x1x1x8x64xi32, #tpu.memory_space<hbm>>
    %dma_start3A_71 = tpu.memref_squeeze %dma_start3A_70 : memref<1x1x1x1x8x64xi32, #tpu.memory_space<hbm>> -> memref<8x64xi32, #tpu.memory_space<hbm>>
    tpu.enqueue_dma source(%dma_start3A_71 : memref<8x64xi32, #tpu.memory_space<hbm>>) target(%dma_start3A_67 : memref<8x64xi32, #tpu.memory_space<vmem>>) target_semaphore(%arg19 : memref<!tpu.dma_semaphore, #tpu.memory_space<semaphore_mem>>)
    %dma_start3A_72 = arith.constant 1 : i32
    %dma_start3A_73 = arith.constant 1 : i32
    %dma_start3A_74 = arith.constant 1 : i32
    %dma_start3A_75 = arith.constant 0 : i32
    %dma_start3A_76 = arith.constant 0 : i32
    %dma_start3A_77 = tpu.memref_slice %arg10[%dma_start3A_74, %dma_start3A_75, %dma_start3A_76] : memref<2x8x64xi32, #tpu.memory_space<vmem>> -> memref<1x8x64xi32, #tpu.memory_space<vmem>>
    %dma_start3A_78 = tpu.memref_squeeze %dma_start3A_77 : memref<1x8x64xi32, #tpu.memory_space<vmem>> -> memref<8x64xi32, #tpu.memory_space<vmem>>
    %dma_start3A_79 = arith.constant 0 : i32
    %dma_start3A_80 = arith.constant 0 : i32
    %dma_start3A_81 = tpu.memref_slice %arg3[%dma_start3A_72, %arg0, %arg1, %dma_start3A_73, %dma_start3A_79, %dma_start3A_80] : memref<2x2x16x20x8x64xi32, #tpu.memory_space<hbm>> -> memref<1x1x1x1x8x64xi32, #tpu.memory_space<hbm>>
    %dma_start3A_82 = tpu.memref_squeeze %dma_start3A_81 : memref<1x1x1x1x8x64xi32, #tpu.memory_space<hbm>> -> memref<8x64xi32, #tpu.memory_space<hbm>>
    %dma_start3A_83 = arith.constant 0 : i32
    %dma_start3A_84 = arith.constant 0 : i32
    %dma_start3A_85 = tpu.memref_slice %arg10[%dma_start3A_74, %dma_start3A_83, %dma_start3A_84] : memref<2x8x64xi32, #tpu.memory_space<vmem>> -> memref<1x8x64xi32, #tpu.memory_space<vmem>>
    %dma_start3A_86 = tpu.memref_squeeze %dma_start3A_85 : memref<1x8x64xi32, #tpu.memory_space<vmem>> -> memref<8x64xi32, #tpu.memory_space<vmem>>
    %dma_start3A_87 = arith.constant 0 : i32
    %dma_start3A_88 = arith.constant 0 : i32
    %dma_start3A_89 = tpu.memref_slice %arg3[%dma_start3A_72, %arg0, %arg1, %dma_start3A_73, %dma_start3A_87, %dma_start3A_88] : memref<2x2x16x20x8x64xi32, #tpu.memory_space<hbm>> -> memref<1x1x1x1x8x64xi32, #tpu.memory_space<hbm>>
    %dma_start3A_90 = tpu.memref_squeeze %dma_start3A_89 : memref<1x1x1x1x8x64xi32, #tpu.memory_space<hbm>> -> memref<8x64xi32, #tpu.memory_space<hbm>>
    tpu.enqueue_dma source(%dma_start3A_90 : memref<8x64xi32, #tpu.memory_space<hbm>>) target(%dma_start3A_86 : memref<8x64xi32, #tpu.memory_space<vmem>>) target_semaphore(%arg19 : memref<!tpu.dma_semaphore, #tpu.memory_space<semaphore_mem>>)
    %dma_wait3A = arith.constant 0 : i32
    %dma_wait3A_91 = arith.constant 0 : i32
    %dma_wait3A_92 = arith.constant 0 : i32
    %dma_wait3A_93 = arith.constant 0 : i32
    %dma_wait3A_94 = arith.constant 0 : i32
    %dma_wait3A_95 = tpu.memref_slice %arg9[%dma_wait3A_92, %dma_wait3A_93, %dma_wait3A_94] : memref<2x8x64xi32, #tpu.memory_space<vmem>> -> memref<1x8x64xi32, #tpu.memory_space<vmem>>
    %dma_wait3A_96 = tpu.memref_squeeze %dma_wait3A_95 : memref<1x8x64xi32, #tpu.memory_space<vmem>> -> memref<8x64xi32, #tpu.memory_space<vmem>>
    %dma_wait3A_97 = arith.constant 0 : i32
    %dma_wait3A_98 = arith.constant 0 : i32
    %dma_wait3A_99 = tpu.memref_slice %arg3[%dma_wait3A, %arg0, %arg1, %dma_wait3A_91, %dma_wait3A_97, %dma_wait3A_98] : memref<2x2x16x20x8x64xi32, #tpu.memory_space<hbm>> -> memref<1x1x1x1x8x64xi32, #tpu.memory_space<hbm>>
    %dma_wait3A_100 = tpu.memref_squeeze %dma_wait3A_99 : memref<1x1x1x1x8x64xi32, #tpu.memory_space<hbm>> -> memref<8x64xi32, #tpu.memory_space<hbm>>
    %dma_wait3A_101 = arith.constant 0 : i32
    %dma_wait3A_102 = arith.constant 0 : i32
    %dma_wait3A_103 = tpu.memref_slice %arg9[%dma_wait3A_92, %dma_wait3A_101, %dma_wait3A_102] : memref<2x8x64xi32, #tpu.memory_space<vmem>> -> memref<1x8x64xi32, #tpu.memory_space<vmem>>
    %dma_wait3A_104 = tpu.memref_squeeze %dma_wait3A_103 : memref<1x8x64xi32, #tpu.memory_space<vmem>> -> memref<8x64xi32, #tpu.memory_space<vmem>>
    %dma_wait3A_105 = arith.constant 0 : i32
    %dma_wait3A_106 = arith.constant 0 : i32
    %dma_wait3A_107 = tpu.memref_slice %arg3[%dma_wait3A, %arg0, %arg1, %dma_wait3A_91, %dma_wait3A_105, %dma_wait3A_106] : memref<2x2x16x20x8x64xi32, #tpu.memory_space<hbm>> -> memref<1x1x1x1x8x64xi32, #tpu.memory_space<hbm>>
    %dma_wait3A_108 = tpu.memref_squeeze %dma_wait3A_107 : memref<1x1x1x1x8x64xi32, #tpu.memory_space<hbm>> -> memref<8x64xi32, #tpu.memory_space<hbm>>
    tpu.wait_dma2 semaphore(%arg18 : memref<!tpu.dma_semaphore, #tpu.memory_space<semaphore_mem>>) src(%dma_wait3A_108 : memref<8x64xi32, #tpu.memory_space<hbm>>) dst(%dma_wait3A_104 : memref<8x64xi32, #tpu.memory_space<vmem>>)
    %dma_wait3A_109 = arith.constant 1 : i32
    %dma_wait3A_110 = arith.constant 0 : i32
    %dma_wait3A_111 = arith.constant 0 : i32
    %dma_wait3A_112 = arith.constant 0 : i32
    %dma_wait3A_113 = arith.constant 0 : i32
    %dma_wait3A_114 = tpu.memref_slice %arg10[%dma_wait3A_111, %dma_wait3A_112, %dma_wait3A_113] : memref<2x8x64xi32, #tpu.memory_space<vmem>> -> memref<1x8x64xi32, #tpu.memory_space<vmem>>
    %dma_wait3A_115 = tpu.memref_squeeze %dma_wait3A_114 : memref<1x8x64xi32, #tpu.memory_space<vmem>> -> memref<8x64xi32, #tpu.memory_space<vmem>>
    %dma_wait3A_116 = arith.constant 0 : i32
    %dma_wait3A_117 = arith.constant 0 : i32
    %dma_wait3A_118 = tpu.memref_slice %arg3[%dma_wait3A_109, %arg0, %arg1, %dma_wait3A_110, %dma_wait3A_116, %dma_wait3A_117] : memref<2x2x16x20x8x64xi32, #tpu.memory_space<hbm>> -> memref<1x1x1x1x8x64xi32, #tpu.memory_space<hbm>>
    %dma_wait3A_119 = tpu.memref_squeeze %dma_wait3A_118 : memref<1x1x1x1x8x64xi32, #tpu.memory_space<hbm>> -> memref<8x64xi32, #tpu.memory_space<hbm>>
    %dma_wait3A_120 = arith.constant 0 : i32
    %dma_wait3A_121 = arith.constant 0 : i32
    %dma_wait3A_122 = tpu.memref_slice %arg10[%dma_wait3A_111, %dma_wait3A_120, %dma_wait3A_121] : memref<2x8x64xi32, #tpu.memory_space<vmem>> -> memref<1x8x64xi32, #tpu.memory_space<vmem>>
    %dma_wait3A_123 = tpu.memref_squeeze %dma_wait3A_122 : memref<1x8x64xi32, #tpu.memory_space<vmem>> -> memref<8x64xi32, #tpu.memory_space<vmem>>
    %dma_wait3A_124 = arith.constant 0 : i32
    %dma_wait3A_125 = arith.constant 0 : i32
    %dma_wait3A_126 = tpu.memref_slice %arg3[%dma_wait3A_109, %arg0, %arg1, %dma_wait3A_110, %dma_wait3A_124, %dma_wait3A_125] : memref<2x2x16x20x8x64xi32, #tpu.memory_space<hbm>> -> memref<1x1x1x1x8x64xi32, #tpu.memory_space<hbm>>
    %dma_wait3A_127 = tpu.memref_squeeze %dma_wait3A_126 : memref<1x1x1x1x8x64xi32, #tpu.memory_space<hbm>> -> memref<8x64xi32, #tpu.memory_space<hbm>>
    tpu.wait_dma2 semaphore(%arg18 : memref<!tpu.dma_semaphore, #tpu.memory_space<semaphore_mem>>) src(%dma_wait3A_127 : memref<8x64xi32, #tpu.memory_space<hbm>>) dst(%dma_wait3A_123 : memref<8x64xi32, #tpu.memory_space<vmem>>)
    %dma_start3A_128 = arith.constant 0 : i32
    %dma_start3A_129 = arith.constant 0 : i32
    %dma_start3A_130 = arith.constant 0 : i32
    %dma_start3A_131 = arith.constant 0 : i32
    %dma_start3A_132 = arith.constant 0 : i32
    %dma_start3A_133 = tpu.memref_slice %arg12[%dma_start3A_130, %dma_start3A_131, %dma_start3A_132] : memref<2x64x128xf32, #tpu.memory_space<vmem>> -> memref<1x64x128xf32, #tpu.memory_space<vmem>>
    %dma_start3A_134 = tpu.memref_squeeze %dma_start3A_133 : memref<1x64x128xf32, #tpu.memory_space<vmem>> -> memref<64x128xf32, #tpu.memory_space<vmem>>
    %dma_start3A_135 = arith.constant 0 : i32
    %dma_start3A_136 = tpu.memref_slice %arg9[%dma_start3A_128, %dma_start3A_129, %dma_start3A_135] : memref<2x8x64xi32, #tpu.memory_space<vmem>> -> memref<1x1x64xi32, #tpu.memory_space<vmem>>
    %dma_start3A_137 = tpu.memref_squeeze %dma_start3A_136 : memref<1x1x64xi32, #tpu.memory_space<vmem>> -> memref<64xi32, #tpu.memory_space<vmem>>
    %dma_start3A_138 = arith.constant 0 : i32
    %dma_start3A_139 = arith.constant 0 : i32
    %dma_start3A_140 = tpu.memref_slice %arg2[%dma_start3A_138, %dma_start3A_139] : memref<10000x128xf32, #tpu.memory_space<hbm>> -> memref<10000x128xf32, #tpu.memory_space<hbm>>
    tpu.enqueue_indirect_dma source(%dma_start3A_140 : memref<10000x128xf32, #tpu.memory_space<hbm>>) target(%dma_start3A_134 : memref<64x128xf32, #tpu.memory_space<vmem>>) offsets(%dma_start3A_137 : memref<64xi32, #tpu.memory_space<vmem>>) semaphore(%arg16 : memref<!tpu.dma_semaphore, #tpu.memory_space<semaphore_mem>>)
    %dma_start3A_141 = arith.constant 0 : i32
    %dma_start3A_142 = arith.constant 1 : i32
    %dma_start3A_143 = arith.constant 1 : i32
    %dma_start3A_144 = arith.constant 0 : i32
    %dma_start3A_145 = arith.constant 0 : i32
    %dma_start3A_146 = tpu.memref_slice %arg12[%dma_start3A_143, %dma_start3A_144, %dma_start3A_145] : memref<2x64x128xf32, #tpu.memory_space<vmem>> -> memref<1x64x128xf32, #tpu.memory_space<vmem>>
    %dma_start3A_147 = tpu.memref_squeeze %dma_start3A_146 : memref<1x64x128xf32, #tpu.memory_space<vmem>> -> memref<64x128xf32, #tpu.memory_space<vmem>>
    %dma_start3A_148 = arith.constant 0 : i32
    %dma_start3A_149 = tpu.memref_slice %arg9[%dma_start3A_141, %dma_start3A_142, %dma_start3A_148] : memref<2x8x64xi32, #tpu.memory_space<vmem>> -> memref<1x1x64xi32, #tpu.memory_space<vmem>>
    %dma_start3A_150 = tpu.memref_squeeze %dma_start3A_149 : memref<1x1x64xi32, #tpu.memory_space<vmem>> -> memref<64xi32, #tpu.memory_space<vmem>>
    %dma_start3A_151 = arith.constant 0 : i32
    %dma_start3A_152 = arith.constant 0 : i32
    %dma_start3A_153 = tpu.memref_slice %arg2[%dma_start3A_151, %dma_start3A_152] : memref<10000x128xf32, #tpu.memory_space<hbm>> -> memref<10000x128xf32, #tpu.memory_space<hbm>>
    tpu.enqueue_indirect_dma source(%dma_start3A_153 : memref<10000x128xf32, #tpu.memory_space<hbm>>) target(%dma_start3A_147 : memref<64x128xf32, #tpu.memory_space<vmem>>) offsets(%dma_start3A_150 : memref<64xi32, #tpu.memory_space<vmem>>) semaphore(%arg17 : memref<!tpu.dma_semaphore, #tpu.memory_space<semaphore_mem>>)
    %scan3A = arith.constant 0 : i32
    %scan3A_154 = arith.constant 0 : i32
    %scan3A_155 = arith.constant 9 : i32
    %scan3A_156 = arith.addi %scan3A_154, %scan3A_155 : i32
    %scan3A_157 = arith.constant 1 : i32
    scf.for %scan3A_828 = %scan3A_154 to %scan3A_156 step %scan3A_157  : i32 {
      %dma_wait3A_829 = arith.constant 0 : i32
      %dma_wait3A_830 = arith.constant 0 : i32
      %dma_wait3A_831 = arith.constant 0 : i32
      %dma_wait3A_832 = arith.constant 0 : i32
      %dma_wait3A_833 = arith.constant 0 : i32
      %dma_wait3A_834 = tpu.memref_slice %arg12[%dma_wait3A_831, %dma_wait3A_832, %dma_wait3A_833] : memref<2x64x128xf32, #tpu.memory_space<vmem>> -> memref<1x64x128xf32, #tpu.memory_space<vmem>>
      %dma_wait3A_835 = tpu.memref_squeeze %dma_wait3A_834 : memref<1x64x128xf32, #tpu.memory_space<vmem>> -> memref<64x128xf32, #tpu.memory_space<vmem>>
      %dma_wait3A_836 = arith.constant 0 : i32
      %dma_wait3A_837 = tpu.memref_slice %arg9[%dma_wait3A_829, %dma_wait3A_830, %dma_wait3A_836] : memref<2x8x64xi32, #tpu.memory_space<vmem>> -> memref<1x1x64xi32, #tpu.memory_space<vmem>>
      %dma_wait3A_838 = tpu.memref_squeeze %dma_wait3A_837 : memref<1x1x64xi32, #tpu.memory_space<vmem>> -> memref<64xi32, #tpu.memory_space<vmem>>
      %dma_wait3A_839 = arith.constant 0 : i32
      %dma_wait3A_840 = arith.constant 0 : i32
      %dma_wait3A_841 = tpu.memref_slice %arg2[%dma_wait3A_839, %dma_wait3A_840] : memref<10000x128xf32, #tpu.memory_space<hbm>> -> memref<10000x128xf32, #tpu.memory_space<hbm>>
      tpu.wait_indirect_dma semaphore(%arg16 : memref<!tpu.dma_semaphore, #tpu.memory_space<semaphore_mem>>) src(%dma_wait3A_841 : memref<10000x128xf32, #tpu.memory_space<hbm>>) dst(%dma_wait3A_835 : memref<64x128xf32, #tpu.memory_space<vmem>>)
      %run_scoped3A_842 = arith.constant 0 : i32
      %run_scoped3A_843 = arith.constant 0 : i32
      %run_scoped3A_844 = arith.constant 0 : i32
      "tpu.region"() ({
        %run_scoped3A_1449 = tpu.sem_alloc : memref<!tpu.dma_semaphore, #tpu.memory_space<semaphore_mem>>
        %dma_start3A_1450 = arith.constant 0 : i32
        %dma_start3A_1451 = arith.constant 0 : i32
        %dma_start3A_1452 = tpu.memref_slice %arg12[%run_scoped3A_842, %dma_start3A_1450, %dma_start3A_1451] : memref<2x64x128xf32, #tpu.memory_space<vmem>> -> memref<1x64x128xf32, #tpu.memory_space<vmem>>
        %dma_start3A_1453 = tpu.memref_squeeze %dma_start3A_1452 : memref<1x64x128xf32, #tpu.memory_space<vmem>> -> memref<64x128xf32, #tpu.memory_space<vmem>>
        %dma_start3A_1454 = arith.constant 0 : i32
        %dma_start3A_1455 = tpu.memref_slice %arg10[%run_scoped3A_843, %run_scoped3A_844, %dma_start3A_1454] : memref<2x8x64xi32, #tpu.memory_space<vmem>> -> memref<1x1x64xi32, #tpu.memory_space<vmem>>
        %dma_start3A_1456 = tpu.memref_squeeze %dma_start3A_1455 : memref<1x1x64xi32, #tpu.memory_space<vmem>> -> memref<64xi32, #tpu.memory_space<vmem>>
        %dma_start3A_1457 = arith.constant 0 : i32
        %dma_start3A_1458 = arith.constant 0 : i32
        %dma_start3A_1459 = tpu.memref_slice %arg15[%dma_start3A_1457, %dma_start3A_1458] : memref<10240x128xf32, #tpu.memory_space<vmem_shared>> -> memref<10240x128xf32, #tpu.memory_space<vmem_shared>>
        tpu.enqueue_indirect_dma source(%dma_start3A_1453 : memref<64x128xf32, #tpu.memory_space<vmem>>) target(%dma_start3A_1459 : memref<10240x128xf32, #tpu.memory_space<vmem_shared>>) offsets(%dma_start3A_1456 : memref<64xi32, #tpu.memory_space<vmem>>) semaphore(%run_scoped3A_1449 : memref<!tpu.dma_semaphore, #tpu.memory_space<semaphore_mem>>) {add = true}
        %dma_wait3A_1460 = arith.constant 0 : i32
        %dma_wait3A_1461 = arith.constant 0 : i32
        %dma_wait3A_1462 = tpu.memref_slice %arg12[%run_scoped3A_842, %dma_wait3A_1460, %dma_wait3A_1461] : memref<2x64x128xf32, #tpu.memory_space<vmem>> -> memref<1x64x128xf32, #tpu.memory_space<vmem>>
        %dma_wait3A_1463 = tpu.memref_squeeze %dma_wait3A_1462 : memref<1x64x128xf32, #tpu.memory_space<vmem>> -> memref<64x128xf32, #tpu.memory_space<vmem>>
        %dma_wait3A_1464 = arith.constant 0 : i32
        %dma_wait3A_1465 = tpu.memref_slice %arg10[%run_scoped3A_843, %run_scoped3A_844, %dma_wait3A_1464] : memref<2x8x64xi32, #tpu.memory_space<vmem>> -> memref<1x1x64xi32, #tpu.memory_space<vmem>>
        %dma_wait3A_1466 = tpu.memref_squeeze %dma_wait3A_1465 : memref<1x1x64xi32, #tpu.memory_space<vmem>> -> memref<64xi32, #tpu.memory_space<vmem>>
        %dma_wait3A_1467 = arith.constant 0 : i32
        %dma_wait3A_1468 = arith.constant 0 : i32
        %dma_wait3A_1469 = tpu.memref_slice %arg15[%dma_wait3A_1467, %dma_wait3A_1468] : memref<10240x128xf32, #tpu.memory_space<vmem_shared>> -> memref<10240x128xf32, #tpu.memory_space<vmem_shared>>
        tpu.wait_indirect_dma semaphore(%run_scoped3A_1449 : memref<!tpu.dma_semaphore, #tpu.memory_space<semaphore_mem>>) src(%dma_wait3A_1463 : memref<64x128xf32, #tpu.memory_space<vmem>>) dst(%dma_wait3A_1469 : memref<10240x128xf32, #tpu.memory_space<vmem_shared>>)
        tpu.yield
      }) : () -> ()
      %dma_start3A_845 = arith.constant 0 : i32
      %dma_start3A_846 = arith.constant 2 : i32
      %dma_start3A_847 = arith.constant 0 : i32
      %dma_start3A_848 = arith.constant 0 : i32
      %dma_start3A_849 = arith.constant 0 : i32
      %dma_start3A_850 = tpu.memref_slice %arg12[%dma_start3A_847, %dma_start3A_848, %dma_start3A_849] : memref<2x64x128xf32, #tpu.memory_space<vmem>> -> memref<1x64x128xf32, #tpu.memory_space<vmem>>
      %dma_start3A_851 = tpu.memref_squeeze %dma_start3A_850 : memref<1x64x128xf32, #tpu.memory_space<vmem>> -> memref<64x128xf32, #tpu.memory_space<vmem>>
      %dma_start3A_852 = arith.constant 0 : i32
      %dma_start3A_853 = tpu.memref_slice %arg9[%dma_start3A_845, %dma_start3A_846, %dma_start3A_852] : memref<2x8x64xi32, #tpu.memory_space<vmem>> -> memref<1x1x64xi32, #tpu.memory_space<vmem>>
      %dma_start3A_854 = tpu.memref_squeeze %dma_start3A_853 : memref<1x1x64xi32, #tpu.memory_space<vmem>> -> memref<64xi32, #tpu.memory_space<vmem>>
      %dma_start3A_855 = arith.constant 0 : i32
      %dma_start3A_856 = arith.constant 0 : i32
      %dma_start3A_857 = tpu.memref_slice %arg2[%dma_start3A_855, %dma_start3A_856] : memref<10000x128xf32, #tpu.memory_space<hbm>> -> memref<10000x128xf32, #tpu.memory_space<hbm>>
      tpu.enqueue_indirect_dma source(%dma_start3A_857 : memref<10000x128xf32, #tpu.memory_space<hbm>>) target(%dma_start3A_851 : memref<64x128xf32, #tpu.memory_space<vmem>>) offsets(%dma_start3A_854 : memref<64xi32, #tpu.memory_space<vmem>>) semaphore(%arg16 : memref<!tpu.dma_semaphore, #tpu.memory_space<semaphore_mem>>)
      %dma_wait3A_858 = arith.constant 0 : i32
      %dma_wait3A_859 = arith.constant 0 : i32
      %dma_wait3A_860 = arith.constant 1 : i32
      %dma_wait3A_861 = arith.constant 0 : i32
      %dma_wait3A_862 = arith.constant 0 : i32
      %dma_wait3A_863 = tpu.memref_slice %arg12[%dma_wait3A_860, %dma_wait3A_861, %dma_wait3A_862] : memref<2x64x128xf32, #tpu.memory_space<vmem>> -> memref<1x64x128xf32, #tpu.memory_space<vmem>>
      %dma_wait3A_864 = tpu.memref_squeeze %dma_wait3A_863 : memref<1x64x128xf32, #tpu.memory_space<vmem>> -> memref<64x128xf32, #tpu.memory_space<vmem>>
      %dma_wait3A_865 = arith.constant 0 : i32
      %dma_wait3A_866 = tpu.memref_slice %arg9[%dma_wait3A_858, %dma_wait3A_859, %dma_wait3A_865] : memref<2x8x64xi32, #tpu.memory_space<vmem>> -> memref<1x1x64xi32, #tpu.memory_space<vmem>>
      %dma_wait3A_867 = tpu.memref_squeeze %dma_wait3A_866 : memref<1x1x64xi32, #tpu.memory_space<vmem>> -> memref<64xi32, #tpu.memory_space<vmem>>
      %dma_wait3A_868 = arith.constant 0 : i32
      %dma_wait3A_869 = arith.constant 0 : i32
      %dma_wait3A_870 = tpu.memref_slice %arg2[%dma_wait3A_868, %dma_wait3A_869] : memref<10000x128xf32, #tpu.memory_space<hbm>> -> memref<10000x128xf32, #tpu.memory_space<hbm>>
      tpu.wait_indirect_dma semaphore(%arg17 : memref<!tpu.dma_semaphore, #tpu.memory_space<semaphore_mem>>) src(%dma_wait3A_870 : memref<10000x128xf32, #tpu.memory_space<hbm>>) dst(%dma_wait3A_864 : memref<64x128xf32, #tpu.memory_space<vmem>>)
      %run_scoped3A_871 = arith.constant 1 : i32
      %run_scoped3A_872 = arith.constant 0 : i32
      %run_scoped3A_873 = arith.constant 1 : i32
      "tpu.region"() ({
        %run_scoped3A_1449 = tpu.sem_alloc : memref<!tpu.dma_semaphore, #tpu.memory_space<semaphore_mem>>
        %dma_start3A_1450 = arith.constant 0 : i32
        %dma_start3A_1451 = arith.constant 0 : i32
        %dma_start3A_1452 = tpu.memref_slice %arg12[%run_scoped3A_871, %dma_start3A_1450, %dma_start3A_1451] : memref<2x64x128xf32, #tpu.memory_space<vmem>> -> memref<1x64x128xf32, #tpu.memory_space<vmem>>
        %dma_start3A_1453 = tpu.memref_squeeze %dma_start3A_1452 : memref<1x64x128xf32, #tpu.memory_space<vmem>> -> memref<64x128xf32, #tpu.memory_space<vmem>>
        %dma_start3A_1454 = arith.constant 0 : i32
        %dma_start3A_1455 = tpu.memref_slice %arg10[%run_scoped3A_872, %run_scoped3A_873, %dma_start3A_1454] : memref<2x8x64xi32, #tpu.memory_space<vmem>> -> memref<1x1x64xi32, #tpu.memory_space<vmem>>
        %dma_start3A_1456 = tpu.memref_squeeze %dma_start3A_1455 : memref<1x1x64xi32, #tpu.memory_space<vmem>> -> memref<64xi32, #tpu.memory_space<vmem>>
        %dma_start3A_1457 = arith.constant 0 : i32
        %dma_start3A_1458 = arith.constant 0 : i32
        %dma_start3A_1459 = tpu.memref_slice %arg15[%dma_start3A_1457, %dma_start3A_1458] : memref<10240x128xf32, #tpu.memory_space<vmem_shared>> -> memref<10240x128xf32, #tpu.memory_space<vmem_shared>>
        tpu.enqueue_indirect_dma source(%dma_start3A_1453 : memref<64x128xf32, #tpu.memory_space<vmem>>) target(%dma_start3A_1459 : memref<10240x128xf32, #tpu.memory_space<vmem_shared>>) offsets(%dma_start3A_1456 : memref<64xi32, #tpu.memory_space<vmem>>) semaphore(%run_scoped3A_1449 : memref<!tpu.dma_semaphore, #tpu.memory_space<semaphore_mem>>) {add = true}
        %dma_wait3A_1460 = arith.constant 0 : i32
        %dma_wait3A_1461 = arith.constant 0 : i32
        %dma_wait3A_1462 = tpu.memref_slice %arg12[%run_scoped3A_871, %dma_wait3A_1460, %dma_wait3A_1461] : memref<2x64x128xf32, #tpu.memory_space<vmem>> -> memref<1x64x128xf32, #tpu.memory_space<vmem>>
        %dma_wait3A_1463 = tpu.memref_squeeze %dma_wait3A_1462 : memref<1x64x128xf32, #tpu.memory_space<vmem>> -> memref<64x128xf32, #tpu.memory_space<vmem>>
        %dma_wait3A_1464 = arith.constant 0 : i32
        %dma_wait3A_1465 = tpu.memref_slice %arg10[%run_scoped3A_872, %run_scoped3A_873, %dma_wait3A_1464] : memref<2x8x64xi32, #tpu.memory_space<vmem>> -> memref<1x1x64xi32, #tpu.memory_space<vmem>>
        %dma_wait3A_1466 = tpu.memref_squeeze %dma_wait3A_1465 : memref<1x1x64xi32, #tpu.memory_space<vmem>> -> memref<64xi32, #tpu.memory_space<vmem>>
        %dma_wait3A_1467 = arith.constant 0 : i32
        %dma_wait3A_1468 = arith.constant 0 : i32
        %dma_wait3A_1469 = tpu.memref_slice %arg15[%dma_wait3A_1467, %dma_wait3A_1468] : memref<10240x128xf32, #tpu.memory_space<vmem_shared>> -> memref<10240x128xf32, #tpu.memory_space<vmem_shared>>
        tpu.wait_indirect_dma semaphore(%run_scoped3A_1449 : memref<!tpu.dma_semaphore, #tpu.memory_space<semaphore_mem>>) src(%dma_wait3A_1463 : memref<64x128xf32, #tpu.memory_space<vmem>>) dst(%dma_wait3A_1469 : memref<10240x128xf32, #tpu.memory_space<vmem_shared>>)
        tpu.yield
      }) : () -> ()
      %dma_start3A_874 = arith.constant 0 : i32
      %dma_start3A_875 = arith.constant 3 : i32
      %dma_start3A_876 = arith.constant 1 : i32
      %dma_start3A_877 = arith.constant 0 : i32
      %dma_start3A_878 = arith.constant 0 : i32
      %dma_start3A_879 = tpu.memref_slice %arg12[%dma_start3A_876, %dma_start3A_877, %dma_start3A_878] : memref<2x64x128xf32, #tpu.memory_space<vmem>> -> memref<1x64x128xf32, #tpu.memory_space<vmem>>
      %dma_start3A_880 = tpu.memref_squeeze %dma_start3A_879 : memref<1x64x128xf32, #tpu.memory_space<vmem>> -> memref<64x128xf32, #tpu.memory_space<vmem>>
      %dma_start3A_881 = arith.constant 0 : i32
      %dma_start3A_882 = tpu.memref_slice %arg9[%dma_start3A_874, %dma_start3A_875, %dma_start3A_881] : memref<2x8x64xi32, #tpu.memory_space<vmem>> -> memref<1x1x64xi32, #tpu.memory_space<vmem>>
      %dma_start3A_883 = tpu.memref_squeeze %dma_start3A_882 : memref<1x1x64xi32, #tpu.memory_space<vmem>> -> memref<64xi32, #tpu.memory_space<vmem>>
      %dma_start3A_884 = arith.constant 0 : i32
      %dma_start3A_885 = arith.constant 0 : i32
      %dma_start3A_886 = tpu.memref_slice %arg2[%dma_start3A_884, %dma_start3A_885] : memref<10000x128xf32, #tpu.memory_space<hbm>> -> memref<10000x128xf32, #tpu.memory_space<hbm>>
      tpu.enqueue_indirect_dma source(%dma_start3A_886 : memref<10000x128xf32, #tpu.memory_space<hbm>>) target(%dma_start3A_880 : memref<64x128xf32, #tpu.memory_space<vmem>>) offsets(%dma_start3A_883 : memref<64xi32, #tpu.memory_space<vmem>>) semaphore(%arg17 : memref<!tpu.dma_semaphore, #tpu.memory_space<semaphore_mem>>)
      %dma_wait3A_887 = arith.constant 0 : i32
      %dma_wait3A_888 = arith.constant 0 : i32
      %dma_wait3A_889 = arith.constant 0 : i32
      %dma_wait3A_890 = arith.constant 0 : i32
      %dma_wait3A_891 = arith.constant 0 : i32
      %dma_wait3A_892 = tpu.memref_slice %arg12[%dma_wait3A_889, %dma_wait3A_890, %dma_wait3A_891] : memref<2x64x128xf32, #tpu.memory_space<vmem>> -> memref<1x64x128xf32, #tpu.memory_space<vmem>>
      %dma_wait3A_893 = tpu.memref_squeeze %dma_wait3A_892 : memref<1x64x128xf32, #tpu.memory_space<vmem>> -> memref<64x128xf32, #tpu.memory_space<vmem>>
      %dma_wait3A_894 = arith.constant 0 : i32
      %dma_wait3A_895 = tpu.memref_slice %arg9[%dma_wait3A_887, %dma_wait3A_888, %dma_wait3A_894] : memref<2x8x64xi32, #tpu.memory_space<vmem>> -> memref<1x1x64xi32, #tpu.memory_space<vmem>>
      %dma_wait3A_896 = tpu.memref_squeeze %dma_wait3A_895 : memref<1x1x64xi32, #tpu.memory_space<vmem>> -> memref<64xi32, #tpu.memory_space<vmem>>
      %dma_wait3A_897 = arith.constant 0 : i32
      %dma_wait3A_898 = arith.constant 0 : i32
      %dma_wait3A_899 = tpu.memref_slice %arg2[%dma_wait3A_897, %dma_wait3A_898] : memref<10000x128xf32, #tpu.memory_space<hbm>> -> memref<10000x128xf32, #tpu.memory_space<hbm>>
      tpu.wait_indirect_dma semaphore(%arg16 : memref<!tpu.dma_semaphore, #tpu.memory_space<semaphore_mem>>) src(%dma_wait3A_899 : memref<10000x128xf32, #tpu.memory_space<hbm>>) dst(%dma_wait3A_893 : memref<64x128xf32, #tpu.memory_space<vmem>>)
      %run_scoped3A_900 = arith.constant 0 : i32
      %run_scoped3A_901 = arith.constant 0 : i32
      %run_scoped3A_902 = arith.constant 2 : i32
      "tpu.region"() ({
        %run_scoped3A_1449 = tpu.sem_alloc : memref<!tpu.dma_semaphore, #tpu.memory_space<semaphore_mem>>
        %dma_start3A_1450 = arith.constant 0 : i32
        %dma_start3A_1451 = arith.constant 0 : i32
        %dma_start3A_1452 = tpu.memref_slice %arg12[%run_scoped3A_900, %dma_start3A_1450, %dma_start3A_1451] : memref<2x64x128xf32, #tpu.memory_space<vmem>> -> memref<1x64x128xf32, #tpu.memory_space<vmem>>
        %dma_start3A_1453 = tpu.memref_squeeze %dma_start3A_1452 : memref<1x64x128xf32, #tpu.memory_space<vmem>> -> memref<64x128xf32, #tpu.memory_space<vmem>>
        %dma_start3A_1454 = arith.constant 0 : i32
        %dma_start3A_1455 = tpu.memref_slice %arg10[%run_scoped3A_901, %run_scoped3A_902, %dma_start3A_1454] : memref<2x8x64xi32, #tpu.memory_space<vmem>> -> memref<1x1x64xi32, #tpu.memory_space<vmem>>
        %dma_start3A_1456 = tpu.memref_squeeze %dma_start3A_1455 : memref<1x1x64xi32, #tpu.memory_space<vmem>> -> memref<64xi32, #tpu.memory_space<vmem>>
        %dma_start3A_1457 = arith.constant 0 : i32
        %dma_start3A_1458 = arith.constant 0 : i32
        %dma_start3A_1459 = tpu.memref_slice %arg15[%dma_start3A_1457, %dma_start3A_1458] : memref<10240x128xf32, #tpu.memory_space<vmem_shared>> -> memref<10240x128xf32, #tpu.memory_space<vmem_shared>>
        tpu.enqueue_indirect_dma source(%dma_start3A_1453 : memref<64x128xf32, #tpu.memory_space<vmem>>) target(%dma_start3A_1459 : memref<10240x128xf32, #tpu.memory_space<vmem_shared>>) offsets(%dma_start3A_1456 : memref<64xi32, #tpu.memory_space<vmem>>) semaphore(%run_scoped3A_1449 : memref<!tpu.dma_semaphore, #tpu.memory_space<semaphore_mem>>) {add = true}
        %dma_wait3A_1460 = arith.constant 0 : i32
        %dma_wait3A_1461 = arith.constant 0 : i32
        %dma_wait3A_1462 = tpu.memref_slice %arg12[%run_scoped3A_900, %dma_wait3A_1460, %dma_wait3A_1461] : memref<2x64x128xf32, #tpu.memory_space<vmem>> -> memref<1x64x128xf32, #tpu.memory_space<vmem>>
        %dma_wait3A_1463 = tpu.memref_squeeze %dma_wait3A_1462 : memref<1x64x128xf32, #tpu.memory_space<vmem>> -> memref<64x128xf32, #tpu.memory_space<vmem>>
        %dma_wait3A_1464 = arith.constant 0 : i32
        %dma_wait3A_1465 = tpu.memref_slice %arg10[%run_scoped3A_901, %run_scoped3A_902, %dma_wait3A_1464] : memref<2x8x64xi32, #tpu.memory_space<vmem>> -> memref<1x1x64xi32, #tpu.memory_space<vmem>>
        %dma_wait3A_1466 = tpu.memref_squeeze %dma_wait3A_1465 : memref<1x1x64xi32, #tpu.memory_space<vmem>> -> memref<64xi32, #tpu.memory_space<vmem>>
        %dma_wait3A_1467 = arith.constant 0 : i32
        %dma_wait3A_1468 = arith.constant 0 : i32
        %dma_wait3A_1469 = tpu.memref_slice %arg15[%dma_wait3A_1467, %dma_wait3A_1468] : memref<10240x128xf32, #tpu.memory_space<vmem_shared>> -> memref<10240x128xf32, #tpu.memory_space<vmem_shared>>
        tpu.wait_indirect_dma semaphore(%run_scoped3A_1449 : memref<!tpu.dma_semaphore, #tpu.memory_space<semaphore_mem>>) src(%dma_wait3A_1463 : memref<64x128xf32, #tpu.memory_space<vmem>>) dst(%dma_wait3A_1469 : memref<10240x128xf32, #tpu.memory_space<vmem_shared>>)
        tpu.yield
      }) : () -> ()
      %dma_start3A_903 = arith.constant 0 : i32
      %dma_start3A_904 = arith.constant 4 : i32
      %dma_start3A_905 = arith.constant 0 : i32
      %dma_start3A_906 = arith.constant 0 : i32
      %dma_start3A_907 = arith.constant 0 : i32
      %dma_start3A_908 = tpu.memref_slice %arg12[%dma_start3A_905, %dma_start3A_906, %dma_start3A_907] : memref<2x64x128xf32, #tpu.memory_space<vmem>> -> memref<1x64x128xf32, #tpu.memory_space<vmem>>
      %dma_start3A_909 = tpu.memref_squeeze %dma_start3A_908 : memref<1x64x128xf32, #tpu.memory_space<vmem>> -> memref<64x128xf32, #tpu.memory_space<vmem>>
      %dma_start3A_910 = arith.constant 0 : i32
      %dma_start3A_911 = tpu.memref_slice %arg9[%dma_start3A_903, %dma_start3A_904, %dma_start3A_910] : memref<2x8x64xi32, #tpu.memory_space<vmem>> -> memref<1x1x64xi32, #tpu.memory_space<vmem>>
      %dma_start3A_912 = tpu.memref_squeeze %dma_start3A_911 : memref<1x1x64xi32, #tpu.memory_space<vmem>> -> memref<64xi32, #tpu.memory_space<vmem>>
      %dma_start3A_913 = arith.constant 0 : i32
      %dma_start3A_914 = arith.constant 0 : i32
      %dma_start3A_915 = tpu.memref_slice %arg2[%dma_start3A_913, %dma_start3A_914] : memref<10000x128xf32, #tpu.memory_space<hbm>> -> memref<10000x128xf32, #tpu.memory_space<hbm>>
      tpu.enqueue_indirect_dma source(%dma_start3A_915 : memref<10000x128xf32, #tpu.memory_space<hbm>>) target(%dma_start3A_909 : memref<64x128xf32, #tpu.memory_space<vmem>>) offsets(%dma_start3A_912 : memref<64xi32, #tpu.memory_space<vmem>>) semaphore(%arg16 : memref<!tpu.dma_semaphore, #tpu.memory_space<semaphore_mem>>)
      %dma_wait3A_916 = arith.constant 0 : i32
      %dma_wait3A_917 = arith.constant 0 : i32
      %dma_wait3A_918 = arith.constant 1 : i32
      %dma_wait3A_919 = arith.constant 0 : i32
      %dma_wait3A_920 = arith.constant 0 : i32
      %dma_wait3A_921 = tpu.memref_slice %arg12[%dma_wait3A_918, %dma_wait3A_919, %dma_wait3A_920] : memref<2x64x128xf32, #tpu.memory_space<vmem>> -> memref<1x64x128xf32, #tpu.memory_space<vmem>>
      %dma_wait3A_922 = tpu.memref_squeeze %dma_wait3A_921 : memref<1x64x128xf32, #tpu.memory_space<vmem>> -> memref<64x128xf32, #tpu.memory_space<vmem>>
      %dma_wait3A_923 = arith.constant 0 : i32
      %dma_wait3A_924 = tpu.memref_slice %arg9[%dma_wait3A_916, %dma_wait3A_917, %dma_wait3A_923] : memref<2x8x64xi32, #tpu.memory_space<vmem>> -> memref<1x1x64xi32, #tpu.memory_space<vmem>>
      %dma_wait3A_925 = tpu.memref_squeeze %dma_wait3A_924 : memref<1x1x64xi32, #tpu.memory_space<vmem>> -> memref<64xi32, #tpu.memory_space<vmem>>
      %dma_wait3A_926 = arith.constant 0 : i32
      %dma_wait3A_927 = arith.constant 0 : i32
      %dma_wait3A_928 = tpu.memref_slice %arg2[%dma_wait3A_926, %dma_wait3A_927] : memref<10000x128xf32, #tpu.memory_space<hbm>> -> memref<10000x128xf32, #tpu.memory_space<hbm>>
      tpu.wait_indirect_dma semaphore(%arg17 : memref<!tpu.dma_semaphore, #tpu.memory_space<semaphore_mem>>) src(%dma_wait3A_928 : memref<10000x128xf32, #tpu.memory_space<hbm>>) dst(%dma_wait3A_922 : memref<64x128xf32, #tpu.memory_space<vmem>>)
      %run_scoped3A_929 = arith.constant 1 : i32
      %run_scoped3A_930 = arith.constant 0 : i32
      %run_scoped3A_931 = arith.constant 3 : i32
      "tpu.region"() ({
        %run_scoped3A_1449 = tpu.sem_alloc : memref<!tpu.dma_semaphore, #tpu.memory_space<semaphore_mem>>
        %dma_start3A_1450 = arith.constant 0 : i32
        %dma_start3A_1451 = arith.constant 0 : i32
        %dma_start3A_1452 = tpu.memref_slice %arg12[%run_scoped3A_929, %dma_start3A_1450, %dma_start3A_1451] : memref<2x64x128xf32, #tpu.memory_space<vmem>> -> memref<1x64x128xf32, #tpu.memory_space<vmem>>
        %dma_start3A_1453 = tpu.memref_squeeze %dma_start3A_1452 : memref<1x64x128xf32, #tpu.memory_space<vmem>> -> memref<64x128xf32, #tpu.memory_space<vmem>>
        %dma_start3A_1454 = arith.constant 0 : i32
        %dma_start3A_1455 = tpu.memref_slice %arg10[%run_scoped3A_930, %run_scoped3A_931, %dma_start3A_1454] : memref<2x8x64xi32, #tpu.memory_space<vmem>> -> memref<1x1x64xi32, #tpu.memory_space<vmem>>
        %dma_start3A_1456 = tpu.memref_squeeze %dma_start3A_1455 : memref<1x1x64xi32, #tpu.memory_space<vmem>> -> memref<64xi32, #tpu.memory_space<vmem>>
        %dma_start3A_1457 = arith.constant 0 : i32
        %dma_start3A_1458 = arith.constant 0 : i32
        %dma_start3A_1459 = tpu.memref_slice %arg15[%dma_start3A_1457, %dma_start3A_1458] : memref<10240x128xf32, #tpu.memory_space<vmem_shared>> -> memref<10240x128xf32, #tpu.memory_space<vmem_shared>>
        tpu.enqueue_indirect_dma source(%dma_start3A_1453 : memref<64x128xf32, #tpu.memory_space<vmem>>) target(%dma_start3A_1459 : memref<10240x128xf32, #tpu.memory_space<vmem_shared>>) offsets(%dma_start3A_1456 : memref<64xi32, #tpu.memory_space<vmem>>) semaphore(%run_scoped3A_1449 : memref<!tpu.dma_semaphore, #tpu.memory_space<semaphore_mem>>) {add = true}
        %dma_wait3A_1460 = arith.constant 0 : i32
        %dma_wait3A_1461 = arith.constant 0 : i32
        %dma_wait3A_1462 = tpu.memref_slice %arg12[%run_scoped3A_929, %dma_wait3A_1460, %dma_wait3A_1461] : memref<2x64x128xf32, #tpu.memory_space<vmem>> -> memref<1x64x128xf32, #tpu.memory_space<vmem>>
        %dma_wait3A_1463 = tpu.memref_squeeze %dma_wait3A_1462 : memref<1x64x128xf32, #tpu.memory_space<vmem>> -> memref<64x128xf32, #tpu.memory_space<vmem>>
        %dma_wait3A_1464 = arith.constant 0 : i32
        %dma_wait3A_1465 = tpu.memref_slice %arg10[%run_scoped3A_930, %run_scoped3A_931, %dma_wait3A_1464] : memref<2x8x64xi32, #tpu.memory_space<vmem>> -> memref<1x1x64xi32, #tpu.memory_space<vmem>>
        %dma_wait3A_1466 = tpu.memref_squeeze %dma_wait3A_1465 : memref<1x1x64xi32, #tpu.memory_space<vmem>> -> memref<64xi32, #tpu.memory_space<vmem>>
        %dma_wait3A_1467 = arith.constant 0 : i32
        %dma_wait3A_1468 = arith.constant 0 : i32
        %dma_wait3A_1469 = tpu.memref_slice %arg15[%dma_wait3A_1467, %dma_wait3A_1468] : memref<10240x128xf32, #tpu.memory_space<vmem_shared>> -> memref<10240x128xf32, #tpu.memory_space<vmem_shared>>
        tpu.wait_indirect_dma semaphore(%run_scoped3A_1449 : memref<!tpu.dma_semaphore, #tpu.memory_space<semaphore_mem>>) src(%dma_wait3A_1463 : memref<64x128xf32, #tpu.memory_space<vmem>>) dst(%dma_wait3A_1469 : memref<10240x128xf32, #tpu.memory_space<vmem_shared>>)
        tpu.yield
      }) : () -> ()
      %dma_start3A_932 = arith.constant 0 : i32
      %dma_start3A_933 = arith.constant 5 : i32
      %dma_start3A_934 = arith.constant 1 : i32
      %dma_start3A_935 = arith.constant 0 : i32
      %dma_start3A_936 = arith.constant 0 : i32
      %dma_start3A_937 = tpu.memref_slice %arg12[%dma_start3A_934, %dma_start3A_935, %dma_start3A_936] : memref<2x64x128xf32, #tpu.memory_space<vmem>> -> memref<1x64x128xf32, #tpu.memory_space<vmem>>
      %dma_start3A_938 = tpu.memref_squeeze %dma_start3A_937 : memref<1x64x128xf32, #tpu.memory_space<vmem>> -> memref<64x128xf32, #tpu.memory_space<vmem>>
      %dma_start3A_939 = arith.constant 0 : i32
      %dma_start3A_940 = tpu.memref_slice %arg9[%dma_start3A_932, %dma_start3A_933, %dma_start3A_939] : memref<2x8x64xi32, #tpu.memory_space<vmem>> -> memref<1x1x64xi32, #tpu.memory_space<vmem>>
      %dma_start3A_941 = tpu.memref_squeeze %dma_start3A_940 : memref<1x1x64xi32, #tpu.memory_space<vmem>> -> memref<64xi32, #tpu.memory_space<vmem>>
      %dma_start3A_942 = arith.constant 0 : i32
      %dma_start3A_943 = arith.constant 0 : i32
      %dma_start3A_944 = tpu.memref_slice %arg2[%dma_start3A_942, %dma_start3A_943] : memref<10000x128xf32, #tpu.memory_space<hbm>> -> memref<10000x128xf32, #tpu.memory_space<hbm>>
      tpu.enqueue_indirect_dma source(%dma_start3A_944 : memref<10000x128xf32, #tpu.memory_space<hbm>>) target(%dma_start3A_938 : memref<64x128xf32, #tpu.memory_space<vmem>>) offsets(%dma_start3A_941 : memref<64xi32, #tpu.memory_space<vmem>>) semaphore(%arg17 : memref<!tpu.dma_semaphore, #tpu.memory_space<semaphore_mem>>)
      %dma_wait3A_945 = arith.constant 0 : i32
      %dma_wait3A_946 = arith.constant 0 : i32
      %dma_wait3A_947 = arith.constant 0 : i32
      %dma_wait3A_948 = arith.constant 0 : i32
      %dma_wait3A_949 = arith.constant 0 : i32
      %dma_wait3A_950 = tpu.memref_slice %arg12[%dma_wait3A_947, %dma_wait3A_948, %dma_wait3A_949] : memref<2x64x128xf32, #tpu.memory_space<vmem>> -> memref<1x64x128xf32, #tpu.memory_space<vmem>>
      %dma_wait3A_951 = tpu.memref_squeeze %dma_wait3A_950 : memref<1x64x128xf32, #tpu.memory_space<vmem>> -> memref<64x128xf32, #tpu.memory_space<vmem>>
      %dma_wait3A_952 = arith.constant 0 : i32
      %dma_wait3A_953 = tpu.memref_slice %arg9[%dma_wait3A_945, %dma_wait3A_946, %dma_wait3A_952] : memref<2x8x64xi32, #tpu.memory_space<vmem>> -> memref<1x1x64xi32, #tpu.memory_space<vmem>>
      %dma_wait3A_954 = tpu.memref_squeeze %dma_wait3A_953 : memref<1x1x64xi32, #tpu.memory_space<vmem>> -> memref<64xi32, #tpu.memory_space<vmem>>
      %dma_wait3A_955 = arith.constant 0 : i32
      %dma_wait3A_956 = arith.constant 0 : i32
      %dma_wait3A_957 = tpu.memref_slice %arg2[%dma_wait3A_955, %dma_wait3A_956] : memref<10000x128xf32, #tpu.memory_space<hbm>> -> memref<10000x128xf32, #tpu.memory_space<hbm>>
      tpu.wait_indirect_dma semaphore(%arg16 : memref<!tpu.dma_semaphore, #tpu.memory_space<semaphore_mem>>) src(%dma_wait3A_957 : memref<10000x128xf32, #tpu.memory_space<hbm>>) dst(%dma_wait3A_951 : memref<64x128xf32, #tpu.memory_space<vmem>>)
      %run_scoped3A_958 = arith.constant 0 : i32
      %run_scoped3A_959 = arith.constant 0 : i32
      %run_scoped3A_960 = arith.constant 4 : i32
      "tpu.region"() ({
        %run_scoped3A_1449 = tpu.sem_alloc : memref<!tpu.dma_semaphore, #tpu.memory_space<semaphore_mem>>
        %dma_start3A_1450 = arith.constant 0 : i32
        %dma_start3A_1451 = arith.constant 0 : i32
        %dma_start3A_1452 = tpu.memref_slice %arg12[%run_scoped3A_958, %dma_start3A_1450, %dma_start3A_1451] : memref<2x64x128xf32, #tpu.memory_space<vmem>> -> memref<1x64x128xf32, #tpu.memory_space<vmem>>
        %dma_start3A_1453 = tpu.memref_squeeze %dma_start3A_1452 : memref<1x64x128xf32, #tpu.memory_space<vmem>> -> memref<64x128xf32, #tpu.memory_space<vmem>>
        %dma_start3A_1454 = arith.constant 0 : i32
        %dma_start3A_1455 = tpu.memref_slice %arg10[%run_scoped3A_959, %run_scoped3A_960, %dma_start3A_1454] : memref<2x8x64xi32, #tpu.memory_space<vmem>> -> memref<1x1x64xi32, #tpu.memory_space<vmem>>
        %dma_start3A_1456 = tpu.memref_squeeze %dma_start3A_1455 : memref<1x1x64xi32, #tpu.memory_space<vmem>> -> memref<64xi32, #tpu.memory_space<vmem>>
        %dma_start3A_1457 = arith.constant 0 : i32
        %dma_start3A_1458 = arith.constant 0 : i32
        %dma_start3A_1459 = tpu.memref_slice %arg15[%dma_start3A_1457, %dma_start3A_1458] : memref<10240x128xf32, #tpu.memory_space<vmem_shared>> -> memref<10240x128xf32, #tpu.memory_space<vmem_shared>>
        tpu.enqueue_indirect_dma source(%dma_start3A_1453 : memref<64x128xf32, #tpu.memory_space<vmem>>) target(%dma_start3A_1459 : memref<10240x128xf32, #tpu.memory_space<vmem_shared>>) offsets(%dma_start3A_1456 : memref<64xi32, #tpu.memory_space<vmem>>) semaphore(%run_scoped3A_1449 : memref<!tpu.dma_semaphore, #tpu.memory_space<semaphore_mem>>) {add = true}
        %dma_wait3A_1460 = arith.constant 0 : i32
        %dma_wait3A_1461 = arith.constant 0 : i32
        %dma_wait3A_1462 = tpu.memref_slice %arg12[%run_scoped3A_958, %dma_wait3A_1460, %dma_wait3A_1461] : memref<2x64x128xf32, #tpu.memory_space<vmem>> -> memref<1x64x128xf32, #tpu.memory_space<vmem>>
        %dma_wait3A_1463 = tpu.memref_squeeze %dma_wait3A_1462 : memref<1x64x128xf32, #tpu.memory_space<vmem>> -> memref<64x128xf32, #tpu.memory_space<vmem>>
        %dma_wait3A_1464 = arith.constant 0 : i32
        %dma_wait3A_1465 = tpu.memref_slice %arg10[%run_scoped3A_959, %run_scoped3A_960, %dma_wait3A_1464] : memref<2x8x64xi32, #tpu.memory_space<vmem>> -> memref<1x1x64xi32, #tpu.memory_space<vmem>>
        %dma_wait3A_1466 = tpu.memref_squeeze %dma_wait3A_1465 : memref<1x1x64xi32, #tpu.memory_space<vmem>> -> memref<64xi32, #tpu.memory_space<vmem>>
        %dma_wait3A_1467 = arith.constant 0 : i32
        %dma_wait3A_1468 = arith.constant 0 : i32
        %dma_wait3A_1469 = tpu.memref_slice %arg15[%dma_wait3A_1467, %dma_wait3A_1468] : memref<10240x128xf32, #tpu.memory_space<vmem_shared>> -> memref<10240x128xf32, #tpu.memory_space<vmem_shared>>
        tpu.wait_indirect_dma semaphore(%run_scoped3A_1449 : memref<!tpu.dma_semaphore, #tpu.memory_space<semaphore_mem>>) src(%dma_wait3A_1463 : memref<64x128xf32, #tpu.memory_space<vmem>>) dst(%dma_wait3A_1469 : memref<10240x128xf32, #tpu.memory_space<vmem_shared>>)
        tpu.yield
      }) : () -> ()
      %dma_start3A_961 = arith.constant 0 : i32
      %dma_start3A_962 = arith.constant 6 : i32
      %dma_start3A_963 = arith.constant 0 : i32
      %dma_start3A_964 = arith.constant 0 : i32
      %dma_start3A_965 = arith.constant 0 : i32
      %dma_start3A_966 = tpu.memref_slice %arg12[%dma_start3A_963, %dma_start3A_964, %dma_start3A_965] : memref<2x64x128xf32, #tpu.memory_space<vmem>> -> memref<1x64x128xf32, #tpu.memory_space<vmem>>
      %dma_start3A_967 = tpu.memref_squeeze %dma_start3A_966 : memref<1x64x128xf32, #tpu.memory_space<vmem>> -> memref<64x128xf32, #tpu.memory_space<vmem>>
      %dma_start3A_968 = arith.constant 0 : i32
      %dma_start3A_969 = tpu.memref_slice %arg9[%dma_start3A_961, %dma_start3A_962, %dma_start3A_968] : memref<2x8x64xi32, #tpu.memory_space<vmem>> -> memref<1x1x64xi32, #tpu.memory_space<vmem>>
      %dma_start3A_970 = tpu.memref_squeeze %dma_start3A_969 : memref<1x1x64xi32, #tpu.memory_space<vmem>> -> memref<64xi32, #tpu.memory_space<vmem>>
      %dma_start3A_971 = arith.constant 0 : i32
      %dma_start3A_972 = arith.constant 0 : i32
      %dma_start3A_973 = tpu.memref_slice %arg2[%dma_start3A_971, %dma_start3A_972] : memref<10000x128xf32, #tpu.memory_space<hbm>> -> memref<10000x128xf32, #tpu.memory_space<hbm>>
      tpu.enqueue_indirect_dma source(%dma_start3A_973 : memref<10000x128xf32, #tpu.memory_space<hbm>>) target(%dma_start3A_967 : memref<64x128xf32, #tpu.memory_space<vmem>>) offsets(%dma_start3A_970 : memref<64xi32, #tpu.memory_space<vmem>>) semaphore(%arg16 : memref<!tpu.dma_semaphore, #tpu.memory_space<semaphore_mem>>)
      %dma_wait3A_974 = arith.constant 0 : i32
      %dma_wait3A_975 = arith.constant 0 : i32
      %dma_wait3A_976 = arith.constant 1 : i32
      %dma_wait3A_977 = arith.constant 0 : i32
      %dma_wait3A_978 = arith.constant 0 : i32
      %dma_wait3A_979 = tpu.memref_slice %arg12[%dma_wait3A_976, %dma_wait3A_977, %dma_wait3A_978] : memref<2x64x128xf32, #tpu.memory_space<vmem>> -> memref<1x64x128xf32, #tpu.memory_space<vmem>>
      %dma_wait3A_980 = tpu.memref_squeeze %dma_wait3A_979 : memref<1x64x128xf32, #tpu.memory_space<vmem>> -> memref<64x128xf32, #tpu.memory_space<vmem>>
      %dma_wait3A_981 = arith.constant 0 : i32
      %dma_wait3A_982 = tpu.memref_slice %arg9[%dma_wait3A_974, %dma_wait3A_975, %dma_wait3A_981] : memref<2x8x64xi32, #tpu.memory_space<vmem>> -> memref<1x1x64xi32, #tpu.memory_space<vmem>>
      %dma_wait3A_983 = tpu.memref_squeeze %dma_wait3A_982 : memref<1x1x64xi32, #tpu.memory_space<vmem>> -> memref<64xi32, #tpu.memory_space<vmem>>
      %dma_wait3A_984 = arith.constant 0 : i32
      %dma_wait3A_985 = arith.constant 0 : i32
      %dma_wait3A_986 = tpu.memref_slice %arg2[%dma_wait3A_984, %dma_wait3A_985] : memref<10000x128xf32, #tpu.memory_space<hbm>> -> memref<10000x128xf32, #tpu.memory_space<hbm>>
      tpu.wait_indirect_dma semaphore(%arg17 : memref<!tpu.dma_semaphore, #tpu.memory_space<semaphore_mem>>) src(%dma_wait3A_986 : memref<10000x128xf32, #tpu.memory_space<hbm>>) dst(%dma_wait3A_980 : memref<64x128xf32, #tpu.memory_space<vmem>>)
      %run_scoped3A_987 = arith.constant 1 : i32
      %run_scoped3A_988 = arith.constant 0 : i32
      %run_scoped3A_989 = arith.constant 5 : i32
      "tpu.region"() ({
        %run_scoped3A_1449 = tpu.sem_alloc : memref<!tpu.dma_semaphore, #tpu.memory_space<semaphore_mem>>
        %dma_start3A_1450 = arith.constant 0 : i32
        %dma_start3A_1451 = arith.constant 0 : i32
        %dma_start3A_1452 = tpu.memref_slice %arg12[%run_scoped3A_987, %dma_start3A_1450, %dma_start3A_1451] : memref<2x64x128xf32, #tpu.memory_space<vmem>> -> memref<1x64x128xf32, #tpu.memory_space<vmem>>
        %dma_start3A_1453 = tpu.memref_squeeze %dma_start3A_1452 : memref<1x64x128xf32, #tpu.memory_space<vmem>> -> memref<64x128xf32, #tpu.memory_space<vmem>>
        %dma_start3A_1454 = arith.constant 0 : i32
        %dma_start3A_1455 = tpu.memref_slice %arg10[%run_scoped3A_988, %run_scoped3A_989, %dma_start3A_1454] : memref<2x8x64xi32, #tpu.memory_space<vmem>> -> memref<1x1x64xi32, #tpu.memory_space<vmem>>
        %dma_start3A_1456 = tpu.memref_squeeze %dma_start3A_1455 : memref<1x1x64xi32, #tpu.memory_space<vmem>> -> memref<64xi32, #tpu.memory_space<vmem>>
        %dma_start3A_1457 = arith.constant 0 : i32
        %dma_start3A_1458 = arith.constant 0 : i32
        %dma_start3A_1459 = tpu.memref_slice %arg15[%dma_start3A_1457, %dma_start3A_1458] : memref<10240x128xf32, #tpu.memory_space<vmem_shared>> -> memref<10240x128xf32, #tpu.memory_space<vmem_shared>>
        tpu.enqueue_indirect_dma source(%dma_start3A_1453 : memref<64x128xf32, #tpu.memory_space<vmem>>) target(%dma_start3A_1459 : memref<10240x128xf32, #tpu.memory_space<vmem_shared>>) offsets(%dma_start3A_1456 : memref<64xi32, #tpu.memory_space<vmem>>) semaphore(%run_scoped3A_1449 : memref<!tpu.dma_semaphore, #tpu.memory_space<semaphore_mem>>) {add = true}
        %dma_wait3A_1460 = arith.constant 0 : i32
        %dma_wait3A_1461 = arith.constant 0 : i32
        %dma_wait3A_1462 = tpu.memref_slice %arg12[%run_scoped3A_987, %dma_wait3A_1460, %dma_wait3A_1461] : memref<2x64x128xf32, #tpu.memory_space<vmem>> -> memref<1x64x128xf32, #tpu.memory_space<vmem>>
        %dma_wait3A_1463 = tpu.memref_squeeze %dma_wait3A_1462 : memref<1x64x128xf32, #tpu.memory_space<vmem>> -> memref<64x128xf32, #tpu.memory_space<vmem>>
        %dma_wait3A_1464 = arith.constant 0 : i32
        %dma_wait3A_1465 = tpu.memref_slice %arg10[%run_scoped3A_988, %run_scoped3A_989, %dma_wait3A_1464] : memref<2x8x64xi32, #tpu.memory_space<vmem>> -> memref<1x1x64xi32, #tpu.memory_space<vmem>>
        %dma_wait3A_1466 = tpu.memref_squeeze %dma_wait3A_1465 : memref<1x1x64xi32, #tpu.memory_space<vmem>> -> memref<64xi32, #tpu.memory_space<vmem>>
        %dma_wait3A_1467 = arith.constant 0 : i32
        %dma_wait3A_1468 = arith.constant 0 : i32
        %dma_wait3A_1469 = tpu.memref_slice %arg15[%dma_wait3A_1467, %dma_wait3A_1468] : memref<10240x128xf32, #tpu.memory_space<vmem_shared>> -> memref<10240x128xf32, #tpu.memory_space<vmem_shared>>
        tpu.wait_indirect_dma semaphore(%run_scoped3A_1449 : memref<!tpu.dma_semaphore, #tpu.memory_space<semaphore_mem>>) src(%dma_wait3A_1463 : memref<64x128xf32, #tpu.memory_space<vmem>>) dst(%dma_wait3A_1469 : memref<10240x128xf32, #tpu.memory_space<vmem_shared>>)
        tpu.yield
      }) : () -> ()
      %dma_start3A_990 = arith.constant 0 : i32
      %dma_start3A_991 = arith.constant 7 : i32
      %dma_start3A_992 = arith.constant 1 : i32
      %dma_start3A_993 = arith.constant 0 : i32
      %dma_start3A_994 = arith.constant 0 : i32
      %dma_start3A_995 = tpu.memref_slice %arg12[%dma_start3A_992, %dma_start3A_993, %dma_start3A_994] : memref<2x64x128xf32, #tpu.memory_space<vmem>> -> memref<1x64x128xf32, #tpu.memory_space<vmem>>
      %dma_start3A_996 = tpu.memref_squeeze %dma_start3A_995 : memref<1x64x128xf32, #tpu.memory_space<vmem>> -> memref<64x128xf32, #tpu.memory_space<vmem>>
      %dma_start3A_997 = arith.constant 0 : i32
      %dma_start3A_998 = tpu.memref_slice %arg9[%dma_start3A_990, %dma_start3A_991, %dma_start3A_997] : memref<2x8x64xi32, #tpu.memory_space<vmem>> -> memref<1x1x64xi32, #tpu.memory_space<vmem>>
      %dma_start3A_999 = tpu.memref_squeeze %dma_start3A_998 : memref<1x1x64xi32, #tpu.memory_space<vmem>> -> memref<64xi32, #tpu.memory_space<vmem>>
      %dma_start3A_1000 = arith.constant 0 : i32
      %dma_start3A_1001 = arith.constant 0 : i32
      %dma_start3A_1002 = tpu.memref_slice %arg2[%dma_start3A_1000, %dma_start3A_1001] : memref<10000x128xf32, #tpu.memory_space<hbm>> -> memref<10000x128xf32, #tpu.memory_space<hbm>>
      tpu.enqueue_indirect_dma source(%dma_start3A_1002 : memref<10000x128xf32, #tpu.memory_space<hbm>>) target(%dma_start3A_996 : memref<64x128xf32, #tpu.memory_space<vmem>>) offsets(%dma_start3A_999 : memref<64xi32, #tpu.memory_space<vmem>>) semaphore(%arg17 : memref<!tpu.dma_semaphore, #tpu.memory_space<semaphore_mem>>)
      %dma_wait3A_1003 = arith.constant 0 : i32
      %dma_wait3A_1004 = arith.constant 0 : i32
      %dma_wait3A_1005 = arith.constant 0 : i32
      %dma_wait3A_1006 = arith.constant 0 : i32
      %dma_wait3A_1007 = arith.constant 0 : i32
      %dma_wait3A_1008 = tpu.memref_slice %arg12[%dma_wait3A_1005, %dma_wait3A_1006, %dma_wait3A_1007] : memref<2x64x128xf32, #tpu.memory_space<vmem>> -> memref<1x64x128xf32, #tpu.memory_space<vmem>>
      %dma_wait3A_1009 = tpu.memref_squeeze %dma_wait3A_1008 : memref<1x64x128xf32, #tpu.memory_space<vmem>> -> memref<64x128xf32, #tpu.memory_space<vmem>>
      %dma_wait3A_1010 = arith.constant 0 : i32
      %dma_wait3A_1011 = tpu.memref_slice %arg9[%dma_wait3A_1003, %dma_wait3A_1004, %dma_wait3A_1010] : memref<2x8x64xi32, #tpu.memory_space<vmem>> -> memref<1x1x64xi32, #tpu.memory_space<vmem>>
      %dma_wait3A_1012 = tpu.memref_squeeze %dma_wait3A_1011 : memref<1x1x64xi32, #tpu.memory_space<vmem>> -> memref<64xi32, #tpu.memory_space<vmem>>
      %dma_wait3A_1013 = arith.constant 0 : i32
      %dma_wait3A_1014 = arith.constant 0 : i32
      %dma_wait3A_1015 = tpu.memref_slice %arg2[%dma_wait3A_1013, %dma_wait3A_1014] : memref<10000x128xf32, #tpu.memory_space<hbm>> -> memref<10000x128xf32, #tpu.memory_space<hbm>>
      tpu.wait_indirect_dma semaphore(%arg16 : memref<!tpu.dma_semaphore, #tpu.memory_space<semaphore_mem>>) src(%dma_wait3A_1015 : memref<10000x128xf32, #tpu.memory_space<hbm>>) dst(%dma_wait3A_1009 : memref<64x128xf32, #tpu.memory_space<vmem>>)
      %run_scoped3A_1016 = arith.constant 0 : i32
      %run_scoped3A_1017 = arith.constant 0 : i32
      %run_scoped3A_1018 = arith.constant 6 : i32
      "tpu.region"() ({
        %run_scoped3A_1449 = tpu.sem_alloc : memref<!tpu.dma_semaphore, #tpu.memory_space<semaphore_mem>>
        %dma_start3A_1450 = arith.constant 0 : i32
        %dma_start3A_1451 = arith.constant 0 : i32
        %dma_start3A_1452 = tpu.memref_slice %arg12[%run_scoped3A_1016, %dma_start3A_1450, %dma_start3A_1451] : memref<2x64x128xf32, #tpu.memory_space<vmem>> -> memref<1x64x128xf32, #tpu.memory_space<vmem>>
        %dma_start3A_1453 = tpu.memref_squeeze %dma_start3A_1452 : memref<1x64x128xf32, #tpu.memory_space<vmem>> -> memref<64x128xf32, #tpu.memory_space<vmem>>
        %dma_start3A_1454 = arith.constant 0 : i32
        %dma_start3A_1455 = tpu.memref_slice %arg10[%run_scoped3A_1017, %run_scoped3A_1018, %dma_start3A_1454] : memref<2x8x64xi32, #tpu.memory_space<vmem>> -> memref<1x1x64xi32, #tpu.memory_space<vmem>>
        %dma_start3A_1456 = tpu.memref_squeeze %dma_start3A_1455 : memref<1x1x64xi32, #tpu.memory_space<vmem>> -> memref<64xi32, #tpu.memory_space<vmem>>
        %dma_start3A_1457 = arith.constant 0 : i32
        %dma_start3A_1458 = arith.constant 0 : i32
        %dma_start3A_1459 = tpu.memref_slice %arg15[%dma_start3A_1457, %dma_start3A_1458] : memref<10240x128xf32, #tpu.memory_space<vmem_shared>> -> memref<10240x128xf32, #tpu.memory_space<vmem_shared>>
        tpu.enqueue_indirect_dma source(%dma_start3A_1453 : memref<64x128xf32, #tpu.memory_space<vmem>>) target(%dma_start3A_1459 : memref<10240x128xf32, #tpu.memory_space<vmem_shared>>) offsets(%dma_start3A_1456 : memref<64xi32, #tpu.memory_space<vmem>>) semaphore(%run_scoped3A_1449 : memref<!tpu.dma_semaphore, #tpu.memory_space<semaphore_mem>>) {add = true}
        %dma_wait3A_1460 = arith.constant 0 : i32
        %dma_wait3A_1461 = arith.constant 0 : i32
        %dma_wait3A_1462 = tpu.memref_slice %arg12[%run_scoped3A_1016, %dma_wait3A_1460, %dma_wait3A_1461] : memref<2x64x128xf32, #tpu.memory_space<vmem>> -> memref<1x64x128xf32, #tpu.memory_space<vmem>>
        %dma_wait3A_1463 = tpu.memref_squeeze %dma_wait3A_1462 : memref<1x64x128xf32, #tpu.memory_space<vmem>> -> memref<64x128xf32, #tpu.memory_space<vmem>>
        %dma_wait3A_1464 = arith.constant 0 : i32
        %dma_wait3A_1465 = tpu.memref_slice %arg10[%run_scoped3A_1017, %run_scoped3A_1018, %dma_wait3A_1464] : memref<2x8x64xi32, #tpu.memory_space<vmem>> -> memref<1x1x64xi32, #tpu.memory_space<vmem>>
        %dma_wait3A_1466 = tpu.memref_squeeze %dma_wait3A_1465 : memref<1x1x64xi32, #tpu.memory_space<vmem>> -> memref<64xi32, #tpu.memory_space<vmem>>
        %dma_wait3A_1467 = arith.constant 0 : i32
        %dma_wait3A_1468 = arith.constant 0 : i32
        %dma_wait3A_1469 = tpu.memref_slice %arg15[%dma_wait3A_1467, %dma_wait3A_1468] : memref<10240x128xf32, #tpu.memory_space<vmem_shared>> -> memref<10240x128xf32, #tpu.memory_space<vmem_shared>>
        tpu.wait_indirect_dma semaphore(%run_scoped3A_1449 : memref<!tpu.dma_semaphore, #tpu.memory_space<semaphore_mem>>) src(%dma_wait3A_1463 : memref<64x128xf32, #tpu.memory_space<vmem>>) dst(%dma_wait3A_1469 : memref<10240x128xf32, #tpu.memory_space<vmem_shared>>)
        tpu.yield
      }) : () -> ()
      %dma_wait3A_1019 = arith.constant 0 : i32
      %dma_wait3A_1020 = arith.constant 0 : i32
      %dma_wait3A_1021 = arith.constant 1 : i32
      %dma_wait3A_1022 = arith.constant 0 : i32
      %dma_wait3A_1023 = arith.constant 0 : i32
      %dma_wait3A_1024 = tpu.memref_slice %arg9[%dma_wait3A_1021, %dma_wait3A_1022, %dma_wait3A_1023] : memref<2x8x64xi32, #tpu.memory_space<vmem>> -> memref<1x8x64xi32, #tpu.memory_space<vmem>>
      %dma_wait3A_1025 = tpu.memref_squeeze %dma_wait3A_1024 : memref<1x8x64xi32, #tpu.memory_space<vmem>> -> memref<8x64xi32, #tpu.memory_space<vmem>>
      %dma_wait3A_1026 = arith.constant 0 : i32
      %dma_wait3A_1027 = arith.constant 0 : i32
      %dma_wait3A_1028 = tpu.memref_slice %arg3[%dma_wait3A_1019, %arg0, %arg1, %dma_wait3A_1020, %dma_wait3A_1026, %dma_wait3A_1027] : memref<2x2x16x20x8x64xi32, #tpu.memory_space<hbm>> -> memref<1x1x1x1x8x64xi32, #tpu.memory_space<hbm>>
      %dma_wait3A_1029 = tpu.memref_squeeze %dma_wait3A_1028 : memref<1x1x1x1x8x64xi32, #tpu.memory_space<hbm>> -> memref<8x64xi32, #tpu.memory_space<hbm>>
      %dma_wait3A_1030 = arith.constant 0 : i32
      %dma_wait3A_1031 = arith.constant 0 : i32
      %dma_wait3A_1032 = tpu.memref_slice %arg9[%dma_wait3A_1021, %dma_wait3A_1030, %dma_wait3A_1031] : memref<2x8x64xi32, #tpu.memory_space<vmem>> -> memref<1x8x64xi32, #tpu.memory_space<vmem>>
      %dma_wait3A_1033 = tpu.memref_squeeze %dma_wait3A_1032 : memref<1x8x64xi32, #tpu.memory_space<vmem>> -> memref<8x64xi32, #tpu.memory_space<vmem>>
      %dma_wait3A_1034 = arith.constant 0 : i32
      %dma_wait3A_1035 = arith.constant 0 : i32
      %dma_wait3A_1036 = tpu.memref_slice %arg3[%dma_wait3A_1019, %arg0, %arg1, %dma_wait3A_1020, %dma_wait3A_1034, %dma_wait3A_1035] : memref<2x2x16x20x8x64xi32, #tpu.memory_space<hbm>> -> memref<1x1x1x1x8x64xi32, #tpu.memory_space<hbm>>
      %dma_wait3A_1037 = tpu.memref_squeeze %dma_wait3A_1036 : memref<1x1x1x1x8x64xi32, #tpu.memory_space<hbm>> -> memref<8x64xi32, #tpu.memory_space<hbm>>
      tpu.wait_dma2 semaphore(%arg19 : memref<!tpu.dma_semaphore, #tpu.memory_space<semaphore_mem>>) src(%dma_wait3A_1037 : memref<8x64xi32, #tpu.memory_space<hbm>>) dst(%dma_wait3A_1033 : memref<8x64xi32, #tpu.memory_space<vmem>>)
      %dma_wait3A_1038 = arith.constant 1 : i32
      %dma_wait3A_1039 = arith.constant 0 : i32
      %dma_wait3A_1040 = arith.constant 1 : i32
      %dma_wait3A_1041 = arith.constant 0 : i32
      %dma_wait3A_1042 = arith.constant 0 : i32
      %dma_wait3A_1043 = tpu.memref_slice %arg10[%dma_wait3A_1040, %dma_wait3A_1041, %dma_wait3A_1042] : memref<2x8x64xi32, #tpu.memory_space<vmem>> -> memref<1x8x64xi32, #tpu.memory_space<vmem>>
      %dma_wait3A_1044 = tpu.memref_squeeze %dma_wait3A_1043 : memref<1x8x64xi32, #tpu.memory_space<vmem>> -> memref<8x64xi32, #tpu.memory_space<vmem>>
      %dma_wait3A_1045 = arith.constant 0 : i32
      %dma_wait3A_1046 = arith.constant 0 : i32
      %dma_wait3A_1047 = tpu.memref_slice %arg3[%dma_wait3A_1038, %arg0, %arg1, %dma_wait3A_1039, %dma_wait3A_1045, %dma_wait3A_1046] : memref<2x2x16x20x8x64xi32, #tpu.memory_space<hbm>> -> memref<1x1x1x1x8x64xi32, #tpu.memory_space<hbm>>
      %dma_wait3A_1048 = tpu.memref_squeeze %dma_wait3A_1047 : memref<1x1x1x1x8x64xi32, #tpu.memory_space<hbm>> -> memref<8x64xi32, #tpu.memory_space<hbm>>
      %dma_wait3A_1049 = arith.constant 0 : i32
      %dma_wait3A_1050 = arith.constant 0 : i32
      %dma_wait3A_1051 = tpu.memref_slice %arg10[%dma_wait3A_1040, %dma_wait3A_1049, %dma_wait3A_1050] : memref<2x8x64xi32, #tpu.memory_space<vmem>> -> memref<1x8x64xi32, #tpu.memory_space<vmem>>
      %dma_wait3A_1052 = tpu.memref_squeeze %dma_wait3A_1051 : memref<1x8x64xi32, #tpu.memory_space<vmem>> -> memref<8x64xi32, #tpu.memory_space<vmem>>
      %dma_wait3A_1053 = arith.constant 0 : i32
      %dma_wait3A_1054 = arith.constant 0 : i32
      %dma_wait3A_1055 = tpu.memref_slice %arg3[%dma_wait3A_1038, %arg0, %arg1, %dma_wait3A_1039, %dma_wait3A_1053, %dma_wait3A_1054] : memref<2x2x16x20x8x64xi32, #tpu.memory_space<hbm>> -> memref<1x1x1x1x8x64xi32, #tpu.memory_space<hbm>>
      %dma_wait3A_1056 = tpu.memref_squeeze %dma_wait3A_1055 : memref<1x1x1x1x8x64xi32, #tpu.memory_space<hbm>> -> memref<8x64xi32, #tpu.memory_space<hbm>>
      tpu.wait_dma2 semaphore(%arg19 : memref<!tpu.dma_semaphore, #tpu.memory_space<semaphore_mem>>) src(%dma_wait3A_1056 : memref<8x64xi32, #tpu.memory_space<hbm>>) dst(%dma_wait3A_1052 : memref<8x64xi32, #tpu.memory_space<vmem>>)
      %dma_start3A_1057 = arith.constant 1 : i32
      %dma_start3A_1058 = arith.constant 0 : i32
      %dma_start3A_1059 = arith.constant 0 : i32
      %dma_start3A_1060 = arith.constant 0 : i32
      %dma_start3A_1061 = arith.constant 0 : i32
      %dma_start3A_1062 = tpu.memref_slice %arg12[%dma_start3A_1059, %dma_start3A_1060, %dma_start3A_1061] : memref<2x64x128xf32, #tpu.memory_space<vmem>> -> memref<1x64x128xf32, #tpu.memory_space<vmem>>
      %dma_start3A_1063 = tpu.memref_squeeze %dma_start3A_1062 : memref<1x64x128xf32, #tpu.memory_space<vmem>> -> memref<64x128xf32, #tpu.memory_space<vmem>>
      %dma_start3A_1064 = arith.constant 0 : i32
      %dma_start3A_1065 = tpu.memref_slice %arg9[%dma_start3A_1057, %dma_start3A_1058, %dma_start3A_1064] : memref<2x8x64xi32, #tpu.memory_space<vmem>> -> memref<1x1x64xi32, #tpu.memory_space<vmem>>
      %dma_start3A_1066 = tpu.memref_squeeze %dma_start3A_1065 : memref<1x1x64xi32, #tpu.memory_space<vmem>> -> memref<64xi32, #tpu.memory_space<vmem>>
      %dma_start3A_1067 = arith.constant 0 : i32
      %dma_start3A_1068 = arith.constant 0 : i32
      %dma_start3A_1069 = tpu.memref_slice %arg2[%dma_start3A_1067, %dma_start3A_1068] : memref<10000x128xf32, #tpu.memory_space<hbm>> -> memref<10000x128xf32, #tpu.memory_space<hbm>>
      tpu.enqueue_indirect_dma source(%dma_start3A_1069 : memref<10000x128xf32, #tpu.memory_space<hbm>>) target(%dma_start3A_1063 : memref<64x128xf32, #tpu.memory_space<vmem>>) offsets(%dma_start3A_1066 : memref<64xi32, #tpu.memory_space<vmem>>) semaphore(%arg16 : memref<!tpu.dma_semaphore, #tpu.memory_space<semaphore_mem>>)
      %dma_wait3A_1070 = arith.constant 0 : i32
      %dma_wait3A_1071 = arith.constant 0 : i32
      %dma_wait3A_1072 = arith.constant 1 : i32
      %dma_wait3A_1073 = arith.constant 0 : i32
      %dma_wait3A_1074 = arith.constant 0 : i32
      %dma_wait3A_1075 = tpu.memref_slice %arg12[%dma_wait3A_1072, %dma_wait3A_1073, %dma_wait3A_1074] : memref<2x64x128xf32, #tpu.memory_space<vmem>> -> memref<1x64x128xf32, #tpu.memory_space<vmem>>
      %dma_wait3A_1076 = tpu.memref_squeeze %dma_wait3A_1075 : memref<1x64x128xf32, #tpu.memory_space<vmem>> -> memref<64x128xf32, #tpu.memory_space<vmem>>
      %dma_wait3A_1077 = arith.constant 0 : i32
      %dma_wait3A_1078 = tpu.memref_slice %arg9[%dma_wait3A_1070, %dma_wait3A_1071, %dma_wait3A_1077] : memref<2x8x64xi32, #tpu.memory_space<vmem>> -> memref<1x1x64xi32, #tpu.memory_space<vmem>>
      %dma_wait3A_1079 = tpu.memref_squeeze %dma_wait3A_1078 : memref<1x1x64xi32, #tpu.memory_space<vmem>> -> memref<64xi32, #tpu.memory_space<vmem>>
      %dma_wait3A_1080 = arith.constant 0 : i32
      %dma_wait3A_1081 = arith.constant 0 : i32
      %dma_wait3A_1082 = tpu.memref_slice %arg2[%dma_wait3A_1080, %dma_wait3A_1081] : memref<10000x128xf32, #tpu.memory_space<hbm>> -> memref<10000x128xf32, #tpu.memory_space<hbm>>
      tpu.wait_indirect_dma semaphore(%arg17 : memref<!tpu.dma_semaphore, #tpu.memory_space<semaphore_mem>>) src(%dma_wait3A_1082 : memref<10000x128xf32, #tpu.memory_space<hbm>>) dst(%dma_wait3A_1076 : memref<64x128xf32, #tpu.memory_space<vmem>>)
      %run_scoped3A_1083 = arith.constant 1 : i32
      %run_scoped3A_1084 = arith.constant 0 : i32
      %run_scoped3A_1085 = arith.constant 7 : i32
      "tpu.region"() ({
        %run_scoped3A_1449 = tpu.sem_alloc : memref<!tpu.dma_semaphore, #tpu.memory_space<semaphore_mem>>
        %dma_start3A_1450 = arith.constant 0 : i32
        %dma_start3A_1451 = arith.constant 0 : i32
        %dma_start3A_1452 = tpu.memref_slice %arg12[%run_scoped3A_1083, %dma_start3A_1450, %dma_start3A_1451] : memref<2x64x128xf32, #tpu.memory_space<vmem>> -> memref<1x64x128xf32, #tpu.memory_space<vmem>>
        %dma_start3A_1453 = tpu.memref_squeeze %dma_start3A_1452 : memref<1x64x128xf32, #tpu.memory_space<vmem>> -> memref<64x128xf32, #tpu.memory_space<vmem>>
        %dma_start3A_1454 = arith.constant 0 : i32
        %dma_start3A_1455 = tpu.memref_slice %arg10[%run_scoped3A_1084, %run_scoped3A_1085, %dma_start3A_1454] : memref<2x8x64xi32, #tpu.memory_space<vmem>> -> memref<1x1x64xi32, #tpu.memory_space<vmem>>
        %dma_start3A_1456 = tpu.memref_squeeze %dma_start3A_1455 : memref<1x1x64xi32, #tpu.memory_space<vmem>> -> memref<64xi32, #tpu.memory_space<vmem>>
        %dma_start3A_1457 = arith.constant 0 : i32
        %dma_start3A_1458 = arith.constant 0 : i32
        %dma_start3A_1459 = tpu.memref_slice %arg15[%dma_start3A_1457, %dma_start3A_1458] : memref<10240x128xf32, #tpu.memory_space<vmem_shared>> -> memref<10240x128xf32, #tpu.memory_space<vmem_shared>>
        tpu.enqueue_indirect_dma source(%dma_start3A_1453 : memref<64x128xf32, #tpu.memory_space<vmem>>) target(%dma_start3A_1459 : memref<10240x128xf32, #tpu.memory_space<vmem_shared>>) offsets(%dma_start3A_1456 : memref<64xi32, #tpu.memory_space<vmem>>) semaphore(%run_scoped3A_1449 : memref<!tpu.dma_semaphore, #tpu.memory_space<semaphore_mem>>) {add = true}
        %dma_wait3A_1460 = arith.constant 0 : i32
        %dma_wait3A_1461 = arith.constant 0 : i32
        %dma_wait3A_1462 = tpu.memref_slice %arg12[%run_scoped3A_1083, %dma_wait3A_1460, %dma_wait3A_1461] : memref<2x64x128xf32, #tpu.memory_space<vmem>> -> memref<1x64x128xf32, #tpu.memory_space<vmem>>
        %dma_wait3A_1463 = tpu.memref_squeeze %dma_wait3A_1462 : memref<1x64x128xf32, #tpu.memory_space<vmem>> -> memref<64x128xf32, #tpu.memory_space<vmem>>
        %dma_wait3A_1464 = arith.constant 0 : i32
        %dma_wait3A_1465 = tpu.memref_slice %arg10[%run_scoped3A_1084, %run_scoped3A_1085, %dma_wait3A_1464] : memref<2x8x64xi32, #tpu.memory_space<vmem>> -> memref<1x1x64xi32, #tpu.memory_space<vmem>>
        %dma_wait3A_1466 = tpu.memref_squeeze %dma_wait3A_1465 : memref<1x1x64xi32, #tpu.memory_space<vmem>> -> memref<64xi32, #tpu.memory_space<vmem>>
        %dma_wait3A_1467 = arith.constant 0 : i32
        %dma_wait3A_1468 = arith.constant 0 : i32
        %dma_wait3A_1469 = tpu.memref_slice %arg15[%dma_wait3A_1467, %dma_wait3A_1468] : memref<10240x128xf32, #tpu.memory_space<vmem_shared>> -> memref<10240x128xf32, #tpu.memory_space<vmem_shared>>
        tpu.wait_indirect_dma semaphore(%run_scoped3A_1449 : memref<!tpu.dma_semaphore, #tpu.memory_space<semaphore_mem>>) src(%dma_wait3A_1463 : memref<64x128xf32, #tpu.memory_space<vmem>>) dst(%dma_wait3A_1469 : memref<10240x128xf32, #tpu.memory_space<vmem_shared>>)
        tpu.yield
      }) : () -> ()
      %mul3A_1086 = arith.constant 2 : i32
      %mul3A_1087 = arith.muli %mul3A_1086, %scan3A_828 : i32
      %add3A_1088 = arith.constant 2 : i32
      %add3A_1089 = arith.addi %mul3A_1087, %add3A_1088 : i32
      %dma_start3A_1090 = arith.constant 0 : i32
      %dma_start3A_1091 = arith.constant 0 : i32
      %dma_start3A_1092 = arith.constant 0 : i32
      %dma_start3A_1093 = arith.constant 0 : i32
      %dma_start3A_1094 = tpu.memref_slice %arg9[%dma_start3A_1091, %dma_start3A_1092, %dma_start3A_1093] : memref<2x8x64xi32, #tpu.memory_space<vmem>> -> memref<1x8x64xi32, #tpu.memory_space<vmem>>
      %dma_start3A_1095 = tpu.memref_squeeze %dma_start3A_1094 : memref<1x8x64xi32, #tpu.memory_space<vmem>> -> memref<8x64xi32, #tpu.memory_space<vmem>>
      %dma_start3A_1096 = arith.constant 0 : i32
      %dma_start3A_1097 = arith.constant 0 : i32
      %dma_start3A_1098 = tpu.memref_slice %arg3[%dma_start3A_1090, %arg0, %arg1, %add3A_1089, %dma_start3A_1096, %dma_start3A_1097] : memref<2x2x16x20x8x64xi32, #tpu.memory_space<hbm>> -> memref<1x1x1x1x8x64xi32, #tpu.memory_space<hbm>>
      %dma_start3A_1099 = tpu.memref_squeeze %dma_start3A_1098 : memref<1x1x1x1x8x64xi32, #tpu.memory_space<hbm>> -> memref<8x64xi32, #tpu.memory_space<hbm>>
      %dma_start3A_1100 = arith.constant 0 : i32
      %dma_start3A_1101 = arith.constant 0 : i32
      %dma_start3A_1102 = tpu.memref_slice %arg9[%dma_start3A_1091, %dma_start3A_1100, %dma_start3A_1101] : memref<2x8x64xi32, #tpu.memory_space<vmem>> -> memref<1x8x64xi32, #tpu.memory_space<vmem>>
      %dma_start3A_1103 = tpu.memref_squeeze %dma_start3A_1102 : memref<1x8x64xi32, #tpu.memory_space<vmem>> -> memref<8x64xi32, #tpu.memory_space<vmem>>
      %dma_start3A_1104 = arith.constant 0 : i32
      %dma_start3A_1105 = arith.constant 0 : i32
      %dma_start3A_1106 = tpu.memref_slice %arg3[%dma_start3A_1090, %arg0, %arg1, %add3A_1089, %dma_start3A_1104, %dma_start3A_1105] : memref<2x2x16x20x8x64xi32, #tpu.memory_space<hbm>> -> memref<1x1x1x1x8x64xi32, #tpu.memory_space<hbm>>
      %dma_start3A_1107 = tpu.memref_squeeze %dma_start3A_1106 : memref<1x1x1x1x8x64xi32, #tpu.memory_space<hbm>> -> memref<8x64xi32, #tpu.memory_space<hbm>>
      tpu.enqueue_dma source(%dma_start3A_1107 : memref<8x64xi32, #tpu.memory_space<hbm>>) target(%dma_start3A_1103 : memref<8x64xi32, #tpu.memory_space<vmem>>) target_semaphore(%arg18 : memref<!tpu.dma_semaphore, #tpu.memory_space<semaphore_mem>>)
      %dma_start3A_1108 = arith.constant 1 : i32
      %dma_start3A_1109 = arith.constant 0 : i32
      %dma_start3A_1110 = arith.constant 0 : i32
      %dma_start3A_1111 = arith.constant 0 : i32
      %dma_start3A_1112 = tpu.memref_slice %arg10[%dma_start3A_1109, %dma_start3A_1110, %dma_start3A_1111] : memref<2x8x64xi32, #tpu.memory_space<vmem>> -> memref<1x8x64xi32, #tpu.memory_space<vmem>>
      %dma_start3A_1113 = tpu.memref_squeeze %dma_start3A_1112 : memref<1x8x64xi32, #tpu.memory_space<vmem>> -> memref<8x64xi32, #tpu.memory_space<vmem>>
      %dma_start3A_1114 = arith.constant 0 : i32
      %dma_start3A_1115 = arith.constant 0 : i32
      %dma_start3A_1116 = tpu.memref_slice %arg3[%dma_start3A_1108, %arg0, %arg1, %add3A_1089, %dma_start3A_1114, %dma_start3A_1115] : memref<2x2x16x20x8x64xi32, #tpu.memory_space<hbm>> -> memref<1x1x1x1x8x64xi32, #tpu.memory_space<hbm>>
      %dma_start3A_1117 = tpu.memref_squeeze %dma_start3A_1116 : memref<1x1x1x1x8x64xi32, #tpu.memory_space<hbm>> -> memref<8x64xi32, #tpu.memory_space<hbm>>
      %dma_start3A_1118 = arith.constant 0 : i32
      %dma_start3A_1119 = arith.constant 0 : i32
      %dma_start3A_1120 = tpu.memref_slice %arg10[%dma_start3A_1109, %dma_start3A_1118, %dma_start3A_1119] : memref<2x8x64xi32, #tpu.memory_space<vmem>> -> memref<1x8x64xi32, #tpu.memory_space<vmem>>
      %dma_start3A_1121 = tpu.memref_squeeze %dma_start3A_1120 : memref<1x8x64xi32, #tpu.memory_space<vmem>> -> memref<8x64xi32, #tpu.memory_space<vmem>>
      %dma_start3A_1122 = arith.constant 0 : i32
      %dma_start3A_1123 = arith.constant 0 : i32
      %dma_start3A_1124 = tpu.memref_slice %arg3[%dma_start3A_1108, %arg0, %arg1, %add3A_1089, %dma_start3A_1122, %dma_start3A_1123] : memref<2x2x16x20x8x64xi32, #tpu.memory_space<hbm>> -> memref<1x1x1x1x8x64xi32, #tpu.memory_space<hbm>>
      %dma_start3A_1125 = tpu.memref_squeeze %dma_start3A_1124 : memref<1x1x1x1x8x64xi32, #tpu.memory_space<hbm>> -> memref<8x64xi32, #tpu.memory_space<hbm>>
      tpu.enqueue_dma source(%dma_start3A_1125 : memref<8x64xi32, #tpu.memory_space<hbm>>) target(%dma_start3A_1121 : memref<8x64xi32, #tpu.memory_space<vmem>>) target_semaphore(%arg18 : memref<!tpu.dma_semaphore, #tpu.memory_space<semaphore_mem>>)
      %dma_start3A_1126 = arith.constant 1 : i32
      %dma_start3A_1127 = arith.constant 1 : i32
      %dma_start3A_1128 = arith.constant 1 : i32
      %dma_start3A_1129 = arith.constant 0 : i32
      %dma_start3A_1130 = arith.constant 0 : i32
      %dma_start3A_1131 = tpu.memref_slice %arg12[%dma_start3A_1128, %dma_start3A_1129, %dma_start3A_1130] : memref<2x64x128xf32, #tpu.memory_space<vmem>> -> memref<1x64x128xf32, #tpu.memory_space<vmem>>
      %dma_start3A_1132 = tpu.memref_squeeze %dma_start3A_1131 : memref<1x64x128xf32, #tpu.memory_space<vmem>> -> memref<64x128xf32, #tpu.memory_space<vmem>>
      %dma_start3A_1133 = arith.constant 0 : i32
      %dma_start3A_1134 = tpu.memref_slice %arg9[%dma_start3A_1126, %dma_start3A_1127, %dma_start3A_1133] : memref<2x8x64xi32, #tpu.memory_space<vmem>> -> memref<1x1x64xi32, #tpu.memory_space<vmem>>
      %dma_start3A_1135 = tpu.memref_squeeze %dma_start3A_1134 : memref<1x1x64xi32, #tpu.memory_space<vmem>> -> memref<64xi32, #tpu.memory_space<vmem>>
      %dma_start3A_1136 = arith.constant 0 : i32
      %dma_start3A_1137 = arith.constant 0 : i32
      %dma_start3A_1138 = tpu.memref_slice %arg2[%dma_start3A_1136, %dma_start3A_1137] : memref<10000x128xf32, #tpu.memory_space<hbm>> -> memref<10000x128xf32, #tpu.memory_space<hbm>>
      tpu.enqueue_indirect_dma source(%dma_start3A_1138 : memref<10000x128xf32, #tpu.memory_space<hbm>>) target(%dma_start3A_1132 : memref<64x128xf32, #tpu.memory_space<vmem>>) offsets(%dma_start3A_1135 : memref<64xi32, #tpu.memory_space<vmem>>) semaphore(%arg17 : memref<!tpu.dma_semaphore, #tpu.memory_space<semaphore_mem>>)
      %dma_wait3A_1139 = arith.constant 0 : i32
      %dma_wait3A_1140 = arith.constant 0 : i32
      %dma_wait3A_1141 = arith.constant 0 : i32
      %dma_wait3A_1142 = arith.constant 0 : i32
      %dma_wait3A_1143 = arith.constant 0 : i32
      %dma_wait3A_1144 = tpu.memref_slice %arg12[%dma_wait3A_1141, %dma_wait3A_1142, %dma_wait3A_1143] : memref<2x64x128xf32, #tpu.memory_space<vmem>> -> memref<1x64x128xf32, #tpu.memory_space<vmem>>
      %dma_wait3A_1145 = tpu.memref_squeeze %dma_wait3A_1144 : memref<1x64x128xf32, #tpu.memory_space<vmem>> -> memref<64x128xf32, #tpu.memory_space<vmem>>
      %dma_wait3A_1146 = arith.constant 0 : i32
      %dma_wait3A_1147 = tpu.memref_slice %arg9[%dma_wait3A_1139, %dma_wait3A_1140, %dma_wait3A_1146] : memref<2x8x64xi32, #tpu.memory_space<vmem>> -> memref<1x1x64xi32, #tpu.memory_space<vmem>>
      %dma_wait3A_1148 = tpu.memref_squeeze %dma_wait3A_1147 : memref<1x1x64xi32, #tpu.memory_space<vmem>> -> memref<64xi32, #tpu.memory_space<vmem>>
      %dma_wait3A_1149 = arith.constant 0 : i32
      %dma_wait3A_1150 = arith.constant 0 : i32
      %dma_wait3A_1151 = tpu.memref_slice %arg2[%dma_wait3A_1149, %dma_wait3A_1150] : memref<10000x128xf32, #tpu.memory_space<hbm>> -> memref<10000x128xf32, #tpu.memory_space<hbm>>
      tpu.wait_indirect_dma semaphore(%arg16 : memref<!tpu.dma_semaphore, #tpu.memory_space<semaphore_mem>>) src(%dma_wait3A_1151 : memref<10000x128xf32, #tpu.memory_space<hbm>>) dst(%dma_wait3A_1145 : memref<64x128xf32, #tpu.memory_space<vmem>>)
      %run_scoped3A_1152 = arith.constant 0 : i32
      %run_scoped3A_1153 = arith.constant 1 : i32
      %run_scoped3A_1154 = arith.constant 0 : i32
      "tpu.region"() ({
        %run_scoped3A_1449 = tpu.sem_alloc : memref<!tpu.dma_semaphore, #tpu.memory_space<semaphore_mem>>
        %dma_start3A_1450 = arith.constant 0 : i32
        %dma_start3A_1451 = arith.constant 0 : i32
        %dma_start3A_1452 = tpu.memref_slice %arg12[%run_scoped3A_1152, %dma_start3A_1450, %dma_start3A_1451] : memref<2x64x128xf32, #tpu.memory_space<vmem>> -> memref<1x64x128xf32, #tpu.memory_space<vmem>>
        %dma_start3A_1453 = tpu.memref_squeeze %dma_start3A_1452 : memref<1x64x128xf32, #tpu.memory_space<vmem>> -> memref<64x128xf32, #tpu.memory_space<vmem>>
        %dma_start3A_1454 = arith.constant 0 : i32
        %dma_start3A_1455 = tpu.memref_slice %arg10[%run_scoped3A_1153, %run_scoped3A_1154, %dma_start3A_1454] : memref<2x8x64xi32, #tpu.memory_space<vmem>> -> memref<1x1x64xi32, #tpu.memory_space<vmem>>
        %dma_start3A_1456 = tpu.memref_squeeze %dma_start3A_1455 : memref<1x1x64xi32, #tpu.memory_space<vmem>> -> memref<64xi32, #tpu.memory_space<vmem>>
        %dma_start3A_1457 = arith.constant 0 : i32
        %dma_start3A_1458 = arith.constant 0 : i32
        %dma_start3A_1459 = tpu.memref_slice %arg15[%dma_start3A_1457, %dma_start3A_1458] : memref<10240x128xf32, #tpu.memory_space<vmem_shared>> -> memref<10240x128xf32, #tpu.memory_space<vmem_shared>>
        tpu.enqueue_indirect_dma source(%dma_start3A_1453 : memref<64x128xf32, #tpu.memory_space<vmem>>) target(%dma_start3A_1459 : memref<10240x128xf32, #tpu.memory_space<vmem_shared>>) offsets(%dma_start3A_1456 : memref<64xi32, #tpu.memory_space<vmem>>) semaphore(%run_scoped3A_1449 : memref<!tpu.dma_semaphore, #tpu.memory_space<semaphore_mem>>) {add = true}
        %dma_wait3A_1460 = arith.constant 0 : i32
        %dma_wait3A_1461 = arith.constant 0 : i32
        %dma_wait3A_1462 = tpu.memref_slice %arg12[%run_scoped3A_1152, %dma_wait3A_1460, %dma_wait3A_1461] : memref<2x64x128xf32, #tpu.memory_space<vmem>> -> memref<1x64x128xf32, #tpu.memory_space<vmem>>
        %dma_wait3A_1463 = tpu.memref_squeeze %dma_wait3A_1462 : memref<1x64x128xf32, #tpu.memory_space<vmem>> -> memref<64x128xf32, #tpu.memory_space<vmem>>
        %dma_wait3A_1464 = arith.constant 0 : i32
        %dma_wait3A_1465 = tpu.memref_slice %arg10[%run_scoped3A_1153, %run_scoped3A_1154, %dma_wait3A_1464] : memref<2x8x64xi32, #tpu.memory_space<vmem>> -> memref<1x1x64xi32, #tpu.memory_space<vmem>>
        %dma_wait3A_1466 = tpu.memref_squeeze %dma_wait3A_1465 : memref<1x1x64xi32, #tpu.memory_space<vmem>> -> memref<64xi32, #tpu.memory_space<vmem>>
        %dma_wait3A_1467 = arith.constant 0 : i32
        %dma_wait3A_1468 = arith.constant 0 : i32
        %dma_wait3A_1469 = tpu.memref_slice %arg15[%dma_wait3A_1467, %dma_wait3A_1468] : memref<10240x128xf32, #tpu.memory_space<vmem_shared>> -> memref<10240x128xf32, #tpu.memory_space<vmem_shared>>
        tpu.wait_indirect_dma semaphore(%run_scoped3A_1449 : memref<!tpu.dma_semaphore, #tpu.memory_space<semaphore_mem>>) src(%dma_wait3A_1463 : memref<64x128xf32, #tpu.memory_space<vmem>>) dst(%dma_wait3A_1469 : memref<10240x128xf32, #tpu.memory_space<vmem_shared>>)
        tpu.yield
      }) : () -> ()
      %dma_start3A_1155 = arith.constant 1 : i32
      %dma_start3A_1156 = arith.constant 2 : i32
      %dma_start3A_1157 = arith.constant 0 : i32
      %dma_start3A_1158 = arith.constant 0 : i32
      %dma_start3A_1159 = arith.constant 0 : i32
      %dma_start3A_1160 = tpu.memref_slice %arg12[%dma_start3A_1157, %dma_start3A_1158, %dma_start3A_1159] : memref<2x64x128xf32, #tpu.memory_space<vmem>> -> memref<1x64x128xf32, #tpu.memory_space<vmem>>
      %dma_start3A_1161 = tpu.memref_squeeze %dma_start3A_1160 : memref<1x64x128xf32, #tpu.memory_space<vmem>> -> memref<64x128xf32, #tpu.memory_space<vmem>>
      %dma_start3A_1162 = arith.constant 0 : i32
      %dma_start3A_1163 = tpu.memref_slice %arg9[%dma_start3A_1155, %dma_start3A_1156, %dma_start3A_1162] : memref<2x8x64xi32, #tpu.memory_space<vmem>> -> memref<1x1x64xi32, #tpu.memory_space<vmem>>
      %dma_start3A_1164 = tpu.memref_squeeze %dma_start3A_1163 : memref<1x1x64xi32, #tpu.memory_space<vmem>> -> memref<64xi32, #tpu.memory_space<vmem>>
      %dma_start3A_1165 = arith.constant 0 : i32
      %dma_start3A_1166 = arith.constant 0 : i32
      %dma_start3A_1167 = tpu.memref_slice %arg2[%dma_start3A_1165, %dma_start3A_1166] : memref<10000x128xf32, #tpu.memory_space<hbm>> -> memref<10000x128xf32, #tpu.memory_space<hbm>>
      tpu.enqueue_indirect_dma source(%dma_start3A_1167 : memref<10000x128xf32, #tpu.memory_space<hbm>>) target(%dma_start3A_1161 : memref<64x128xf32, #tpu.memory_space<vmem>>) offsets(%dma_start3A_1164 : memref<64xi32, #tpu.memory_space<vmem>>) semaphore(%arg16 : memref<!tpu.dma_semaphore, #tpu.memory_space<semaphore_mem>>)
      %dma_wait3A_1168 = arith.constant 0 : i32
      %dma_wait3A_1169 = arith.constant 0 : i32
      %dma_wait3A_1170 = arith.constant 1 : i32
      %dma_wait3A_1171 = arith.constant 0 : i32
      %dma_wait3A_1172 = arith.constant 0 : i32
      %dma_wait3A_1173 = tpu.memref_slice %arg12[%dma_wait3A_1170, %dma_wait3A_1171, %dma_wait3A_1172] : memref<2x64x128xf32, #tpu.memory_space<vmem>> -> memref<1x64x128xf32, #tpu.memory_space<vmem>>
      %dma_wait3A_1174 = tpu.memref_squeeze %dma_wait3A_1173 : memref<1x64x128xf32, #tpu.memory_space<vmem>> -> memref<64x128xf32, #tpu.memory_space<vmem>>
      %dma_wait3A_1175 = arith.constant 0 : i32
      %dma_wait3A_1176 = tpu.memref_slice %arg9[%dma_wait3A_1168, %dma_wait3A_1169, %dma_wait3A_1175] : memref<2x8x64xi32, #tpu.memory_space<vmem>> -> memref<1x1x64xi32, #tpu.memory_space<vmem>>
      %dma_wait3A_1177 = tpu.memref_squeeze %dma_wait3A_1176 : memref<1x1x64xi32, #tpu.memory_space<vmem>> -> memref<64xi32, #tpu.memory_space<vmem>>
      %dma_wait3A_1178 = arith.constant 0 : i32
      %dma_wait3A_1179 = arith.constant 0 : i32
      %dma_wait3A_1180 = tpu.memref_slice %arg2[%dma_wait3A_1178, %dma_wait3A_1179] : memref<10000x128xf32, #tpu.memory_space<hbm>> -> memref<10000x128xf32, #tpu.memory_space<hbm>>
      tpu.wait_indirect_dma semaphore(%arg17 : memref<!tpu.dma_semaphore, #tpu.memory_space<semaphore_mem>>) src(%dma_wait3A_1180 : memref<10000x128xf32, #tpu.memory_space<hbm>>) dst(%dma_wait3A_1174 : memref<64x128xf32, #tpu.memory_space<vmem>>)
      %run_scoped3A_1181 = arith.constant 1 : i32
      %run_scoped3A_1182 = arith.constant 1 : i32
      %run_scoped3A_1183 = arith.constant 1 : i32
      "tpu.region"() ({
        %run_scoped3A_1449 = tpu.sem_alloc : memref<!tpu.dma_semaphore, #tpu.memory_space<semaphore_mem>>
        %dma_start3A_1450 = arith.constant 0 : i32
        %dma_start3A_1451 = arith.constant 0 : i32
        %dma_start3A_1452 = tpu.memref_slice %arg12[%run_scoped3A_1181, %dma_start3A_1450, %dma_start3A_1451] : memref<2x64x128xf32, #tpu.memory_space<vmem>> -> memref<1x64x128xf32, #tpu.memory_space<vmem>>
        %dma_start3A_1453 = tpu.memref_squeeze %dma_start3A_1452 : memref<1x64x128xf32, #tpu.memory_space<vmem>> -> memref<64x128xf32, #tpu.memory_space<vmem>>
        %dma_start3A_1454 = arith.constant 0 : i32
        %dma_start3A_1455 = tpu.memref_slice %arg10[%run_scoped3A_1182, %run_scoped3A_1183, %dma_start3A_1454] : memref<2x8x64xi32, #tpu.memory_space<vmem>> -> memref<1x1x64xi32, #tpu.memory_space<vmem>>
        %dma_start3A_1456 = tpu.memref_squeeze %dma_start3A_1455 : memref<1x1x64xi32, #tpu.memory_space<vmem>> -> memref<64xi32, #tpu.memory_space<vmem>>
        %dma_start3A_1457 = arith.constant 0 : i32
        %dma_start3A_1458 = arith.constant 0 : i32
        %dma_start3A_1459 = tpu.memref_slice %arg15[%dma_start3A_1457, %dma_start3A_1458] : memref<10240x128xf32, #tpu.memory_space<vmem_shared>> -> memref<10240x128xf32, #tpu.memory_space<vmem_shared>>
        tpu.enqueue_indirect_dma source(%dma_start3A_1453 : memref<64x128xf32, #tpu.memory_space<vmem>>) target(%dma_start3A_1459 : memref<10240x128xf32, #tpu.memory_space<vmem_shared>>) offsets(%dma_start3A_1456 : memref<64xi32, #tpu.memory_space<vmem>>) semaphore(%run_scoped3A_1449 : memref<!tpu.dma_semaphore, #tpu.memory_space<semaphore_mem>>) {add = true}
        %dma_wait3A_1460 = arith.constant 0 : i32
        %dma_wait3A_1461 = arith.constant 0 : i32
        %dma_wait3A_1462 = tpu.memref_slice %arg12[%run_scoped3A_1181, %dma_wait3A_1460, %dma_wait3A_1461] : memref<2x64x128xf32, #tpu.memory_space<vmem>> -> memref<1x64x128xf32, #tpu.memory_space<vmem>>
        %dma_wait3A_1463 = tpu.memref_squeeze %dma_wait3A_1462 : memref<1x64x128xf32, #tpu.memory_space<vmem>> -> memref<64x128xf32, #tpu.memory_space<vmem>>
        %dma_wait3A_1464 = arith.constant 0 : i32
        %dma_wait3A_1465 = tpu.memref_slice %arg10[%run_scoped3A_1182, %run_scoped3A_1183, %dma_wait3A_1464] : memref<2x8x64xi32, #tpu.memory_space<vmem>> -> memref<1x1x64xi32, #tpu.memory_space<vmem>>
        %dma_wait3A_1466 = tpu.memref_squeeze %dma_wait3A_1465 : memref<1x1x64xi32, #tpu.memory_space<vmem>> -> memref<64xi32, #tpu.memory_space<vmem>>
        %dma_wait3A_1467 = arith.constant 0 : i32
        %dma_wait3A_1468 = arith.constant 0 : i32
        %dma_wait3A_1469 = tpu.memref_slice %arg15[%dma_wait3A_1467, %dma_wait3A_1468] : memref<10240x128xf32, #tpu.memory_space<vmem_shared>> -> memref<10240x128xf32, #tpu.memory_space<vmem_shared>>
        tpu.wait_indirect_dma semaphore(%run_scoped3A_1449 : memref<!tpu.dma_semaphore, #tpu.memory_space<semaphore_mem>>) src(%dma_wait3A_1463 : memref<64x128xf32, #tpu.memory_space<vmem>>) dst(%dma_wait3A_1469 : memref<10240x128xf32, #tpu.memory_space<vmem_shared>>)
        tpu.yield
      }) : () -> ()
      %dma_start3A_1184 = arith.constant 1 : i32
      %dma_start3A_1185 = arith.constant 3 : i32
      %dma_start3A_1186 = arith.constant 1 : i32
      %dma_start3A_1187 = arith.constant 0 : i32
      %dma_start3A_1188 = arith.constant 0 : i32
      %dma_start3A_1189 = tpu.memref_slice %arg12[%dma_start3A_1186, %dma_start3A_1187, %dma_start3A_1188] : memref<2x64x128xf32, #tpu.memory_space<vmem>> -> memref<1x64x128xf32, #tpu.memory_space<vmem>>
      %dma_start3A_1190 = tpu.memref_squeeze %dma_start3A_1189 : memref<1x64x128xf32, #tpu.memory_space<vmem>> -> memref<64x128xf32, #tpu.memory_space<vmem>>
      %dma_start3A_1191 = arith.constant 0 : i32
      %dma_start3A_1192 = tpu.memref_slice %arg9[%dma_start3A_1184, %dma_start3A_1185, %dma_start3A_1191] : memref<2x8x64xi32, #tpu.memory_space<vmem>> -> memref<1x1x64xi32, #tpu.memory_space<vmem>>
      %dma_start3A_1193 = tpu.memref_squeeze %dma_start3A_1192 : memref<1x1x64xi32, #tpu.memory_space<vmem>> -> memref<64xi32, #tpu.memory_space<vmem>>
      %dma_start3A_1194 = arith.constant 0 : i32
      %dma_start3A_1195 = arith.constant 0 : i32
      %dma_start3A_1196 = tpu.memref_slice %arg2[%dma_start3A_1194, %dma_start3A_1195] : memref<10000x128xf32, #tpu.memory_space<hbm>> -> memref<10000x128xf32, #tpu.memory_space<hbm>>
      tpu.enqueue_indirect_dma source(%dma_start3A_1196 : memref<10000x128xf32, #tpu.memory_space<hbm>>) target(%dma_start3A_1190 : memref<64x128xf32, #tpu.memory_space<vmem>>) offsets(%dma_start3A_1193 : memref<64xi32, #tpu.memory_space<vmem>>) semaphore(%arg17 : memref<!tpu.dma_semaphore, #tpu.memory_space<semaphore_mem>>)
      %dma_wait3A_1197 = arith.constant 0 : i32
      %dma_wait3A_1198 = arith.constant 0 : i32
      %dma_wait3A_1199 = arith.constant 0 : i32
      %dma_wait3A_1200 = arith.constant 0 : i32
      %dma_wait3A_1201 = arith.constant 0 : i32
      %dma_wait3A_1202 = tpu.memref_slice %arg12[%dma_wait3A_1199, %dma_wait3A_1200, %dma_wait3A_1201] : memref<2x64x128xf32, #tpu.memory_space<vmem>> -> memref<1x64x128xf32, #tpu.memory_space<vmem>>
      %dma_wait3A_1203 = tpu.memref_squeeze %dma_wait3A_1202 : memref<1x64x128xf32, #tpu.memory_space<vmem>> -> memref<64x128xf32, #tpu.memory_space<vmem>>
      %dma_wait3A_1204 = arith.constant 0 : i32
      %dma_wait3A_1205 = tpu.memref_slice %arg9[%dma_wait3A_1197, %dma_wait3A_1198, %dma_wait3A_1204] : memref<2x8x64xi32, #tpu.memory_space<vmem>> -> memref<1x1x64xi32, #tpu.memory_space<vmem>>
      %dma_wait3A_1206 = tpu.memref_squeeze %dma_wait3A_1205 : memref<1x1x64xi32, #tpu.memory_space<vmem>> -> memref<64xi32, #tpu.memory_space<vmem>>
      %dma_wait3A_1207 = arith.constant 0 : i32
      %dma_wait3A_1208 = arith.constant 0 : i32
      %dma_wait3A_1209 = tpu.memref_slice %arg2[%dma_wait3A_1207, %dma_wait3A_1208] : memref<10000x128xf32, #tpu.memory_space<hbm>> -> memref<10000x128xf32, #tpu.memory_space<hbm>>
      tpu.wait_indirect_dma semaphore(%arg16 : memref<!tpu.dma_semaphore, #tpu.memory_space<semaphore_mem>>) src(%dma_wait3A_1209 : memref<10000x128xf32, #tpu.memory_space<hbm>>) dst(%dma_wait3A_1203 : memref<64x128xf32, #tpu.memory_space<vmem>>)
      %run_scoped3A_1210 = arith.constant 0 : i32
      %run_scoped3A_1211 = arith.constant 1 : i32
      %run_scoped3A_1212 = arith.constant 2 : i32
      "tpu.region"() ({
        %run_scoped3A_1449 = tpu.sem_alloc : memref<!tpu.dma_semaphore, #tpu.memory_space<semaphore_mem>>
        %dma_start3A_1450 = arith.constant 0 : i32
        %dma_start3A_1451 = arith.constant 0 : i32
        %dma_start3A_1452 = tpu.memref_slice %arg12[%run_scoped3A_1210, %dma_start3A_1450, %dma_start3A_1451] : memref<2x64x128xf32, #tpu.memory_space<vmem>> -> memref<1x64x128xf32, #tpu.memory_space<vmem>>
        %dma_start3A_1453 = tpu.memref_squeeze %dma_start3A_1452 : memref<1x64x128xf32, #tpu.memory_space<vmem>> -> memref<64x128xf32, #tpu.memory_space<vmem>>
        %dma_start3A_1454 = arith.constant 0 : i32
        %dma_start3A_1455 = tpu.memref_slice %arg10[%run_scoped3A_1211, %run_scoped3A_1212, %dma_start3A_1454] : memref<2x8x64xi32, #tpu.memory_space<vmem>> -> memref<1x1x64xi32, #tpu.memory_space<vmem>>
        %dma_start3A_1456 = tpu.memref_squeeze %dma_start3A_1455 : memref<1x1x64xi32, #tpu.memory_space<vmem>> -> memref<64xi32, #tpu.memory_space<vmem>>
        %dma_start3A_1457 = arith.constant 0 : i32
        %dma_start3A_1458 = arith.constant 0 : i32
        %dma_start3A_1459 = tpu.memref_slice %arg15[%dma_start3A_1457, %dma_start3A_1458] : memref<10240x128xf32, #tpu.memory_space<vmem_shared>> -> memref<10240x128xf32, #tpu.memory_space<vmem_shared>>
        tpu.enqueue_indirect_dma source(%dma_start3A_1453 : memref<64x128xf32, #tpu.memory_space<vmem>>) target(%dma_start3A_1459 : memref<10240x128xf32, #tpu.memory_space<vmem_shared>>) offsets(%dma_start3A_1456 : memref<64xi32, #tpu.memory_space<vmem>>) semaphore(%run_scoped3A_1449 : memref<!tpu.dma_semaphore, #tpu.memory_space<semaphore_mem>>) {add = true}
        %dma_wait3A_1460 = arith.constant 0 : i32
        %dma_wait3A_1461 = arith.constant 0 : i32
        %dma_wait3A_1462 = tpu.memref_slice %arg12[%run_scoped3A_1210, %dma_wait3A_1460, %dma_wait3A_1461] : memref<2x64x128xf32, #tpu.memory_space<vmem>> -> memref<1x64x128xf32, #tpu.memory_space<vmem>>
        %dma_wait3A_1463 = tpu.memref_squeeze %dma_wait3A_1462 : memref<1x64x128xf32, #tpu.memory_space<vmem>> -> memref<64x128xf32, #tpu.memory_space<vmem>>
        %dma_wait3A_1464 = arith.constant 0 : i32
        %dma_wait3A_1465 = tpu.memref_slice %arg10[%run_scoped3A_1211, %run_scoped3A_1212, %dma_wait3A_1464] : memref<2x8x64xi32, #tpu.memory_space<vmem>> -> memref<1x1x64xi32, #tpu.memory_space<vmem>>
        %dma_wait3A_1466 = tpu.memref_squeeze %dma_wait3A_1465 : memref<1x1x64xi32, #tpu.memory_space<vmem>> -> memref<64xi32, #tpu.memory_space<vmem>>
        %dma_wait3A_1467 = arith.constant 0 : i32
        %dma_wait3A_1468 = arith.constant 0 : i32
        %dma_wait3A_1469 = tpu.memref_slice %arg15[%dma_wait3A_1467, %dma_wait3A_1468] : memref<10240x128xf32, #tpu.memory_space<vmem_shared>> -> memref<10240x128xf32, #tpu.memory_space<vmem_shared>>
        tpu.wait_indirect_dma semaphore(%run_scoped3A_1449 : memref<!tpu.dma_semaphore, #tpu.memory_space<semaphore_mem>>) src(%dma_wait3A_1463 : memref<64x128xf32, #tpu.memory_space<vmem>>) dst(%dma_wait3A_1469 : memref<10240x128xf32, #tpu.memory_space<vmem_shared>>)
        tpu.yield
      }) : () -> ()
      %dma_start3A_1213 = arith.constant 1 : i32
      %dma_start3A_1214 = arith.constant 4 : i32
      %dma_start3A_1215 = arith.constant 0 : i32
      %dma_start3A_1216 = arith.constant 0 : i32
      %dma_start3A_1217 = arith.constant 0 : i32
      %dma_start3A_1218 = tpu.memref_slice %arg12[%dma_start3A_1215, %dma_start3A_1216, %dma_start3A_1217] : memref<2x64x128xf32, #tpu.memory_space<vmem>> -> memref<1x64x128xf32, #tpu.memory_space<vmem>>
      %dma_start3A_1219 = tpu.memref_squeeze %dma_start3A_1218 : memref<1x64x128xf32, #tpu.memory_space<vmem>> -> memref<64x128xf32, #tpu.memory_space<vmem>>
      %dma_start3A_1220 = arith.constant 0 : i32
      %dma_start3A_1221 = tpu.memref_slice %arg9[%dma_start3A_1213, %dma_start3A_1214, %dma_start3A_1220] : memref<2x8x64xi32, #tpu.memory_space<vmem>> -> memref<1x1x64xi32, #tpu.memory_space<vmem>>
      %dma_start3A_1222 = tpu.memref_squeeze %dma_start3A_1221 : memref<1x1x64xi32, #tpu.memory_space<vmem>> -> memref<64xi32, #tpu.memory_space<vmem>>
      %dma_start3A_1223 = arith.constant 0 : i32
      %dma_start3A_1224 = arith.constant 0 : i32
      %dma_start3A_1225 = tpu.memref_slice %arg2[%dma_start3A_1223, %dma_start3A_1224] : memref<10000x128xf32, #tpu.memory_space<hbm>> -> memref<10000x128xf32, #tpu.memory_space<hbm>>
      tpu.enqueue_indirect_dma source(%dma_start3A_1225 : memref<10000x128xf32, #tpu.memory_space<hbm>>) target(%dma_start3A_1219 : memref<64x128xf32, #tpu.memory_space<vmem>>) offsets(%dma_start3A_1222 : memref<64xi32, #tpu.memory_space<vmem>>) semaphore(%arg16 : memref<!tpu.dma_semaphore, #tpu.memory_space<semaphore_mem>>)
      %dma_wait3A_1226 = arith.constant 0 : i32
      %dma_wait3A_1227 = arith.constant 0 : i32
      %dma_wait3A_1228 = arith.constant 1 : i32
      %dma_wait3A_1229 = arith.constant 0 : i32
      %dma_wait3A_1230 = arith.constant 0 : i32
      %dma_wait3A_1231 = tpu.memref_slice %arg12[%dma_wait3A_1228, %dma_wait3A_1229, %dma_wait3A_1230] : memref<2x64x128xf32, #tpu.memory_space<vmem>> -> memref<1x64x128xf32, #tpu.memory_space<vmem>>
      %dma_wait3A_1232 = tpu.memref_squeeze %dma_wait3A_1231 : memref<1x64x128xf32, #tpu.memory_space<vmem>> -> memref<64x128xf32, #tpu.memory_space<vmem>>
      %dma_wait3A_1233 = arith.constant 0 : i32
      %dma_wait3A_1234 = tpu.memref_slice %arg9[%dma_wait3A_1226, %dma_wait3A_1227, %dma_wait3A_1233] : memref<2x8x64xi32, #tpu.memory_space<vmem>> -> memref<1x1x64xi32, #tpu.memory_space<vmem>>
      %dma_wait3A_1235 = tpu.memref_squeeze %dma_wait3A_1234 : memref<1x1x64xi32, #tpu.memory_space<vmem>> -> memref<64xi32, #tpu.memory_space<vmem>>
      %dma_wait3A_1236 = arith.constant 0 : i32
      %dma_wait3A_1237 = arith.constant 0 : i32
      %dma_wait3A_1238 = tpu.memref_slice %arg2[%dma_wait3A_1236, %dma_wait3A_1237] : memref<10000x128xf32, #tpu.memory_space<hbm>> -> memref<10000x128xf32, #tpu.memory_space<hbm>>
      tpu.wait_indirect_dma semaphore(%arg17 : memref<!tpu.dma_semaphore, #tpu.memory_space<semaphore_mem>>) src(%dma_wait3A_1238 : memref<10000x128xf32, #tpu.memory_space<hbm>>) dst(%dma_wait3A_1232 : memref<64x128xf32, #tpu.memory_space<vmem>>)
      %run_scoped3A_1239 = arith.constant 1 : i32
      %run_scoped3A_1240 = arith.constant 1 : i32
      %run_scoped3A_1241 = arith.constant 3 : i32
      "tpu.region"() ({
        %run_scoped3A_1449 = tpu.sem_alloc : memref<!tpu.dma_semaphore, #tpu.memory_space<semaphore_mem>>
        %dma_start3A_1450 = arith.constant 0 : i32
        %dma_start3A_1451 = arith.constant 0 : i32
        %dma_start3A_1452 = tpu.memref_slice %arg12[%run_scoped3A_1239, %dma_start3A_1450, %dma_start3A_1451] : memref<2x64x128xf32, #tpu.memory_space<vmem>> -> memref<1x64x128xf32, #tpu.memory_space<vmem>>
        %dma_start3A_1453 = tpu.memref_squeeze %dma_start3A_1452 : memref<1x64x128xf32, #tpu.memory_space<vmem>> -> memref<64x128xf32, #tpu.memory_space<vmem>>
        %dma_start3A_1454 = arith.constant 0 : i32
        %dma_start3A_1455 = tpu.memref_slice %arg10[%run_scoped3A_1240, %run_scoped3A_1241, %dma_start3A_1454] : memref<2x8x64xi32, #tpu.memory_space<vmem>> -> memref<1x1x64xi32, #tpu.memory_space<vmem>>
        %dma_start3A_1456 = tpu.memref_squeeze %dma_start3A_1455 : memref<1x1x64xi32, #tpu.memory_space<vmem>> -> memref<64xi32, #tpu.memory_space<vmem>>
        %dma_start3A_1457 = arith.constant 0 : i32
        %dma_start3A_1458 = arith.constant 0 : i32
        %dma_start3A_1459 = tpu.memref_slice %arg15[%dma_start3A_1457, %dma_start3A_1458] : memref<10240x128xf32, #tpu.memory_space<vmem_shared>> -> memref<10240x128xf32, #tpu.memory_space<vmem_shared>>
        tpu.enqueue_indirect_dma source(%dma_start3A_1453 : memref<64x128xf32, #tpu.memory_space<vmem>>) target(%dma_start3A_1459 : memref<10240x128xf32, #tpu.memory_space<vmem_shared>>) offsets(%dma_start3A_1456 : memref<64xi32, #tpu.memory_space<vmem>>) semaphore(%run_scoped3A_1449 : memref<!tpu.dma_semaphore, #tpu.memory_space<semaphore_mem>>) {add = true}
        %dma_wait3A_1460 = arith.constant 0 : i32
        %dma_wait3A_1461 = arith.constant 0 : i32
        %dma_wait3A_1462 = tpu.memref_slice %arg12[%run_scoped3A_1239, %dma_wait3A_1460, %dma_wait3A_1461] : memref<2x64x128xf32, #tpu.memory_space<vmem>> -> memref<1x64x128xf32, #tpu.memory_space<vmem>>
        %dma_wait3A_1463 = tpu.memref_squeeze %dma_wait3A_1462 : memref<1x64x128xf32, #tpu.memory_space<vmem>> -> memref<64x128xf32, #tpu.memory_space<vmem>>
        %dma_wait3A_1464 = arith.constant 0 : i32
        %dma_wait3A_1465 = tpu.memref_slice %arg10[%run_scoped3A_1240, %run_scoped3A_1241, %dma_wait3A_1464] : memref<2x8x64xi32, #tpu.memory_space<vmem>> -> memref<1x1x64xi32, #tpu.memory_space<vmem>>
        %dma_wait3A_1466 = tpu.memref_squeeze %dma_wait3A_1465 : memref<1x1x64xi32, #tpu.memory_space<vmem>> -> memref<64xi32, #tpu.memory_space<vmem>>
        %dma_wait3A_1467 = arith.constant 0 : i32
        %dma_wait3A_1468 = arith.constant 0 : i32
        %dma_wait3A_1469 = tpu.memref_slice %arg15[%dma_wait3A_1467, %dma_wait3A_1468] : memref<10240x128xf32, #tpu.memory_space<vmem_shared>> -> memref<10240x128xf32, #tpu.memory_space<vmem_shared>>
        tpu.wait_indirect_dma semaphore(%run_scoped3A_1449 : memref<!tpu.dma_semaphore, #tpu.memory_space<semaphore_mem>>) src(%dma_wait3A_1463 : memref<64x128xf32, #tpu.memory_space<vmem>>) dst(%dma_wait3A_1469 : memref<10240x128xf32, #tpu.memory_space<vmem_shared>>)
        tpu.yield
      }) : () -> ()
      %dma_start3A_1242 = arith.constant 1 : i32
      %dma_start3A_1243 = arith.constant 5 : i32
      %dma_start3A_1244 = arith.constant 1 : i32
      %dma_start3A_1245 = arith.constant 0 : i32
      %dma_start3A_1246 = arith.constant 0 : i32
      %dma_start3A_1247 = tpu.memref_slice %arg12[%dma_start3A_1244, %dma_start3A_1245, %dma_start3A_1246] : memref<2x64x128xf32, #tpu.memory_space<vmem>> -> memref<1x64x128xf32, #tpu.memory_space<vmem>>
      %dma_start3A_1248 = tpu.memref_squeeze %dma_start3A_1247 : memref<1x64x128xf32, #tpu.memory_space<vmem>> -> memref<64x128xf32, #tpu.memory_space<vmem>>
      %dma_start3A_1249 = arith.constant 0 : i32
      %dma_start3A_1250 = tpu.memref_slice %arg9[%dma_start3A_1242, %dma_start3A_1243, %dma_start3A_1249] : memref<2x8x64xi32, #tpu.memory_space<vmem>> -> memref<1x1x64xi32, #tpu.memory_space<vmem>>
      %dma_start3A_1251 = tpu.memref_squeeze %dma_start3A_1250 : memref<1x1x64xi32, #tpu.memory_space<vmem>> -> memref<64xi32, #tpu.memory_space<vmem>>
      %dma_start3A_1252 = arith.constant 0 : i32
      %dma_start3A_1253 = arith.constant 0 : i32
      %dma_start3A_1254 = tpu.memref_slice %arg2[%dma_start3A_1252, %dma_start3A_1253] : memref<10000x128xf32, #tpu.memory_space<hbm>> -> memref<10000x128xf32, #tpu.memory_space<hbm>>
      tpu.enqueue_indirect_dma source(%dma_start3A_1254 : memref<10000x128xf32, #tpu.memory_space<hbm>>) target(%dma_start3A_1248 : memref<64x128xf32, #tpu.memory_space<vmem>>) offsets(%dma_start3A_1251 : memref<64xi32, #tpu.memory_space<vmem>>) semaphore(%arg17 : memref<!tpu.dma_semaphore, #tpu.memory_space<semaphore_mem>>)
      %dma_wait3A_1255 = arith.constant 0 : i32
      %dma_wait3A_1256 = arith.constant 0 : i32
      %dma_wait3A_1257 = arith.constant 0 : i32
      %dma_wait3A_1258 = arith.constant 0 : i32
      %dma_wait3A_1259 = arith.constant 0 : i32
      %dma_wait3A_1260 = tpu.memref_slice %arg12[%dma_wait3A_1257, %dma_wait3A_1258, %dma_wait3A_1259] : memref<2x64x128xf32, #tpu.memory_space<vmem>> -> memref<1x64x128xf32, #tpu.memory_space<vmem>>
      %dma_wait3A_1261 = tpu.memref_squeeze %dma_wait3A_1260 : memref<1x64x128xf32, #tpu.memory_space<vmem>> -> memref<64x128xf32, #tpu.memory_space<vmem>>
      %dma_wait3A_1262 = arith.constant 0 : i32
      %dma_wait3A_1263 = tpu.memref_slice %arg9[%dma_wait3A_1255, %dma_wait3A_1256, %dma_wait3A_1262] : memref<2x8x64xi32, #tpu.memory_space<vmem>> -> memref<1x1x64xi32, #tpu.memory_space<vmem>>
      %dma_wait3A_1264 = tpu.memref_squeeze %dma_wait3A_1263 : memref<1x1x64xi32, #tpu.memory_space<vmem>> -> memref<64xi32, #tpu.memory_space<vmem>>
      %dma_wait3A_1265 = arith.constant 0 : i32
      %dma_wait3A_1266 = arith.constant 0 : i32
      %dma_wait3A_1267 = tpu.memref_slice %arg2[%dma_wait3A_1265, %dma_wait3A_1266] : memref<10000x128xf32, #tpu.memory_space<hbm>> -> memref<10000x128xf32, #tpu.memory_space<hbm>>
      tpu.wait_indirect_dma semaphore(%arg16 : memref<!tpu.dma_semaphore, #tpu.memory_space<semaphore_mem>>) src(%dma_wait3A_1267 : memref<10000x128xf32, #tpu.memory_space<hbm>>) dst(%dma_wait3A_1261 : memref<64x128xf32, #tpu.memory_space<vmem>>)
      %run_scoped3A_1268 = arith.constant 0 : i32
      %run_scoped3A_1269 = arith.constant 1 : i32
      %run_scoped3A_1270 = arith.constant 4 : i32
      "tpu.region"() ({
        %run_scoped3A_1449 = tpu.sem_alloc : memref<!tpu.dma_semaphore, #tpu.memory_space<semaphore_mem>>
        %dma_start3A_1450 = arith.constant 0 : i32
        %dma_start3A_1451 = arith.constant 0 : i32
        %dma_start3A_1452 = tpu.memref_slice %arg12[%run_scoped3A_1268, %dma_start3A_1450, %dma_start3A_1451] : memref<2x64x128xf32, #tpu.memory_space<vmem>> -> memref<1x64x128xf32, #tpu.memory_space<vmem>>
        %dma_start3A_1453 = tpu.memref_squeeze %dma_start3A_1452 : memref<1x64x128xf32, #tpu.memory_space<vmem>> -> memref<64x128xf32, #tpu.memory_space<vmem>>
        %dma_start3A_1454 = arith.constant 0 : i32
        %dma_start3A_1455 = tpu.memref_slice %arg10[%run_scoped3A_1269, %run_scoped3A_1270, %dma_start3A_1454] : memref<2x8x64xi32, #tpu.memory_space<vmem>> -> memref<1x1x64xi32, #tpu.memory_space<vmem>>
        %dma_start3A_1456 = tpu.memref_squeeze %dma_start3A_1455 : memref<1x1x64xi32, #tpu.memory_space<vmem>> -> memref<64xi32, #tpu.memory_space<vmem>>
        %dma_start3A_1457 = arith.constant 0 : i32
        %dma_start3A_1458 = arith.constant 0 : i32
        %dma_start3A_1459 = tpu.memref_slice %arg15[%dma_start3A_1457, %dma_start3A_1458] : memref<10240x128xf32, #tpu.memory_space<vmem_shared>> -> memref<10240x128xf32, #tpu.memory_space<vmem_shared>>
        tpu.enqueue_indirect_dma source(%dma_start3A_1453 : memref<64x128xf32, #tpu.memory_space<vmem>>) target(%dma_start3A_1459 : memref<10240x128xf32, #tpu.memory_space<vmem_shared>>) offsets(%dma_start3A_1456 : memref<64xi32, #tpu.memory_space<vmem>>) semaphore(%run_scoped3A_1449 : memref<!tpu.dma_semaphore, #tpu.memory_space<semaphore_mem>>) {add = true}
        %dma_wait3A_1460 = arith.constant 0 : i32
        %dma_wait3A_1461 = arith.constant 0 : i32
        %dma_wait3A_1462 = tpu.memref_slice %arg12[%run_scoped3A_1268, %dma_wait3A_1460, %dma_wait3A_1461] : memref<2x64x128xf32, #tpu.memory_space<vmem>> -> memref<1x64x128xf32, #tpu.memory_space<vmem>>
        %dma_wait3A_1463 = tpu.memref_squeeze %dma_wait3A_1462 : memref<1x64x128xf32, #tpu.memory_space<vmem>> -> memref<64x128xf32, #tpu.memory_space<vmem>>
        %dma_wait3A_1464 = arith.constant 0 : i32
        %dma_wait3A_1465 = tpu.memref_slice %arg10[%run_scoped3A_1269, %run_scoped3A_1270, %dma_wait3A_1464] : memref<2x8x64xi32, #tpu.memory_space<vmem>> -> memref<1x1x64xi32, #tpu.memory_space<vmem>>
        %dma_wait3A_1466 = tpu.memref_squeeze %dma_wait3A_1465 : memref<1x1x64xi32, #tpu.memory_space<vmem>> -> memref<64xi32, #tpu.memory_space<vmem>>
        %dma_wait3A_1467 = arith.constant 0 : i32
        %dma_wait3A_1468 = arith.constant 0 : i32
        %dma_wait3A_1469 = tpu.memref_slice %arg15[%dma_wait3A_1467, %dma_wait3A_1468] : memref<10240x128xf32, #tpu.memory_space<vmem_shared>> -> memref<10240x128xf32, #tpu.memory_space<vmem_shared>>
        tpu.wait_indirect_dma semaphore(%run_scoped3A_1449 : memref<!tpu.dma_semaphore, #tpu.memory_space<semaphore_mem>>) src(%dma_wait3A_1463 : memref<64x128xf32, #tpu.memory_space<vmem>>) dst(%dma_wait3A_1469 : memref<10240x128xf32, #tpu.memory_space<vmem_shared>>)
        tpu.yield
      }) : () -> ()
      %dma_start3A_1271 = arith.constant 1 : i32
      %dma_start3A_1272 = arith.constant 6 : i32
      %dma_start3A_1273 = arith.constant 0 : i32
      %dma_start3A_1274 = arith.constant 0 : i32
      %dma_start3A_1275 = arith.constant 0 : i32
      %dma_start3A_1276 = tpu.memref_slice %arg12[%dma_start3A_1273, %dma_start3A_1274, %dma_start3A_1275] : memref<2x64x128xf32, #tpu.memory_space<vmem>> -> memref<1x64x128xf32, #tpu.memory_space<vmem>>
      %dma_start3A_1277 = tpu.memref_squeeze %dma_start3A_1276 : memref<1x64x128xf32, #tpu.memory_space<vmem>> -> memref<64x128xf32, #tpu.memory_space<vmem>>
      %dma_start3A_1278 = arith.constant 0 : i32
      %dma_start3A_1279 = tpu.memref_slice %arg9[%dma_start3A_1271, %dma_start3A_1272, %dma_start3A_1278] : memref<2x8x64xi32, #tpu.memory_space<vmem>> -> memref<1x1x64xi32, #tpu.memory_space<vmem>>
      %dma_start3A_1280 = tpu.memref_squeeze %dma_start3A_1279 : memref<1x1x64xi32, #tpu.memory_space<vmem>> -> memref<64xi32, #tpu.memory_space<vmem>>
      %dma_start3A_1281 = arith.constant 0 : i32
      %dma_start3A_1282 = arith.constant 0 : i32
      %dma_start3A_1283 = tpu.memref_slice %arg2[%dma_start3A_1281, %dma_start3A_1282] : memref<10000x128xf32, #tpu.memory_space<hbm>> -> memref<10000x128xf32, #tpu.memory_space<hbm>>
      tpu.enqueue_indirect_dma source(%dma_start3A_1283 : memref<10000x128xf32, #tpu.memory_space<hbm>>) target(%dma_start3A_1277 : memref<64x128xf32, #tpu.memory_space<vmem>>) offsets(%dma_start3A_1280 : memref<64xi32, #tpu.memory_space<vmem>>) semaphore(%arg16 : memref<!tpu.dma_semaphore, #tpu.memory_space<semaphore_mem>>)
      %dma_wait3A_1284 = arith.constant 0 : i32
      %dma_wait3A_1285 = arith.constant 0 : i32
      %dma_wait3A_1286 = arith.constant 1 : i32
      %dma_wait3A_1287 = arith.constant 0 : i32
      %dma_wait3A_1288 = arith.constant 0 : i32
      %dma_wait3A_1289 = tpu.memref_slice %arg12[%dma_wait3A_1286, %dma_wait3A_1287, %dma_wait3A_1288] : memref<2x64x128xf32, #tpu.memory_space<vmem>> -> memref<1x64x128xf32, #tpu.memory_space<vmem>>
      %dma_wait3A_1290 = tpu.memref_squeeze %dma_wait3A_1289 : memref<1x64x128xf32, #tpu.memory_space<vmem>> -> memref<64x128xf32, #tpu.memory_space<vmem>>
      %dma_wait3A_1291 = arith.constant 0 : i32
      %dma_wait3A_1292 = tpu.memref_slice %arg9[%dma_wait3A_1284, %dma_wait3A_1285, %dma_wait3A_1291] : memref<2x8x64xi32, #tpu.memory_space<vmem>> -> memref<1x1x64xi32, #tpu.memory_space<vmem>>
      %dma_wait3A_1293 = tpu.memref_squeeze %dma_wait3A_1292 : memref<1x1x64xi32, #tpu.memory_space<vmem>> -> memref<64xi32, #tpu.memory_space<vmem>>
      %dma_wait3A_1294 = arith.constant 0 : i32
      %dma_wait3A_1295 = arith.constant 0 : i32
      %dma_wait3A_1296 = tpu.memref_slice %arg2[%dma_wait3A_1294, %dma_wait3A_1295] : memref<10000x128xf32, #tpu.memory_space<hbm>> -> memref<10000x128xf32, #tpu.memory_space<hbm>>
      tpu.wait_indirect_dma semaphore(%arg17 : memref<!tpu.dma_semaphore, #tpu.memory_space<semaphore_mem>>) src(%dma_wait3A_1296 : memref<10000x128xf32, #tpu.memory_space<hbm>>) dst(%dma_wait3A_1290 : memref<64x128xf32, #tpu.memory_space<vmem>>)
      %run_scoped3A_1297 = arith.constant 1 : i32
      %run_scoped3A_1298 = arith.constant 1 : i32
      %run_scoped3A_1299 = arith.constant 5 : i32
      "tpu.region"() ({
        %run_scoped3A_1449 = tpu.sem_alloc : memref<!tpu.dma_semaphore, #tpu.memory_space<semaphore_mem>>
        %dma_start3A_1450 = arith.constant 0 : i32
        %dma_start3A_1451 = arith.constant 0 : i32
        %dma_start3A_1452 = tpu.memref_slice %arg12[%run_scoped3A_1297, %dma_start3A_1450, %dma_start3A_1451] : memref<2x64x128xf32, #tpu.memory_space<vmem>> -> memref<1x64x128xf32, #tpu.memory_space<vmem>>
        %dma_start3A_1453 = tpu.memref_squeeze %dma_start3A_1452 : memref<1x64x128xf32, #tpu.memory_space<vmem>> -> memref<64x128xf32, #tpu.memory_space<vmem>>
        %dma_start3A_1454 = arith.constant 0 : i32
        %dma_start3A_1455 = tpu.memref_slice %arg10[%run_scoped3A_1298, %run_scoped3A_1299, %dma_start3A_1454] : memref<2x8x64xi32, #tpu.memory_space<vmem>> -> memref<1x1x64xi32, #tpu.memory_space<vmem>>
        %dma_start3A_1456 = tpu.memref_squeeze %dma_start3A_1455 : memref<1x1x64xi32, #tpu.memory_space<vmem>> -> memref<64xi32, #tpu.memory_space<vmem>>
        %dma_start3A_1457 = arith.constant 0 : i32
        %dma_start3A_1458 = arith.constant 0 : i32
        %dma_start3A_1459 = tpu.memref_slice %arg15[%dma_start3A_1457, %dma_start3A_1458] : memref<10240x128xf32, #tpu.memory_space<vmem_shared>> -> memref<10240x128xf32, #tpu.memory_space<vmem_shared>>
        tpu.enqueue_indirect_dma source(%dma_start3A_1453 : memref<64x128xf32, #tpu.memory_space<vmem>>) target(%dma_start3A_1459 : memref<10240x128xf32, #tpu.memory_space<vmem_shared>>) offsets(%dma_start3A_1456 : memref<64xi32, #tpu.memory_space<vmem>>) semaphore(%run_scoped3A_1449 : memref<!tpu.dma_semaphore, #tpu.memory_space<semaphore_mem>>) {add = true}
        %dma_wait3A_1460 = arith.constant 0 : i32
        %dma_wait3A_1461 = arith.constant 0 : i32
        %dma_wait3A_1462 = tpu.memref_slice %arg12[%run_scoped3A_1297, %dma_wait3A_1460, %dma_wait3A_1461] : memref<2x64x128xf32, #tpu.memory_space<vmem>> -> memref<1x64x128xf32, #tpu.memory_space<vmem>>
        %dma_wait3A_1463 = tpu.memref_squeeze %dma_wait3A_1462 : memref<1x64x128xf32, #tpu.memory_space<vmem>> -> memref<64x128xf32, #tpu.memory_space<vmem>>
        %dma_wait3A_1464 = arith.constant 0 : i32
        %dma_wait3A_1465 = tpu.memref_slice %arg10[%run_scoped3A_1298, %run_scoped3A_1299, %dma_wait3A_1464] : memref<2x8x64xi32, #tpu.memory_space<vmem>> -> memref<1x1x64xi32, #tpu.memory_space<vmem>>
        %dma_wait3A_1466 = tpu.memref_squeeze %dma_wait3A_1465 : memref<1x1x64xi32, #tpu.memory_space<vmem>> -> memref<64xi32, #tpu.memory_space<vmem>>
        %dma_wait3A_1467 = arith.constant 0 : i32
        %dma_wait3A_1468 = arith.constant 0 : i32
        %dma_wait3A_1469 = tpu.memref_slice %arg15[%dma_wait3A_1467, %dma_wait3A_1468] : memref<10240x128xf32, #tpu.memory_space<vmem_shared>> -> memref<10240x128xf32, #tpu.memory_space<vmem_shared>>
        tpu.wait_indirect_dma semaphore(%run_scoped3A_1449 : memref<!tpu.dma_semaphore, #tpu.memory_space<semaphore_mem>>) src(%dma_wait3A_1463 : memref<64x128xf32, #tpu.memory_space<vmem>>) dst(%dma_wait3A_1469 : memref<10240x128xf32, #tpu.memory_space<vmem_shared>>)
        tpu.yield
      }) : () -> ()
      %dma_start3A_1300 = arith.constant 1 : i32
      %dma_start3A_1301 = arith.constant 7 : i32
      %dma_start3A_1302 = arith.constant 1 : i32
      %dma_start3A_1303 = arith.constant 0 : i32
      %dma_start3A_1304 = arith.constant 0 : i32
      %dma_start3A_1305 = tpu.memref_slice %arg12[%dma_start3A_1302, %dma_start3A_1303, %dma_start3A_1304] : memref<2x64x128xf32, #tpu.memory_space<vmem>> -> memref<1x64x128xf32, #tpu.memory_space<vmem>>
      %dma_start3A_1306 = tpu.memref_squeeze %dma_start3A_1305 : memref<1x64x128xf32, #tpu.memory_space<vmem>> -> memref<64x128xf32, #tpu.memory_space<vmem>>
      %dma_start3A_1307 = arith.constant 0 : i32
      %dma_start3A_1308 = tpu.memref_slice %arg9[%dma_start3A_1300, %dma_start3A_1301, %dma_start3A_1307] : memref<2x8x64xi32, #tpu.memory_space<vmem>> -> memref<1x1x64xi32, #tpu.memory_space<vmem>>
      %dma_start3A_1309 = tpu.memref_squeeze %dma_start3A_1308 : memref<1x1x64xi32, #tpu.memory_space<vmem>> -> memref<64xi32, #tpu.memory_space<vmem>>
      %dma_start3A_1310 = arith.constant 0 : i32
      %dma_start3A_1311 = arith.constant 0 : i32
      %dma_start3A_1312 = tpu.memref_slice %arg2[%dma_start3A_1310, %dma_start3A_1311] : memref<10000x128xf32, #tpu.memory_space<hbm>> -> memref<10000x128xf32, #tpu.memory_space<hbm>>
      tpu.enqueue_indirect_dma source(%dma_start3A_1312 : memref<10000x128xf32, #tpu.memory_space<hbm>>) target(%dma_start3A_1306 : memref<64x128xf32, #tpu.memory_space<vmem>>) offsets(%dma_start3A_1309 : memref<64xi32, #tpu.memory_space<vmem>>) semaphore(%arg17 : memref<!tpu.dma_semaphore, #tpu.memory_space<semaphore_mem>>)
      %dma_wait3A_1313 = arith.constant 0 : i32
      %dma_wait3A_1314 = arith.constant 0 : i32
      %dma_wait3A_1315 = arith.constant 0 : i32
      %dma_wait3A_1316 = arith.constant 0 : i32
      %dma_wait3A_1317 = arith.constant 0 : i32
      %dma_wait3A_1318 = tpu.memref_slice %arg12[%dma_wait3A_1315, %dma_wait3A_1316, %dma_wait3A_1317] : memref<2x64x128xf32, #tpu.memory_space<vmem>> -> memref<1x64x128xf32, #tpu.memory_space<vmem>>
      %dma_wait3A_1319 = tpu.memref_squeeze %dma_wait3A_1318 : memref<1x64x128xf32, #tpu.memory_space<vmem>> -> memref<64x128xf32, #tpu.memory_space<vmem>>
      %dma_wait3A_1320 = arith.constant 0 : i32
      %dma_wait3A_1321 = tpu.memref_slice %arg9[%dma_wait3A_1313, %dma_wait3A_1314, %dma_wait3A_1320] : memref<2x8x64xi32, #tpu.memory_space<vmem>> -> memref<1x1x64xi32, #tpu.memory_space<vmem>>
      %dma_wait3A_1322 = tpu.memref_squeeze %dma_wait3A_1321 : memref<1x1x64xi32, #tpu.memory_space<vmem>> -> memref<64xi32, #tpu.memory_space<vmem>>
      %dma_wait3A_1323 = arith.constant 0 : i32
      %dma_wait3A_1324 = arith.constant 0 : i32
      %dma_wait3A_1325 = tpu.memref_slice %arg2[%dma_wait3A_1323, %dma_wait3A_1324] : memref<10000x128xf32, #tpu.memory_space<hbm>> -> memref<10000x128xf32, #tpu.memory_space<hbm>>
      tpu.wait_indirect_dma semaphore(%arg16 : memref<!tpu.dma_semaphore, #tpu.memory_space<semaphore_mem>>) src(%dma_wait3A_1325 : memref<10000x128xf32, #tpu.memory_space<hbm>>) dst(%dma_wait3A_1319 : memref<64x128xf32, #tpu.memory_space<vmem>>)
      %run_scoped3A_1326 = arith.constant 0 : i32
      %run_scoped3A_1327 = arith.constant 1 : i32
      %run_scoped3A_1328 = arith.constant 6 : i32
      "tpu.region"() ({
        %run_scoped3A_1449 = tpu.sem_alloc : memref<!tpu.dma_semaphore, #tpu.memory_space<semaphore_mem>>
        %dma_start3A_1450 = arith.constant 0 : i32
        %dma_start3A_1451 = arith.constant 0 : i32
        %dma_start3A_1452 = tpu.memref_slice %arg12[%run_scoped3A_1326, %dma_start3A_1450, %dma_start3A_1451] : memref<2x64x128xf32, #tpu.memory_space<vmem>> -> memref<1x64x128xf32, #tpu.memory_space<vmem>>
        %dma_start3A_1453 = tpu.memref_squeeze %dma_start3A_1452 : memref<1x64x128xf32, #tpu.memory_space<vmem>> -> memref<64x128xf32, #tpu.memory_space<vmem>>
        %dma_start3A_1454 = arith.constant 0 : i32
        %dma_start3A_1455 = tpu.memref_slice %arg10[%run_scoped3A_1327, %run_scoped3A_1328, %dma_start3A_1454] : memref<2x8x64xi32, #tpu.memory_space<vmem>> -> memref<1x1x64xi32, #tpu.memory_space<vmem>>
        %dma_start3A_1456 = tpu.memref_squeeze %dma_start3A_1455 : memref<1x1x64xi32, #tpu.memory_space<vmem>> -> memref<64xi32, #tpu.memory_space<vmem>>
        %dma_start3A_1457 = arith.constant 0 : i32
        %dma_start3A_1458 = arith.constant 0 : i32
        %dma_start3A_1459 = tpu.memref_slice %arg15[%dma_start3A_1457, %dma_start3A_1458] : memref<10240x128xf32, #tpu.memory_space<vmem_shared>> -> memref<10240x128xf32, #tpu.memory_space<vmem_shared>>
        tpu.enqueue_indirect_dma source(%dma_start3A_1453 : memref<64x128xf32, #tpu.memory_space<vmem>>) target(%dma_start3A_1459 : memref<10240x128xf32, #tpu.memory_space<vmem_shared>>) offsets(%dma_start3A_1456 : memref<64xi32, #tpu.memory_space<vmem>>) semaphore(%run_scoped3A_1449 : memref<!tpu.dma_semaphore, #tpu.memory_space<semaphore_mem>>) {add = true}
        %dma_wait3A_1460 = arith.constant 0 : i32
        %dma_wait3A_1461 = arith.constant 0 : i32
        %dma_wait3A_1462 = tpu.memref_slice %arg12[%run_scoped3A_1326, %dma_wait3A_1460, %dma_wait3A_1461] : memref<2x64x128xf32, #tpu.memory_space<vmem>> -> memref<1x64x128xf32, #tpu.memory_space<vmem>>
        %dma_wait3A_1463 = tpu.memref_squeeze %dma_wait3A_1462 : memref<1x64x128xf32, #tpu.memory_space<vmem>> -> memref<64x128xf32, #tpu.memory_space<vmem>>
        %dma_wait3A_1464 = arith.constant 0 : i32
        %dma_wait3A_1465 = tpu.memref_slice %arg10[%run_scoped3A_1327, %run_scoped3A_1328, %dma_wait3A_1464] : memref<2x8x64xi32, #tpu.memory_space<vmem>> -> memref<1x1x64xi32, #tpu.memory_space<vmem>>
        %dma_wait3A_1466 = tpu.memref_squeeze %dma_wait3A_1465 : memref<1x1x64xi32, #tpu.memory_space<vmem>> -> memref<64xi32, #tpu.memory_space<vmem>>
        %dma_wait3A_1467 = arith.constant 0 : i32
        %dma_wait3A_1468 = arith.constant 0 : i32
        %dma_wait3A_1469 = tpu.memref_slice %arg15[%dma_wait3A_1467, %dma_wait3A_1468] : memref<10240x128xf32, #tpu.memory_space<vmem_shared>> -> memref<10240x128xf32, #tpu.memory_space<vmem_shared>>
        tpu.wait_indirect_dma semaphore(%run_scoped3A_1449 : memref<!tpu.dma_semaphore, #tpu.memory_space<semaphore_mem>>) src(%dma_wait3A_1463 : memref<64x128xf32, #tpu.memory_space<vmem>>) dst(%dma_wait3A_1469 : memref<10240x128xf32, #tpu.memory_space<vmem_shared>>)
        tpu.yield
      }) : () -> ()
      %dma_wait3A_1329 = arith.constant 0 : i32
      %dma_wait3A_1330 = arith.constant 0 : i32
      %dma_wait3A_1331 = arith.constant 0 : i32
      %dma_wait3A_1332 = arith.constant 0 : i32
      %dma_wait3A_1333 = arith.constant 0 : i32
      %dma_wait3A_1334 = tpu.memref_slice %arg9[%dma_wait3A_1331, %dma_wait3A_1332, %dma_wait3A_1333] : memref<2x8x64xi32, #tpu.memory_space<vmem>> -> memref<1x8x64xi32, #tpu.memory_space<vmem>>
      %dma_wait3A_1335 = tpu.memref_squeeze %dma_wait3A_1334 : memref<1x8x64xi32, #tpu.memory_space<vmem>> -> memref<8x64xi32, #tpu.memory_space<vmem>>
      %dma_wait3A_1336 = arith.constant 0 : i32
      %dma_wait3A_1337 = arith.constant 0 : i32
      %dma_wait3A_1338 = tpu.memref_slice %arg3[%dma_wait3A_1329, %arg0, %arg1, %dma_wait3A_1330, %dma_wait3A_1336, %dma_wait3A_1337] : memref<2x2x16x20x8x64xi32, #tpu.memory_space<hbm>> -> memref<1x1x1x1x8x64xi32, #tpu.memory_space<hbm>>
      %dma_wait3A_1339 = tpu.memref_squeeze %dma_wait3A_1338 : memref<1x1x1x1x8x64xi32, #tpu.memory_space<hbm>> -> memref<8x64xi32, #tpu.memory_space<hbm>>
      %dma_wait3A_1340 = arith.constant 0 : i32
      %dma_wait3A_1341 = arith.constant 0 : i32
      %dma_wait3A_1342 = tpu.memref_slice %arg9[%dma_wait3A_1331, %dma_wait3A_1340, %dma_wait3A_1341] : memref<2x8x64xi32, #tpu.memory_space<vmem>> -> memref<1x8x64xi32, #tpu.memory_space<vmem>>
      %dma_wait3A_1343 = tpu.memref_squeeze %dma_wait3A_1342 : memref<1x8x64xi32, #tpu.memory_space<vmem>> -> memref<8x64xi32, #tpu.memory_space<vmem>>
      %dma_wait3A_1344 = arith.constant 0 : i32
      %dma_wait3A_1345 = arith.constant 0 : i32
      %dma_wait3A_1346 = tpu.memref_slice %arg3[%dma_wait3A_1329, %arg0, %arg1, %dma_wait3A_1330, %dma_wait3A_1344, %dma_wait3A_1345] : memref<2x2x16x20x8x64xi32, #tpu.memory_space<hbm>> -> memref<1x1x1x1x8x64xi32, #tpu.memory_space<hbm>>
      %dma_wait3A_1347 = tpu.memref_squeeze %dma_wait3A_1346 : memref<1x1x1x1x8x64xi32, #tpu.memory_space<hbm>> -> memref<8x64xi32, #tpu.memory_space<hbm>>
      tpu.wait_dma2 semaphore(%arg18 : memref<!tpu.dma_semaphore, #tpu.memory_space<semaphore_mem>>) src(%dma_wait3A_1347 : memref<8x64xi32, #tpu.memory_space<hbm>>) dst(%dma_wait3A_1343 : memref<8x64xi32, #tpu.memory_space<vmem>>)
      %dma_wait3A_1348 = arith.constant 1 : i32
      %dma_wait3A_1349 = arith.constant 0 : i32
      %dma_wait3A_1350 = arith.constant 0 : i32
      %dma_wait3A_1351 = arith.constant 0 : i32
      %dma_wait3A_1352 = arith.constant 0 : i32
      %dma_wait3A_1353 = tpu.memref_slice %arg10[%dma_wait3A_1350, %dma_wait3A_1351, %dma_wait3A_1352] : memref<2x8x64xi32, #tpu.memory_space<vmem>> -> memref<1x8x64xi32, #tpu.memory_space<vmem>>
      %dma_wait3A_1354 = tpu.memref_squeeze %dma_wait3A_1353 : memref<1x8x64xi32, #tpu.memory_space<vmem>> -> memref<8x64xi32, #tpu.memory_space<vmem>>
      %dma_wait3A_1355 = arith.constant 0 : i32
      %dma_wait3A_1356 = arith.constant 0 : i32
      %dma_wait3A_1357 = tpu.memref_slice %arg3[%dma_wait3A_1348, %arg0, %arg1, %dma_wait3A_1349, %dma_wait3A_1355, %dma_wait3A_1356] : memref<2x2x16x20x8x64xi32, #tpu.memory_space<hbm>> -> memref<1x1x1x1x8x64xi32, #tpu.memory_space<hbm>>
      %dma_wait3A_1358 = tpu.memref_squeeze %dma_wait3A_1357 : memref<1x1x1x1x8x64xi32, #tpu.memory_space<hbm>> -> memref<8x64xi32, #tpu.memory_space<hbm>>
      %dma_wait3A_1359 = arith.constant 0 : i32
      %dma_wait3A_1360 = arith.constant 0 : i32
      %dma_wait3A_1361 = tpu.memref_slice %arg10[%dma_wait3A_1350, %dma_wait3A_1359, %dma_wait3A_1360] : memref<2x8x64xi32, #tpu.memory_space<vmem>> -> memref<1x8x64xi32, #tpu.memory_space<vmem>>
      %dma_wait3A_1362 = tpu.memref_squeeze %dma_wait3A_1361 : memref<1x8x64xi32, #tpu.memory_space<vmem>> -> memref<8x64xi32, #tpu.memory_space<vmem>>
      %dma_wait3A_1363 = arith.constant 0 : i32
      %dma_wait3A_1364 = arith.constant 0 : i32
      %dma_wait3A_1365 = tpu.memref_slice %arg3[%dma_wait3A_1348, %arg0, %arg1, %dma_wait3A_1349, %dma_wait3A_1363, %dma_wait3A_1364] : memref<2x2x16x20x8x64xi32, #tpu.memory_space<hbm>> -> memref<1x1x1x1x8x64xi32, #tpu.memory_space<hbm>>
      %dma_wait3A_1366 = tpu.memref_squeeze %dma_wait3A_1365 : memref<1x1x1x1x8x64xi32, #tpu.memory_space<hbm>> -> memref<8x64xi32, #tpu.memory_space<hbm>>
      tpu.wait_dma2 semaphore(%arg18 : memref<!tpu.dma_semaphore, #tpu.memory_space<semaphore_mem>>) src(%dma_wait3A_1366 : memref<8x64xi32, #tpu.memory_space<hbm>>) dst(%dma_wait3A_1362 : memref<8x64xi32, #tpu.memory_space<vmem>>)
      %dma_start3A_1367 = arith.constant 0 : i32
      %dma_start3A_1368 = arith.constant 0 : i32
      %dma_start3A_1369 = arith.constant 0 : i32
      %dma_start3A_1370 = arith.constant 0 : i32
      %dma_start3A_1371 = arith.constant 0 : i32
      %dma_start3A_1372 = tpu.memref_slice %arg12[%dma_start3A_1369, %dma_start3A_1370, %dma_start3A_1371] : memref<2x64x128xf32, #tpu.memory_space<vmem>> -> memref<1x64x128xf32, #tpu.memory_space<vmem>>
      %dma_start3A_1373 = tpu.memref_squeeze %dma_start3A_1372 : memref<1x64x128xf32, #tpu.memory_space<vmem>> -> memref<64x128xf32, #tpu.memory_space<vmem>>
      %dma_start3A_1374 = arith.constant 0 : i32
      %dma_start3A_1375 = tpu.memref_slice %arg9[%dma_start3A_1367, %dma_start3A_1368, %dma_start3A_1374] : memref<2x8x64xi32, #tpu.memory_space<vmem>> -> memref<1x1x64xi32, #tpu.memory_space<vmem>>
      %dma_start3A_1376 = tpu.memref_squeeze %dma_start3A_1375 : memref<1x1x64xi32, #tpu.memory_space<vmem>> -> memref<64xi32, #tpu.memory_space<vmem>>
      %dma_start3A_1377 = arith.constant 0 : i32
      %dma_start3A_1378 = arith.constant 0 : i32
      %dma_start3A_1379 = tpu.memref_slice %arg2[%dma_start3A_1377, %dma_start3A_1378] : memref<10000x128xf32, #tpu.memory_space<hbm>> -> memref<10000x128xf32, #tpu.memory_space<hbm>>
      tpu.enqueue_indirect_dma source(%dma_start3A_1379 : memref<10000x128xf32, #tpu.memory_space<hbm>>) target(%dma_start3A_1373 : memref<64x128xf32, #tpu.memory_space<vmem>>) offsets(%dma_start3A_1376 : memref<64xi32, #tpu.memory_space<vmem>>) semaphore(%arg16 : memref<!tpu.dma_semaphore, #tpu.memory_space<semaphore_mem>>)
      %dma_wait3A_1380 = arith.constant 0 : i32
      %dma_wait3A_1381 = arith.constant 0 : i32
      %dma_wait3A_1382 = arith.constant 1 : i32
      %dma_wait3A_1383 = arith.constant 0 : i32
      %dma_wait3A_1384 = arith.constant 0 : i32
      %dma_wait3A_1385 = tpu.memref_slice %arg12[%dma_wait3A_1382, %dma_wait3A_1383, %dma_wait3A_1384] : memref<2x64x128xf32, #tpu.memory_space<vmem>> -> memref<1x64x128xf32, #tpu.memory_space<vmem>>
      %dma_wait3A_1386 = tpu.memref_squeeze %dma_wait3A_1385 : memref<1x64x128xf32, #tpu.memory_space<vmem>> -> memref<64x128xf32, #tpu.memory_space<vmem>>
      %dma_wait3A_1387 = arith.constant 0 : i32
      %dma_wait3A_1388 = tpu.memref_slice %arg9[%dma_wait3A_1380, %dma_wait3A_1381, %dma_wait3A_1387] : memref<2x8x64xi32, #tpu.memory_space<vmem>> -> memref<1x1x64xi32, #tpu.memory_space<vmem>>
      %dma_wait3A_1389 = tpu.memref_squeeze %dma_wait3A_1388 : memref<1x1x64xi32, #tpu.memory_space<vmem>> -> memref<64xi32, #tpu.memory_space<vmem>>
      %dma_wait3A_1390 = arith.constant 0 : i32
      %dma_wait3A_1391 = arith.constant 0 : i32
      %dma_wait3A_1392 = tpu.memref_slice %arg2[%dma_wait3A_1390, %dma_wait3A_1391] : memref<10000x128xf32, #tpu.memory_space<hbm>> -> memref<10000x128xf32, #tpu.memory_space<hbm>>
      tpu.wait_indirect_dma semaphore(%arg17 : memref<!tpu.dma_semaphore, #tpu.memory_space<semaphore_mem>>) src(%dma_wait3A_1392 : memref<10000x128xf32, #tpu.memory_space<hbm>>) dst(%dma_wait3A_1386 : memref<64x128xf32, #tpu.memory_space<vmem>>)
      %run_scoped3A_1393 = arith.constant 1 : i32
      %run_scoped3A_1394 = arith.constant 1 : i32
      %run_scoped3A_1395 = arith.constant 7 : i32
      "tpu.region"() ({
        %run_scoped3A_1449 = tpu.sem_alloc : memref<!tpu.dma_semaphore, #tpu.memory_space<semaphore_mem>>
        %dma_start3A_1450 = arith.constant 0 : i32
        %dma_start3A_1451 = arith.constant 0 : i32
        %dma_start3A_1452 = tpu.memref_slice %arg12[%run_scoped3A_1393, %dma_start3A_1450, %dma_start3A_1451] : memref<2x64x128xf32, #tpu.memory_space<vmem>> -> memref<1x64x128xf32, #tpu.memory_space<vmem>>
        %dma_start3A_1453 = tpu.memref_squeeze %dma_start3A_1452 : memref<1x64x128xf32, #tpu.memory_space<vmem>> -> memref<64x128xf32, #tpu.memory_space<vmem>>
        %dma_start3A_1454 = arith.constant 0 : i32
        %dma_start3A_1455 = tpu.memref_slice %arg10[%run_scoped3A_1394, %run_scoped3A_1395, %dma_start3A_1454] : memref<2x8x64xi32, #tpu.memory_space<vmem>> -> memref<1x1x64xi32, #tpu.memory_space<vmem>>
        %dma_start3A_1456 = tpu.memref_squeeze %dma_start3A_1455 : memref<1x1x64xi32, #tpu.memory_space<vmem>> -> memref<64xi32, #tpu.memory_space<vmem>>
        %dma_start3A_1457 = arith.constant 0 : i32
        %dma_start3A_1458 = arith.constant 0 : i32
        %dma_start3A_1459 = tpu.memref_slice %arg15[%dma_start3A_1457, %dma_start3A_1458] : memref<10240x128xf32, #tpu.memory_space<vmem_shared>> -> memref<10240x128xf32, #tpu.memory_space<vmem_shared>>
        tpu.enqueue_indirect_dma source(%dma_start3A_1453 : memref<64x128xf32, #tpu.memory_space<vmem>>) target(%dma_start3A_1459 : memref<10240x128xf32, #tpu.memory_space<vmem_shared>>) offsets(%dma_start3A_1456 : memref<64xi32, #tpu.memory_space<vmem>>) semaphore(%run_scoped3A_1449 : memref<!tpu.dma_semaphore, #tpu.memory_space<semaphore_mem>>) {add = true}
        %dma_wait3A_1460 = arith.constant 0 : i32
        %dma_wait3A_1461 = arith.constant 0 : i32
        %dma_wait3A_1462 = tpu.memref_slice %arg12[%run_scoped3A_1393, %dma_wait3A_1460, %dma_wait3A_1461] : memref<2x64x128xf32, #tpu.memory_space<vmem>> -> memref<1x64x128xf32, #tpu.memory_space<vmem>>
        %dma_wait3A_1463 = tpu.memref_squeeze %dma_wait3A_1462 : memref<1x64x128xf32, #tpu.memory_space<vmem>> -> memref<64x128xf32, #tpu.memory_space<vmem>>
        %dma_wait3A_1464 = arith.constant 0 : i32
        %dma_wait3A_1465 = tpu.memref_slice %arg10[%run_scoped3A_1394, %run_scoped3A_1395, %dma_wait3A_1464] : memref<2x8x64xi32, #tpu.memory_space<vmem>> -> memref<1x1x64xi32, #tpu.memory_space<vmem>>
        %dma_wait3A_1466 = tpu.memref_squeeze %dma_wait3A_1465 : memref<1x1x64xi32, #tpu.memory_space<vmem>> -> memref<64xi32, #tpu.memory_space<vmem>>
        %dma_wait3A_1467 = arith.constant 0 : i32
        %dma_wait3A_1468 = arith.constant 0 : i32
        %dma_wait3A_1469 = tpu.memref_slice %arg15[%dma_wait3A_1467, %dma_wait3A_1468] : memref<10240x128xf32, #tpu.memory_space<vmem_shared>> -> memref<10240x128xf32, #tpu.memory_space<vmem_shared>>
        tpu.wait_indirect_dma semaphore(%run_scoped3A_1449 : memref<!tpu.dma_semaphore, #tpu.memory_space<semaphore_mem>>) src(%dma_wait3A_1463 : memref<64x128xf32, #tpu.memory_space<vmem>>) dst(%dma_wait3A_1469 : memref<10240x128xf32, #tpu.memory_space<vmem_shared>>)
        tpu.yield
      }) : () -> ()
      %mul3A_1396 = arith.constant 2 : i32
      %mul3A_1397 = arith.muli %mul3A_1396, %scan3A_828 : i32
      %add3A_1398 = arith.constant 3 : i32
      %add3A_1399 = arith.addi %mul3A_1397, %add3A_1398 : i32
      %dma_start3A_1400 = arith.constant 0 : i32
      %dma_start3A_1401 = arith.constant 1 : i32
      %dma_start3A_1402 = arith.constant 0 : i32
      %dma_start3A_1403 = arith.constant 0 : i32
      %dma_start3A_1404 = tpu.memref_slice %arg9[%dma_start3A_1401, %dma_start3A_1402, %dma_start3A_1403] : memref<2x8x64xi32, #tpu.memory_space<vmem>> -> memref<1x8x64xi32, #tpu.memory_space<vmem>>
      %dma_start3A_1405 = tpu.memref_squeeze %dma_start3A_1404 : memref<1x8x64xi32, #tpu.memory_space<vmem>> -> memref<8x64xi32, #tpu.memory_space<vmem>>
      %dma_start3A_1406 = arith.constant 0 : i32
      %dma_start3A_1407 = arith.constant 0 : i32
      %dma_start3A_1408 = tpu.memref_slice %arg3[%dma_start3A_1400, %arg0, %arg1, %add3A_1399, %dma_start3A_1406, %dma_start3A_1407] : memref<2x2x16x20x8x64xi32, #tpu.memory_space<hbm>> -> memref<1x1x1x1x8x64xi32, #tpu.memory_space<hbm>>
      %dma_start3A_1409 = tpu.memref_squeeze %dma_start3A_1408 : memref<1x1x1x1x8x64xi32, #tpu.memory_space<hbm>> -> memref<8x64xi32, #tpu.memory_space<hbm>>
      %dma_start3A_1410 = arith.constant 0 : i32
      %dma_start3A_1411 = arith.constant 0 : i32
      %dma_start3A_1412 = tpu.memref_slice %arg9[%dma_start3A_1401, %dma_start3A_1410, %dma_start3A_1411] : memref<2x8x64xi32, #tpu.memory_space<vmem>> -> memref<1x8x64xi32, #tpu.memory_space<vmem>>
      %dma_start3A_1413 = tpu.memref_squeeze %dma_start3A_1412 : memref<1x8x64xi32, #tpu.memory_space<vmem>> -> memref<8x64xi32, #tpu.memory_space<vmem>>
      %dma_start3A_1414 = arith.constant 0 : i32
      %dma_start3A_1415 = arith.constant 0 : i32
      %dma_start3A_1416 = tpu.memref_slice %arg3[%dma_start3A_1400, %arg0, %arg1, %add3A_1399, %dma_start3A_1414, %dma_start3A_1415] : memref<2x2x16x20x8x64xi32, #tpu.memory_space<hbm>> -> memref<1x1x1x1x8x64xi32, #tpu.memory_space<hbm>>
      %dma_start3A_1417 = tpu.memref_squeeze %dma_start3A_1416 : memref<1x1x1x1x8x64xi32, #tpu.memory_space<hbm>> -> memref<8x64xi32, #tpu.memory_space<hbm>>
      tpu.enqueue_dma source(%dma_start3A_1417 : memref<8x64xi32, #tpu.memory_space<hbm>>) target(%dma_start3A_1413 : memref<8x64xi32, #tpu.memory_space<vmem>>) target_semaphore(%arg19 : memref<!tpu.dma_semaphore, #tpu.memory_space<semaphore_mem>>)
      %dma_start3A_1418 = arith.constant 1 : i32
      %dma_start3A_1419 = arith.constant 1 : i32
      %dma_start3A_1420 = arith.constant 0 : i32
      %dma_start3A_1421 = arith.constant 0 : i32
      %dma_start3A_1422 = tpu.memref_slice %arg10[%dma_start3A_1419, %dma_start3A_1420, %dma_start3A_1421] : memref<2x8x64xi32, #tpu.memory_space<vmem>> -> memref<1x8x64xi32, #tpu.memory_space<vmem>>
      %dma_start3A_1423 = tpu.memref_squeeze %dma_start3A_1422 : memref<1x8x64xi32, #tpu.memory_space<vmem>> -> memref<8x64xi32, #tpu.memory_space<vmem>>
      %dma_start3A_1424 = arith.constant 0 : i32
      %dma_start3A_1425 = arith.constant 0 : i32
      %dma_start3A_1426 = tpu.memref_slice %arg3[%dma_start3A_1418, %arg0, %arg1, %add3A_1399, %dma_start3A_1424, %dma_start3A_1425] : memref<2x2x16x20x8x64xi32, #tpu.memory_space<hbm>> -> memref<1x1x1x1x8x64xi32, #tpu.memory_space<hbm>>
      %dma_start3A_1427 = tpu.memref_squeeze %dma_start3A_1426 : memref<1x1x1x1x8x64xi32, #tpu.memory_space<hbm>> -> memref<8x64xi32, #tpu.memory_space<hbm>>
      %dma_start3A_1428 = arith.constant 0 : i32
      %dma_start3A_1429 = arith.constant 0 : i32
      %dma_start3A_1430 = tpu.memref_slice %arg10[%dma_start3A_1419, %dma_start3A_1428, %dma_start3A_1429] : memref<2x8x64xi32, #tpu.memory_space<vmem>> -> memref<1x8x64xi32, #tpu.memory_space<vmem>>
      %dma_start3A_1431 = tpu.memref_squeeze %dma_start3A_1430 : memref<1x8x64xi32, #tpu.memory_space<vmem>> -> memref<8x64xi32, #tpu.memory_space<vmem>>
      %dma_start3A_1432 = arith.constant 0 : i32
      %dma_start3A_1433 = arith.constant 0 : i32
      %dma_start3A_1434 = tpu.memref_slice %arg3[%dma_start3A_1418, %arg0, %arg1, %add3A_1399, %dma_start3A_1432, %dma_start3A_1433] : memref<2x2x16x20x8x64xi32, #tpu.memory_space<hbm>> -> memref<1x1x1x1x8x64xi32, #tpu.memory_space<hbm>>
      %dma_start3A_1435 = tpu.memref_squeeze %dma_start3A_1434 : memref<1x1x1x1x8x64xi32, #tpu.memory_space<hbm>> -> memref<8x64xi32, #tpu.memory_space<hbm>>
      tpu.enqueue_dma source(%dma_start3A_1435 : memref<8x64xi32, #tpu.memory_space<hbm>>) target(%dma_start3A_1431 : memref<8x64xi32, #tpu.memory_space<vmem>>) target_semaphore(%arg19 : memref<!tpu.dma_semaphore, #tpu.memory_space<semaphore_mem>>)
      %dma_start3A_1436 = arith.constant 0 : i32
      %dma_start3A_1437 = arith.constant 1 : i32
      %dma_start3A_1438 = arith.constant 1 : i32
      %dma_start3A_1439 = arith.constant 0 : i32
      %dma_start3A_1440 = arith.constant 0 : i32
      %dma_start3A_1441 = tpu.memref_slice %arg12[%dma_start3A_1438, %dma_start3A_1439, %dma_start3A_1440] : memref<2x64x128xf32, #tpu.memory_space<vmem>> -> memref<1x64x128xf32, #tpu.memory_space<vmem>>
      %dma_start3A_1442 = tpu.memref_squeeze %dma_start3A_1441 : memref<1x64x128xf32, #tpu.memory_space<vmem>> -> memref<64x128xf32, #tpu.memory_space<vmem>>
      %dma_start3A_1443 = arith.constant 0 : i32
      %dma_start3A_1444 = tpu.memref_slice %arg9[%dma_start3A_1436, %dma_start3A_1437, %dma_start3A_1443] : memref<2x8x64xi32, #tpu.memory_space<vmem>> -> memref<1x1x64xi32, #tpu.memory_space<vmem>>
      %dma_start3A_1445 = tpu.memref_squeeze %dma_start3A_1444 : memref<1x1x64xi32, #tpu.memory_space<vmem>> -> memref<64xi32, #tpu.memory_space<vmem>>
      %dma_start3A_1446 = arith.constant 0 : i32
      %dma_start3A_1447 = arith.constant 0 : i32
      %dma_start3A_1448 = tpu.memref_slice %arg2[%dma_start3A_1446, %dma_start3A_1447] : memref<10000x128xf32, #tpu.memory_space<hbm>> -> memref<10000x128xf32, #tpu.memory_space<hbm>>
      tpu.enqueue_indirect_dma source(%dma_start3A_1448 : memref<10000x128xf32, #tpu.memory_space<hbm>>) target(%dma_start3A_1442 : memref<64x128xf32, #tpu.memory_space<vmem>>) offsets(%dma_start3A_1445 : memref<64xi32, #tpu.memory_space<vmem>>) semaphore(%arg17 : memref<!tpu.dma_semaphore, #tpu.memory_space<semaphore_mem>>)
    }
    %scan3A_158 = arith.constant 9 : i32
    %dma_wait3A_159 = arith.constant 0 : i32
    %dma_wait3A_160 = arith.constant 0 : i32
    %dma_wait3A_161 = arith.constant 0 : i32
    %dma_wait3A_162 = arith.constant 0 : i32
    %dma_wait3A_163 = arith.constant 0 : i32
    %dma_wait3A_164 = tpu.memref_slice %arg12[%dma_wait3A_161, %dma_wait3A_162, %dma_wait3A_163] : memref<2x64x128xf32, #tpu.memory_space<vmem>> -> memref<1x64x128xf32, #tpu.memory_space<vmem>>
    %dma_wait3A_165 = tpu.memref_squeeze %dma_wait3A_164 : memref<1x64x128xf32, #tpu.memory_space<vmem>> -> memref<64x128xf32, #tpu.memory_space<vmem>>
    %dma_wait3A_166 = arith.constant 0 : i32
    %dma_wait3A_167 = tpu.memref_slice %arg9[%dma_wait3A_159, %dma_wait3A_160, %dma_wait3A_166] : memref<2x8x64xi32, #tpu.memory_space<vmem>> -> memref<1x1x64xi32, #tpu.memory_space<vmem>>
    %dma_wait3A_168 = tpu.memref_squeeze %dma_wait3A_167 : memref<1x1x64xi32, #tpu.memory_space<vmem>> -> memref<64xi32, #tpu.memory_space<vmem>>
    %dma_wait3A_169 = arith.constant 0 : i32
    %dma_wait3A_170 = arith.constant 0 : i32
    %dma_wait3A_171 = tpu.memref_slice %arg2[%dma_wait3A_169, %dma_wait3A_170] : memref<10000x128xf32, #tpu.memory_space<hbm>> -> memref<10000x128xf32, #tpu.memory_space<hbm>>
    tpu.wait_indirect_dma semaphore(%arg16 : memref<!tpu.dma_semaphore, #tpu.memory_space<semaphore_mem>>) src(%dma_wait3A_171 : memref<10000x128xf32, #tpu.memory_space<hbm>>) dst(%dma_wait3A_165 : memref<64x128xf32, #tpu.memory_space<vmem>>)
    %run_scoped3A = arith.constant 0 : i32
    %run_scoped3A_172 = arith.constant 0 : i32
    %run_scoped3A_173 = arith.constant 0 : i32
    "tpu.region"() ({
      %run_scoped3A_828 = tpu.sem_alloc : memref<!tpu.dma_semaphore, #tpu.memory_space<semaphore_mem>>
      %dma_start3A_829 = arith.constant 0 : i32
      %dma_start3A_830 = arith.constant 0 : i32
      %dma_start3A_831 = tpu.memref_slice %arg12[%run_scoped3A, %dma_start3A_829, %dma_start3A_830] : memref<2x64x128xf32, #tpu.memory_space<vmem>> -> memref<1x64x128xf32, #tpu.memory_space<vmem>>
      %dma_start3A_832 = tpu.memref_squeeze %dma_start3A_831 : memref<1x64x128xf32, #tpu.memory_space<vmem>> -> memref<64x128xf32, #tpu.memory_space<vmem>>
      %dma_start3A_833 = arith.constant 0 : i32
      %dma_start3A_834 = tpu.memref_slice %arg10[%run_scoped3A_172, %run_scoped3A_173, %dma_start3A_833] : memref<2x8x64xi32, #tpu.memory_space<vmem>> -> memref<1x1x64xi32, #tpu.memory_space<vmem>>
      %dma_start3A_835 = tpu.memref_squeeze %dma_start3A_834 : memref<1x1x64xi32, #tpu.memory_space<vmem>> -> memref<64xi32, #tpu.memory_space<vmem>>
      %dma_start3A_836 = arith.constant 0 : i32
      %dma_start3A_837 = arith.constant 0 : i32
      %dma_start3A_838 = tpu.memref_slice %arg15[%dma_start3A_836, %dma_start3A_837] : memref<10240x128xf32, #tpu.memory_space<vmem_shared>> -> memref<10240x128xf32, #tpu.memory_space<vmem_shared>>
      tpu.enqueue_indirect_dma source(%dma_start3A_832 : memref<64x128xf32, #tpu.memory_space<vmem>>) target(%dma_start3A_838 : memref<10240x128xf32, #tpu.memory_space<vmem_shared>>) offsets(%dma_start3A_835 : memref<64xi32, #tpu.memory_space<vmem>>) semaphore(%run_scoped3A_828 : memref<!tpu.dma_semaphore, #tpu.memory_space<semaphore_mem>>) {add = true}
      %dma_wait3A_839 = arith.constant 0 : i32
      %dma_wait3A_840 = arith.constant 0 : i32
      %dma_wait3A_841 = tpu.memref_slice %arg12[%run_scoped3A, %dma_wait3A_839, %dma_wait3A_840] : memref<2x64x128xf32, #tpu.memory_space<vmem>> -> memref<1x64x128xf32, #tpu.memory_space<vmem>>
      %dma_wait3A_842 = tpu.memref_squeeze %dma_wait3A_841 : memref<1x64x128xf32, #tpu.memory_space<vmem>> -> memref<64x128xf32, #tpu.memory_space<vmem>>
      %dma_wait3A_843 = arith.constant 0 : i32
      %dma_wait3A_844 = tpu.memref_slice %arg10[%run_scoped3A_172, %run_scoped3A_173, %dma_wait3A_843] : memref<2x8x64xi32, #tpu.memory_space<vmem>> -> memref<1x1x64xi32, #tpu.memory_space<vmem>>
      %dma_wait3A_845 = tpu.memref_squeeze %dma_wait3A_844 : memref<1x1x64xi32, #tpu.memory_space<vmem>> -> memref<64xi32, #tpu.memory_space<vmem>>
      %dma_wait3A_846 = arith.constant 0 : i32
      %dma_wait3A_847 = arith.constant 0 : i32
      %dma_wait3A_848 = tpu.memref_slice %arg15[%dma_wait3A_846, %dma_wait3A_847] : memref<10240x128xf32, #tpu.memory_space<vmem_shared>> -> memref<10240x128xf32, #tpu.memory_space<vmem_shared>>
      tpu.wait_indirect_dma semaphore(%run_scoped3A_828 : memref<!tpu.dma_semaphore, #tpu.memory_space<semaphore_mem>>) src(%dma_wait3A_842 : memref<64x128xf32, #tpu.memory_space<vmem>>) dst(%dma_wait3A_848 : memref<10240x128xf32, #tpu.memory_space<vmem_shared>>)
      tpu.yield
    }) : () -> ()
    %dma_start3A_174 = arith.constant 0 : i32
    %dma_start3A_175 = arith.constant 2 : i32
    %dma_start3A_176 = arith.constant 0 : i32
    %dma_start3A_177 = arith.constant 0 : i32
    %dma_start3A_178 = arith.constant 0 : i32
    %dma_start3A_179 = tpu.memref_slice %arg12[%dma_start3A_176, %dma_start3A_177, %dma_start3A_178] : memref<2x64x128xf32, #tpu.memory_space<vmem>> -> memref<1x64x128xf32, #tpu.memory_space<vmem>>
    %dma_start3A_180 = tpu.memref_squeeze %dma_start3A_179 : memref<1x64x128xf32, #tpu.memory_space<vmem>> -> memref<64x128xf32, #tpu.memory_space<vmem>>
    %dma_start3A_181 = arith.constant 0 : i32
    %dma_start3A_182 = tpu.memref_slice %arg9[%dma_start3A_174, %dma_start3A_175, %dma_start3A_181] : memref<2x8x64xi32, #tpu.memory_space<vmem>> -> memref<1x1x64xi32, #tpu.memory_space<vmem>>
    %dma_start3A_183 = tpu.memref_squeeze %dma_start3A_182 : memref<1x1x64xi32, #tpu.memory_space<vmem>> -> memref<64xi32, #tpu.memory_space<vmem>>
    %dma_start3A_184 = arith.constant 0 : i32
    %dma_start3A_185 = arith.constant 0 : i32
    %dma_start3A_186 = tpu.memref_slice %arg2[%dma_start3A_184, %dma_start3A_185] : memref<10000x128xf32, #tpu.memory_space<hbm>> -> memref<10000x128xf32, #tpu.memory_space<hbm>>
    tpu.enqueue_indirect_dma source(%dma_start3A_186 : memref<10000x128xf32, #tpu.memory_space<hbm>>) target(%dma_start3A_180 : memref<64x128xf32, #tpu.memory_space<vmem>>) offsets(%dma_start3A_183 : memref<64xi32, #tpu.memory_space<vmem>>) semaphore(%arg16 : memref<!tpu.dma_semaphore, #tpu.memory_space<semaphore_mem>>)
    %dma_wait3A_187 = arith.constant 0 : i32
    %dma_wait3A_188 = arith.constant 0 : i32
    %dma_wait3A_189 = arith.constant 1 : i32
    %dma_wait3A_190 = arith.constant 0 : i32
    %dma_wait3A_191 = arith.constant 0 : i32
    %dma_wait3A_192 = tpu.memref_slice %arg12[%dma_wait3A_189, %dma_wait3A_190, %dma_wait3A_191] : memref<2x64x128xf32, #tpu.memory_space<vmem>> -> memref<1x64x128xf32, #tpu.memory_space<vmem>>
    %dma_wait3A_193 = tpu.memref_squeeze %dma_wait3A_192 : memref<1x64x128xf32, #tpu.memory_space<vmem>> -> memref<64x128xf32, #tpu.memory_space<vmem>>
    %dma_wait3A_194 = arith.constant 0 : i32
    %dma_wait3A_195 = tpu.memref_slice %arg9[%dma_wait3A_187, %dma_wait3A_188, %dma_wait3A_194] : memref<2x8x64xi32, #tpu.memory_space<vmem>> -> memref<1x1x64xi32, #tpu.memory_space<vmem>>
    %dma_wait3A_196 = tpu.memref_squeeze %dma_wait3A_195 : memref<1x1x64xi32, #tpu.memory_space<vmem>> -> memref<64xi32, #tpu.memory_space<vmem>>
    %dma_wait3A_197 = arith.constant 0 : i32
    %dma_wait3A_198 = arith.constant 0 : i32
    %dma_wait3A_199 = tpu.memref_slice %arg2[%dma_wait3A_197, %dma_wait3A_198] : memref<10000x128xf32, #tpu.memory_space<hbm>> -> memref<10000x128xf32, #tpu.memory_space<hbm>>
    tpu.wait_indirect_dma semaphore(%arg17 : memref<!tpu.dma_semaphore, #tpu.memory_space<semaphore_mem>>) src(%dma_wait3A_199 : memref<10000x128xf32, #tpu.memory_space<hbm>>) dst(%dma_wait3A_193 : memref<64x128xf32, #tpu.memory_space<vmem>>)
    %run_scoped3A_200 = arith.constant 1 : i32
    %run_scoped3A_201 = arith.constant 0 : i32
    %run_scoped3A_202 = arith.constant 1 : i32
    "tpu.region"() ({
      %run_scoped3A_828 = tpu.sem_alloc : memref<!tpu.dma_semaphore, #tpu.memory_space<semaphore_mem>>
      %dma_start3A_829 = arith.constant 0 : i32
      %dma_start3A_830 = arith.constant 0 : i32
      %dma_start3A_831 = tpu.memref_slice %arg12[%run_scoped3A_200, %dma_start3A_829, %dma_start3A_830] : memref<2x64x128xf32, #tpu.memory_space<vmem>> -> memref<1x64x128xf32, #tpu.memory_space<vmem>>
      %dma_start3A_832 = tpu.memref_squeeze %dma_start3A_831 : memref<1x64x128xf32, #tpu.memory_space<vmem>> -> memref<64x128xf32, #tpu.memory_space<vmem>>
      %dma_start3A_833 = arith.constant 0 : i32
      %dma_start3A_834 = tpu.memref_slice %arg10[%run_scoped3A_201, %run_scoped3A_202, %dma_start3A_833] : memref<2x8x64xi32, #tpu.memory_space<vmem>> -> memref<1x1x64xi32, #tpu.memory_space<vmem>>
      %dma_start3A_835 = tpu.memref_squeeze %dma_start3A_834 : memref<1x1x64xi32, #tpu.memory_space<vmem>> -> memref<64xi32, #tpu.memory_space<vmem>>
      %dma_start3A_836 = arith.constant 0 : i32
      %dma_start3A_837 = arith.constant 0 : i32
      %dma_start3A_838 = tpu.memref_slice %arg15[%dma_start3A_836, %dma_start3A_837] : memref<10240x128xf32, #tpu.memory_space<vmem_shared>> -> memref<10240x128xf32, #tpu.memory_space<vmem_shared>>
      tpu.enqueue_indirect_dma source(%dma_start3A_832 : memref<64x128xf32, #tpu.memory_space<vmem>>) target(%dma_start3A_838 : memref<10240x128xf32, #tpu.memory_space<vmem_shared>>) offsets(%dma_start3A_835 : memref<64xi32, #tpu.memory_space<vmem>>) semaphore(%run_scoped3A_828 : memref<!tpu.dma_semaphore, #tpu.memory_space<semaphore_mem>>) {add = true}
      %dma_wait3A_839 = arith.constant 0 : i32
      %dma_wait3A_840 = arith.constant 0 : i32
      %dma_wait3A_841 = tpu.memref_slice %arg12[%run_scoped3A_200, %dma_wait3A_839, %dma_wait3A_840] : memref<2x64x128xf32, #tpu.memory_space<vmem>> -> memref<1x64x128xf32, #tpu.memory_space<vmem>>
      %dma_wait3A_842 = tpu.memref_squeeze %dma_wait3A_841 : memref<1x64x128xf32, #tpu.memory_space<vmem>> -> memref<64x128xf32, #tpu.memory_space<vmem>>
      %dma_wait3A_843 = arith.constant 0 : i32
      %dma_wait3A_844 = tpu.memref_slice %arg10[%run_scoped3A_201, %run_scoped3A_202, %dma_wait3A_843] : memref<2x8x64xi32, #tpu.memory_space<vmem>> -> memref<1x1x64xi32, #tpu.memory_space<vmem>>
      %dma_wait3A_845 = tpu.memref_squeeze %dma_wait3A_844 : memref<1x1x64xi32, #tpu.memory_space<vmem>> -> memref<64xi32, #tpu.memory_space<vmem>>
      %dma_wait3A_846 = arith.constant 0 : i32
      %dma_wait3A_847 = arith.constant 0 : i32
      %dma_wait3A_848 = tpu.memref_slice %arg15[%dma_wait3A_846, %dma_wait3A_847] : memref<10240x128xf32, #tpu.memory_space<vmem_shared>> -> memref<10240x128xf32, #tpu.memory_space<vmem_shared>>
      tpu.wait_indirect_dma semaphore(%run_scoped3A_828 : memref<!tpu.dma_semaphore, #tpu.memory_space<semaphore_mem>>) src(%dma_wait3A_842 : memref<64x128xf32, #tpu.memory_space<vmem>>) dst(%dma_wait3A_848 : memref<10240x128xf32, #tpu.memory_space<vmem_shared>>)
      tpu.yield
    }) : () -> ()
    %dma_start3A_203 = arith.constant 0 : i32
    %dma_start3A_204 = arith.constant 3 : i32
    %dma_start3A_205 = arith.constant 1 : i32
    %dma_start3A_206 = arith.constant 0 : i32
    %dma_start3A_207 = arith.constant 0 : i32
    %dma_start3A_208 = tpu.memref_slice %arg12[%dma_start3A_205, %dma_start3A_206, %dma_start3A_207] : memref<2x64x128xf32, #tpu.memory_space<vmem>> -> memref<1x64x128xf32, #tpu.memory_space<vmem>>
    %dma_start3A_209 = tpu.memref_squeeze %dma_start3A_208 : memref<1x64x128xf32, #tpu.memory_space<vmem>> -> memref<64x128xf32, #tpu.memory_space<vmem>>
    %dma_start3A_210 = arith.constant 0 : i32
    %dma_start3A_211 = tpu.memref_slice %arg9[%dma_start3A_203, %dma_start3A_204, %dma_start3A_210] : memref<2x8x64xi32, #tpu.memory_space<vmem>> -> memref<1x1x64xi32, #tpu.memory_space<vmem>>
    %dma_start3A_212 = tpu.memref_squeeze %dma_start3A_211 : memref<1x1x64xi32, #tpu.memory_space<vmem>> -> memref<64xi32, #tpu.memory_space<vmem>>
    %dma_start3A_213 = arith.constant 0 : i32
    %dma_start3A_214 = arith.constant 0 : i32
    %dma_start3A_215 = tpu.memref_slice %arg2[%dma_start3A_213, %dma_start3A_214] : memref<10000x128xf32, #tpu.memory_space<hbm>> -> memref<10000x128xf32, #tpu.memory_space<hbm>>
    tpu.enqueue_indirect_dma source(%dma_start3A_215 : memref<10000x128xf32, #tpu.memory_space<hbm>>) target(%dma_start3A_209 : memref<64x128xf32, #tpu.memory_space<vmem>>) offsets(%dma_start3A_212 : memref<64xi32, #tpu.memory_space<vmem>>) semaphore(%arg17 : memref<!tpu.dma_semaphore, #tpu.memory_space<semaphore_mem>>)
    %dma_wait3A_216 = arith.constant 0 : i32
    %dma_wait3A_217 = arith.constant 0 : i32
    %dma_wait3A_218 = arith.constant 0 : i32
    %dma_wait3A_219 = arith.constant 0 : i32
    %dma_wait3A_220 = arith.constant 0 : i32
    %dma_wait3A_221 = tpu.memref_slice %arg12[%dma_wait3A_218, %dma_wait3A_219, %dma_wait3A_220] : memref<2x64x128xf32, #tpu.memory_space<vmem>> -> memref<1x64x128xf32, #tpu.memory_space<vmem>>
    %dma_wait3A_222 = tpu.memref_squeeze %dma_wait3A_221 : memref<1x64x128xf32, #tpu.memory_space<vmem>> -> memref<64x128xf32, #tpu.memory_space<vmem>>
    %dma_wait3A_223 = arith.constant 0 : i32
    %dma_wait3A_224 = tpu.memref_slice %arg9[%dma_wait3A_216, %dma_wait3A_217, %dma_wait3A_223] : memref<2x8x64xi32, #tpu.memory_space<vmem>> -> memref<1x1x64xi32, #tpu.memory_space<vmem>>
    %dma_wait3A_225 = tpu.memref_squeeze %dma_wait3A_224 : memref<1x1x64xi32, #tpu.memory_space<vmem>> -> memref<64xi32, #tpu.memory_space<vmem>>
    %dma_wait3A_226 = arith.constant 0 : i32
    %dma_wait3A_227 = arith.constant 0 : i32
    %dma_wait3A_228 = tpu.memref_slice %arg2[%dma_wait3A_226, %dma_wait3A_227] : memref<10000x128xf32, #tpu.memory_space<hbm>> -> memref<10000x128xf32, #tpu.memory_space<hbm>>
    tpu.wait_indirect_dma semaphore(%arg16 : memref<!tpu.dma_semaphore, #tpu.memory_space<semaphore_mem>>) src(%dma_wait3A_228 : memref<10000x128xf32, #tpu.memory_space<hbm>>) dst(%dma_wait3A_222 : memref<64x128xf32, #tpu.memory_space<vmem>>)
    %run_scoped3A_229 = arith.constant 0 : i32
    %run_scoped3A_230 = arith.constant 0 : i32
    %run_scoped3A_231 = arith.constant 2 : i32
    "tpu.region"() ({
      %run_scoped3A_828 = tpu.sem_alloc : memref<!tpu.dma_semaphore, #tpu.memory_space<semaphore_mem>>
      %dma_start3A_829 = arith.constant 0 : i32
      %dma_start3A_830 = arith.constant 0 : i32
      %dma_start3A_831 = tpu.memref_slice %arg12[%run_scoped3A_229, %dma_start3A_829, %dma_start3A_830] : memref<2x64x128xf32, #tpu.memory_space<vmem>> -> memref<1x64x128xf32, #tpu.memory_space<vmem>>
      %dma_start3A_832 = tpu.memref_squeeze %dma_start3A_831 : memref<1x64x128xf32, #tpu.memory_space<vmem>> -> memref<64x128xf32, #tpu.memory_space<vmem>>
      %dma_start3A_833 = arith.constant 0 : i32
      %dma_start3A_834 = tpu.memref_slice %arg10[%run_scoped3A_230, %run_scoped3A_231, %dma_start3A_833] : memref<2x8x64xi32, #tpu.memory_space<vmem>> -> memref<1x1x64xi32, #tpu.memory_space<vmem>>
      %dma_start3A_835 = tpu.memref_squeeze %dma_start3A_834 : memref<1x1x64xi32, #tpu.memory_space<vmem>> -> memref<64xi32, #tpu.memory_space<vmem>>
      %dma_start3A_836 = arith.constant 0 : i32
      %dma_start3A_837 = arith.constant 0 : i32
      %dma_start3A_838 = tpu.memref_slice %arg15[%dma_start3A_836, %dma_start3A_837] : memref<10240x128xf32, #tpu.memory_space<vmem_shared>> -> memref<10240x128xf32, #tpu.memory_space<vmem_shared>>
      tpu.enqueue_indirect_dma source(%dma_start3A_832 : memref<64x128xf32, #tpu.memory_space<vmem>>) target(%dma_start3A_838 : memref<10240x128xf32, #tpu.memory_space<vmem_shared>>) offsets(%dma_start3A_835 : memref<64xi32, #tpu.memory_space<vmem>>) semaphore(%run_scoped3A_828 : memref<!tpu.dma_semaphore, #tpu.memory_space<semaphore_mem>>) {add = true}
      %dma_wait3A_839 = arith.constant 0 : i32
      %dma_wait3A_840 = arith.constant 0 : i32
      %dma_wait3A_841 = tpu.memref_slice %arg12[%run_scoped3A_229, %dma_wait3A_839, %dma_wait3A_840] : memref<2x64x128xf32, #tpu.memory_space<vmem>> -> memref<1x64x128xf32, #tpu.memory_space<vmem>>
      %dma_wait3A_842 = tpu.memref_squeeze %dma_wait3A_841 : memref<1x64x128xf32, #tpu.memory_space<vmem>> -> memref<64x128xf32, #tpu.memory_space<vmem>>
      %dma_wait3A_843 = arith.constant 0 : i32
      %dma_wait3A_844 = tpu.memref_slice %arg10[%run_scoped3A_230, %run_scoped3A_231, %dma_wait3A_843] : memref<2x8x64xi32, #tpu.memory_space<vmem>> -> memref<1x1x64xi32, #tpu.memory_space<vmem>>
      %dma_wait3A_845 = tpu.memref_squeeze %dma_wait3A_844 : memref<1x1x64xi32, #tpu.memory_space<vmem>> -> memref<64xi32, #tpu.memory_space<vmem>>
      %dma_wait3A_846 = arith.constant 0 : i32
      %dma_wait3A_847 = arith.constant 0 : i32
      %dma_wait3A_848 = tpu.memref_slice %arg15[%dma_wait3A_846, %dma_wait3A_847] : memref<10240x128xf32, #tpu.memory_space<vmem_shared>> -> memref<10240x128xf32, #tpu.memory_space<vmem_shared>>
      tpu.wait_indirect_dma semaphore(%run_scoped3A_828 : memref<!tpu.dma_semaphore, #tpu.memory_space<semaphore_mem>>) src(%dma_wait3A_842 : memref<64x128xf32, #tpu.memory_space<vmem>>) dst(%dma_wait3A_848 : memref<10240x128xf32, #tpu.memory_space<vmem_shared>>)
      tpu.yield
    }) : () -> ()
    %dma_start3A_232 = arith.constant 0 : i32
    %dma_start3A_233 = arith.constant 4 : i32
    %dma_start3A_234 = arith.constant 0 : i32
    %dma_start3A_235 = arith.constant 0 : i32
    %dma_start3A_236 = arith.constant 0 : i32
    %dma_start3A_237 = tpu.memref_slice %arg12[%dma_start3A_234, %dma_start3A_235, %dma_start3A_236] : memref<2x64x128xf32, #tpu.memory_space<vmem>> -> memref<1x64x128xf32, #tpu.memory_space<vmem>>
    %dma_start3A_238 = tpu.memref_squeeze %dma_start3A_237 : memref<1x64x128xf32, #tpu.memory_space<vmem>> -> memref<64x128xf32, #tpu.memory_space<vmem>>
    %dma_start3A_239 = arith.constant 0 : i32
    %dma_start3A_240 = tpu.memref_slice %arg9[%dma_start3A_232, %dma_start3A_233, %dma_start3A_239] : memref<2x8x64xi32, #tpu.memory_space<vmem>> -> memref<1x1x64xi32, #tpu.memory_space<vmem>>
    %dma_start3A_241 = tpu.memref_squeeze %dma_start3A_240 : memref<1x1x64xi32, #tpu.memory_space<vmem>> -> memref<64xi32, #tpu.memory_space<vmem>>
    %dma_start3A_242 = arith.constant 0 : i32
    %dma_start3A_243 = arith.constant 0 : i32
    %dma_start3A_244 = tpu.memref_slice %arg2[%dma_start3A_242, %dma_start3A_243] : memref<10000x128xf32, #tpu.memory_space<hbm>> -> memref<10000x128xf32, #tpu.memory_space<hbm>>
    tpu.enqueue_indirect_dma source(%dma_start3A_244 : memref<10000x128xf32, #tpu.memory_space<hbm>>) target(%dma_start3A_238 : memref<64x128xf32, #tpu.memory_space<vmem>>) offsets(%dma_start3A_241 : memref<64xi32, #tpu.memory_space<vmem>>) semaphore(%arg16 : memref<!tpu.dma_semaphore, #tpu.memory_space<semaphore_mem>>)
    %dma_wait3A_245 = arith.constant 0 : i32
    %dma_wait3A_246 = arith.constant 0 : i32
    %dma_wait3A_247 = arith.constant 1 : i32
    %dma_wait3A_248 = arith.constant 0 : i32
    %dma_wait3A_249 = arith.constant 0 : i32
    %dma_wait3A_250 = tpu.memref_slice %arg12[%dma_wait3A_247, %dma_wait3A_248, %dma_wait3A_249] : memref<2x64x128xf32, #tpu.memory_space<vmem>> -> memref<1x64x128xf32, #tpu.memory_space<vmem>>
    %dma_wait3A_251 = tpu.memref_squeeze %dma_wait3A_250 : memref<1x64x128xf32, #tpu.memory_space<vmem>> -> memref<64x128xf32, #tpu.memory_space<vmem>>
    %dma_wait3A_252 = arith.constant 0 : i32
    %dma_wait3A_253 = tpu.memref_slice %arg9[%dma_wait3A_245, %dma_wait3A_246, %dma_wait3A_252] : memref<2x8x64xi32, #tpu.memory_space<vmem>> -> memref<1x1x64xi32, #tpu.memory_space<vmem>>
    %dma_wait3A_254 = tpu.memref_squeeze %dma_wait3A_253 : memref<1x1x64xi32, #tpu.memory_space<vmem>> -> memref<64xi32, #tpu.memory_space<vmem>>
    %dma_wait3A_255 = arith.constant 0 : i32
    %dma_wait3A_256 = arith.constant 0 : i32
    %dma_wait3A_257 = tpu.memref_slice %arg2[%dma_wait3A_255, %dma_wait3A_256] : memref<10000x128xf32, #tpu.memory_space<hbm>> -> memref<10000x128xf32, #tpu.memory_space<hbm>>
    tpu.wait_indirect_dma semaphore(%arg17 : memref<!tpu.dma_semaphore, #tpu.memory_space<semaphore_mem>>) src(%dma_wait3A_257 : memref<10000x128xf32, #tpu.memory_space<hbm>>) dst(%dma_wait3A_251 : memref<64x128xf32, #tpu.memory_space<vmem>>)
    %run_scoped3A_258 = arith.constant 1 : i32
    %run_scoped3A_259 = arith.constant 0 : i32
    %run_scoped3A_260 = arith.constant 3 : i32
    "tpu.region"() ({
      %run_scoped3A_828 = tpu.sem_alloc : memref<!tpu.dma_semaphore, #tpu.memory_space<semaphore_mem>>
      %dma_start3A_829 = arith.constant 0 : i32
      %dma_start3A_830 = arith.constant 0 : i32
      %dma_start3A_831 = tpu.memref_slice %arg12[%run_scoped3A_258, %dma_start3A_829, %dma_start3A_830] : memref<2x64x128xf32, #tpu.memory_space<vmem>> -> memref<1x64x128xf32, #tpu.memory_space<vmem>>
      %dma_start3A_832 = tpu.memref_squeeze %dma_start3A_831 : memref<1x64x128xf32, #tpu.memory_space<vmem>> -> memref<64x128xf32, #tpu.memory_space<vmem>>
      %dma_start3A_833 = arith.constant 0 : i32
      %dma_start3A_834 = tpu.memref_slice %arg10[%run_scoped3A_259, %run_scoped3A_260, %dma_start3A_833] : memref<2x8x64xi32, #tpu.memory_space<vmem>> -> memref<1x1x64xi32, #tpu.memory_space<vmem>>
      %dma_start3A_835 = tpu.memref_squeeze %dma_start3A_834 : memref<1x1x64xi32, #tpu.memory_space<vmem>> -> memref<64xi32, #tpu.memory_space<vmem>>
      %dma_start3A_836 = arith.constant 0 : i32
      %dma_start3A_837 = arith.constant 0 : i32
      %dma_start3A_838 = tpu.memref_slice %arg15[%dma_start3A_836, %dma_start3A_837] : memref<10240x128xf32, #tpu.memory_space<vmem_shared>> -> memref<10240x128xf32, #tpu.memory_space<vmem_shared>>
      tpu.enqueue_indirect_dma source(%dma_start3A_832 : memref<64x128xf32, #tpu.memory_space<vmem>>) target(%dma_start3A_838 : memref<10240x128xf32, #tpu.memory_space<vmem_shared>>) offsets(%dma_start3A_835 : memref<64xi32, #tpu.memory_space<vmem>>) semaphore(%run_scoped3A_828 : memref<!tpu.dma_semaphore, #tpu.memory_space<semaphore_mem>>) {add = true}
      %dma_wait3A_839 = arith.constant 0 : i32
      %dma_wait3A_840 = arith.constant 0 : i32
      %dma_wait3A_841 = tpu.memref_slice %arg12[%run_scoped3A_258, %dma_wait3A_839, %dma_wait3A_840] : memref<2x64x128xf32, #tpu.memory_space<vmem>> -> memref<1x64x128xf32, #tpu.memory_space<vmem>>
      %dma_wait3A_842 = tpu.memref_squeeze %dma_wait3A_841 : memref<1x64x128xf32, #tpu.memory_space<vmem>> -> memref<64x128xf32, #tpu.memory_space<vmem>>
      %dma_wait3A_843 = arith.constant 0 : i32
      %dma_wait3A_844 = tpu.memref_slice %arg10[%run_scoped3A_259, %run_scoped3A_260, %dma_wait3A_843] : memref<2x8x64xi32, #tpu.memory_space<vmem>> -> memref<1x1x64xi32, #tpu.memory_space<vmem>>
      %dma_wait3A_845 = tpu.memref_squeeze %dma_wait3A_844 : memref<1x1x64xi32, #tpu.memory_space<vmem>> -> memref<64xi32, #tpu.memory_space<vmem>>
      %dma_wait3A_846 = arith.constant 0 : i32
      %dma_wait3A_847 = arith.constant 0 : i32
      %dma_wait3A_848 = tpu.memref_slice %arg15[%dma_wait3A_846, %dma_wait3A_847] : memref<10240x128xf32, #tpu.memory_space<vmem_shared>> -> memref<10240x128xf32, #tpu.memory_space<vmem_shared>>
      tpu.wait_indirect_dma semaphore(%run_scoped3A_828 : memref<!tpu.dma_semaphore, #tpu.memory_space<semaphore_mem>>) src(%dma_wait3A_842 : memref<64x128xf32, #tpu.memory_space<vmem>>) dst(%dma_wait3A_848 : memref<10240x128xf32, #tpu.memory_space<vmem_shared>>)
      tpu.yield
    }) : () -> ()
    %dma_start3A_261 = arith.constant 0 : i32
    %dma_start3A_262 = arith.constant 5 : i32
    %dma_start3A_263 = arith.constant 1 : i32
    %dma_start3A_264 = arith.constant 0 : i32
    %dma_start3A_265 = arith.constant 0 : i32
    %dma_start3A_266 = tpu.memref_slice %arg12[%dma_start3A_263, %dma_start3A_264, %dma_start3A_265] : memref<2x64x128xf32, #tpu.memory_space<vmem>> -> memref<1x64x128xf32, #tpu.memory_space<vmem>>
    %dma_start3A_267 = tpu.memref_squeeze %dma_start3A_266 : memref<1x64x128xf32, #tpu.memory_space<vmem>> -> memref<64x128xf32, #tpu.memory_space<vmem>>
    %dma_start3A_268 = arith.constant 0 : i32
    %dma_start3A_269 = tpu.memref_slice %arg9[%dma_start3A_261, %dma_start3A_262, %dma_start3A_268] : memref<2x8x64xi32, #tpu.memory_space<vmem>> -> memref<1x1x64xi32, #tpu.memory_space<vmem>>
    %dma_start3A_270 = tpu.memref_squeeze %dma_start3A_269 : memref<1x1x64xi32, #tpu.memory_space<vmem>> -> memref<64xi32, #tpu.memory_space<vmem>>
    %dma_start3A_271 = arith.constant 0 : i32
    %dma_start3A_272 = arith.constant 0 : i32
    %dma_start3A_273 = tpu.memref_slice %arg2[%dma_start3A_271, %dma_start3A_272] : memref<10000x128xf32, #tpu.memory_space<hbm>> -> memref<10000x128xf32, #tpu.memory_space<hbm>>
    tpu.enqueue_indirect_dma source(%dma_start3A_273 : memref<10000x128xf32, #tpu.memory_space<hbm>>) target(%dma_start3A_267 : memref<64x128xf32, #tpu.memory_space<vmem>>) offsets(%dma_start3A_270 : memref<64xi32, #tpu.memory_space<vmem>>) semaphore(%arg17 : memref<!tpu.dma_semaphore, #tpu.memory_space<semaphore_mem>>)
    %dma_wait3A_274 = arith.constant 0 : i32
    %dma_wait3A_275 = arith.constant 0 : i32
    %dma_wait3A_276 = arith.constant 0 : i32
    %dma_wait3A_277 = arith.constant 0 : i32
    %dma_wait3A_278 = arith.constant 0 : i32
    %dma_wait3A_279 = tpu.memref_slice %arg12[%dma_wait3A_276, %dma_wait3A_277, %dma_wait3A_278] : memref<2x64x128xf32, #tpu.memory_space<vmem>> -> memref<1x64x128xf32, #tpu.memory_space<vmem>>
    %dma_wait3A_280 = tpu.memref_squeeze %dma_wait3A_279 : memref<1x64x128xf32, #tpu.memory_space<vmem>> -> memref<64x128xf32, #tpu.memory_space<vmem>>
    %dma_wait3A_281 = arith.constant 0 : i32
    %dma_wait3A_282 = tpu.memref_slice %arg9[%dma_wait3A_274, %dma_wait3A_275, %dma_wait3A_281] : memref<2x8x64xi32, #tpu.memory_space<vmem>> -> memref<1x1x64xi32, #tpu.memory_space<vmem>>
    %dma_wait3A_283 = tpu.memref_squeeze %dma_wait3A_282 : memref<1x1x64xi32, #tpu.memory_space<vmem>> -> memref<64xi32, #tpu.memory_space<vmem>>
    %dma_wait3A_284 = arith.constant 0 : i32
    %dma_wait3A_285 = arith.constant 0 : i32
    %dma_wait3A_286 = tpu.memref_slice %arg2[%dma_wait3A_284, %dma_wait3A_285] : memref<10000x128xf32, #tpu.memory_space<hbm>> -> memref<10000x128xf32, #tpu.memory_space<hbm>>
    tpu.wait_indirect_dma semaphore(%arg16 : memref<!tpu.dma_semaphore, #tpu.memory_space<semaphore_mem>>) src(%dma_wait3A_286 : memref<10000x128xf32, #tpu.memory_space<hbm>>) dst(%dma_wait3A_280 : memref<64x128xf32, #tpu.memory_space<vmem>>)
    %run_scoped3A_287 = arith.constant 0 : i32
    %run_scoped3A_288 = arith.constant 0 : i32
    %run_scoped3A_289 = arith.constant 4 : i32
    "tpu.region"() ({
      %run_scoped3A_828 = tpu.sem_alloc : memref<!tpu.dma_semaphore, #tpu.memory_space<semaphore_mem>>
      %dma_start3A_829 = arith.constant 0 : i32
      %dma_start3A_830 = arith.constant 0 : i32
      %dma_start3A_831 = tpu.memref_slice %arg12[%run_scoped3A_287, %dma_start3A_829, %dma_start3A_830] : memref<2x64x128xf32, #tpu.memory_space<vmem>> -> memref<1x64x128xf32, #tpu.memory_space<vmem>>
      %dma_start3A_832 = tpu.memref_squeeze %dma_start3A_831 : memref<1x64x128xf32, #tpu.memory_space<vmem>> -> memref<64x128xf32, #tpu.memory_space<vmem>>
      %dma_start3A_833 = arith.constant 0 : i32
      %dma_start3A_834 = tpu.memref_slice %arg10[%run_scoped3A_288, %run_scoped3A_289, %dma_start3A_833] : memref<2x8x64xi32, #tpu.memory_space<vmem>> -> memref<1x1x64xi32, #tpu.memory_space<vmem>>
      %dma_start3A_835 = tpu.memref_squeeze %dma_start3A_834 : memref<1x1x64xi32, #tpu.memory_space<vmem>> -> memref<64xi32, #tpu.memory_space<vmem>>
      %dma_start3A_836 = arith.constant 0 : i32
      %dma_start3A_837 = arith.constant 0 : i32
      %dma_start3A_838 = tpu.memref_slice %arg15[%dma_start3A_836, %dma_start3A_837] : memref<10240x128xf32, #tpu.memory_space<vmem_shared>> -> memref<10240x128xf32, #tpu.memory_space<vmem_shared>>
      tpu.enqueue_indirect_dma source(%dma_start3A_832 : memref<64x128xf32, #tpu.memory_space<vmem>>) target(%dma_start3A_838 : memref<10240x128xf32, #tpu.memory_space<vmem_shared>>) offsets(%dma_start3A_835 : memref<64xi32, #tpu.memory_space<vmem>>) semaphore(%run_scoped3A_828 : memref<!tpu.dma_semaphore, #tpu.memory_space<semaphore_mem>>) {add = true}
      %dma_wait3A_839 = arith.constant 0 : i32
      %dma_wait3A_840 = arith.constant 0 : i32
      %dma_wait3A_841 = tpu.memref_slice %arg12[%run_scoped3A_287, %dma_wait3A_839, %dma_wait3A_840] : memref<2x64x128xf32, #tpu.memory_space<vmem>> -> memref<1x64x128xf32, #tpu.memory_space<vmem>>
      %dma_wait3A_842 = tpu.memref_squeeze %dma_wait3A_841 : memref<1x64x128xf32, #tpu.memory_space<vmem>> -> memref<64x128xf32, #tpu.memory_space<vmem>>
      %dma_wait3A_843 = arith.constant 0 : i32
      %dma_wait3A_844 = tpu.memref_slice %arg10[%run_scoped3A_288, %run_scoped3A_289, %dma_wait3A_843] : memref<2x8x64xi32, #tpu.memory_space<vmem>> -> memref<1x1x64xi32, #tpu.memory_space<vmem>>
      %dma_wait3A_845 = tpu.memref_squeeze %dma_wait3A_844 : memref<1x1x64xi32, #tpu.memory_space<vmem>> -> memref<64xi32, #tpu.memory_space<vmem>>
      %dma_wait3A_846 = arith.constant 0 : i32
      %dma_wait3A_847 = arith.constant 0 : i32
      %dma_wait3A_848 = tpu.memref_slice %arg15[%dma_wait3A_846, %dma_wait3A_847] : memref<10240x128xf32, #tpu.memory_space<vmem_shared>> -> memref<10240x128xf32, #tpu.memory_space<vmem_shared>>
      tpu.wait_indirect_dma semaphore(%run_scoped3A_828 : memref<!tpu.dma_semaphore, #tpu.memory_space<semaphore_mem>>) src(%dma_wait3A_842 : memref<64x128xf32, #tpu.memory_space<vmem>>) dst(%dma_wait3A_848 : memref<10240x128xf32, #tpu.memory_space<vmem_shared>>)
      tpu.yield
    }) : () -> ()
    %dma_start3A_290 = arith.constant 0 : i32
    %dma_start3A_291 = arith.constant 6 : i32
    %dma_start3A_292 = arith.constant 0 : i32
    %dma_start3A_293 = arith.constant 0 : i32
    %dma_start3A_294 = arith.constant 0 : i32
    %dma_start3A_295 = tpu.memref_slice %arg12[%dma_start3A_292, %dma_start3A_293, %dma_start3A_294] : memref<2x64x128xf32, #tpu.memory_space<vmem>> -> memref<1x64x128xf32, #tpu.memory_space<vmem>>
    %dma_start3A_296 = tpu.memref_squeeze %dma_start3A_295 : memref<1x64x128xf32, #tpu.memory_space<vmem>> -> memref<64x128xf32, #tpu.memory_space<vmem>>
    %dma_start3A_297 = arith.constant 0 : i32
    %dma_start3A_298 = tpu.memref_slice %arg9[%dma_start3A_290, %dma_start3A_291, %dma_start3A_297] : memref<2x8x64xi32, #tpu.memory_space<vmem>> -> memref<1x1x64xi32, #tpu.memory_space<vmem>>
    %dma_start3A_299 = tpu.memref_squeeze %dma_start3A_298 : memref<1x1x64xi32, #tpu.memory_space<vmem>> -> memref<64xi32, #tpu.memory_space<vmem>>
    %dma_start3A_300 = arith.constant 0 : i32
    %dma_start3A_301 = arith.constant 0 : i32
    %dma_start3A_302 = tpu.memref_slice %arg2[%dma_start3A_300, %dma_start3A_301] : memref<10000x128xf32, #tpu.memory_space<hbm>> -> memref<10000x128xf32, #tpu.memory_space<hbm>>
    tpu.enqueue_indirect_dma source(%dma_start3A_302 : memref<10000x128xf32, #tpu.memory_space<hbm>>) target(%dma_start3A_296 : memref<64x128xf32, #tpu.memory_space<vmem>>) offsets(%dma_start3A_299 : memref<64xi32, #tpu.memory_space<vmem>>) semaphore(%arg16 : memref<!tpu.dma_semaphore, #tpu.memory_space<semaphore_mem>>)
    %dma_wait3A_303 = arith.constant 0 : i32
    %dma_wait3A_304 = arith.constant 0 : i32
    %dma_wait3A_305 = arith.constant 1 : i32
    %dma_wait3A_306 = arith.constant 0 : i32
    %dma_wait3A_307 = arith.constant 0 : i32
    %dma_wait3A_308 = tpu.memref_slice %arg12[%dma_wait3A_305, %dma_wait3A_306, %dma_wait3A_307] : memref<2x64x128xf32, #tpu.memory_space<vmem>> -> memref<1x64x128xf32, #tpu.memory_space<vmem>>
    %dma_wait3A_309 = tpu.memref_squeeze %dma_wait3A_308 : memref<1x64x128xf32, #tpu.memory_space<vmem>> -> memref<64x128xf32, #tpu.memory_space<vmem>>
    %dma_wait3A_310 = arith.constant 0 : i32
    %dma_wait3A_311 = tpu.memref_slice %arg9[%dma_wait3A_303, %dma_wait3A_304, %dma_wait3A_310] : memref<2x8x64xi32, #tpu.memory_space<vmem>> -> memref<1x1x64xi32, #tpu.memory_space<vmem>>
    %dma_wait3A_312 = tpu.memref_squeeze %dma_wait3A_311 : memref<1x1x64xi32, #tpu.memory_space<vmem>> -> memref<64xi32, #tpu.memory_space<vmem>>
    %dma_wait3A_313 = arith.constant 0 : i32
    %dma_wait3A_314 = arith.constant 0 : i32
    %dma_wait3A_315 = tpu.memref_slice %arg2[%dma_wait3A_313, %dma_wait3A_314] : memref<10000x128xf32, #tpu.memory_space<hbm>> -> memref<10000x128xf32, #tpu.memory_space<hbm>>
    tpu.wait_indirect_dma semaphore(%arg17 : memref<!tpu.dma_semaphore, #tpu.memory_space<semaphore_mem>>) src(%dma_wait3A_315 : memref<10000x128xf32, #tpu.memory_space<hbm>>) dst(%dma_wait3A_309 : memref<64x128xf32, #tpu.memory_space<vmem>>)
    %run_scoped3A_316 = arith.constant 1 : i32
    %run_scoped3A_317 = arith.constant 0 : i32
    %run_scoped3A_318 = arith.constant 5 : i32
    "tpu.region"() ({
      %run_scoped3A_828 = tpu.sem_alloc : memref<!tpu.dma_semaphore, #tpu.memory_space<semaphore_mem>>
      %dma_start3A_829 = arith.constant 0 : i32
      %dma_start3A_830 = arith.constant 0 : i32
      %dma_start3A_831 = tpu.memref_slice %arg12[%run_scoped3A_316, %dma_start3A_829, %dma_start3A_830] : memref<2x64x128xf32, #tpu.memory_space<vmem>> -> memref<1x64x128xf32, #tpu.memory_space<vmem>>
      %dma_start3A_832 = tpu.memref_squeeze %dma_start3A_831 : memref<1x64x128xf32, #tpu.memory_space<vmem>> -> memref<64x128xf32, #tpu.memory_space<vmem>>
      %dma_start3A_833 = arith.constant 0 : i32
      %dma_start3A_834 = tpu.memref_slice %arg10[%run_scoped3A_317, %run_scoped3A_318, %dma_start3A_833] : memref<2x8x64xi32, #tpu.memory_space<vmem>> -> memref<1x1x64xi32, #tpu.memory_space<vmem>>
      %dma_start3A_835 = tpu.memref_squeeze %dma_start3A_834 : memref<1x1x64xi32, #tpu.memory_space<vmem>> -> memref<64xi32, #tpu.memory_space<vmem>>
      %dma_start3A_836 = arith.constant 0 : i32
      %dma_start3A_837 = arith.constant 0 : i32
      %dma_start3A_838 = tpu.memref_slice %arg15[%dma_start3A_836, %dma_start3A_837] : memref<10240x128xf32, #tpu.memory_space<vmem_shared>> -> memref<10240x128xf32, #tpu.memory_space<vmem_shared>>
      tpu.enqueue_indirect_dma source(%dma_start3A_832 : memref<64x128xf32, #tpu.memory_space<vmem>>) target(%dma_start3A_838 : memref<10240x128xf32, #tpu.memory_space<vmem_shared>>) offsets(%dma_start3A_835 : memref<64xi32, #tpu.memory_space<vmem>>) semaphore(%run_scoped3A_828 : memref<!tpu.dma_semaphore, #tpu.memory_space<semaphore_mem>>) {add = true}
      %dma_wait3A_839 = arith.constant 0 : i32
      %dma_wait3A_840 = arith.constant 0 : i32
      %dma_wait3A_841 = tpu.memref_slice %arg12[%run_scoped3A_316, %dma_wait3A_839, %dma_wait3A_840] : memref<2x64x128xf32, #tpu.memory_space<vmem>> -> memref<1x64x128xf32, #tpu.memory_space<vmem>>
      %dma_wait3A_842 = tpu.memref_squeeze %dma_wait3A_841 : memref<1x64x128xf32, #tpu.memory_space<vmem>> -> memref<64x128xf32, #tpu.memory_space<vmem>>
      %dma_wait3A_843 = arith.constant 0 : i32
      %dma_wait3A_844 = tpu.memref_slice %arg10[%run_scoped3A_317, %run_scoped3A_318, %dma_wait3A_843] : memref<2x8x64xi32, #tpu.memory_space<vmem>> -> memref<1x1x64xi32, #tpu.memory_space<vmem>>
      %dma_wait3A_845 = tpu.memref_squeeze %dma_wait3A_844 : memref<1x1x64xi32, #tpu.memory_space<vmem>> -> memref<64xi32, #tpu.memory_space<vmem>>
      %dma_wait3A_846 = arith.constant 0 : i32
      %dma_wait3A_847 = arith.constant 0 : i32
      %dma_wait3A_848 = tpu.memref_slice %arg15[%dma_wait3A_846, %dma_wait3A_847] : memref<10240x128xf32, #tpu.memory_space<vmem_shared>> -> memref<10240x128xf32, #tpu.memory_space<vmem_shared>>
      tpu.wait_indirect_dma semaphore(%run_scoped3A_828 : memref<!tpu.dma_semaphore, #tpu.memory_space<semaphore_mem>>) src(%dma_wait3A_842 : memref<64x128xf32, #tpu.memory_space<vmem>>) dst(%dma_wait3A_848 : memref<10240x128xf32, #tpu.memory_space<vmem_shared>>)
      tpu.yield
    }) : () -> ()
    %dma_start3A_319 = arith.constant 0 : i32
    %dma_start3A_320 = arith.constant 7 : i32
    %dma_start3A_321 = arith.constant 1 : i32
    %dma_start3A_322 = arith.constant 0 : i32
    %dma_start3A_323 = arith.constant 0 : i32
    %dma_start3A_324 = tpu.memref_slice %arg12[%dma_start3A_321, %dma_start3A_322, %dma_start3A_323] : memref<2x64x128xf32, #tpu.memory_space<vmem>> -> memref<1x64x128xf32, #tpu.memory_space<vmem>>
    %dma_start3A_325 = tpu.memref_squeeze %dma_start3A_324 : memref<1x64x128xf32, #tpu.memory_space<vmem>> -> memref<64x128xf32, #tpu.memory_space<vmem>>
    %dma_start3A_326 = arith.constant 0 : i32
    %dma_start3A_327 = tpu.memref_slice %arg9[%dma_start3A_319, %dma_start3A_320, %dma_start3A_326] : memref<2x8x64xi32, #tpu.memory_space<vmem>> -> memref<1x1x64xi32, #tpu.memory_space<vmem>>
    %dma_start3A_328 = tpu.memref_squeeze %dma_start3A_327 : memref<1x1x64xi32, #tpu.memory_space<vmem>> -> memref<64xi32, #tpu.memory_space<vmem>>
    %dma_start3A_329 = arith.constant 0 : i32
    %dma_start3A_330 = arith.constant 0 : i32
    %dma_start3A_331 = tpu.memref_slice %arg2[%dma_start3A_329, %dma_start3A_330] : memref<10000x128xf32, #tpu.memory_space<hbm>> -> memref<10000x128xf32, #tpu.memory_space<hbm>>
    tpu.enqueue_indirect_dma source(%dma_start3A_331 : memref<10000x128xf32, #tpu.memory_space<hbm>>) target(%dma_start3A_325 : memref<64x128xf32, #tpu.memory_space<vmem>>) offsets(%dma_start3A_328 : memref<64xi32, #tpu.memory_space<vmem>>) semaphore(%arg17 : memref<!tpu.dma_semaphore, #tpu.memory_space<semaphore_mem>>)
    %dma_wait3A_332 = arith.constant 0 : i32
    %dma_wait3A_333 = arith.constant 0 : i32
    %dma_wait3A_334 = arith.constant 0 : i32
    %dma_wait3A_335 = arith.constant 0 : i32
    %dma_wait3A_336 = arith.constant 0 : i32
    %dma_wait3A_337 = tpu.memref_slice %arg12[%dma_wait3A_334, %dma_wait3A_335, %dma_wait3A_336] : memref<2x64x128xf32, #tpu.memory_space<vmem>> -> memref<1x64x128xf32, #tpu.memory_space<vmem>>
    %dma_wait3A_338 = tpu.memref_squeeze %dma_wait3A_337 : memref<1x64x128xf32, #tpu.memory_space<vmem>> -> memref<64x128xf32, #tpu.memory_space<vmem>>
    %dma_wait3A_339 = arith.constant 0 : i32
    %dma_wait3A_340 = tpu.memref_slice %arg9[%dma_wait3A_332, %dma_wait3A_333, %dma_wait3A_339] : memref<2x8x64xi32, #tpu.memory_space<vmem>> -> memref<1x1x64xi32, #tpu.memory_space<vmem>>
    %dma_wait3A_341 = tpu.memref_squeeze %dma_wait3A_340 : memref<1x1x64xi32, #tpu.memory_space<vmem>> -> memref<64xi32, #tpu.memory_space<vmem>>
    %dma_wait3A_342 = arith.constant 0 : i32
    %dma_wait3A_343 = arith.constant 0 : i32
    %dma_wait3A_344 = tpu.memref_slice %arg2[%dma_wait3A_342, %dma_wait3A_343] : memref<10000x128xf32, #tpu.memory_space<hbm>> -> memref<10000x128xf32, #tpu.memory_space<hbm>>
    tpu.wait_indirect_dma semaphore(%arg16 : memref<!tpu.dma_semaphore, #tpu.memory_space<semaphore_mem>>) src(%dma_wait3A_344 : memref<10000x128xf32, #tpu.memory_space<hbm>>) dst(%dma_wait3A_338 : memref<64x128xf32, #tpu.memory_space<vmem>>)
    %run_scoped3A_345 = arith.constant 0 : i32
    %run_scoped3A_346 = arith.constant 0 : i32
    %run_scoped3A_347 = arith.constant 6 : i32
    "tpu.region"() ({
      %run_scoped3A_828 = tpu.sem_alloc : memref<!tpu.dma_semaphore, #tpu.memory_space<semaphore_mem>>
      %dma_start3A_829 = arith.constant 0 : i32
      %dma_start3A_830 = arith.constant 0 : i32
      %dma_start3A_831 = tpu.memref_slice %arg12[%run_scoped3A_345, %dma_start3A_829, %dma_start3A_830] : memref<2x64x128xf32, #tpu.memory_space<vmem>> -> memref<1x64x128xf32, #tpu.memory_space<vmem>>
      %dma_start3A_832 = tpu.memref_squeeze %dma_start3A_831 : memref<1x64x128xf32, #tpu.memory_space<vmem>> -> memref<64x128xf32, #tpu.memory_space<vmem>>
      %dma_start3A_833 = arith.constant 0 : i32
      %dma_start3A_834 = tpu.memref_slice %arg10[%run_scoped3A_346, %run_scoped3A_347, %dma_start3A_833] : memref<2x8x64xi32, #tpu.memory_space<vmem>> -> memref<1x1x64xi32, #tpu.memory_space<vmem>>
      %dma_start3A_835 = tpu.memref_squeeze %dma_start3A_834 : memref<1x1x64xi32, #tpu.memory_space<vmem>> -> memref<64xi32, #tpu.memory_space<vmem>>
      %dma_start3A_836 = arith.constant 0 : i32
      %dma_start3A_837 = arith.constant 0 : i32
      %dma_start3A_838 = tpu.memref_slice %arg15[%dma_start3A_836, %dma_start3A_837] : memref<10240x128xf32, #tpu.memory_space<vmem_shared>> -> memref<10240x128xf32, #tpu.memory_space<vmem_shared>>
      tpu.enqueue_indirect_dma source(%dma_start3A_832 : memref<64x128xf32, #tpu.memory_space<vmem>>) target(%dma_start3A_838 : memref<10240x128xf32, #tpu.memory_space<vmem_shared>>) offsets(%dma_start3A_835 : memref<64xi32, #tpu.memory_space<vmem>>) semaphore(%run_scoped3A_828 : memref<!tpu.dma_semaphore, #tpu.memory_space<semaphore_mem>>) {add = true}
      %dma_wait3A_839 = arith.constant 0 : i32
      %dma_wait3A_840 = arith.constant 0 : i32
      %dma_wait3A_841 = tpu.memref_slice %arg12[%run_scoped3A_345, %dma_wait3A_839, %dma_wait3A_840] : memref<2x64x128xf32, #tpu.memory_space<vmem>> -> memref<1x64x128xf32, #tpu.memory_space<vmem>>
      %dma_wait3A_842 = tpu.memref_squeeze %dma_wait3A_841 : memref<1x64x128xf32, #tpu.memory_space<vmem>> -> memref<64x128xf32, #tpu.memory_space<vmem>>
      %dma_wait3A_843 = arith.constant 0 : i32
      %dma_wait3A_844 = tpu.memref_slice %arg10[%run_scoped3A_346, %run_scoped3A_347, %dma_wait3A_843] : memref<2x8x64xi32, #tpu.memory_space<vmem>> -> memref<1x1x64xi32, #tpu.memory_space<vmem>>
      %dma_wait3A_845 = tpu.memref_squeeze %dma_wait3A_844 : memref<1x1x64xi32, #tpu.memory_space<vmem>> -> memref<64xi32, #tpu.memory_space<vmem>>
      %dma_wait3A_846 = arith.constant 0 : i32
      %dma_wait3A_847 = arith.constant 0 : i32
      %dma_wait3A_848 = tpu.memref_slice %arg15[%dma_wait3A_846, %dma_wait3A_847] : memref<10240x128xf32, #tpu.memory_space<vmem_shared>> -> memref<10240x128xf32, #tpu.memory_space<vmem_shared>>
      tpu.wait_indirect_dma semaphore(%run_scoped3A_828 : memref<!tpu.dma_semaphore, #tpu.memory_space<semaphore_mem>>) src(%dma_wait3A_842 : memref<64x128xf32, #tpu.memory_space<vmem>>) dst(%dma_wait3A_848 : memref<10240x128xf32, #tpu.memory_space<vmem_shared>>)
      tpu.yield
    }) : () -> ()
    %dma_wait3A_348 = arith.constant 0 : i32
    %dma_wait3A_349 = arith.constant 0 : i32
    %dma_wait3A_350 = arith.constant 1 : i32
    %dma_wait3A_351 = arith.constant 0 : i32
    %dma_wait3A_352 = arith.constant 0 : i32
    %dma_wait3A_353 = tpu.memref_slice %arg9[%dma_wait3A_350, %dma_wait3A_351, %dma_wait3A_352] : memref<2x8x64xi32, #tpu.memory_space<vmem>> -> memref<1x8x64xi32, #tpu.memory_space<vmem>>
    %dma_wait3A_354 = tpu.memref_squeeze %dma_wait3A_353 : memref<1x8x64xi32, #tpu.memory_space<vmem>> -> memref<8x64xi32, #tpu.memory_space<vmem>>
    %dma_wait3A_355 = arith.constant 0 : i32
    %dma_wait3A_356 = arith.constant 0 : i32
    %dma_wait3A_357 = tpu.memref_slice %arg3[%dma_wait3A_348, %arg0, %arg1, %dma_wait3A_349, %dma_wait3A_355, %dma_wait3A_356] : memref<2x2x16x20x8x64xi32, #tpu.memory_space<hbm>> -> memref<1x1x1x1x8x64xi32, #tpu.memory_space<hbm>>
    %dma_wait3A_358 = tpu.memref_squeeze %dma_wait3A_357 : memref<1x1x1x1x8x64xi32, #tpu.memory_space<hbm>> -> memref<8x64xi32, #tpu.memory_space<hbm>>
    %dma_wait3A_359 = arith.constant 0 : i32
    %dma_wait3A_360 = arith.constant 0 : i32
    %dma_wait3A_361 = tpu.memref_slice %arg9[%dma_wait3A_350, %dma_wait3A_359, %dma_wait3A_360] : memref<2x8x64xi32, #tpu.memory_space<vmem>> -> memref<1x8x64xi32, #tpu.memory_space<vmem>>
    %dma_wait3A_362 = tpu.memref_squeeze %dma_wait3A_361 : memref<1x8x64xi32, #tpu.memory_space<vmem>> -> memref<8x64xi32, #tpu.memory_space<vmem>>
    %dma_wait3A_363 = arith.constant 0 : i32
    %dma_wait3A_364 = arith.constant 0 : i32
    %dma_wait3A_365 = tpu.memref_slice %arg3[%dma_wait3A_348, %arg0, %arg1, %dma_wait3A_349, %dma_wait3A_363, %dma_wait3A_364] : memref<2x2x16x20x8x64xi32, #tpu.memory_space<hbm>> -> memref<1x1x1x1x8x64xi32, #tpu.memory_space<hbm>>
    %dma_wait3A_366 = tpu.memref_squeeze %dma_wait3A_365 : memref<1x1x1x1x8x64xi32, #tpu.memory_space<hbm>> -> memref<8x64xi32, #tpu.memory_space<hbm>>
    tpu.wait_dma2 semaphore(%arg19 : memref<!tpu.dma_semaphore, #tpu.memory_space<semaphore_mem>>) src(%dma_wait3A_366 : memref<8x64xi32, #tpu.memory_space<hbm>>) dst(%dma_wait3A_362 : memref<8x64xi32, #tpu.memory_space<vmem>>)
    %dma_wait3A_367 = arith.constant 1 : i32
    %dma_wait3A_368 = arith.constant 0 : i32
    %dma_wait3A_369 = arith.constant 1 : i32
    %dma_wait3A_370 = arith.constant 0 : i32
    %dma_wait3A_371 = arith.constant 0 : i32
    %dma_wait3A_372 = tpu.memref_slice %arg10[%dma_wait3A_369, %dma_wait3A_370, %dma_wait3A_371] : memref<2x8x64xi32, #tpu.memory_space<vmem>> -> memref<1x8x64xi32, #tpu.memory_space<vmem>>
    %dma_wait3A_373 = tpu.memref_squeeze %dma_wait3A_372 : memref<1x8x64xi32, #tpu.memory_space<vmem>> -> memref<8x64xi32, #tpu.memory_space<vmem>>
    %dma_wait3A_374 = arith.constant 0 : i32
    %dma_wait3A_375 = arith.constant 0 : i32
    %dma_wait3A_376 = tpu.memref_slice %arg3[%dma_wait3A_367, %arg0, %arg1, %dma_wait3A_368, %dma_wait3A_374, %dma_wait3A_375] : memref<2x2x16x20x8x64xi32, #tpu.memory_space<hbm>> -> memref<1x1x1x1x8x64xi32, #tpu.memory_space<hbm>>
    %dma_wait3A_377 = tpu.memref_squeeze %dma_wait3A_376 : memref<1x1x1x1x8x64xi32, #tpu.memory_space<hbm>> -> memref<8x64xi32, #tpu.memory_space<hbm>>
    %dma_wait3A_378 = arith.constant 0 : i32
    %dma_wait3A_379 = arith.constant 0 : i32
    %dma_wait3A_380 = tpu.memref_slice %arg10[%dma_wait3A_369, %dma_wait3A_378, %dma_wait3A_379] : memref<2x8x64xi32, #tpu.memory_space<vmem>> -> memref<1x8x64xi32, #tpu.memory_space<vmem>>
    %dma_wait3A_381 = tpu.memref_squeeze %dma_wait3A_380 : memref<1x8x64xi32, #tpu.memory_space<vmem>> -> memref<8x64xi32, #tpu.memory_space<vmem>>
    %dma_wait3A_382 = arith.constant 0 : i32
    %dma_wait3A_383 = arith.constant 0 : i32
    %dma_wait3A_384 = tpu.memref_slice %arg3[%dma_wait3A_367, %arg0, %arg1, %dma_wait3A_368, %dma_wait3A_382, %dma_wait3A_383] : memref<2x2x16x20x8x64xi32, #tpu.memory_space<hbm>> -> memref<1x1x1x1x8x64xi32, #tpu.memory_space<hbm>>
    %dma_wait3A_385 = tpu.memref_squeeze %dma_wait3A_384 : memref<1x1x1x1x8x64xi32, #tpu.memory_space<hbm>> -> memref<8x64xi32, #tpu.memory_space<hbm>>
    tpu.wait_dma2 semaphore(%arg19 : memref<!tpu.dma_semaphore, #tpu.memory_space<semaphore_mem>>) src(%dma_wait3A_385 : memref<8x64xi32, #tpu.memory_space<hbm>>) dst(%dma_wait3A_381 : memref<8x64xi32, #tpu.memory_space<vmem>>)
    %dma_start3A_386 = arith.constant 1 : i32
    %dma_start3A_387 = arith.constant 0 : i32
    %dma_start3A_388 = arith.constant 0 : i32
    %dma_start3A_389 = arith.constant 0 : i32
    %dma_start3A_390 = arith.constant 0 : i32
    %dma_start3A_391 = tpu.memref_slice %arg12[%dma_start3A_388, %dma_start3A_389, %dma_start3A_390] : memref<2x64x128xf32, #tpu.memory_space<vmem>> -> memref<1x64x128xf32, #tpu.memory_space<vmem>>
    %dma_start3A_392 = tpu.memref_squeeze %dma_start3A_391 : memref<1x64x128xf32, #tpu.memory_space<vmem>> -> memref<64x128xf32, #tpu.memory_space<vmem>>
    %dma_start3A_393 = arith.constant 0 : i32
    %dma_start3A_394 = tpu.memref_slice %arg9[%dma_start3A_386, %dma_start3A_387, %dma_start3A_393] : memref<2x8x64xi32, #tpu.memory_space<vmem>> -> memref<1x1x64xi32, #tpu.memory_space<vmem>>
    %dma_start3A_395 = tpu.memref_squeeze %dma_start3A_394 : memref<1x1x64xi32, #tpu.memory_space<vmem>> -> memref<64xi32, #tpu.memory_space<vmem>>
    %dma_start3A_396 = arith.constant 0 : i32
    %dma_start3A_397 = arith.constant 0 : i32
    %dma_start3A_398 = tpu.memref_slice %arg2[%dma_start3A_396, %dma_start3A_397] : memref<10000x128xf32, #tpu.memory_space<hbm>> -> memref<10000x128xf32, #tpu.memory_space<hbm>>
    tpu.enqueue_indirect_dma source(%dma_start3A_398 : memref<10000x128xf32, #tpu.memory_space<hbm>>) target(%dma_start3A_392 : memref<64x128xf32, #tpu.memory_space<vmem>>) offsets(%dma_start3A_395 : memref<64xi32, #tpu.memory_space<vmem>>) semaphore(%arg16 : memref<!tpu.dma_semaphore, #tpu.memory_space<semaphore_mem>>)
    %dma_wait3A_399 = arith.constant 0 : i32
    %dma_wait3A_400 = arith.constant 0 : i32
    %dma_wait3A_401 = arith.constant 1 : i32
    %dma_wait3A_402 = arith.constant 0 : i32
    %dma_wait3A_403 = arith.constant 0 : i32
    %dma_wait3A_404 = tpu.memref_slice %arg12[%dma_wait3A_401, %dma_wait3A_402, %dma_wait3A_403] : memref<2x64x128xf32, #tpu.memory_space<vmem>> -> memref<1x64x128xf32, #tpu.memory_space<vmem>>
    %dma_wait3A_405 = tpu.memref_squeeze %dma_wait3A_404 : memref<1x64x128xf32, #tpu.memory_space<vmem>> -> memref<64x128xf32, #tpu.memory_space<vmem>>
    %dma_wait3A_406 = arith.constant 0 : i32
    %dma_wait3A_407 = tpu.memref_slice %arg9[%dma_wait3A_399, %dma_wait3A_400, %dma_wait3A_406] : memref<2x8x64xi32, #tpu.memory_space<vmem>> -> memref<1x1x64xi32, #tpu.memory_space<vmem>>
    %dma_wait3A_408 = tpu.memref_squeeze %dma_wait3A_407 : memref<1x1x64xi32, #tpu.memory_space<vmem>> -> memref<64xi32, #tpu.memory_space<vmem>>
    %dma_wait3A_409 = arith.constant 0 : i32
    %dma_wait3A_410 = arith.constant 0 : i32
    %dma_wait3A_411 = tpu.memref_slice %arg2[%dma_wait3A_409, %dma_wait3A_410] : memref<10000x128xf32, #tpu.memory_space<hbm>> -> memref<10000x128xf32, #tpu.memory_space<hbm>>
    tpu.wait_indirect_dma semaphore(%arg17 : memref<!tpu.dma_semaphore, #tpu.memory_space<semaphore_mem>>) src(%dma_wait3A_411 : memref<10000x128xf32, #tpu.memory_space<hbm>>) dst(%dma_wait3A_405 : memref<64x128xf32, #tpu.memory_space<vmem>>)
    %run_scoped3A_412 = arith.constant 1 : i32
    %run_scoped3A_413 = arith.constant 0 : i32
    %run_scoped3A_414 = arith.constant 7 : i32
    "tpu.region"() ({
      %run_scoped3A_828 = tpu.sem_alloc : memref<!tpu.dma_semaphore, #tpu.memory_space<semaphore_mem>>
      %dma_start3A_829 = arith.constant 0 : i32
      %dma_start3A_830 = arith.constant 0 : i32
      %dma_start3A_831 = tpu.memref_slice %arg12[%run_scoped3A_412, %dma_start3A_829, %dma_start3A_830] : memref<2x64x128xf32, #tpu.memory_space<vmem>> -> memref<1x64x128xf32, #tpu.memory_space<vmem>>
      %dma_start3A_832 = tpu.memref_squeeze %dma_start3A_831 : memref<1x64x128xf32, #tpu.memory_space<vmem>> -> memref<64x128xf32, #tpu.memory_space<vmem>>
      %dma_start3A_833 = arith.constant 0 : i32
      %dma_start3A_834 = tpu.memref_slice %arg10[%run_scoped3A_413, %run_scoped3A_414, %dma_start3A_833] : memref<2x8x64xi32, #tpu.memory_space<vmem>> -> memref<1x1x64xi32, #tpu.memory_space<vmem>>
      %dma_start3A_835 = tpu.memref_squeeze %dma_start3A_834 : memref<1x1x64xi32, #tpu.memory_space<vmem>> -> memref<64xi32, #tpu.memory_space<vmem>>
      %dma_start3A_836 = arith.constant 0 : i32
      %dma_start3A_837 = arith.constant 0 : i32
      %dma_start3A_838 = tpu.memref_slice %arg15[%dma_start3A_836, %dma_start3A_837] : memref<10240x128xf32, #tpu.memory_space<vmem_shared>> -> memref<10240x128xf32, #tpu.memory_space<vmem_shared>>
      tpu.enqueue_indirect_dma source(%dma_start3A_832 : memref<64x128xf32, #tpu.memory_space<vmem>>) target(%dma_start3A_838 : memref<10240x128xf32, #tpu.memory_space<vmem_shared>>) offsets(%dma_start3A_835 : memref<64xi32, #tpu.memory_space<vmem>>) semaphore(%run_scoped3A_828 : memref<!tpu.dma_semaphore, #tpu.memory_space<semaphore_mem>>) {add = true}
      %dma_wait3A_839 = arith.constant 0 : i32
      %dma_wait3A_840 = arith.constant 0 : i32
      %dma_wait3A_841 = tpu.memref_slice %arg12[%run_scoped3A_412, %dma_wait3A_839, %dma_wait3A_840] : memref<2x64x128xf32, #tpu.memory_space<vmem>> -> memref<1x64x128xf32, #tpu.memory_space<vmem>>
      %dma_wait3A_842 = tpu.memref_squeeze %dma_wait3A_841 : memref<1x64x128xf32, #tpu.memory_space<vmem>> -> memref<64x128xf32, #tpu.memory_space<vmem>>
      %dma_wait3A_843 = arith.constant 0 : i32
      %dma_wait3A_844 = tpu.memref_slice %arg10[%run_scoped3A_413, %run_scoped3A_414, %dma_wait3A_843] : memref<2x8x64xi32, #tpu.memory_space<vmem>> -> memref<1x1x64xi32, #tpu.memory_space<vmem>>
      %dma_wait3A_845 = tpu.memref_squeeze %dma_wait3A_844 : memref<1x1x64xi32, #tpu.memory_space<vmem>> -> memref<64xi32, #tpu.memory_space<vmem>>
      %dma_wait3A_846 = arith.constant 0 : i32
      %dma_wait3A_847 = arith.constant 0 : i32
      %dma_wait3A_848 = tpu.memref_slice %arg15[%dma_wait3A_846, %dma_wait3A_847] : memref<10240x128xf32, #tpu.memory_space<vmem_shared>> -> memref<10240x128xf32, #tpu.memory_space<vmem_shared>>
      tpu.wait_indirect_dma semaphore(%run_scoped3A_828 : memref<!tpu.dma_semaphore, #tpu.memory_space<semaphore_mem>>) src(%dma_wait3A_842 : memref<64x128xf32, #tpu.memory_space<vmem>>) dst(%dma_wait3A_848 : memref<10240x128xf32, #tpu.memory_space<vmem_shared>>)
      tpu.yield
    }) : () -> ()
    %dma_start3A_415 = arith.constant 1 : i32
    %dma_start3A_416 = arith.constant 1 : i32
    %dma_start3A_417 = arith.constant 1 : i32
    %dma_start3A_418 = arith.constant 0 : i32
    %dma_start3A_419 = arith.constant 0 : i32
    %dma_start3A_420 = tpu.memref_slice %arg12[%dma_start3A_417, %dma_start3A_418, %dma_start3A_419] : memref<2x64x128xf32, #tpu.memory_space<vmem>> -> memref<1x64x128xf32, #tpu.memory_space<vmem>>
    %dma_start3A_421 = tpu.memref_squeeze %dma_start3A_420 : memref<1x64x128xf32, #tpu.memory_space<vmem>> -> memref<64x128xf32, #tpu.memory_space<vmem>>
    %dma_start3A_422 = arith.constant 0 : i32
    %dma_start3A_423 = tpu.memref_slice %arg9[%dma_start3A_415, %dma_start3A_416, %dma_start3A_422] : memref<2x8x64xi32, #tpu.memory_space<vmem>> -> memref<1x1x64xi32, #tpu.memory_space<vmem>>
    %dma_start3A_424 = tpu.memref_squeeze %dma_start3A_423 : memref<1x1x64xi32, #tpu.memory_space<vmem>> -> memref<64xi32, #tpu.memory_space<vmem>>
    %dma_start3A_425 = arith.constant 0 : i32
    %dma_start3A_426 = arith.constant 0 : i32
    %dma_start3A_427 = tpu.memref_slice %arg2[%dma_start3A_425, %dma_start3A_426] : memref<10000x128xf32, #tpu.memory_space<hbm>> -> memref<10000x128xf32, #tpu.memory_space<hbm>>
    tpu.enqueue_indirect_dma source(%dma_start3A_427 : memref<10000x128xf32, #tpu.memory_space<hbm>>) target(%dma_start3A_421 : memref<64x128xf32, #tpu.memory_space<vmem>>) offsets(%dma_start3A_424 : memref<64xi32, #tpu.memory_space<vmem>>) semaphore(%arg17 : memref<!tpu.dma_semaphore, #tpu.memory_space<semaphore_mem>>)
    %dma_wait3A_428 = arith.constant 0 : i32
    %dma_wait3A_429 = arith.constant 0 : i32
    %dma_wait3A_430 = arith.constant 0 : i32
    %dma_wait3A_431 = arith.constant 0 : i32
    %dma_wait3A_432 = arith.constant 0 : i32
    %dma_wait3A_433 = tpu.memref_slice %arg12[%dma_wait3A_430, %dma_wait3A_431, %dma_wait3A_432] : memref<2x64x128xf32, #tpu.memory_space<vmem>> -> memref<1x64x128xf32, #tpu.memory_space<vmem>>
    %dma_wait3A_434 = tpu.memref_squeeze %dma_wait3A_433 : memref<1x64x128xf32, #tpu.memory_space<vmem>> -> memref<64x128xf32, #tpu.memory_space<vmem>>
    %dma_wait3A_435 = arith.constant 0 : i32
    %dma_wait3A_436 = tpu.memref_slice %arg9[%dma_wait3A_428, %dma_wait3A_429, %dma_wait3A_435] : memref<2x8x64xi32, #tpu.memory_space<vmem>> -> memref<1x1x64xi32, #tpu.memory_space<vmem>>
    %dma_wait3A_437 = tpu.memref_squeeze %dma_wait3A_436 : memref<1x1x64xi32, #tpu.memory_space<vmem>> -> memref<64xi32, #tpu.memory_space<vmem>>
    %dma_wait3A_438 = arith.constant 0 : i32
    %dma_wait3A_439 = arith.constant 0 : i32
    %dma_wait3A_440 = tpu.memref_slice %arg2[%dma_wait3A_438, %dma_wait3A_439] : memref<10000x128xf32, #tpu.memory_space<hbm>> -> memref<10000x128xf32, #tpu.memory_space<hbm>>
    tpu.wait_indirect_dma semaphore(%arg16 : memref<!tpu.dma_semaphore, #tpu.memory_space<semaphore_mem>>) src(%dma_wait3A_440 : memref<10000x128xf32, #tpu.memory_space<hbm>>) dst(%dma_wait3A_434 : memref<64x128xf32, #tpu.memory_space<vmem>>)
    %run_scoped3A_441 = arith.constant 0 : i32
    %run_scoped3A_442 = arith.constant 1 : i32
    %run_scoped3A_443 = arith.constant 0 : i32
    "tpu.region"() ({
      %run_scoped3A_828 = tpu.sem_alloc : memref<!tpu.dma_semaphore, #tpu.memory_space<semaphore_mem>>
      %dma_start3A_829 = arith.constant 0 : i32
      %dma_start3A_830 = arith.constant 0 : i32
      %dma_start3A_831 = tpu.memref_slice %arg12[%run_scoped3A_441, %dma_start3A_829, %dma_start3A_830] : memref<2x64x128xf32, #tpu.memory_space<vmem>> -> memref<1x64x128xf32, #tpu.memory_space<vmem>>
      %dma_start3A_832 = tpu.memref_squeeze %dma_start3A_831 : memref<1x64x128xf32, #tpu.memory_space<vmem>> -> memref<64x128xf32, #tpu.memory_space<vmem>>
      %dma_start3A_833 = arith.constant 0 : i32
      %dma_start3A_834 = tpu.memref_slice %arg10[%run_scoped3A_442, %run_scoped3A_443, %dma_start3A_833] : memref<2x8x64xi32, #tpu.memory_space<vmem>> -> memref<1x1x64xi32, #tpu.memory_space<vmem>>
      %dma_start3A_835 = tpu.memref_squeeze %dma_start3A_834 : memref<1x1x64xi32, #tpu.memory_space<vmem>> -> memref<64xi32, #tpu.memory_space<vmem>>
      %dma_start3A_836 = arith.constant 0 : i32
      %dma_start3A_837 = arith.constant 0 : i32
      %dma_start3A_838 = tpu.memref_slice %arg15[%dma_start3A_836, %dma_start3A_837] : memref<10240x128xf32, #tpu.memory_space<vmem_shared>> -> memref<10240x128xf32, #tpu.memory_space<vmem_shared>>
      tpu.enqueue_indirect_dma source(%dma_start3A_832 : memref<64x128xf32, #tpu.memory_space<vmem>>) target(%dma_start3A_838 : memref<10240x128xf32, #tpu.memory_space<vmem_shared>>) offsets(%dma_start3A_835 : memref<64xi32, #tpu.memory_space<vmem>>) semaphore(%run_scoped3A_828 : memref<!tpu.dma_semaphore, #tpu.memory_space<semaphore_mem>>) {add = true}
      %dma_wait3A_839 = arith.constant 0 : i32
      %dma_wait3A_840 = arith.constant 0 : i32
      %dma_wait3A_841 = tpu.memref_slice %arg12[%run_scoped3A_441, %dma_wait3A_839, %dma_wait3A_840] : memref<2x64x128xf32, #tpu.memory_space<vmem>> -> memref<1x64x128xf32, #tpu.memory_space<vmem>>
      %dma_wait3A_842 = tpu.memref_squeeze %dma_wait3A_841 : memref<1x64x128xf32, #tpu.memory_space<vmem>> -> memref<64x128xf32, #tpu.memory_space<vmem>>
      %dma_wait3A_843 = arith.constant 0 : i32
      %dma_wait3A_844 = tpu.memref_slice %arg10[%run_scoped3A_442, %run_scoped3A_443, %dma_wait3A_843] : memref<2x8x64xi32, #tpu.memory_space<vmem>> -> memref<1x1x64xi32, #tpu.memory_space<vmem>>
      %dma_wait3A_845 = tpu.memref_squeeze %dma_wait3A_844 : memref<1x1x64xi32, #tpu.memory_space<vmem>> -> memref<64xi32, #tpu.memory_space<vmem>>
      %dma_wait3A_846 = arith.constant 0 : i32
      %dma_wait3A_847 = arith.constant 0 : i32
      %dma_wait3A_848 = tpu.memref_slice %arg15[%dma_wait3A_846, %dma_wait3A_847] : memref<10240x128xf32, #tpu.memory_space<vmem_shared>> -> memref<10240x128xf32, #tpu.memory_space<vmem_shared>>
      tpu.wait_indirect_dma semaphore(%run_scoped3A_828 : memref<!tpu.dma_semaphore, #tpu.memory_space<semaphore_mem>>) src(%dma_wait3A_842 : memref<64x128xf32, #tpu.memory_space<vmem>>) dst(%dma_wait3A_848 : memref<10240x128xf32, #tpu.memory_space<vmem_shared>>)
      tpu.yield
    }) : () -> ()
    %dma_start3A_444 = arith.constant 1 : i32
    %dma_start3A_445 = arith.constant 2 : i32
    %dma_start3A_446 = arith.constant 0 : i32
    %dma_start3A_447 = arith.constant 0 : i32
    %dma_start3A_448 = arith.constant 0 : i32
    %dma_start3A_449 = tpu.memref_slice %arg12[%dma_start3A_446, %dma_start3A_447, %dma_start3A_448] : memref<2x64x128xf32, #tpu.memory_space<vmem>> -> memref<1x64x128xf32, #tpu.memory_space<vmem>>
    %dma_start3A_450 = tpu.memref_squeeze %dma_start3A_449 : memref<1x64x128xf32, #tpu.memory_space<vmem>> -> memref<64x128xf32, #tpu.memory_space<vmem>>
    %dma_start3A_451 = arith.constant 0 : i32
    %dma_start3A_452 = tpu.memref_slice %arg9[%dma_start3A_444, %dma_start3A_445, %dma_start3A_451] : memref<2x8x64xi32, #tpu.memory_space<vmem>> -> memref<1x1x64xi32, #tpu.memory_space<vmem>>
    %dma_start3A_453 = tpu.memref_squeeze %dma_start3A_452 : memref<1x1x64xi32, #tpu.memory_space<vmem>> -> memref<64xi32, #tpu.memory_space<vmem>>
    %dma_start3A_454 = arith.constant 0 : i32
    %dma_start3A_455 = arith.constant 0 : i32
    %dma_start3A_456 = tpu.memref_slice %arg2[%dma_start3A_454, %dma_start3A_455] : memref<10000x128xf32, #tpu.memory_space<hbm>> -> memref<10000x128xf32, #tpu.memory_space<hbm>>
    tpu.enqueue_indirect_dma source(%dma_start3A_456 : memref<10000x128xf32, #tpu.memory_space<hbm>>) target(%dma_start3A_450 : memref<64x128xf32, #tpu.memory_space<vmem>>) offsets(%dma_start3A_453 : memref<64xi32, #tpu.memory_space<vmem>>) semaphore(%arg16 : memref<!tpu.dma_semaphore, #tpu.memory_space<semaphore_mem>>)
    %dma_wait3A_457 = arith.constant 0 : i32
    %dma_wait3A_458 = arith.constant 0 : i32
    %dma_wait3A_459 = arith.constant 1 : i32
    %dma_wait3A_460 = arith.constant 0 : i32
    %dma_wait3A_461 = arith.constant 0 : i32
    %dma_wait3A_462 = tpu.memref_slice %arg12[%dma_wait3A_459, %dma_wait3A_460, %dma_wait3A_461] : memref<2x64x128xf32, #tpu.memory_space<vmem>> -> memref<1x64x128xf32, #tpu.memory_space<vmem>>
    %dma_wait3A_463 = tpu.memref_squeeze %dma_wait3A_462 : memref<1x64x128xf32, #tpu.memory_space<vmem>> -> memref<64x128xf32, #tpu.memory_space<vmem>>
    %dma_wait3A_464 = arith.constant 0 : i32
    %dma_wait3A_465 = tpu.memref_slice %arg9[%dma_wait3A_457, %dma_wait3A_458, %dma_wait3A_464] : memref<2x8x64xi32, #tpu.memory_space<vmem>> -> memref<1x1x64xi32, #tpu.memory_space<vmem>>
    %dma_wait3A_466 = tpu.memref_squeeze %dma_wait3A_465 : memref<1x1x64xi32, #tpu.memory_space<vmem>> -> memref<64xi32, #tpu.memory_space<vmem>>
    %dma_wait3A_467 = arith.constant 0 : i32
    %dma_wait3A_468 = arith.constant 0 : i32
    %dma_wait3A_469 = tpu.memref_slice %arg2[%dma_wait3A_467, %dma_wait3A_468] : memref<10000x128xf32, #tpu.memory_space<hbm>> -> memref<10000x128xf32, #tpu.memory_space<hbm>>
    tpu.wait_indirect_dma semaphore(%arg17 : memref<!tpu.dma_semaphore, #tpu.memory_space<semaphore_mem>>) src(%dma_wait3A_469 : memref<10000x128xf32, #tpu.memory_space<hbm>>) dst(%dma_wait3A_463 : memref<64x128xf32, #tpu.memory_space<vmem>>)
    %run_scoped3A_470 = arith.constant 1 : i32
    %run_scoped3A_471 = arith.constant 1 : i32
    %run_scoped3A_472 = arith.constant 1 : i32
    "tpu.region"() ({
      %run_scoped3A_828 = tpu.sem_alloc : memref<!tpu.dma_semaphore, #tpu.memory_space<semaphore_mem>>
      %dma_start3A_829 = arith.constant 0 : i32
      %dma_start3A_830 = arith.constant 0 : i32
      %dma_start3A_831 = tpu.memref_slice %arg12[%run_scoped3A_470, %dma_start3A_829, %dma_start3A_830] : memref<2x64x128xf32, #tpu.memory_space<vmem>> -> memref<1x64x128xf32, #tpu.memory_space<vmem>>
      %dma_start3A_832 = tpu.memref_squeeze %dma_start3A_831 : memref<1x64x128xf32, #tpu.memory_space<vmem>> -> memref<64x128xf32, #tpu.memory_space<vmem>>
      %dma_start3A_833 = arith.constant 0 : i32
      %dma_start3A_834 = tpu.memref_slice %arg10[%run_scoped3A_471, %run_scoped3A_472, %dma_start3A_833] : memref<2x8x64xi32, #tpu.memory_space<vmem>> -> memref<1x1x64xi32, #tpu.memory_space<vmem>>
      %dma_start3A_835 = tpu.memref_squeeze %dma_start3A_834 : memref<1x1x64xi32, #tpu.memory_space<vmem>> -> memref<64xi32, #tpu.memory_space<vmem>>
      %dma_start3A_836 = arith.constant 0 : i32
      %dma_start3A_837 = arith.constant 0 : i32
      %dma_start3A_838 = tpu.memref_slice %arg15[%dma_start3A_836, %dma_start3A_837] : memref<10240x128xf32, #tpu.memory_space<vmem_shared>> -> memref<10240x128xf32, #tpu.memory_space<vmem_shared>>
      tpu.enqueue_indirect_dma source(%dma_start3A_832 : memref<64x128xf32, #tpu.memory_space<vmem>>) target(%dma_start3A_838 : memref<10240x128xf32, #tpu.memory_space<vmem_shared>>) offsets(%dma_start3A_835 : memref<64xi32, #tpu.memory_space<vmem>>) semaphore(%run_scoped3A_828 : memref<!tpu.dma_semaphore, #tpu.memory_space<semaphore_mem>>) {add = true}
      %dma_wait3A_839 = arith.constant 0 : i32
      %dma_wait3A_840 = arith.constant 0 : i32
      %dma_wait3A_841 = tpu.memref_slice %arg12[%run_scoped3A_470, %dma_wait3A_839, %dma_wait3A_840] : memref<2x64x128xf32, #tpu.memory_space<vmem>> -> memref<1x64x128xf32, #tpu.memory_space<vmem>>
      %dma_wait3A_842 = tpu.memref_squeeze %dma_wait3A_841 : memref<1x64x128xf32, #tpu.memory_space<vmem>> -> memref<64x128xf32, #tpu.memory_space<vmem>>
      %dma_wait3A_843 = arith.constant 0 : i32
      %dma_wait3A_844 = tpu.memref_slice %arg10[%run_scoped3A_471, %run_scoped3A_472, %dma_wait3A_843] : memref<2x8x64xi32, #tpu.memory_space<vmem>> -> memref<1x1x64xi32, #tpu.memory_space<vmem>>
      %dma_wait3A_845 = tpu.memref_squeeze %dma_wait3A_844 : memref<1x1x64xi32, #tpu.memory_space<vmem>> -> memref<64xi32, #tpu.memory_space<vmem>>
      %dma_wait3A_846 = arith.constant 0 : i32
      %dma_wait3A_847 = arith.constant 0 : i32
      %dma_wait3A_848 = tpu.memref_slice %arg15[%dma_wait3A_846, %dma_wait3A_847] : memref<10240x128xf32, #tpu.memory_space<vmem_shared>> -> memref<10240x128xf32, #tpu.memory_space<vmem_shared>>
      tpu.wait_indirect_dma semaphore(%run_scoped3A_828 : memref<!tpu.dma_semaphore, #tpu.memory_space<semaphore_mem>>) src(%dma_wait3A_842 : memref<64x128xf32, #tpu.memory_space<vmem>>) dst(%dma_wait3A_848 : memref<10240x128xf32, #tpu.memory_space<vmem_shared>>)
      tpu.yield
    }) : () -> ()
    %dma_start3A_473 = arith.constant 1 : i32
    %dma_start3A_474 = arith.constant 3 : i32
    %dma_start3A_475 = arith.constant 1 : i32
    %dma_start3A_476 = arith.constant 0 : i32
    %dma_start3A_477 = arith.constant 0 : i32
    %dma_start3A_478 = tpu.memref_slice %arg12[%dma_start3A_475, %dma_start3A_476, %dma_start3A_477] : memref<2x64x128xf32, #tpu.memory_space<vmem>> -> memref<1x64x128xf32, #tpu.memory_space<vmem>>
    %dma_start3A_479 = tpu.memref_squeeze %dma_start3A_478 : memref<1x64x128xf32, #tpu.memory_space<vmem>> -> memref<64x128xf32, #tpu.memory_space<vmem>>
    %dma_start3A_480 = arith.constant 0 : i32
    %dma_start3A_481 = tpu.memref_slice %arg9[%dma_start3A_473, %dma_start3A_474, %dma_start3A_480] : memref<2x8x64xi32, #tpu.memory_space<vmem>> -> memref<1x1x64xi32, #tpu.memory_space<vmem>>
    %dma_start3A_482 = tpu.memref_squeeze %dma_start3A_481 : memref<1x1x64xi32, #tpu.memory_space<vmem>> -> memref<64xi32, #tpu.memory_space<vmem>>
    %dma_start3A_483 = arith.constant 0 : i32
    %dma_start3A_484 = arith.constant 0 : i32
    %dma_start3A_485 = tpu.memref_slice %arg2[%dma_start3A_483, %dma_start3A_484] : memref<10000x128xf32, #tpu.memory_space<hbm>> -> memref<10000x128xf32, #tpu.memory_space<hbm>>
    tpu.enqueue_indirect_dma source(%dma_start3A_485 : memref<10000x128xf32, #tpu.memory_space<hbm>>) target(%dma_start3A_479 : memref<64x128xf32, #tpu.memory_space<vmem>>) offsets(%dma_start3A_482 : memref<64xi32, #tpu.memory_space<vmem>>) semaphore(%arg17 : memref<!tpu.dma_semaphore, #tpu.memory_space<semaphore_mem>>)
    %dma_wait3A_486 = arith.constant 0 : i32
    %dma_wait3A_487 = arith.constant 0 : i32
    %dma_wait3A_488 = arith.constant 0 : i32
    %dma_wait3A_489 = arith.constant 0 : i32
    %dma_wait3A_490 = arith.constant 0 : i32
    %dma_wait3A_491 = tpu.memref_slice %arg12[%dma_wait3A_488, %dma_wait3A_489, %dma_wait3A_490] : memref<2x64x128xf32, #tpu.memory_space<vmem>> -> memref<1x64x128xf32, #tpu.memory_space<vmem>>
    %dma_wait3A_492 = tpu.memref_squeeze %dma_wait3A_491 : memref<1x64x128xf32, #tpu.memory_space<vmem>> -> memref<64x128xf32, #tpu.memory_space<vmem>>
    %dma_wait3A_493 = arith.constant 0 : i32
    %dma_wait3A_494 = tpu.memref_slice %arg9[%dma_wait3A_486, %dma_wait3A_487, %dma_wait3A_493] : memref<2x8x64xi32, #tpu.memory_space<vmem>> -> memref<1x1x64xi32, #tpu.memory_space<vmem>>
    %dma_wait3A_495 = tpu.memref_squeeze %dma_wait3A_494 : memref<1x1x64xi32, #tpu.memory_space<vmem>> -> memref<64xi32, #tpu.memory_space<vmem>>
    %dma_wait3A_496 = arith.constant 0 : i32
    %dma_wait3A_497 = arith.constant 0 : i32
    %dma_wait3A_498 = tpu.memref_slice %arg2[%dma_wait3A_496, %dma_wait3A_497] : memref<10000x128xf32, #tpu.memory_space<hbm>> -> memref<10000x128xf32, #tpu.memory_space<hbm>>
    tpu.wait_indirect_dma semaphore(%arg16 : memref<!tpu.dma_semaphore, #tpu.memory_space<semaphore_mem>>) src(%dma_wait3A_498 : memref<10000x128xf32, #tpu.memory_space<hbm>>) dst(%dma_wait3A_492 : memref<64x128xf32, #tpu.memory_space<vmem>>)
    %run_scoped3A_499 = arith.constant 0 : i32
    %run_scoped3A_500 = arith.constant 1 : i32
    %run_scoped3A_501 = arith.constant 2 : i32
    "tpu.region"() ({
      %run_scoped3A_828 = tpu.sem_alloc : memref<!tpu.dma_semaphore, #tpu.memory_space<semaphore_mem>>
      %dma_start3A_829 = arith.constant 0 : i32
      %dma_start3A_830 = arith.constant 0 : i32
      %dma_start3A_831 = tpu.memref_slice %arg12[%run_scoped3A_499, %dma_start3A_829, %dma_start3A_830] : memref<2x64x128xf32, #tpu.memory_space<vmem>> -> memref<1x64x128xf32, #tpu.memory_space<vmem>>
      %dma_start3A_832 = tpu.memref_squeeze %dma_start3A_831 : memref<1x64x128xf32, #tpu.memory_space<vmem>> -> memref<64x128xf32, #tpu.memory_space<vmem>>
      %dma_start3A_833 = arith.constant 0 : i32
      %dma_start3A_834 = tpu.memref_slice %arg10[%run_scoped3A_500, %run_scoped3A_501, %dma_start3A_833] : memref<2x8x64xi32, #tpu.memory_space<vmem>> -> memref<1x1x64xi32, #tpu.memory_space<vmem>>
      %dma_start3A_835 = tpu.memref_squeeze %dma_start3A_834 : memref<1x1x64xi32, #tpu.memory_space<vmem>> -> memref<64xi32, #tpu.memory_space<vmem>>
      %dma_start3A_836 = arith.constant 0 : i32
      %dma_start3A_837 = arith.constant 0 : i32
      %dma_start3A_838 = tpu.memref_slice %arg15[%dma_start3A_836, %dma_start3A_837] : memref<10240x128xf32, #tpu.memory_space<vmem_shared>> -> memref<10240x128xf32, #tpu.memory_space<vmem_shared>>
      tpu.enqueue_indirect_dma source(%dma_start3A_832 : memref<64x128xf32, #tpu.memory_space<vmem>>) target(%dma_start3A_838 : memref<10240x128xf32, #tpu.memory_space<vmem_shared>>) offsets(%dma_start3A_835 : memref<64xi32, #tpu.memory_space<vmem>>) semaphore(%run_scoped3A_828 : memref<!tpu.dma_semaphore, #tpu.memory_space<semaphore_mem>>) {add = true}
      %dma_wait3A_839 = arith.constant 0 : i32
      %dma_wait3A_840 = arith.constant 0 : i32
      %dma_wait3A_841 = tpu.memref_slice %arg12[%run_scoped3A_499, %dma_wait3A_839, %dma_wait3A_840] : memref<2x64x128xf32, #tpu.memory_space<vmem>> -> memref<1x64x128xf32, #tpu.memory_space<vmem>>
      %dma_wait3A_842 = tpu.memref_squeeze %dma_wait3A_841 : memref<1x64x128xf32, #tpu.memory_space<vmem>> -> memref<64x128xf32, #tpu.memory_space<vmem>>
      %dma_wait3A_843 = arith.constant 0 : i32
      %dma_wait3A_844 = tpu.memref_slice %arg10[%run_scoped3A_500, %run_scoped3A_501, %dma_wait3A_843] : memref<2x8x64xi32, #tpu.memory_space<vmem>> -> memref<1x1x64xi32, #tpu.memory_space<vmem>>
      %dma_wait3A_845 = tpu.memref_squeeze %dma_wait3A_844 : memref<1x1x64xi32, #tpu.memory_space<vmem>> -> memref<64xi32, #tpu.memory_space<vmem>>
      %dma_wait3A_846 = arith.constant 0 : i32
      %dma_wait3A_847 = arith.constant 0 : i32
      %dma_wait3A_848 = tpu.memref_slice %arg15[%dma_wait3A_846, %dma_wait3A_847] : memref<10240x128xf32, #tpu.memory_space<vmem_shared>> -> memref<10240x128xf32, #tpu.memory_space<vmem_shared>>
      tpu.wait_indirect_dma semaphore(%run_scoped3A_828 : memref<!tpu.dma_semaphore, #tpu.memory_space<semaphore_mem>>) src(%dma_wait3A_842 : memref<64x128xf32, #tpu.memory_space<vmem>>) dst(%dma_wait3A_848 : memref<10240x128xf32, #tpu.memory_space<vmem_shared>>)
      tpu.yield
    }) : () -> ()
    %dma_start3A_502 = arith.constant 1 : i32
    %dma_start3A_503 = arith.constant 4 : i32
    %dma_start3A_504 = arith.constant 0 : i32
    %dma_start3A_505 = arith.constant 0 : i32
    %dma_start3A_506 = arith.constant 0 : i32
    %dma_start3A_507 = tpu.memref_slice %arg12[%dma_start3A_504, %dma_start3A_505, %dma_start3A_506] : memref<2x64x128xf32, #tpu.memory_space<vmem>> -> memref<1x64x128xf32, #tpu.memory_space<vmem>>
    %dma_start3A_508 = tpu.memref_squeeze %dma_start3A_507 : memref<1x64x128xf32, #tpu.memory_space<vmem>> -> memref<64x128xf32, #tpu.memory_space<vmem>>
    %dma_start3A_509 = arith.constant 0 : i32
    %dma_start3A_510 = tpu.memref_slice %arg9[%dma_start3A_502, %dma_start3A_503, %dma_start3A_509] : memref<2x8x64xi32, #tpu.memory_space<vmem>> -> memref<1x1x64xi32, #tpu.memory_space<vmem>>
    %dma_start3A_511 = tpu.memref_squeeze %dma_start3A_510 : memref<1x1x64xi32, #tpu.memory_space<vmem>> -> memref<64xi32, #tpu.memory_space<vmem>>
    %dma_start3A_512 = arith.constant 0 : i32
    %dma_start3A_513 = arith.constant 0 : i32
    %dma_start3A_514 = tpu.memref_slice %arg2[%dma_start3A_512, %dma_start3A_513] : memref<10000x128xf32, #tpu.memory_space<hbm>> -> memref<10000x128xf32, #tpu.memory_space<hbm>>
    tpu.enqueue_indirect_dma source(%dma_start3A_514 : memref<10000x128xf32, #tpu.memory_space<hbm>>) target(%dma_start3A_508 : memref<64x128xf32, #tpu.memory_space<vmem>>) offsets(%dma_start3A_511 : memref<64xi32, #tpu.memory_space<vmem>>) semaphore(%arg16 : memref<!tpu.dma_semaphore, #tpu.memory_space<semaphore_mem>>)
    %dma_wait3A_515 = arith.constant 0 : i32
    %dma_wait3A_516 = arith.constant 0 : i32
    %dma_wait3A_517 = arith.constant 1 : i32
    %dma_wait3A_518 = arith.constant 0 : i32
    %dma_wait3A_519 = arith.constant 0 : i32
    %dma_wait3A_520 = tpu.memref_slice %arg12[%dma_wait3A_517, %dma_wait3A_518, %dma_wait3A_519] : memref<2x64x128xf32, #tpu.memory_space<vmem>> -> memref<1x64x128xf32, #tpu.memory_space<vmem>>
    %dma_wait3A_521 = tpu.memref_squeeze %dma_wait3A_520 : memref<1x64x128xf32, #tpu.memory_space<vmem>> -> memref<64x128xf32, #tpu.memory_space<vmem>>
    %dma_wait3A_522 = arith.constant 0 : i32
    %dma_wait3A_523 = tpu.memref_slice %arg9[%dma_wait3A_515, %dma_wait3A_516, %dma_wait3A_522] : memref<2x8x64xi32, #tpu.memory_space<vmem>> -> memref<1x1x64xi32, #tpu.memory_space<vmem>>
    %dma_wait3A_524 = tpu.memref_squeeze %dma_wait3A_523 : memref<1x1x64xi32, #tpu.memory_space<vmem>> -> memref<64xi32, #tpu.memory_space<vmem>>
    %dma_wait3A_525 = arith.constant 0 : i32
    %dma_wait3A_526 = arith.constant 0 : i32
    %dma_wait3A_527 = tpu.memref_slice %arg2[%dma_wait3A_525, %dma_wait3A_526] : memref<10000x128xf32, #tpu.memory_space<hbm>> -> memref<10000x128xf32, #tpu.memory_space<hbm>>
    tpu.wait_indirect_dma semaphore(%arg17 : memref<!tpu.dma_semaphore, #tpu.memory_space<semaphore_mem>>) src(%dma_wait3A_527 : memref<10000x128xf32, #tpu.memory_space<hbm>>) dst(%dma_wait3A_521 : memref<64x128xf32, #tpu.memory_space<vmem>>)
    %run_scoped3A_528 = arith.constant 1 : i32
    %run_scoped3A_529 = arith.constant 1 : i32
    %run_scoped3A_530 = arith.constant 3 : i32
    "tpu.region"() ({
      %run_scoped3A_828 = tpu.sem_alloc : memref<!tpu.dma_semaphore, #tpu.memory_space<semaphore_mem>>
      %dma_start3A_829 = arith.constant 0 : i32
      %dma_start3A_830 = arith.constant 0 : i32
      %dma_start3A_831 = tpu.memref_slice %arg12[%run_scoped3A_528, %dma_start3A_829, %dma_start3A_830] : memref<2x64x128xf32, #tpu.memory_space<vmem>> -> memref<1x64x128xf32, #tpu.memory_space<vmem>>
      %dma_start3A_832 = tpu.memref_squeeze %dma_start3A_831 : memref<1x64x128xf32, #tpu.memory_space<vmem>> -> memref<64x128xf32, #tpu.memory_space<vmem>>
      %dma_start3A_833 = arith.constant 0 : i32
      %dma_start3A_834 = tpu.memref_slice %arg10[%run_scoped3A_529, %run_scoped3A_530, %dma_start3A_833] : memref<2x8x64xi32, #tpu.memory_space<vmem>> -> memref<1x1x64xi32, #tpu.memory_space<vmem>>
      %dma_start3A_835 = tpu.memref_squeeze %dma_start3A_834 : memref<1x1x64xi32, #tpu.memory_space<vmem>> -> memref<64xi32, #tpu.memory_space<vmem>>
      %dma_start3A_836 = arith.constant 0 : i32
      %dma_start3A_837 = arith.constant 0 : i32
      %dma_start3A_838 = tpu.memref_slice %arg15[%dma_start3A_836, %dma_start3A_837] : memref<10240x128xf32, #tpu.memory_space<vmem_shared>> -> memref<10240x128xf32, #tpu.memory_space<vmem_shared>>
      tpu.enqueue_indirect_dma source(%dma_start3A_832 : memref<64x128xf32, #tpu.memory_space<vmem>>) target(%dma_start3A_838 : memref<10240x128xf32, #tpu.memory_space<vmem_shared>>) offsets(%dma_start3A_835 : memref<64xi32, #tpu.memory_space<vmem>>) semaphore(%run_scoped3A_828 : memref<!tpu.dma_semaphore, #tpu.memory_space<semaphore_mem>>) {add = true}
      %dma_wait3A_839 = arith.constant 0 : i32
      %dma_wait3A_840 = arith.constant 0 : i32
      %dma_wait3A_841 = tpu.memref_slice %arg12[%run_scoped3A_528, %dma_wait3A_839, %dma_wait3A_840] : memref<2x64x128xf32, #tpu.memory_space<vmem>> -> memref<1x64x128xf32, #tpu.memory_space<vmem>>
      %dma_wait3A_842 = tpu.memref_squeeze %dma_wait3A_841 : memref<1x64x128xf32, #tpu.memory_space<vmem>> -> memref<64x128xf32, #tpu.memory_space<vmem>>
      %dma_wait3A_843 = arith.constant 0 : i32
      %dma_wait3A_844 = tpu.memref_slice %arg10[%run_scoped3A_529, %run_scoped3A_530, %dma_wait3A_843] : memref<2x8x64xi32, #tpu.memory_space<vmem>> -> memref<1x1x64xi32, #tpu.memory_space<vmem>>
      %dma_wait3A_845 = tpu.memref_squeeze %dma_wait3A_844 : memref<1x1x64xi32, #tpu.memory_space<vmem>> -> memref<64xi32, #tpu.memory_space<vmem>>
      %dma_wait3A_846 = arith.constant 0 : i32
      %dma_wait3A_847 = arith.constant 0 : i32
      %dma_wait3A_848 = tpu.memref_slice %arg15[%dma_wait3A_846, %dma_wait3A_847] : memref<10240x128xf32, #tpu.memory_space<vmem_shared>> -> memref<10240x128xf32, #tpu.memory_space<vmem_shared>>
      tpu.wait_indirect_dma semaphore(%run_scoped3A_828 : memref<!tpu.dma_semaphore, #tpu.memory_space<semaphore_mem>>) src(%dma_wait3A_842 : memref<64x128xf32, #tpu.memory_space<vmem>>) dst(%dma_wait3A_848 : memref<10240x128xf32, #tpu.memory_space<vmem_shared>>)
      tpu.yield
    }) : () -> ()
    %dma_start3A_531 = arith.constant 1 : i32
    %dma_start3A_532 = arith.constant 5 : i32
    %dma_start3A_533 = arith.constant 1 : i32
    %dma_start3A_534 = arith.constant 0 : i32
    %dma_start3A_535 = arith.constant 0 : i32
    %dma_start3A_536 = tpu.memref_slice %arg12[%dma_start3A_533, %dma_start3A_534, %dma_start3A_535] : memref<2x64x128xf32, #tpu.memory_space<vmem>> -> memref<1x64x128xf32, #tpu.memory_space<vmem>>
    %dma_start3A_537 = tpu.memref_squeeze %dma_start3A_536 : memref<1x64x128xf32, #tpu.memory_space<vmem>> -> memref<64x128xf32, #tpu.memory_space<vmem>>
    %dma_start3A_538 = arith.constant 0 : i32
    %dma_start3A_539 = tpu.memref_slice %arg9[%dma_start3A_531, %dma_start3A_532, %dma_start3A_538] : memref<2x8x64xi32, #tpu.memory_space<vmem>> -> memref<1x1x64xi32, #tpu.memory_space<vmem>>
    %dma_start3A_540 = tpu.memref_squeeze %dma_start3A_539 : memref<1x1x64xi32, #tpu.memory_space<vmem>> -> memref<64xi32, #tpu.memory_space<vmem>>
    %dma_start3A_541 = arith.constant 0 : i32
    %dma_start3A_542 = arith.constant 0 : i32
    %dma_start3A_543 = tpu.memref_slice %arg2[%dma_start3A_541, %dma_start3A_542] : memref<10000x128xf32, #tpu.memory_space<hbm>> -> memref<10000x128xf32, #tpu.memory_space<hbm>>
    tpu.enqueue_indirect_dma source(%dma_start3A_543 : memref<10000x128xf32, #tpu.memory_space<hbm>>) target(%dma_start3A_537 : memref<64x128xf32, #tpu.memory_space<vmem>>) offsets(%dma_start3A_540 : memref<64xi32, #tpu.memory_space<vmem>>) semaphore(%arg17 : memref<!tpu.dma_semaphore, #tpu.memory_space<semaphore_mem>>)
    %dma_wait3A_544 = arith.constant 0 : i32
    %dma_wait3A_545 = arith.constant 0 : i32
    %dma_wait3A_546 = arith.constant 0 : i32
    %dma_wait3A_547 = arith.constant 0 : i32
    %dma_wait3A_548 = arith.constant 0 : i32
    %dma_wait3A_549 = tpu.memref_slice %arg12[%dma_wait3A_546, %dma_wait3A_547, %dma_wait3A_548] : memref<2x64x128xf32, #tpu.memory_space<vmem>> -> memref<1x64x128xf32, #tpu.memory_space<vmem>>
    %dma_wait3A_550 = tpu.memref_squeeze %dma_wait3A_549 : memref<1x64x128xf32, #tpu.memory_space<vmem>> -> memref<64x128xf32, #tpu.memory_space<vmem>>
    %dma_wait3A_551 = arith.constant 0 : i32
    %dma_wait3A_552 = tpu.memref_slice %arg9[%dma_wait3A_544, %dma_wait3A_545, %dma_wait3A_551] : memref<2x8x64xi32, #tpu.memory_space<vmem>> -> memref<1x1x64xi32, #tpu.memory_space<vmem>>
    %dma_wait3A_553 = tpu.memref_squeeze %dma_wait3A_552 : memref<1x1x64xi32, #tpu.memory_space<vmem>> -> memref<64xi32, #tpu.memory_space<vmem>>
    %dma_wait3A_554 = arith.constant 0 : i32
    %dma_wait3A_555 = arith.constant 0 : i32
    %dma_wait3A_556 = tpu.memref_slice %arg2[%dma_wait3A_554, %dma_wait3A_555] : memref<10000x128xf32, #tpu.memory_space<hbm>> -> memref<10000x128xf32, #tpu.memory_space<hbm>>
    tpu.wait_indirect_dma semaphore(%arg16 : memref<!tpu.dma_semaphore, #tpu.memory_space<semaphore_mem>>) src(%dma_wait3A_556 : memref<10000x128xf32, #tpu.memory_space<hbm>>) dst(%dma_wait3A_550 : memref<64x128xf32, #tpu.memory_space<vmem>>)
    %run_scoped3A_557 = arith.constant 0 : i32
    %run_scoped3A_558 = arith.constant 1 : i32
    %run_scoped3A_559 = arith.constant 4 : i32
    "tpu.region"() ({
      %run_scoped3A_828 = tpu.sem_alloc : memref<!tpu.dma_semaphore, #tpu.memory_space<semaphore_mem>>
      %dma_start3A_829 = arith.constant 0 : i32
      %dma_start3A_830 = arith.constant 0 : i32
      %dma_start3A_831 = tpu.memref_slice %arg12[%run_scoped3A_557, %dma_start3A_829, %dma_start3A_830] : memref<2x64x128xf32, #tpu.memory_space<vmem>> -> memref<1x64x128xf32, #tpu.memory_space<vmem>>
      %dma_start3A_832 = tpu.memref_squeeze %dma_start3A_831 : memref<1x64x128xf32, #tpu.memory_space<vmem>> -> memref<64x128xf32, #tpu.memory_space<vmem>>
      %dma_start3A_833 = arith.constant 0 : i32
      %dma_start3A_834 = tpu.memref_slice %arg10[%run_scoped3A_558, %run_scoped3A_559, %dma_start3A_833] : memref<2x8x64xi32, #tpu.memory_space<vmem>> -> memref<1x1x64xi32, #tpu.memory_space<vmem>>
      %dma_start3A_835 = tpu.memref_squeeze %dma_start3A_834 : memref<1x1x64xi32, #tpu.memory_space<vmem>> -> memref<64xi32, #tpu.memory_space<vmem>>
      %dma_start3A_836 = arith.constant 0 : i32
      %dma_start3A_837 = arith.constant 0 : i32
      %dma_start3A_838 = tpu.memref_slice %arg15[%dma_start3A_836, %dma_start3A_837] : memref<10240x128xf32, #tpu.memory_space<vmem_shared>> -> memref<10240x128xf32, #tpu.memory_space<vmem_shared>>
      tpu.enqueue_indirect_dma source(%dma_start3A_832 : memref<64x128xf32, #tpu.memory_space<vmem>>) target(%dma_start3A_838 : memref<10240x128xf32, #tpu.memory_space<vmem_shared>>) offsets(%dma_start3A_835 : memref<64xi32, #tpu.memory_space<vmem>>) semaphore(%run_scoped3A_828 : memref<!tpu.dma_semaphore, #tpu.memory_space<semaphore_mem>>) {add = true}
      %dma_wait3A_839 = arith.constant 0 : i32
      %dma_wait3A_840 = arith.constant 0 : i32
      %dma_wait3A_841 = tpu.memref_slice %arg12[%run_scoped3A_557, %dma_wait3A_839, %dma_wait3A_840] : memref<2x64x128xf32, #tpu.memory_space<vmem>> -> memref<1x64x128xf32, #tpu.memory_space<vmem>>
      %dma_wait3A_842 = tpu.memref_squeeze %dma_wait3A_841 : memref<1x64x128xf32, #tpu.memory_space<vmem>> -> memref<64x128xf32, #tpu.memory_space<vmem>>
      %dma_wait3A_843 = arith.constant 0 : i32
      %dma_wait3A_844 = tpu.memref_slice %arg10[%run_scoped3A_558, %run_scoped3A_559, %dma_wait3A_843] : memref<2x8x64xi32, #tpu.memory_space<vmem>> -> memref<1x1x64xi32, #tpu.memory_space<vmem>>
      %dma_wait3A_845 = tpu.memref_squeeze %dma_wait3A_844 : memref<1x1x64xi32, #tpu.memory_space<vmem>> -> memref<64xi32, #tpu.memory_space<vmem>>
      %dma_wait3A_846 = arith.constant 0 : i32
      %dma_wait3A_847 = arith.constant 0 : i32
      %dma_wait3A_848 = tpu.memref_slice %arg15[%dma_wait3A_846, %dma_wait3A_847] : memref<10240x128xf32, #tpu.memory_space<vmem_shared>> -> memref<10240x128xf32, #tpu.memory_space<vmem_shared>>
      tpu.wait_indirect_dma semaphore(%run_scoped3A_828 : memref<!tpu.dma_semaphore, #tpu.memory_space<semaphore_mem>>) src(%dma_wait3A_842 : memref<64x128xf32, #tpu.memory_space<vmem>>) dst(%dma_wait3A_848 : memref<10240x128xf32, #tpu.memory_space<vmem_shared>>)
      tpu.yield
    }) : () -> ()
    %dma_start3A_560 = arith.constant 1 : i32
    %dma_start3A_561 = arith.constant 6 : i32
    %dma_start3A_562 = arith.constant 0 : i32
    %dma_start3A_563 = arith.constant 0 : i32
    %dma_start3A_564 = arith.constant 0 : i32
    %dma_start3A_565 = tpu.memref_slice %arg12[%dma_start3A_562, %dma_start3A_563, %dma_start3A_564] : memref<2x64x128xf32, #tpu.memory_space<vmem>> -> memref<1x64x128xf32, #tpu.memory_space<vmem>>
    %dma_start3A_566 = tpu.memref_squeeze %dma_start3A_565 : memref<1x64x128xf32, #tpu.memory_space<vmem>> -> memref<64x128xf32, #tpu.memory_space<vmem>>
    %dma_start3A_567 = arith.constant 0 : i32
    %dma_start3A_568 = tpu.memref_slice %arg9[%dma_start3A_560, %dma_start3A_561, %dma_start3A_567] : memref<2x8x64xi32, #tpu.memory_space<vmem>> -> memref<1x1x64xi32, #tpu.memory_space<vmem>>
    %dma_start3A_569 = tpu.memref_squeeze %dma_start3A_568 : memref<1x1x64xi32, #tpu.memory_space<vmem>> -> memref<64xi32, #tpu.memory_space<vmem>>
    %dma_start3A_570 = arith.constant 0 : i32
    %dma_start3A_571 = arith.constant 0 : i32
    %dma_start3A_572 = tpu.memref_slice %arg2[%dma_start3A_570, %dma_start3A_571] : memref<10000x128xf32, #tpu.memory_space<hbm>> -> memref<10000x128xf32, #tpu.memory_space<hbm>>
    tpu.enqueue_indirect_dma source(%dma_start3A_572 : memref<10000x128xf32, #tpu.memory_space<hbm>>) target(%dma_start3A_566 : memref<64x128xf32, #tpu.memory_space<vmem>>) offsets(%dma_start3A_569 : memref<64xi32, #tpu.memory_space<vmem>>) semaphore(%arg16 : memref<!tpu.dma_semaphore, #tpu.memory_space<semaphore_mem>>)
    %dma_wait3A_573 = arith.constant 0 : i32
    %dma_wait3A_574 = arith.constant 0 : i32
    %dma_wait3A_575 = arith.constant 1 : i32
    %dma_wait3A_576 = arith.constant 0 : i32
    %dma_wait3A_577 = arith.constant 0 : i32
    %dma_wait3A_578 = tpu.memref_slice %arg12[%dma_wait3A_575, %dma_wait3A_576, %dma_wait3A_577] : memref<2x64x128xf32, #tpu.memory_space<vmem>> -> memref<1x64x128xf32, #tpu.memory_space<vmem>>
    %dma_wait3A_579 = tpu.memref_squeeze %dma_wait3A_578 : memref<1x64x128xf32, #tpu.memory_space<vmem>> -> memref<64x128xf32, #tpu.memory_space<vmem>>
    %dma_wait3A_580 = arith.constant 0 : i32
    %dma_wait3A_581 = tpu.memref_slice %arg9[%dma_wait3A_573, %dma_wait3A_574, %dma_wait3A_580] : memref<2x8x64xi32, #tpu.memory_space<vmem>> -> memref<1x1x64xi32, #tpu.memory_space<vmem>>
    %dma_wait3A_582 = tpu.memref_squeeze %dma_wait3A_581 : memref<1x1x64xi32, #tpu.memory_space<vmem>> -> memref<64xi32, #tpu.memory_space<vmem>>
    %dma_wait3A_583 = arith.constant 0 : i32
    %dma_wait3A_584 = arith.constant 0 : i32
    %dma_wait3A_585 = tpu.memref_slice %arg2[%dma_wait3A_583, %dma_wait3A_584] : memref<10000x128xf32, #tpu.memory_space<hbm>> -> memref<10000x128xf32, #tpu.memory_space<hbm>>
    tpu.wait_indirect_dma semaphore(%arg17 : memref<!tpu.dma_semaphore, #tpu.memory_space<semaphore_mem>>) src(%dma_wait3A_585 : memref<10000x128xf32, #tpu.memory_space<hbm>>) dst(%dma_wait3A_579 : memref<64x128xf32, #tpu.memory_space<vmem>>)
    %run_scoped3A_586 = arith.constant 1 : i32
    %run_scoped3A_587 = arith.constant 1 : i32
    %run_scoped3A_588 = arith.constant 5 : i32
    "tpu.region"() ({
      %run_scoped3A_828 = tpu.sem_alloc : memref<!tpu.dma_semaphore, #tpu.memory_space<semaphore_mem>>
      %dma_start3A_829 = arith.constant 0 : i32
      %dma_start3A_830 = arith.constant 0 : i32
      %dma_start3A_831 = tpu.memref_slice %arg12[%run_scoped3A_586, %dma_start3A_829, %dma_start3A_830] : memref<2x64x128xf32, #tpu.memory_space<vmem>> -> memref<1x64x128xf32, #tpu.memory_space<vmem>>
      %dma_start3A_832 = tpu.memref_squeeze %dma_start3A_831 : memref<1x64x128xf32, #tpu.memory_space<vmem>> -> memref<64x128xf32, #tpu.memory_space<vmem>>
      %dma_start3A_833 = arith.constant 0 : i32
      %dma_start3A_834 = tpu.memref_slice %arg10[%run_scoped3A_587, %run_scoped3A_588, %dma_start3A_833] : memref<2x8x64xi32, #tpu.memory_space<vmem>> -> memref<1x1x64xi32, #tpu.memory_space<vmem>>
      %dma_start3A_835 = tpu.memref_squeeze %dma_start3A_834 : memref<1x1x64xi32, #tpu.memory_space<vmem>> -> memref<64xi32, #tpu.memory_space<vmem>>
      %dma_start3A_836 = arith.constant 0 : i32
      %dma_start3A_837 = arith.constant 0 : i32
      %dma_start3A_838 = tpu.memref_slice %arg15[%dma_start3A_836, %dma_start3A_837] : memref<10240x128xf32, #tpu.memory_space<vmem_shared>> -> memref<10240x128xf32, #tpu.memory_space<vmem_shared>>
      tpu.enqueue_indirect_dma source(%dma_start3A_832 : memref<64x128xf32, #tpu.memory_space<vmem>>) target(%dma_start3A_838 : memref<10240x128xf32, #tpu.memory_space<vmem_shared>>) offsets(%dma_start3A_835 : memref<64xi32, #tpu.memory_space<vmem>>) semaphore(%run_scoped3A_828 : memref<!tpu.dma_semaphore, #tpu.memory_space<semaphore_mem>>) {add = true}
      %dma_wait3A_839 = arith.constant 0 : i32
      %dma_wait3A_840 = arith.constant 0 : i32
      %dma_wait3A_841 = tpu.memref_slice %arg12[%run_scoped3A_586, %dma_wait3A_839, %dma_wait3A_840] : memref<2x64x128xf32, #tpu.memory_space<vmem>> -> memref<1x64x128xf32, #tpu.memory_space<vmem>>
      %dma_wait3A_842 = tpu.memref_squeeze %dma_wait3A_841 : memref<1x64x128xf32, #tpu.memory_space<vmem>> -> memref<64x128xf32, #tpu.memory_space<vmem>>
      %dma_wait3A_843 = arith.constant 0 : i32
      %dma_wait3A_844 = tpu.memref_slice %arg10[%run_scoped3A_587, %run_scoped3A_588, %dma_wait3A_843] : memref<2x8x64xi32, #tpu.memory_space<vmem>> -> memref<1x1x64xi32, #tpu.memory_space<vmem>>
      %dma_wait3A_845 = tpu.memref_squeeze %dma_wait3A_844 : memref<1x1x64xi32, #tpu.memory_space<vmem>> -> memref<64xi32, #tpu.memory_space<vmem>>
      %dma_wait3A_846 = arith.constant 0 : i32
      %dma_wait3A_847 = arith.constant 0 : i32
      %dma_wait3A_848 = tpu.memref_slice %arg15[%dma_wait3A_846, %dma_wait3A_847] : memref<10240x128xf32, #tpu.memory_space<vmem_shared>> -> memref<10240x128xf32, #tpu.memory_space<vmem_shared>>
      tpu.wait_indirect_dma semaphore(%run_scoped3A_828 : memref<!tpu.dma_semaphore, #tpu.memory_space<semaphore_mem>>) src(%dma_wait3A_842 : memref<64x128xf32, #tpu.memory_space<vmem>>) dst(%dma_wait3A_848 : memref<10240x128xf32, #tpu.memory_space<vmem_shared>>)
      tpu.yield
    }) : () -> ()
    %dma_start3A_589 = arith.constant 1 : i32
    %dma_start3A_590 = arith.constant 7 : i32
    %dma_start3A_591 = arith.constant 1 : i32
    %dma_start3A_592 = arith.constant 0 : i32
    %dma_start3A_593 = arith.constant 0 : i32
    %dma_start3A_594 = tpu.memref_slice %arg12[%dma_start3A_591, %dma_start3A_592, %dma_start3A_593] : memref<2x64x128xf32, #tpu.memory_space<vmem>> -> memref<1x64x128xf32, #tpu.memory_space<vmem>>
    %dma_start3A_595 = tpu.memref_squeeze %dma_start3A_594 : memref<1x64x128xf32, #tpu.memory_space<vmem>> -> memref<64x128xf32, #tpu.memory_space<vmem>>
    %dma_start3A_596 = arith.constant 0 : i32
    %dma_start3A_597 = tpu.memref_slice %arg9[%dma_start3A_589, %dma_start3A_590, %dma_start3A_596] : memref<2x8x64xi32, #tpu.memory_space<vmem>> -> memref<1x1x64xi32, #tpu.memory_space<vmem>>
    %dma_start3A_598 = tpu.memref_squeeze %dma_start3A_597 : memref<1x1x64xi32, #tpu.memory_space<vmem>> -> memref<64xi32, #tpu.memory_space<vmem>>
    %dma_start3A_599 = arith.constant 0 : i32
    %dma_start3A_600 = arith.constant 0 : i32
    %dma_start3A_601 = tpu.memref_slice %arg2[%dma_start3A_599, %dma_start3A_600] : memref<10000x128xf32, #tpu.memory_space<hbm>> -> memref<10000x128xf32, #tpu.memory_space<hbm>>
    tpu.enqueue_indirect_dma source(%dma_start3A_601 : memref<10000x128xf32, #tpu.memory_space<hbm>>) target(%dma_start3A_595 : memref<64x128xf32, #tpu.memory_space<vmem>>) offsets(%dma_start3A_598 : memref<64xi32, #tpu.memory_space<vmem>>) semaphore(%arg17 : memref<!tpu.dma_semaphore, #tpu.memory_space<semaphore_mem>>)
    %dma_wait3A_602 = arith.constant 0 : i32
    %dma_wait3A_603 = arith.constant 0 : i32
    %dma_wait3A_604 = arith.constant 0 : i32
    %dma_wait3A_605 = arith.constant 0 : i32
    %dma_wait3A_606 = arith.constant 0 : i32
    %dma_wait3A_607 = tpu.memref_slice %arg12[%dma_wait3A_604, %dma_wait3A_605, %dma_wait3A_606] : memref<2x64x128xf32, #tpu.memory_space<vmem>> -> memref<1x64x128xf32, #tpu.memory_space<vmem>>
    %dma_wait3A_608 = tpu.memref_squeeze %dma_wait3A_607 : memref<1x64x128xf32, #tpu.memory_space<vmem>> -> memref<64x128xf32, #tpu.memory_space<vmem>>
    %dma_wait3A_609 = arith.constant 0 : i32
    %dma_wait3A_610 = tpu.memref_slice %arg9[%dma_wait3A_602, %dma_wait3A_603, %dma_wait3A_609] : memref<2x8x64xi32, #tpu.memory_space<vmem>> -> memref<1x1x64xi32, #tpu.memory_space<vmem>>
    %dma_wait3A_611 = tpu.memref_squeeze %dma_wait3A_610 : memref<1x1x64xi32, #tpu.memory_space<vmem>> -> memref<64xi32, #tpu.memory_space<vmem>>
    %dma_wait3A_612 = arith.constant 0 : i32
    %dma_wait3A_613 = arith.constant 0 : i32
    %dma_wait3A_614 = tpu.memref_slice %arg2[%dma_wait3A_612, %dma_wait3A_613] : memref<10000x128xf32, #tpu.memory_space<hbm>> -> memref<10000x128xf32, #tpu.memory_space<hbm>>
    tpu.wait_indirect_dma semaphore(%arg16 : memref<!tpu.dma_semaphore, #tpu.memory_space<semaphore_mem>>) src(%dma_wait3A_614 : memref<10000x128xf32, #tpu.memory_space<hbm>>) dst(%dma_wait3A_608 : memref<64x128xf32, #tpu.memory_space<vmem>>)
    %run_scoped3A_615 = arith.constant 0 : i32
    %run_scoped3A_616 = arith.constant 1 : i32
    %run_scoped3A_617 = arith.constant 6 : i32
    "tpu.region"() ({
      %run_scoped3A_828 = tpu.sem_alloc : memref<!tpu.dma_semaphore, #tpu.memory_space<semaphore_mem>>
      %dma_start3A_829 = arith.constant 0 : i32
      %dma_start3A_830 = arith.constant 0 : i32
      %dma_start3A_831 = tpu.memref_slice %arg12[%run_scoped3A_615, %dma_start3A_829, %dma_start3A_830] : memref<2x64x128xf32, #tpu.memory_space<vmem>> -> memref<1x64x128xf32, #tpu.memory_space<vmem>>
      %dma_start3A_832 = tpu.memref_squeeze %dma_start3A_831 : memref<1x64x128xf32, #tpu.memory_space<vmem>> -> memref<64x128xf32, #tpu.memory_space<vmem>>
      %dma_start3A_833 = arith.constant 0 : i32
      %dma_start3A_834 = tpu.memref_slice %arg10[%run_scoped3A_616, %run_scoped3A_617, %dma_start3A_833] : memref<2x8x64xi32, #tpu.memory_space<vmem>> -> memref<1x1x64xi32, #tpu.memory_space<vmem>>
      %dma_start3A_835 = tpu.memref_squeeze %dma_start3A_834 : memref<1x1x64xi32, #tpu.memory_space<vmem>> -> memref<64xi32, #tpu.memory_space<vmem>>
      %dma_start3A_836 = arith.constant 0 : i32
      %dma_start3A_837 = arith.constant 0 : i32
      %dma_start3A_838 = tpu.memref_slice %arg15[%dma_start3A_836, %dma_start3A_837] : memref<10240x128xf32, #tpu.memory_space<vmem_shared>> -> memref<10240x128xf32, #tpu.memory_space<vmem_shared>>
      tpu.enqueue_indirect_dma source(%dma_start3A_832 : memref<64x128xf32, #tpu.memory_space<vmem>>) target(%dma_start3A_838 : memref<10240x128xf32, #tpu.memory_space<vmem_shared>>) offsets(%dma_start3A_835 : memref<64xi32, #tpu.memory_space<vmem>>) semaphore(%run_scoped3A_828 : memref<!tpu.dma_semaphore, #tpu.memory_space<semaphore_mem>>) {add = true}
      %dma_wait3A_839 = arith.constant 0 : i32
      %dma_wait3A_840 = arith.constant 0 : i32
      %dma_wait3A_841 = tpu.memref_slice %arg12[%run_scoped3A_615, %dma_wait3A_839, %dma_wait3A_840] : memref<2x64x128xf32, #tpu.memory_space<vmem>> -> memref<1x64x128xf32, #tpu.memory_space<vmem>>
      %dma_wait3A_842 = tpu.memref_squeeze %dma_wait3A_841 : memref<1x64x128xf32, #tpu.memory_space<vmem>> -> memref<64x128xf32, #tpu.memory_space<vmem>>
      %dma_wait3A_843 = arith.constant 0 : i32
      %dma_wait3A_844 = tpu.memref_slice %arg10[%run_scoped3A_616, %run_scoped3A_617, %dma_wait3A_843] : memref<2x8x64xi32, #tpu.memory_space<vmem>> -> memref<1x1x64xi32, #tpu.memory_space<vmem>>
      %dma_wait3A_845 = tpu.memref_squeeze %dma_wait3A_844 : memref<1x1x64xi32, #tpu.memory_space<vmem>> -> memref<64xi32, #tpu.memory_space<vmem>>
      %dma_wait3A_846 = arith.constant 0 : i32
      %dma_wait3A_847 = arith.constant 0 : i32
      %dma_wait3A_848 = tpu.memref_slice %arg15[%dma_wait3A_846, %dma_wait3A_847] : memref<10240x128xf32, #tpu.memory_space<vmem_shared>> -> memref<10240x128xf32, #tpu.memory_space<vmem_shared>>
      tpu.wait_indirect_dma semaphore(%run_scoped3A_828 : memref<!tpu.dma_semaphore, #tpu.memory_space<semaphore_mem>>) src(%dma_wait3A_842 : memref<64x128xf32, #tpu.memory_space<vmem>>) dst(%dma_wait3A_848 : memref<10240x128xf32, #tpu.memory_space<vmem_shared>>)
      tpu.yield
    }) : () -> ()
    %dma_wait3A_618 = arith.constant 0 : i32
    %dma_wait3A_619 = arith.constant 0 : i32
    %dma_wait3A_620 = arith.constant 1 : i32
    %dma_wait3A_621 = arith.constant 0 : i32
    %dma_wait3A_622 = arith.constant 0 : i32
    %dma_wait3A_623 = tpu.memref_slice %arg12[%dma_wait3A_620, %dma_wait3A_621, %dma_wait3A_622] : memref<2x64x128xf32, #tpu.memory_space<vmem>> -> memref<1x64x128xf32, #tpu.memory_space<vmem>>
    %dma_wait3A_624 = tpu.memref_squeeze %dma_wait3A_623 : memref<1x64x128xf32, #tpu.memory_space<vmem>> -> memref<64x128xf32, #tpu.memory_space<vmem>>
    %dma_wait3A_625 = arith.constant 0 : i32
    %dma_wait3A_626 = tpu.memref_slice %arg9[%dma_wait3A_618, %dma_wait3A_619, %dma_wait3A_625] : memref<2x8x64xi32, #tpu.memory_space<vmem>> -> memref<1x1x64xi32, #tpu.memory_space<vmem>>
    %dma_wait3A_627 = tpu.memref_squeeze %dma_wait3A_626 : memref<1x1x64xi32, #tpu.memory_space<vmem>> -> memref<64xi32, #tpu.memory_space<vmem>>
    %dma_wait3A_628 = arith.constant 0 : i32
    %dma_wait3A_629 = arith.constant 0 : i32
    %dma_wait3A_630 = tpu.memref_slice %arg2[%dma_wait3A_628, %dma_wait3A_629] : memref<10000x128xf32, #tpu.memory_space<hbm>> -> memref<10000x128xf32, #tpu.memory_space<hbm>>
    tpu.wait_indirect_dma semaphore(%arg17 : memref<!tpu.dma_semaphore, #tpu.memory_space<semaphore_mem>>) src(%dma_wait3A_630 : memref<10000x128xf32, #tpu.memory_space<hbm>>) dst(%dma_wait3A_624 : memref<64x128xf32, #tpu.memory_space<vmem>>)
    %run_scoped3A_631 = arith.constant 1 : i32
    %run_scoped3A_632 = arith.constant 1 : i32
    %run_scoped3A_633 = arith.constant 7 : i32
    "tpu.region"() ({
      %run_scoped3A_828 = tpu.sem_alloc : memref<!tpu.dma_semaphore, #tpu.memory_space<semaphore_mem>>
      %dma_start3A_829 = arith.constant 0 : i32
      %dma_start3A_830 = arith.constant 0 : i32
      %dma_start3A_831 = tpu.memref_slice %arg12[%run_scoped3A_631, %dma_start3A_829, %dma_start3A_830] : memref<2x64x128xf32, #tpu.memory_space<vmem>> -> memref<1x64x128xf32, #tpu.memory_space<vmem>>
      %dma_start3A_832 = tpu.memref_squeeze %dma_start3A_831 : memref<1x64x128xf32, #tpu.memory_space<vmem>> -> memref<64x128xf32, #tpu.memory_space<vmem>>
      %dma_start3A_833 = arith.constant 0 : i32
      %dma_start3A_834 = tpu.memref_slice %arg10[%run_scoped3A_632, %run_scoped3A_633, %dma_start3A_833] : memref<2x8x64xi32, #tpu.memory_space<vmem>> -> memref<1x1x64xi32, #tpu.memory_space<vmem>>
      %dma_start3A_835 = tpu.memref_squeeze %dma_start3A_834 : memref<1x1x64xi32, #tpu.memory_space<vmem>> -> memref<64xi32, #tpu.memory_space<vmem>>
      %dma_start3A_836 = arith.constant 0 : i32
      %dma_start3A_837 = arith.constant 0 : i32
      %dma_start3A_838 = tpu.memref_slice %arg15[%dma_start3A_836, %dma_start3A_837] : memref<10240x128xf32, #tpu.memory_space<vmem_shared>> -> memref<10240x128xf32, #tpu.memory_space<vmem_shared>>
      tpu.enqueue_indirect_dma source(%dma_start3A_832 : memref<64x128xf32, #tpu.memory_space<vmem>>) target(%dma_start3A_838 : memref<10240x128xf32, #tpu.memory_space<vmem_shared>>) offsets(%dma_start3A_835 : memref<64xi32, #tpu.memory_space<vmem>>) semaphore(%run_scoped3A_828 : memref<!tpu.dma_semaphore, #tpu.memory_space<semaphore_mem>>) {add = true}
      %dma_wait3A_839 = arith.constant 0 : i32
      %dma_wait3A_840 = arith.constant 0 : i32
      %dma_wait3A_841 = tpu.memref_slice %arg12[%run_scoped3A_631, %dma_wait3A_839, %dma_wait3A_840] : memref<2x64x128xf32, #tpu.memory_space<vmem>> -> memref<1x64x128xf32, #tpu.memory_space<vmem>>
      %dma_wait3A_842 = tpu.memref_squeeze %dma_wait3A_841 : memref<1x64x128xf32, #tpu.memory_space<vmem>> -> memref<64x128xf32, #tpu.memory_space<vmem>>
      %dma_wait3A_843 = arith.constant 0 : i32
      %dma_wait3A_844 = tpu.memref_slice %arg10[%run_scoped3A_632, %run_scoped3A_633, %dma_wait3A_843] : memref<2x8x64xi32, #tpu.memory_space<vmem>> -> memref<1x1x64xi32, #tpu.memory_space<vmem>>
      %dma_wait3A_845 = tpu.memref_squeeze %dma_wait3A_844 : memref<1x1x64xi32, #tpu.memory_space<vmem>> -> memref<64xi32, #tpu.memory_space<vmem>>
      %dma_wait3A_846 = arith.constant 0 : i32
      %dma_wait3A_847 = arith.constant 0 : i32
      %dma_wait3A_848 = tpu.memref_slice %arg15[%dma_wait3A_846, %dma_wait3A_847] : memref<10240x128xf32, #tpu.memory_space<vmem_shared>> -> memref<10240x128xf32, #tpu.memory_space<vmem_shared>>
      tpu.wait_indirect_dma semaphore(%run_scoped3A_828 : memref<!tpu.dma_semaphore, #tpu.memory_space<semaphore_mem>>) src(%dma_wait3A_842 : memref<64x128xf32, #tpu.memory_space<vmem>>) dst(%dma_wait3A_848 : memref<10240x128xf32, #tpu.memory_space<vmem_shared>>)
      tpu.yield
    }) : () -> ()
    %barrier3A_634 = arith.constant 0 : index
    tpu.barrier barrier_id(%barrier3A_634)
    %add3A_635 = arith.constant 0 : i32
    %add3A_636 = arith.addi %mul3A_0, %add3A_635 : i32
    "tpu.region"() ({
      %run_scoped3A_828 = tpu.sem_alloc : memref<!tpu.dma_semaphore, #tpu.memory_space<semaphore_mem>>
      %dma_start3A_829 = arith.constant 0 : i32
      %dma_start3A_830 = tpu.memref_slice %arg15[%add3A_636, %dma_start3A_829] : memref<10240x128xf32, #tpu.memory_space<vmem_shared>> -> memref<80x128xf32, #tpu.memory_space<vmem_shared>>
      %dma_start3A_831 = arith.constant 0 : i32
      %dma_start3A_832 = tpu.memref_slice %arg15[%add3A_636, %dma_start3A_831] : memref<10240x128xf32, #tpu.memory_space<vmem_shared>> -> memref<80x128xf32, #tpu.memory_space<vmem_shared>>
      tpu.enqueue_dma source(%dma_start3A_832 : memref<80x128xf32, #tpu.memory_space<vmem_shared>>) target(%arg14 : memref<80x128xf32, #tpu.memory_space<vmem>>) target_semaphore(%run_scoped3A_828 : memref<!tpu.dma_semaphore, #tpu.memory_space<semaphore_mem>>)
      %dma_wait3A_833 = arith.constant 0 : i32
      %dma_wait3A_834 = tpu.memref_slice %arg15[%add3A_636, %dma_wait3A_833] : memref<10240x128xf32, #tpu.memory_space<vmem_shared>> -> memref<80x128xf32, #tpu.memory_space<vmem_shared>>
      %dma_wait3A_835 = arith.constant 0 : i32
      %dma_wait3A_836 = tpu.memref_slice %arg15[%add3A_636, %dma_wait3A_835] : memref<10240x128xf32, #tpu.memory_space<vmem_shared>> -> memref<80x128xf32, #tpu.memory_space<vmem_shared>>
      tpu.wait_dma2 semaphore(%run_scoped3A_828 : memref<!tpu.dma_semaphore, #tpu.memory_space<semaphore_mem>>) src(%dma_wait3A_836 : memref<80x128xf32, #tpu.memory_space<vmem_shared>>) dst(%arg14 : memref<80x128xf32, #tpu.memory_space<vmem>>)
      tpu.yield
    }) : () -> ()
    %add3A_637 = arith.constant 0 : i32
    %add3A_638 = arith.addi %mul3A_0, %add3A_637 : i32
    "tpu.region"() ({
      %run_scoped3A_828 = tpu.sem_alloc : memref<!tpu.dma_semaphore, #tpu.memory_space<semaphore_mem>>
      %dma_start3A_829 = arith.constant 0 : i32
      %dma_start3A_830 = tpu.memref_slice %arg7[%arg0, %add3A_638, %dma_start3A_829] : memref<2x10240x128xf32, #tpu.memory_space<hbm>> -> memref<1x80x128xf32, #tpu.memory_space<hbm>>
      %dma_start3A_831 = tpu.memref_squeeze %dma_start3A_830 : memref<1x80x128xf32, #tpu.memory_space<hbm>> -> memref<80x128xf32, #tpu.memory_space<hbm>>
      %dma_start3A_832 = arith.constant 0 : i32
      %dma_start3A_833 = tpu.memref_slice %arg7[%arg0, %add3A_638, %dma_start3A_832] : memref<2x10240x128xf32, #tpu.memory_space<hbm>> -> memref<1x80x128xf32, #tpu.memory_space<hbm>>
      %dma_start3A_834 = tpu.memref_squeeze %dma_start3A_833 : memref<1x80x128xf32, #tpu.memory_space<hbm>> -> memref<80x128xf32, #tpu.memory_space<hbm>>
      tpu.enqueue_dma source(%arg14 : memref<80x128xf32, #tpu.memory_space<vmem>>) target(%dma_start3A_834 : memref<80x128xf32, #tpu.memory_space<hbm>>) target_semaphore(%run_scoped3A_828 : memref<!tpu.dma_semaphore, #tpu.memory_space<semaphore_mem>>)
      %dma_wait3A_835 = arith.constant 0 : i32
      %dma_wait3A_836 = tpu.memref_slice %arg7[%arg0, %add3A_638, %dma_wait3A_835] : memref<2x10240x128xf32, #tpu.memory_space<hbm>> -> memref<1x80x128xf32, #tpu.memory_space<hbm>>
      %dma_wait3A_837 = tpu.memref_squeeze %dma_wait3A_836 : memref<1x80x128xf32, #tpu.memory_space<hbm>> -> memref<80x128xf32, #tpu.memory_space<hbm>>
      %dma_wait3A_838 = arith.constant 0 : i32
      %dma_wait3A_839 = tpu.memref_slice %arg7[%arg0, %add3A_638, %dma_wait3A_838] : memref<2x10240x128xf32, #tpu.memory_space<hbm>> -> memref<1x80x128xf32, #tpu.memory_space<hbm>>
      %dma_wait3A_840 = tpu.memref_squeeze %dma_wait3A_839 : memref<1x80x128xf32, #tpu.memory_space<hbm>> -> memref<80x128xf32, #tpu.memory_space<hbm>>
      tpu.wait_dma2 semaphore(%run_scoped3A_828 : memref<!tpu.dma_semaphore, #tpu.memory_space<semaphore_mem>>) src(%arg14 : memref<80x128xf32, #tpu.memory_space<vmem>>) dst(%dma_wait3A_840 : memref<80x128xf32, #tpu.memory_space<hbm>>)
      tpu.yield
    }) : () -> ()
    %add3A_639 = arith.constant 80 : i32
    %add3A_640 = arith.addi %mul3A_0, %add3A_639 : i32
    "tpu.region"() ({
      %run_scoped3A_828 = tpu.sem_alloc : memref<!tpu.dma_semaphore, #tpu.memory_space<semaphore_mem>>
      %dma_start3A_829 = arith.constant 0 : i32
      %dma_start3A_830 = tpu.memref_slice %arg15[%add3A_640, %dma_start3A_829] : memref<10240x128xf32, #tpu.memory_space<vmem_shared>> -> memref<80x128xf32, #tpu.memory_space<vmem_shared>>
      %dma_start3A_831 = arith.constant 0 : i32
      %dma_start3A_832 = tpu.memref_slice %arg15[%add3A_640, %dma_start3A_831] : memref<10240x128xf32, #tpu.memory_space<vmem_shared>> -> memref<80x128xf32, #tpu.memory_space<vmem_shared>>
      tpu.enqueue_dma source(%dma_start3A_832 : memref<80x128xf32, #tpu.memory_space<vmem_shared>>) target(%arg14 : memref<80x128xf32, #tpu.memory_space<vmem>>) target_semaphore(%run_scoped3A_828 : memref<!tpu.dma_semaphore, #tpu.memory_space<semaphore_mem>>)
      %dma_wait3A_833 = arith.constant 0 : i32
      %dma_wait3A_834 = tpu.memref_slice %arg15[%add3A_640, %dma_wait3A_833] : memref<10240x128xf32, #tpu.memory_space<vmem_shared>> -> memref<80x128xf32, #tpu.memory_space<vmem_shared>>
      %dma_wait3A_835 = arith.constant 0 : i32
      %dma_wait3A_836 = tpu.memref_slice %arg15[%add3A_640, %dma_wait3A_835] : memref<10240x128xf32, #tpu.memory_space<vmem_shared>> -> memref<80x128xf32, #tpu.memory_space<vmem_shared>>
      tpu.wait_dma2 semaphore(%run_scoped3A_828 : memref<!tpu.dma_semaphore, #tpu.memory_space<semaphore_mem>>) src(%dma_wait3A_836 : memref<80x128xf32, #tpu.memory_space<vmem_shared>>) dst(%arg14 : memref<80x128xf32, #tpu.memory_space<vmem>>)
      tpu.yield
    }) : () -> ()
    %add3A_641 = arith.constant 80 : i32
    %add3A_642 = arith.addi %mul3A_0, %add3A_641 : i32
    "tpu.region"() ({
      %run_scoped3A_828 = tpu.sem_alloc : memref<!tpu.dma_semaphore, #tpu.memory_space<semaphore_mem>>
      %dma_start3A_829 = arith.constant 0 : i32
      %dma_start3A_830 = tpu.memref_slice %arg7[%arg0, %add3A_642, %dma_start3A_829] : memref<2x10240x128xf32, #tpu.memory_space<hbm>> -> memref<1x80x128xf32, #tpu.memory_space<hbm>>
      %dma_start3A_831 = tpu.memref_squeeze %dma_start3A_830 : memref<1x80x128xf32, #tpu.memory_space<hbm>> -> memref<80x128xf32, #tpu.memory_space<hbm>>
      %dma_start3A_832 = arith.constant 0 : i32
      %dma_start3A_833 = tpu.memref_slice %arg7[%arg0, %add3A_642, %dma_start3A_832] : memref<2x10240x128xf32, #tpu.memory_space<hbm>> -> memref<1x80x128xf32, #tpu.memory_space<hbm>>
      %dma_start3A_834 = tpu.memref_squeeze %dma_start3A_833 : memref<1x80x128xf32, #tpu.memory_space<hbm>> -> memref<80x128xf32, #tpu.memory_space<hbm>>
      tpu.enqueue_dma source(%arg14 : memref<80x128xf32, #tpu.memory_space<vmem>>) target(%dma_start3A_834 : memref<80x128xf32, #tpu.memory_space<hbm>>) target_semaphore(%run_scoped3A_828 : memref<!tpu.dma_semaphore, #tpu.memory_space<semaphore_mem>>)
      %dma_wait3A_835 = arith.constant 0 : i32
      %dma_wait3A_836 = tpu.memref_slice %arg7[%arg0, %add3A_642, %dma_wait3A_835] : memref<2x10240x128xf32, #tpu.memory_space<hbm>> -> memref<1x80x128xf32, #tpu.memory_space<hbm>>
      %dma_wait3A_837 = tpu.memref_squeeze %dma_wait3A_836 : memref<1x80x128xf32, #tpu.memory_space<hbm>> -> memref<80x128xf32, #tpu.memory_space<hbm>>
      %dma_wait3A_838 = arith.constant 0 : i32
      %dma_wait3A_839 = tpu.memref_slice %arg7[%arg0, %add3A_642, %dma_wait3A_838] : memref<2x10240x128xf32, #tpu.memory_space<hbm>> -> memref<1x80x128xf32, #tpu.memory_space<hbm>>
      %dma_wait3A_840 = tpu.memref_squeeze %dma_wait3A_839 : memref<1x80x128xf32, #tpu.memory_space<hbm>> -> memref<80x128xf32, #tpu.memory_space<hbm>>
      tpu.wait_dma2 semaphore(%run_scoped3A_828 : memref<!tpu.dma_semaphore, #tpu.memory_space<semaphore_mem>>) src(%arg14 : memref<80x128xf32, #tpu.memory_space<vmem>>) dst(%dma_wait3A_840 : memref<80x128xf32, #tpu.memory_space<hbm>>)
      tpu.yield
    }) : () -> ()
    %add3A_643 = arith.constant 160 : i32
    %add3A_644 = arith.addi %mul3A_0, %add3A_643 : i32
    "tpu.region"() ({
      %run_scoped3A_828 = tpu.sem_alloc : memref<!tpu.dma_semaphore, #tpu.memory_space<semaphore_mem>>
      %dma_start3A_829 = arith.constant 0 : i32
      %dma_start3A_830 = tpu.memref_slice %arg15[%add3A_644, %dma_start3A_829] : memref<10240x128xf32, #tpu.memory_space<vmem_shared>> -> memref<80x128xf32, #tpu.memory_space<vmem_shared>>
      %dma_start3A_831 = arith.constant 0 : i32
      %dma_start3A_832 = tpu.memref_slice %arg15[%add3A_644, %dma_start3A_831] : memref<10240x128xf32, #tpu.memory_space<vmem_shared>> -> memref<80x128xf32, #tpu.memory_space<vmem_shared>>
      tpu.enqueue_dma source(%dma_start3A_832 : memref<80x128xf32, #tpu.memory_space<vmem_shared>>) target(%arg14 : memref<80x128xf32, #tpu.memory_space<vmem>>) target_semaphore(%run_scoped3A_828 : memref<!tpu.dma_semaphore, #tpu.memory_space<semaphore_mem>>)
      %dma_wait3A_833 = arith.constant 0 : i32
      %dma_wait3A_834 = tpu.memref_slice %arg15[%add3A_644, %dma_wait3A_833] : memref<10240x128xf32, #tpu.memory_space<vmem_shared>> -> memref<80x128xf32, #tpu.memory_space<vmem_shared>>
      %dma_wait3A_835 = arith.constant 0 : i32
      %dma_wait3A_836 = tpu.memref_slice %arg15[%add3A_644, %dma_wait3A_835] : memref<10240x128xf32, #tpu.memory_space<vmem_shared>> -> memref<80x128xf32, #tpu.memory_space<vmem_shared>>
      tpu.wait_dma2 semaphore(%run_scoped3A_828 : memref<!tpu.dma_semaphore, #tpu.memory_space<semaphore_mem>>) src(%dma_wait3A_836 : memref<80x128xf32, #tpu.memory_space<vmem_shared>>) dst(%arg14 : memref<80x128xf32, #tpu.memory_space<vmem>>)
      tpu.yield
    }) : () -> ()
    %add3A_645 = arith.constant 160 : i32
    %add3A_646 = arith.addi %mul3A_0, %add3A_645 : i32
    "tpu.region"() ({
      %run_scoped3A_828 = tpu.sem_alloc : memref<!tpu.dma_semaphore, #tpu.memory_space<semaphore_mem>>
      %dma_start3A_829 = arith.constant 0 : i32
      %dma_start3A_830 = tpu.memref_slice %arg7[%arg0, %add3A_646, %dma_start3A_829] : memref<2x10240x128xf32, #tpu.memory_space<hbm>> -> memref<1x80x128xf32, #tpu.memory_space<hbm>>
      %dma_start3A_831 = tpu.memref_squeeze %dma_start3A_830 : memref<1x80x128xf32, #tpu.memory_space<hbm>> -> memref<80x128xf32, #tpu.memory_space<hbm>>
      %dma_start3A_832 = arith.constant 0 : i32
      %dma_start3A_833 = tpu.memref_slice %arg7[%arg0, %add3A_646, %dma_start3A_832] : memref<2x10240x128xf32, #tpu.memory_space<hbm>> -> memref<1x80x128xf32, #tpu.memory_space<hbm>>
      %dma_start3A_834 = tpu.memref_squeeze %dma_start3A_833 : memref<1x80x128xf32, #tpu.memory_space<hbm>> -> memref<80x128xf32, #tpu.memory_space<hbm>>
      tpu.enqueue_dma source(%arg14 : memref<80x128xf32, #tpu.memory_space<vmem>>) target(%dma_start3A_834 : memref<80x128xf32, #tpu.memory_space<hbm>>) target_semaphore(%run_scoped3A_828 : memref<!tpu.dma_semaphore, #tpu.memory_space<semaphore_mem>>)
      %dma_wait3A_835 = arith.constant 0 : i32
      %dma_wait3A_836 = tpu.memref_slice %arg7[%arg0, %add3A_646, %dma_wait3A_835] : memref<2x10240x128xf32, #tpu.memory_space<hbm>> -> memref<1x80x128xf32, #tpu.memory_space<hbm>>
      %dma_wait3A_837 = tpu.memref_squeeze %dma_wait3A_836 : memref<1x80x128xf32, #tpu.memory_space<hbm>> -> memref<80x128xf32, #tpu.memory_space<hbm>>
      %dma_wait3A_838 = arith.constant 0 : i32
      %dma_wait3A_839 = tpu.memref_slice %arg7[%arg0, %add3A_646, %dma_wait3A_838] : memref<2x10240x128xf32, #tpu.memory_space<hbm>> -> memref<1x80x128xf32, #tpu.memory_space<hbm>>
      %dma_wait3A_840 = tpu.memref_squeeze %dma_wait3A_839 : memref<1x80x128xf32, #tpu.memory_space<hbm>> -> memref<80x128xf32, #tpu.memory_space<hbm>>
      tpu.wait_dma2 semaphore(%run_scoped3A_828 : memref<!tpu.dma_semaphore, #tpu.memory_space<semaphore_mem>>) src(%arg14 : memref<80x128xf32, #tpu.memory_space<vmem>>) dst(%dma_wait3A_840 : memref<80x128xf32, #tpu.memory_space<hbm>>)
      tpu.yield
    }) : () -> ()
    %add3A_647 = arith.constant 240 : i32
    %add3A_648 = arith.addi %mul3A_0, %add3A_647 : i32
    "tpu.region"() ({
      %run_scoped3A_828 = tpu.sem_alloc : memref<!tpu.dma_semaphore, #tpu.memory_space<semaphore_mem>>
      %dma_start3A_829 = arith.constant 0 : i32
      %dma_start3A_830 = tpu.memref_slice %arg15[%add3A_648, %dma_start3A_829] : memref<10240x128xf32, #tpu.memory_space<vmem_shared>> -> memref<80x128xf32, #tpu.memory_space<vmem_shared>>
      %dma_start3A_831 = arith.constant 0 : i32
      %dma_start3A_832 = tpu.memref_slice %arg15[%add3A_648, %dma_start3A_831] : memref<10240x128xf32, #tpu.memory_space<vmem_shared>> -> memref<80x128xf32, #tpu.memory_space<vmem_shared>>
      tpu.enqueue_dma source(%dma_start3A_832 : memref<80x128xf32, #tpu.memory_space<vmem_shared>>) target(%arg14 : memref<80x128xf32, #tpu.memory_space<vmem>>) target_semaphore(%run_scoped3A_828 : memref<!tpu.dma_semaphore, #tpu.memory_space<semaphore_mem>>)
      %dma_wait3A_833 = arith.constant 0 : i32
      %dma_wait3A_834 = tpu.memref_slice %arg15[%add3A_648, %dma_wait3A_833] : memref<10240x128xf32, #tpu.memory_space<vmem_shared>> -> memref<80x128xf32, #tpu.memory_space<vmem_shared>>
      %dma_wait3A_835 = arith.constant 0 : i32
      %dma_wait3A_836 = tpu.memref_slice %arg15[%add3A_648, %dma_wait3A_835] : memref<10240x128xf32, #tpu.memory_space<vmem_shared>> -> memref<80x128xf32, #tpu.memory_space<vmem_shared>>
      tpu.wait_dma2 semaphore(%run_scoped3A_828 : memref<!tpu.dma_semaphore, #tpu.memory_space<semaphore_mem>>) src(%dma_wait3A_836 : memref<80x128xf32, #tpu.memory_space<vmem_shared>>) dst(%arg14 : memref<80x128xf32, #tpu.memory_space<vmem>>)
      tpu.yield
    }) : () -> ()
    %add3A_649 = arith.constant 240 : i32
    %add3A_650 = arith.addi %mul3A_0, %add3A_649 : i32
    "tpu.region"() ({
      %run_scoped3A_828 = tpu.sem_alloc : memref<!tpu.dma_semaphore, #tpu.memory_space<semaphore_mem>>
      %dma_start3A_829 = arith.constant 0 : i32
      %dma_start3A_830 = tpu.memref_slice %arg7[%arg0, %add3A_650, %dma_start3A_829] : memref<2x10240x128xf32, #tpu.memory_space<hbm>> -> memref<1x80x128xf32, #tpu.memory_space<hbm>>
      %dma_start3A_831 = tpu.memref_squeeze %dma_start3A_830 : memref<1x80x128xf32, #tpu.memory_space<hbm>> -> memref<80x128xf32, #tpu.memory_space<hbm>>
      %dma_start3A_832 = arith.constant 0 : i32
      %dma_start3A_833 = tpu.memref_slice %arg7[%arg0, %add3A_650, %dma_start3A_832] : memref<2x10240x128xf32, #tpu.memory_space<hbm>> -> memref<1x80x128xf32, #tpu.memory_space<hbm>>
      %dma_start3A_834 = tpu.memref_squeeze %dma_start3A_833 : memref<1x80x128xf32, #tpu.memory_space<hbm>> -> memref<80x128xf32, #tpu.memory_space<hbm>>
      tpu.enqueue_dma source(%arg14 : memref<80x128xf32, #tpu.memory_space<vmem>>) target(%dma_start3A_834 : memref<80x128xf32, #tpu.memory_space<hbm>>) target_semaphore(%run_scoped3A_828 : memref<!tpu.dma_semaphore, #tpu.memory_space<semaphore_mem>>)
      %dma_wait3A_835 = arith.constant 0 : i32
      %dma_wait3A_836 = tpu.memref_slice %arg7[%arg0, %add3A_650, %dma_wait3A_835] : memref<2x10240x128xf32, #tpu.memory_space<hbm>> -> memref<1x80x128xf32, #tpu.memory_space<hbm>>
      %dma_wait3A_837 = tpu.memref_squeeze %dma_wait3A_836 : memref<1x80x128xf32, #tpu.memory_space<hbm>> -> memref<80x128xf32, #tpu.memory_space<hbm>>
      %dma_wait3A_838 = arith.constant 0 : i32
      %dma_wait3A_839 = tpu.memref_slice %arg7[%arg0, %add3A_650, %dma_wait3A_838] : memref<2x10240x128xf32, #tpu.memory_space<hbm>> -> memref<1x80x128xf32, #tpu.memory_space<hbm>>
      %dma_wait3A_840 = tpu.memref_squeeze %dma_wait3A_839 : memref<1x80x128xf32, #tpu.memory_space<hbm>> -> memref<80x128xf32, #tpu.memory_space<hbm>>
      tpu.wait_dma2 semaphore(%run_scoped3A_828 : memref<!tpu.dma_semaphore, #tpu.memory_space<semaphore_mem>>) src(%arg14 : memref<80x128xf32, #tpu.memory_space<vmem>>) dst(%dma_wait3A_840 : memref<80x128xf32, #tpu.memory_space<hbm>>)
      tpu.yield
    }) : () -> ()
    %add3A_651 = arith.constant 320 : i32
    %add3A_652 = arith.addi %mul3A_0, %add3A_651 : i32
    "tpu.region"() ({
      %run_scoped3A_828 = tpu.sem_alloc : memref<!tpu.dma_semaphore, #tpu.memory_space<semaphore_mem>>
      %dma_start3A_829 = arith.constant 0 : i32
      %dma_start3A_830 = tpu.memref_slice %arg15[%add3A_652, %dma_start3A_829] : memref<10240x128xf32, #tpu.memory_space<vmem_shared>> -> memref<80x128xf32, #tpu.memory_space<vmem_shared>>
      %dma_start3A_831 = arith.constant 0 : i32
      %dma_start3A_832 = tpu.memref_slice %arg15[%add3A_652, %dma_start3A_831] : memref<10240x128xf32, #tpu.memory_space<vmem_shared>> -> memref<80x128xf32, #tpu.memory_space<vmem_shared>>
      tpu.enqueue_dma source(%dma_start3A_832 : memref<80x128xf32, #tpu.memory_space<vmem_shared>>) target(%arg14 : memref<80x128xf32, #tpu.memory_space<vmem>>) target_semaphore(%run_scoped3A_828 : memref<!tpu.dma_semaphore, #tpu.memory_space<semaphore_mem>>)
      %dma_wait3A_833 = arith.constant 0 : i32
      %dma_wait3A_834 = tpu.memref_slice %arg15[%add3A_652, %dma_wait3A_833] : memref<10240x128xf32, #tpu.memory_space<vmem_shared>> -> memref<80x128xf32, #tpu.memory_space<vmem_shared>>
      %dma_wait3A_835 = arith.constant 0 : i32
      %dma_wait3A_836 = tpu.memref_slice %arg15[%add3A_652, %dma_wait3A_835] : memref<10240x128xf32, #tpu.memory_space<vmem_shared>> -> memref<80x128xf32, #tpu.memory_space<vmem_shared>>
      tpu.wait_dma2 semaphore(%run_scoped3A_828 : memref<!tpu.dma_semaphore, #tpu.memory_space<semaphore_mem>>) src(%dma_wait3A_836 : memref<80x128xf32, #tpu.memory_space<vmem_shared>>) dst(%arg14 : memref<80x128xf32, #tpu.memory_space<vmem>>)
      tpu.yield
    }) : () -> ()
    %add3A_653 = arith.constant 320 : i32
    %add3A_654 = arith.addi %mul3A_0, %add3A_653 : i32
    "tpu.region"() ({
      %run_scoped3A_828 = tpu.sem_alloc : memref<!tpu.dma_semaphore, #tpu.memory_space<semaphore_mem>>
      %dma_start3A_829 = arith.constant 0 : i32
      %dma_start3A_830 = tpu.memref_slice %arg7[%arg0, %add3A_654, %dma_start3A_829] : memref<2x10240x128xf32, #tpu.memory_space<hbm>> -> memref<1x80x128xf32, #tpu.memory_space<hbm>>
      %dma_start3A_831 = tpu.memref_squeeze %dma_start3A_830 : memref<1x80x128xf32, #tpu.memory_space<hbm>> -> memref<80x128xf32, #tpu.memory_space<hbm>>
      %dma_start3A_832 = arith.constant 0 : i32
      %dma_start3A_833 = tpu.memref_slice %arg7[%arg0, %add3A_654, %dma_start3A_832] : memref<2x10240x128xf32, #tpu.memory_space<hbm>> -> memref<1x80x128xf32, #tpu.memory_space<hbm>>
      %dma_start3A_834 = tpu.memref_squeeze %dma_start3A_833 : memref<1x80x128xf32, #tpu.memory_space<hbm>> -> memref<80x128xf32, #tpu.memory_space<hbm>>
      tpu.enqueue_dma source(%arg14 : memref<80x128xf32, #tpu.memory_space<vmem>>) target(%dma_start3A_834 : memref<80x128xf32, #tpu.memory_space<hbm>>) target_semaphore(%run_scoped3A_828 : memref<!tpu.dma_semaphore, #tpu.memory_space<semaphore_mem>>)
      %dma_wait3A_835 = arith.constant 0 : i32
      %dma_wait3A_836 = tpu.memref_slice %arg7[%arg0, %add3A_654, %dma_wait3A_835] : memref<2x10240x128xf32, #tpu.memory_space<hbm>> -> memref<1x80x128xf32, #tpu.memory_space<hbm>>
      %dma_wait3A_837 = tpu.memref_squeeze %dma_wait3A_836 : memref<1x80x128xf32, #tpu.memory_space<hbm>> -> memref<80x128xf32, #tpu.memory_space<hbm>>
      %dma_wait3A_838 = arith.constant 0 : i32
      %dma_wait3A_839 = tpu.memref_slice %arg7[%arg0, %add3A_654, %dma_wait3A_838] : memref<2x10240x128xf32, #tpu.memory_space<hbm>> -> memref<1x80x128xf32, #tpu.memory_space<hbm>>
      %dma_wait3A_840 = tpu.memref_squeeze %dma_wait3A_839 : memref<1x80x128xf32, #tpu.memory_space<hbm>> -> memref<80x128xf32, #tpu.memory_space<hbm>>
      tpu.wait_dma2 semaphore(%run_scoped3A_828 : memref<!tpu.dma_semaphore, #tpu.memory_space<semaphore_mem>>) src(%arg14 : memref<80x128xf32, #tpu.memory_space<vmem>>) dst(%dma_wait3A_840 : memref<80x128xf32, #tpu.memory_space<hbm>>)
      tpu.yield
    }) : () -> ()
    %add3A_655 = arith.constant 400 : i32
    %add3A_656 = arith.addi %mul3A_0, %add3A_655 : i32
    "tpu.region"() ({
      %run_scoped3A_828 = tpu.sem_alloc : memref<!tpu.dma_semaphore, #tpu.memory_space<semaphore_mem>>
      %dma_start3A_829 = arith.constant 0 : i32
      %dma_start3A_830 = tpu.memref_slice %arg15[%add3A_656, %dma_start3A_829] : memref<10240x128xf32, #tpu.memory_space<vmem_shared>> -> memref<80x128xf32, #tpu.memory_space<vmem_shared>>
      %dma_start3A_831 = arith.constant 0 : i32
      %dma_start3A_832 = tpu.memref_slice %arg15[%add3A_656, %dma_start3A_831] : memref<10240x128xf32, #tpu.memory_space<vmem_shared>> -> memref<80x128xf32, #tpu.memory_space<vmem_shared>>
      tpu.enqueue_dma source(%dma_start3A_832 : memref<80x128xf32, #tpu.memory_space<vmem_shared>>) target(%arg14 : memref<80x128xf32, #tpu.memory_space<vmem>>) target_semaphore(%run_scoped3A_828 : memref<!tpu.dma_semaphore, #tpu.memory_space<semaphore_mem>>)
      %dma_wait3A_833 = arith.constant 0 : i32
      %dma_wait3A_834 = tpu.memref_slice %arg15[%add3A_656, %dma_wait3A_833] : memref<10240x128xf32, #tpu.memory_space<vmem_shared>> -> memref<80x128xf32, #tpu.memory_space<vmem_shared>>
      %dma_wait3A_835 = arith.constant 0 : i32
      %dma_wait3A_836 = tpu.memref_slice %arg15[%add3A_656, %dma_wait3A_835] : memref<10240x128xf32, #tpu.memory_space<vmem_shared>> -> memref<80x128xf32, #tpu.memory_space<vmem_shared>>
      tpu.wait_dma2 semaphore(%run_scoped3A_828 : memref<!tpu.dma_semaphore, #tpu.memory_space<semaphore_mem>>) src(%dma_wait3A_836 : memref<80x128xf32, #tpu.memory_space<vmem_shared>>) dst(%arg14 : memref<80x128xf32, #tpu.memory_space<vmem>>)
      tpu.yield
    }) : () -> ()
    %add3A_657 = arith.constant 400 : i32
    %add3A_658 = arith.addi %mul3A_0, %add3A_657 : i32
    "tpu.region"() ({
      %run_scoped3A_828 = tpu.sem_alloc : memref<!tpu.dma_semaphore, #tpu.memory_space<semaphore_mem>>
      %dma_start3A_829 = arith.constant 0 : i32
      %dma_start3A_830 = tpu.memref_slice %arg7[%arg0, %add3A_658, %dma_start3A_829] : memref<2x10240x128xf32, #tpu.memory_space<hbm>> -> memref<1x80x128xf32, #tpu.memory_space<hbm>>
      %dma_start3A_831 = tpu.memref_squeeze %dma_start3A_830 : memref<1x80x128xf32, #tpu.memory_space<hbm>> -> memref<80x128xf32, #tpu.memory_space<hbm>>
      %dma_start3A_832 = arith.constant 0 : i32
      %dma_start3A_833 = tpu.memref_slice %arg7[%arg0, %add3A_658, %dma_start3A_832] : memref<2x10240x128xf32, #tpu.memory_space<hbm>> -> memref<1x80x128xf32, #tpu.memory_space<hbm>>
      %dma_start3A_834 = tpu.memref_squeeze %dma_start3A_833 : memref<1x80x128xf32, #tpu.memory_space<hbm>> -> memref<80x128xf32, #tpu.memory_space<hbm>>
      tpu.enqueue_dma source(%arg14 : memref<80x128xf32, #tpu.memory_space<vmem>>) target(%dma_start3A_834 : memref<80x128xf32, #tpu.memory_space<hbm>>) target_semaphore(%run_scoped3A_828 : memref<!tpu.dma_semaphore, #tpu.memory_space<semaphore_mem>>)
      %dma_wait3A_835 = arith.constant 0 : i32
      %dma_wait3A_836 = tpu.memref_slice %arg7[%arg0, %add3A_658, %dma_wait3A_835] : memref<2x10240x128xf32, #tpu.memory_space<hbm>> -> memref<1x80x128xf32, #tpu.memory_space<hbm>>
      %dma_wait3A_837 = tpu.memref_squeeze %dma_wait3A_836 : memref<1x80x128xf32, #tpu.memory_space<hbm>> -> memref<80x128xf32, #tpu.memory_space<hbm>>
      %dma_wait3A_838 = arith.constant 0 : i32
      %dma_wait3A_839 = tpu.memref_slice %arg7[%arg0, %add3A_658, %dma_wait3A_838] : memref<2x10240x128xf32, #tpu.memory_space<hbm>> -> memref<1x80x128xf32, #tpu.memory_space<hbm>>
      %dma_wait3A_840 = tpu.memref_squeeze %dma_wait3A_839 : memref<1x80x128xf32, #tpu.memory_space<hbm>> -> memref<80x128xf32, #tpu.memory_space<hbm>>
      tpu.wait_dma2 semaphore(%run_scoped3A_828 : memref<!tpu.dma_semaphore, #tpu.memory_space<semaphore_mem>>) src(%arg14 : memref<80x128xf32, #tpu.memory_space<vmem>>) dst(%dma_wait3A_840 : memref<80x128xf32, #tpu.memory_space<hbm>>)
      tpu.yield
    }) : () -> ()
    %add3A_659 = arith.constant 480 : i32
    %add3A_660 = arith.addi %mul3A_0, %add3A_659 : i32
    "tpu.region"() ({
      %run_scoped3A_828 = tpu.sem_alloc : memref<!tpu.dma_semaphore, #tpu.memory_space<semaphore_mem>>
      %dma_start3A_829 = arith.constant 0 : i32
      %dma_start3A_830 = tpu.memref_slice %arg15[%add3A_660, %dma_start3A_829] : memref<10240x128xf32, #tpu.memory_space<vmem_shared>> -> memref<80x128xf32, #tpu.memory_space<vmem_shared>>
      %dma_start3A_831 = arith.constant 0 : i32
      %dma_start3A_832 = tpu.memref_slice %arg15[%add3A_660, %dma_start3A_831] : memref<10240x128xf32, #tpu.memory_space<vmem_shared>> -> memref<80x128xf32, #tpu.memory_space<vmem_shared>>
      tpu.enqueue_dma source(%dma_start3A_832 : memref<80x128xf32, #tpu.memory_space<vmem_shared>>) target(%arg14 : memref<80x128xf32, #tpu.memory_space<vmem>>) target_semaphore(%run_scoped3A_828 : memref<!tpu.dma_semaphore, #tpu.memory_space<semaphore_mem>>)
      %dma_wait3A_833 = arith.constant 0 : i32
      %dma_wait3A_834 = tpu.memref_slice %arg15[%add3A_660, %dma_wait3A_833] : memref<10240x128xf32, #tpu.memory_space<vmem_shared>> -> memref<80x128xf32, #tpu.memory_space<vmem_shared>>
      %dma_wait3A_835 = arith.constant 0 : i32
      %dma_wait3A_836 = tpu.memref_slice %arg15[%add3A_660, %dma_wait3A_835] : memref<10240x128xf32, #tpu.memory_space<vmem_shared>> -> memref<80x128xf32, #tpu.memory_space<vmem_shared>>
      tpu.wait_dma2 semaphore(%run_scoped3A_828 : memref<!tpu.dma_semaphore, #tpu.memory_space<semaphore_mem>>) src(%dma_wait3A_836 : memref<80x128xf32, #tpu.memory_space<vmem_shared>>) dst(%arg14 : memref<80x128xf32, #tpu.memory_space<vmem>>)
      tpu.yield
    }) : () -> ()
    %add3A_661 = arith.constant 480 : i32
    %add3A_662 = arith.addi %mul3A_0, %add3A_661 : i32
    "tpu.region"() ({
      %run_scoped3A_828 = tpu.sem_alloc : memref<!tpu.dma_semaphore, #tpu.memory_space<semaphore_mem>>
      %dma_start3A_829 = arith.constant 0 : i32
      %dma_start3A_830 = tpu.memref_slice %arg7[%arg0, %add3A_662, %dma_start3A_829] : memref<2x10240x128xf32, #tpu.memory_space<hbm>> -> memref<1x80x128xf32, #tpu.memory_space<hbm>>
      %dma_start3A_831 = tpu.memref_squeeze %dma_start3A_830 : memref<1x80x128xf32, #tpu.memory_space<hbm>> -> memref<80x128xf32, #tpu.memory_space<hbm>>
      %dma_start3A_832 = arith.constant 0 : i32
      %dma_start3A_833 = tpu.memref_slice %arg7[%arg0, %add3A_662, %dma_start3A_832] : memref<2x10240x128xf32, #tpu.memory_space<hbm>> -> memref<1x80x128xf32, #tpu.memory_space<hbm>>
      %dma_start3A_834 = tpu.memref_squeeze %dma_start3A_833 : memref<1x80x128xf32, #tpu.memory_space<hbm>> -> memref<80x128xf32, #tpu.memory_space<hbm>>
      tpu.enqueue_dma source(%arg14 : memref<80x128xf32, #tpu.memory_space<vmem>>) target(%dma_start3A_834 : memref<80x128xf32, #tpu.memory_space<hbm>>) target_semaphore(%run_scoped3A_828 : memref<!tpu.dma_semaphore, #tpu.memory_space<semaphore_mem>>)
      %dma_wait3A_835 = arith.constant 0 : i32
      %dma_wait3A_836 = tpu.memref_slice %arg7[%arg0, %add3A_662, %dma_wait3A_835] : memref<2x10240x128xf32, #tpu.memory_space<hbm>> -> memref<1x80x128xf32, #tpu.memory_space<hbm>>
      %dma_wait3A_837 = tpu.memref_squeeze %dma_wait3A_836 : memref<1x80x128xf32, #tpu.memory_space<hbm>> -> memref<80x128xf32, #tpu.memory_space<hbm>>
      %dma_wait3A_838 = arith.constant 0 : i32
      %dma_wait3A_839 = tpu.memref_slice %arg7[%arg0, %add3A_662, %dma_wait3A_838] : memref<2x10240x128xf32, #tpu.memory_space<hbm>> -> memref<1x80x128xf32, #tpu.memory_space<hbm>>
      %dma_wait3A_840 = tpu.memref_squeeze %dma_wait3A_839 : memref<1x80x128xf32, #tpu.memory_space<hbm>> -> memref<80x128xf32, #tpu.memory_space<hbm>>
      tpu.wait_dma2 semaphore(%run_scoped3A_828 : memref<!tpu.dma_semaphore, #tpu.memory_space<semaphore_mem>>) src(%arg14 : memref<80x128xf32, #tpu.memory_space<vmem>>) dst(%dma_wait3A_840 : memref<80x128xf32, #tpu.memory_space<hbm>>)
      tpu.yield
    }) : () -> ()
    %add3A_663 = arith.constant 560 : i32
    %add3A_664 = arith.addi %mul3A_0, %add3A_663 : i32
    "tpu.region"() ({
      %run_scoped3A_828 = tpu.sem_alloc : memref<!tpu.dma_semaphore, #tpu.memory_space<semaphore_mem>>
      %dma_start3A_829 = arith.constant 0 : i32
      %dma_start3A_830 = tpu.memref_slice %arg15[%add3A_664, %dma_start3A_829] : memref<10240x128xf32, #tpu.memory_space<vmem_shared>> -> memref<80x128xf32, #tpu.memory_space<vmem_shared>>
      %dma_start3A_831 = arith.constant 0 : i32
      %dma_start3A_832 = tpu.memref_slice %arg15[%add3A_664, %dma_start3A_831] : memref<10240x128xf32, #tpu.memory_space<vmem_shared>> -> memref<80x128xf32, #tpu.memory_space<vmem_shared>>
      tpu.enqueue_dma source(%dma_start3A_832 : memref<80x128xf32, #tpu.memory_space<vmem_shared>>) target(%arg14 : memref<80x128xf32, #tpu.memory_space<vmem>>) target_semaphore(%run_scoped3A_828 : memref<!tpu.dma_semaphore, #tpu.memory_space<semaphore_mem>>)
      %dma_wait3A_833 = arith.constant 0 : i32
      %dma_wait3A_834 = tpu.memref_slice %arg15[%add3A_664, %dma_wait3A_833] : memref<10240x128xf32, #tpu.memory_space<vmem_shared>> -> memref<80x128xf32, #tpu.memory_space<vmem_shared>>
      %dma_wait3A_835 = arith.constant 0 : i32
      %dma_wait3A_836 = tpu.memref_slice %arg15[%add3A_664, %dma_wait3A_835] : memref<10240x128xf32, #tpu.memory_space<vmem_shared>> -> memref<80x128xf32, #tpu.memory_space<vmem_shared>>
      tpu.wait_dma2 semaphore(%run_scoped3A_828 : memref<!tpu.dma_semaphore, #tpu.memory_space<semaphore_mem>>) src(%dma_wait3A_836 : memref<80x128xf32, #tpu.memory_space<vmem_shared>>) dst(%arg14 : memref<80x128xf32, #tpu.memory_space<vmem>>)
      tpu.yield
    }) : () -> ()
    %add3A_665 = arith.constant 560 : i32
    %add3A_666 = arith.addi %mul3A_0, %add3A_665 : i32
    "tpu.region"() ({
      %run_scoped3A_828 = tpu.sem_alloc : memref<!tpu.dma_semaphore, #tpu.memory_space<semaphore_mem>>
      %dma_start3A_829 = arith.constant 0 : i32
      %dma_start3A_830 = tpu.memref_slice %arg7[%arg0, %add3A_666, %dma_start3A_829] : memref<2x10240x128xf32, #tpu.memory_space<hbm>> -> memref<1x80x128xf32, #tpu.memory_space<hbm>>
      %dma_start3A_831 = tpu.memref_squeeze %dma_start3A_830 : memref<1x80x128xf32, #tpu.memory_space<hbm>> -> memref<80x128xf32, #tpu.memory_space<hbm>>
      %dma_start3A_832 = arith.constant 0 : i32
      %dma_start3A_833 = tpu.memref_slice %arg7[%arg0, %add3A_666, %dma_start3A_832] : memref<2x10240x128xf32, #tpu.memory_space<hbm>> -> memref<1x80x128xf32, #tpu.memory_space<hbm>>
      %dma_start3A_834 = tpu.memref_squeeze %dma_start3A_833 : memref<1x80x128xf32, #tpu.memory_space<hbm>> -> memref<80x128xf32, #tpu.memory_space<hbm>>
      tpu.enqueue_dma source(%arg14 : memref<80x128xf32, #tpu.memory_space<vmem>>) target(%dma_start3A_834 : memref<80x128xf32, #tpu.memory_space<hbm>>) target_semaphore(%run_scoped3A_828 : memref<!tpu.dma_semaphore, #tpu.memory_space<semaphore_mem>>)
      %dma_wait3A_835 = arith.constant 0 : i32
      %dma_wait3A_836 = tpu.memref_slice %arg7[%arg0, %add3A_666, %dma_wait3A_835] : memref<2x10240x128xf32, #tpu.memory_space<hbm>> -> memref<1x80x128xf32, #tpu.memory_space<hbm>>
      %dma_wait3A_837 = tpu.memref_squeeze %dma_wait3A_836 : memref<1x80x128xf32, #tpu.memory_space<hbm>> -> memref<80x128xf32, #tpu.memory_space<hbm>>
      %dma_wait3A_838 = arith.constant 0 : i32
      %dma_wait3A_839 = tpu.memref_slice %arg7[%arg0, %add3A_666, %dma_wait3A_838] : memref<2x10240x128xf32, #tpu.memory_space<hbm>> -> memref<1x80x128xf32, #tpu.memory_space<hbm>>
      %dma_wait3A_840 = tpu.memref_squeeze %dma_wait3A_839 : memref<1x80x128xf32, #tpu.memory_space<hbm>> -> memref<80x128xf32, #tpu.memory_space<hbm>>
      tpu.wait_dma2 semaphore(%run_scoped3A_828 : memref<!tpu.dma_semaphore, #tpu.memory_space<semaphore_mem>>) src(%arg14 : memref<80x128xf32, #tpu.memory_space<vmem>>) dst(%dma_wait3A_840 : memref<80x128xf32, #tpu.memory_space<hbm>>)
      tpu.yield
    }) : () -> ()
    %barrier3A_667 = arith.constant 0 : index
    tpu.barrier barrier_id(%barrier3A_667)
    "tpu.region"() ({
      %run_scoped3A_828 = tpu.sem_alloc : memref<!tpu.dma_semaphore, #tpu.memory_space<semaphore_mem>>
      tpu.enqueue_dma source(%arg6 : memref<80x128xf32, #tpu.memory_space<hbm>>) target(%arg14 : memref<80x128xf32, #tpu.memory_space<vmem>>) target_semaphore(%run_scoped3A_828 : memref<!tpu.dma_semaphore, #tpu.memory_space<semaphore_mem>>)
      tpu.wait_dma2 semaphore(%run_scoped3A_828 : memref<!tpu.dma_semaphore, #tpu.memory_space<semaphore_mem>>) src(%arg6 : memref<80x128xf32, #tpu.memory_space<hbm>>) dst(%arg14 : memref<80x128xf32, #tpu.memory_space<vmem>>)
      tpu.yield
    }) : () -> ()
    %add3A_668 = arith.constant 0 : i32
    %add3A_669 = arith.addi %mul3A_0, %add3A_668 : i32
    "tpu.region"() ({
      %run_scoped3A_828 = tpu.sem_alloc : memref<!tpu.dma_semaphore, #tpu.memory_space<semaphore_mem>>
      %dma_start3A_829 = arith.constant 0 : i32
      %dma_start3A_830 = tpu.memref_slice %arg15[%add3A_669, %dma_start3A_829] : memref<10240x128xf32, #tpu.memory_space<vmem_shared>> -> memref<80x128xf32, #tpu.memory_space<vmem_shared>>
      %dma_start3A_831 = arith.constant 0 : i32
      %dma_start3A_832 = tpu.memref_slice %arg15[%add3A_669, %dma_start3A_831] : memref<10240x128xf32, #tpu.memory_space<vmem_shared>> -> memref<80x128xf32, #tpu.memory_space<vmem_shared>>
      tpu.enqueue_dma source(%arg14 : memref<80x128xf32, #tpu.memory_space<vmem>>) target(%dma_start3A_832 : memref<80x128xf32, #tpu.memory_space<vmem_shared>>) target_semaphore(%run_scoped3A_828 : memref<!tpu.dma_semaphore, #tpu.memory_space<semaphore_mem>>)
      %dma_wait3A_833 = arith.constant 0 : i32
      %dma_wait3A_834 = tpu.memref_slice %arg15[%add3A_669, %dma_wait3A_833] : memref<10240x128xf32, #tpu.memory_space<vmem_shared>> -> memref<80x128xf32, #tpu.memory_space<vmem_shared>>
      %dma_wait3A_835 = arith.constant 0 : i32
      %dma_wait3A_836 = tpu.memref_slice %arg15[%add3A_669, %dma_wait3A_835] : memref<10240x128xf32, #tpu.memory_space<vmem_shared>> -> memref<80x128xf32, #tpu.memory_space<vmem_shared>>
      tpu.wait_dma2 semaphore(%run_scoped3A_828 : memref<!tpu.dma_semaphore, #tpu.memory_space<semaphore_mem>>) src(%arg14 : memref<80x128xf32, #tpu.memory_space<vmem>>) dst(%dma_wait3A_836 : memref<80x128xf32, #tpu.memory_space<vmem_shared>>)
      tpu.yield
    }) : () -> ()
    %add3A_670 = arith.constant 80 : i32
    %add3A_671 = arith.addi %mul3A_0, %add3A_670 : i32
    "tpu.region"() ({
      %run_scoped3A_828 = tpu.sem_alloc : memref<!tpu.dma_semaphore, #tpu.memory_space<semaphore_mem>>
      %dma_start3A_829 = arith.constant 0 : i32
      %dma_start3A_830 = tpu.memref_slice %arg15[%add3A_671, %dma_start3A_829] : memref<10240x128xf32, #tpu.memory_space<vmem_shared>> -> memref<80x128xf32, #tpu.memory_space<vmem_shared>>
      %dma_start3A_831 = arith.constant 0 : i32
      %dma_start3A_832 = tpu.memref_slice %arg15[%add3A_671, %dma_start3A_831] : memref<10240x128xf32, #tpu.memory_space<vmem_shared>> -> memref<80x128xf32, #tpu.memory_space<vmem_shared>>
      tpu.enqueue_dma source(%arg14 : memref<80x128xf32, #tpu.memory_space<vmem>>) target(%dma_start3A_832 : memref<80x128xf32, #tpu.memory_space<vmem_shared>>) target_semaphore(%run_scoped3A_828 : memref<!tpu.dma_semaphore, #tpu.memory_space<semaphore_mem>>)
      %dma_wait3A_833 = arith.constant 0 : i32
      %dma_wait3A_834 = tpu.memref_slice %arg15[%add3A_671, %dma_wait3A_833] : memref<10240x128xf32, #tpu.memory_space<vmem_shared>> -> memref<80x128xf32, #tpu.memory_space<vmem_shared>>
      %dma_wait3A_835 = arith.constant 0 : i32
      %dma_wait3A_836 = tpu.memref_slice %arg15[%add3A_671, %dma_wait3A_835] : memref<10240x128xf32, #tpu.memory_space<vmem_shared>> -> memref<80x128xf32, #tpu.memory_space<vmem_shared>>
      tpu.wait_dma2 semaphore(%run_scoped3A_828 : memref<!tpu.dma_semaphore, #tpu.memory_space<semaphore_mem>>) src(%arg14 : memref<80x128xf32, #tpu.memory_space<vmem>>) dst(%dma_wait3A_836 : memref<80x128xf32, #tpu.memory_space<vmem_shared>>)
      tpu.yield
    }) : () -> ()
    %add3A_672 = arith.constant 160 : i32
    %add3A_673 = arith.addi %mul3A_0, %add3A_672 : i32
    "tpu.region"() ({
      %run_scoped3A_828 = tpu.sem_alloc : memref<!tpu.dma_semaphore, #tpu.memory_space<semaphore_mem>>
      %dma_start3A_829 = arith.constant 0 : i32
      %dma_start3A_830 = tpu.memref_slice %arg15[%add3A_673, %dma_start3A_829] : memref<10240x128xf32, #tpu.memory_space<vmem_shared>> -> memref<80x128xf32, #tpu.memory_space<vmem_shared>>
      %dma_start3A_831 = arith.constant 0 : i32
      %dma_start3A_832 = tpu.memref_slice %arg15[%add3A_673, %dma_start3A_831] : memref<10240x128xf32, #tpu.memory_space<vmem_shared>> -> memref<80x128xf32, #tpu.memory_space<vmem_shared>>
      tpu.enqueue_dma source(%arg14 : memref<80x128xf32, #tpu.memory_space<vmem>>) target(%dma_start3A_832 : memref<80x128xf32, #tpu.memory_space<vmem_shared>>) target_semaphore(%run_scoped3A_828 : memref<!tpu.dma_semaphore, #tpu.memory_space<semaphore_mem>>)
      %dma_wait3A_833 = arith.constant 0 : i32
      %dma_wait3A_834 = tpu.memref_slice %arg15[%add3A_673, %dma_wait3A_833] : memref<10240x128xf32, #tpu.memory_space<vmem_shared>> -> memref<80x128xf32, #tpu.memory_space<vmem_shared>>
      %dma_wait3A_835 = arith.constant 0 : i32
      %dma_wait3A_836 = tpu.memref_slice %arg15[%add3A_673, %dma_wait3A_835] : memref<10240x128xf32, #tpu.memory_space<vmem_shared>> -> memref<80x128xf32, #tpu.memory_space<vmem_shared>>
      tpu.wait_dma2 semaphore(%run_scoped3A_828 : memref<!tpu.dma_semaphore, #tpu.memory_space<semaphore_mem>>) src(%arg14 : memref<80x128xf32, #tpu.memory_space<vmem>>) dst(%dma_wait3A_836 : memref<80x128xf32, #tpu.memory_space<vmem_shared>>)
      tpu.yield
    }) : () -> ()
    %add3A_674 = arith.constant 240 : i32
    %add3A_675 = arith.addi %mul3A_0, %add3A_674 : i32
    "tpu.region"() ({
      %run_scoped3A_828 = tpu.sem_alloc : memref<!tpu.dma_semaphore, #tpu.memory_space<semaphore_mem>>
      %dma_start3A_829 = arith.constant 0 : i32
      %dma_start3A_830 = tpu.memref_slice %arg15[%add3A_675, %dma_start3A_829] : memref<10240x128xf32, #tpu.memory_space<vmem_shared>> -> memref<80x128xf32, #tpu.memory_space<vmem_shared>>
      %dma_start3A_831 = arith.constant 0 : i32
      %dma_start3A_832 = tpu.memref_slice %arg15[%add3A_675, %dma_start3A_831] : memref<10240x128xf32, #tpu.memory_space<vmem_shared>> -> memref<80x128xf32, #tpu.memory_space<vmem_shared>>
      tpu.enqueue_dma source(%arg14 : memref<80x128xf32, #tpu.memory_space<vmem>>) target(%dma_start3A_832 : memref<80x128xf32, #tpu.memory_space<vmem_shared>>) target_semaphore(%run_scoped3A_828 : memref<!tpu.dma_semaphore, #tpu.memory_space<semaphore_mem>>)
      %dma_wait3A_833 = arith.constant 0 : i32
      %dma_wait3A_834 = tpu.memref_slice %arg15[%add3A_675, %dma_wait3A_833] : memref<10240x128xf32, #tpu.memory_space<vmem_shared>> -> memref<80x128xf32, #tpu.memory_space<vmem_shared>>
      %dma_wait3A_835 = arith.constant 0 : i32
      %dma_wait3A_836 = tpu.memref_slice %arg15[%add3A_675, %dma_wait3A_835] : memref<10240x128xf32, #tpu.memory_space<vmem_shared>> -> memref<80x128xf32, #tpu.memory_space<vmem_shared>>
      tpu.wait_dma2 semaphore(%run_scoped3A_828 : memref<!tpu.dma_semaphore, #tpu.memory_space<semaphore_mem>>) src(%arg14 : memref<80x128xf32, #tpu.memory_space<vmem>>) dst(%dma_wait3A_836 : memref<80x128xf32, #tpu.memory_space<vmem_shared>>)
      tpu.yield
    }) : () -> ()
    %add3A_676 = arith.constant 320 : i32
    %add3A_677 = arith.addi %mul3A_0, %add3A_676 : i32
    "tpu.region"() ({
      %run_scoped3A_828 = tpu.sem_alloc : memref<!tpu.dma_semaphore, #tpu.memory_space<semaphore_mem>>
      %dma_start3A_829 = arith.constant 0 : i32
      %dma_start3A_830 = tpu.memref_slice %arg15[%add3A_677, %dma_start3A_829] : memref<10240x128xf32, #tpu.memory_space<vmem_shared>> -> memref<80x128xf32, #tpu.memory_space<vmem_shared>>
      %dma_start3A_831 = arith.constant 0 : i32
      %dma_start3A_832 = tpu.memref_slice %arg15[%add3A_677, %dma_start3A_831] : memref<10240x128xf32, #tpu.memory_space<vmem_shared>> -> memref<80x128xf32, #tpu.memory_space<vmem_shared>>
      tpu.enqueue_dma source(%arg14 : memref<80x128xf32, #tpu.memory_space<vmem>>) target(%dma_start3A_832 : memref<80x128xf32, #tpu.memory_space<vmem_shared>>) target_semaphore(%run_scoped3A_828 : memref<!tpu.dma_semaphore, #tpu.memory_space<semaphore_mem>>)
      %dma_wait3A_833 = arith.constant 0 : i32
      %dma_wait3A_834 = tpu.memref_slice %arg15[%add3A_677, %dma_wait3A_833] : memref<10240x128xf32, #tpu.memory_space<vmem_shared>> -> memref<80x128xf32, #tpu.memory_space<vmem_shared>>
      %dma_wait3A_835 = arith.constant 0 : i32
      %dma_wait3A_836 = tpu.memref_slice %arg15[%add3A_677, %dma_wait3A_835] : memref<10240x128xf32, #tpu.memory_space<vmem_shared>> -> memref<80x128xf32, #tpu.memory_space<vmem_shared>>
      tpu.wait_dma2 semaphore(%run_scoped3A_828 : memref<!tpu.dma_semaphore, #tpu.memory_space<semaphore_mem>>) src(%arg14 : memref<80x128xf32, #tpu.memory_space<vmem>>) dst(%dma_wait3A_836 : memref<80x128xf32, #tpu.memory_space<vmem_shared>>)
      tpu.yield
    }) : () -> ()
    %add3A_678 = arith.constant 400 : i32
    %add3A_679 = arith.addi %mul3A_0, %add3A_678 : i32
    "tpu.region"() ({
      %run_scoped3A_828 = tpu.sem_alloc : memref<!tpu.dma_semaphore, #tpu.memory_space<semaphore_mem>>
      %dma_start3A_829 = arith.constant 0 : i32
      %dma_start3A_830 = tpu.memref_slice %arg15[%add3A_679, %dma_start3A_829] : memref<10240x128xf32, #tpu.memory_space<vmem_shared>> -> memref<80x128xf32, #tpu.memory_space<vmem_shared>>
      %dma_start3A_831 = arith.constant 0 : i32
      %dma_start3A_832 = tpu.memref_slice %arg15[%add3A_679, %dma_start3A_831] : memref<10240x128xf32, #tpu.memory_space<vmem_shared>> -> memref<80x128xf32, #tpu.memory_space<vmem_shared>>
      tpu.enqueue_dma source(%arg14 : memref<80x128xf32, #tpu.memory_space<vmem>>) target(%dma_start3A_832 : memref<80x128xf32, #tpu.memory_space<vmem_shared>>) target_semaphore(%run_scoped3A_828 : memref<!tpu.dma_semaphore, #tpu.memory_space<semaphore_mem>>)
      %dma_wait3A_833 = arith.constant 0 : i32
      %dma_wait3A_834 = tpu.memref_slice %arg15[%add3A_679, %dma_wait3A_833] : memref<10240x128xf32, #tpu.memory_space<vmem_shared>> -> memref<80x128xf32, #tpu.memory_space<vmem_shared>>
      %dma_wait3A_835 = arith.constant 0 : i32
      %dma_wait3A_836 = tpu.memref_slice %arg15[%add3A_679, %dma_wait3A_835] : memref<10240x128xf32, #tpu.memory_space<vmem_shared>> -> memref<80x128xf32, #tpu.memory_space<vmem_shared>>
      tpu.wait_dma2 semaphore(%run_scoped3A_828 : memref<!tpu.dma_semaphore, #tpu.memory_space<semaphore_mem>>) src(%arg14 : memref<80x128xf32, #tpu.memory_space<vmem>>) dst(%dma_wait3A_836 : memref<80x128xf32, #tpu.memory_space<vmem_shared>>)
      tpu.yield
    }) : () -> ()
    %add3A_680 = arith.constant 480 : i32
    %add3A_681 = arith.addi %mul3A_0, %add3A_680 : i32
    "tpu.region"() ({
      %run_scoped3A_828 = tpu.sem_alloc : memref<!tpu.dma_semaphore, #tpu.memory_space<semaphore_mem>>
      %dma_start3A_829 = arith.constant 0 : i32
      %dma_start3A_830 = tpu.memref_slice %arg15[%add3A_681, %dma_start3A_829] : memref<10240x128xf32, #tpu.memory_space<vmem_shared>> -> memref<80x128xf32, #tpu.memory_space<vmem_shared>>
      %dma_start3A_831 = arith.constant 0 : i32
      %dma_start3A_832 = tpu.memref_slice %arg15[%add3A_681, %dma_start3A_831] : memref<10240x128xf32, #tpu.memory_space<vmem_shared>> -> memref<80x128xf32, #tpu.memory_space<vmem_shared>>
      tpu.enqueue_dma source(%arg14 : memref<80x128xf32, #tpu.memory_space<vmem>>) target(%dma_start3A_832 : memref<80x128xf32, #tpu.memory_space<vmem_shared>>) target_semaphore(%run_scoped3A_828 : memref<!tpu.dma_semaphore, #tpu.memory_space<semaphore_mem>>)
      %dma_wait3A_833 = arith.constant 0 : i32
      %dma_wait3A_834 = tpu.memref_slice %arg15[%add3A_681, %dma_wait3A_833] : memref<10240x128xf32, #tpu.memory_space<vmem_shared>> -> memref<80x128xf32, #tpu.memory_space<vmem_shared>>
      %dma_wait3A_835 = arith.constant 0 : i32
      %dma_wait3A_836 = tpu.memref_slice %arg15[%add3A_681, %dma_wait3A_835] : memref<10240x128xf32, #tpu.memory_space<vmem_shared>> -> memref<80x128xf32, #tpu.memory_space<vmem_shared>>
      tpu.wait_dma2 semaphore(%run_scoped3A_828 : memref<!tpu.dma_semaphore, #tpu.memory_space<semaphore_mem>>) src(%arg14 : memref<80x128xf32, #tpu.memory_space<vmem>>) dst(%dma_wait3A_836 : memref<80x128xf32, #tpu.memory_space<vmem_shared>>)
      tpu.yield
    }) : () -> ()
    %add3A_682 = arith.constant 560 : i32
    %add3A_683 = arith.addi %mul3A_0, %add3A_682 : i32
    "tpu.region"() ({
      %run_scoped3A_828 = tpu.sem_alloc : memref<!tpu.dma_semaphore, #tpu.memory_space<semaphore_mem>>
      %dma_start3A_829 = arith.constant 0 : i32
      %dma_start3A_830 = tpu.memref_slice %arg15[%add3A_683, %dma_start3A_829] : memref<10240x128xf32, #tpu.memory_space<vmem_shared>> -> memref<80x128xf32, #tpu.memory_space<vmem_shared>>
      %dma_start3A_831 = arith.constant 0 : i32
      %dma_start3A_832 = tpu.memref_slice %arg15[%add3A_683, %dma_start3A_831] : memref<10240x128xf32, #tpu.memory_space<vmem_shared>> -> memref<80x128xf32, #tpu.memory_space<vmem_shared>>
      tpu.enqueue_dma source(%arg14 : memref<80x128xf32, #tpu.memory_space<vmem>>) target(%dma_start3A_832 : memref<80x128xf32, #tpu.memory_space<vmem_shared>>) target_semaphore(%run_scoped3A_828 : memref<!tpu.dma_semaphore, #tpu.memory_space<semaphore_mem>>)
      %dma_wait3A_833 = arith.constant 0 : i32
      %dma_wait3A_834 = tpu.memref_slice %arg15[%add3A_683, %dma_wait3A_833] : memref<10240x128xf32, #tpu.memory_space<vmem_shared>> -> memref<80x128xf32, #tpu.memory_space<vmem_shared>>
      %dma_wait3A_835 = arith.constant 0 : i32
      %dma_wait3A_836 = tpu.memref_slice %arg15[%add3A_683, %dma_wait3A_835] : memref<10240x128xf32, #tpu.memory_space<vmem_shared>> -> memref<80x128xf32, #tpu.memory_space<vmem_shared>>
      tpu.wait_dma2 semaphore(%run_scoped3A_828 : memref<!tpu.dma_semaphore, #tpu.memory_space<semaphore_mem>>) src(%arg14 : memref<80x128xf32, #tpu.memory_space<vmem>>) dst(%dma_wait3A_836 : memref<80x128xf32, #tpu.memory_space<vmem_shared>>)
      tpu.yield
    }) : () -> ()
    %barrier3A_684 = arith.constant 0 : index
    tpu.barrier barrier_id(%barrier3A_684)
    %dma_start3A_685 = arith.constant 0 : i32
    %dma_start3A_686 = arith.constant 0 : i32
    %dma_start3A_687 = arith.constant 0 : i32
    %dma_start3A_688 = arith.constant 0 : i32
    %dma_start3A_689 = tpu.memref_slice %arg11[%dma_start3A_686, %dma_start3A_687, %dma_start3A_688] : memref<2x8x128xi32, #tpu.memory_space<vmem>> -> memref<1x8x128xi32, #tpu.memory_space<vmem>>
    %dma_start3A_690 = tpu.memref_squeeze %dma_start3A_689 : memref<1x8x128xi32, #tpu.memory_space<vmem>> -> memref<8x128xi32, #tpu.memory_space<vmem>>
    %dma_start3A_691 = arith.constant 0 : i32
    %dma_start3A_692 = arith.constant 0 : i32
    %dma_start3A_693 = tpu.memref_slice %arg4[%arg0, %arg1, %dma_start3A_685, %dma_start3A_691, %dma_start3A_692] : memref<2x16x10x8x128xi32, #tpu.memory_space<hbm>> -> memref<1x1x1x8x128xi32, #tpu.memory_space<hbm>>
    %dma_start3A_694 = tpu.memref_squeeze %dma_start3A_693 : memref<1x1x1x8x128xi32, #tpu.memory_space<hbm>> -> memref<8x128xi32, #tpu.memory_space<hbm>>
    %dma_start3A_695 = arith.constant 0 : i32
    %dma_start3A_696 = arith.constant 0 : i32
    %dma_start3A_697 = tpu.memref_slice %arg11[%dma_start3A_686, %dma_start3A_695, %dma_start3A_696] : memref<2x8x128xi32, #tpu.memory_space<vmem>> -> memref<1x8x128xi32, #tpu.memory_space<vmem>>
    %dma_start3A_698 = tpu.memref_squeeze %dma_start3A_697 : memref<1x8x128xi32, #tpu.memory_space<vmem>> -> memref<8x128xi32, #tpu.memory_space<vmem>>
    %dma_start3A_699 = arith.constant 0 : i32
    %dma_start3A_700 = arith.constant 0 : i32
    %dma_start3A_701 = tpu.memref_slice %arg4[%arg0, %arg1, %dma_start3A_685, %dma_start3A_699, %dma_start3A_700] : memref<2x16x10x8x128xi32, #tpu.memory_space<hbm>> -> memref<1x1x1x8x128xi32, #tpu.memory_space<hbm>>
    %dma_start3A_702 = tpu.memref_squeeze %dma_start3A_701 : memref<1x1x1x8x128xi32, #tpu.memory_space<hbm>> -> memref<8x128xi32, #tpu.memory_space<hbm>>
    tpu.enqueue_dma source(%dma_start3A_702 : memref<8x128xi32, #tpu.memory_space<hbm>>) target(%dma_start3A_698 : memref<8x128xi32, #tpu.memory_space<vmem>>) target_semaphore(%arg18 : memref<!tpu.dma_semaphore, #tpu.memory_space<semaphore_mem>>)
    %dma_start3A_703 = arith.constant 1 : i32
    %dma_start3A_704 = arith.constant 1 : i32
    %dma_start3A_705 = arith.constant 0 : i32
    %dma_start3A_706 = arith.constant 0 : i32
    %dma_start3A_707 = tpu.memref_slice %arg11[%dma_start3A_704, %dma_start3A_705, %dma_start3A_706] : memref<2x8x128xi32, #tpu.memory_space<vmem>> -> memref<1x8x128xi32, #tpu.memory_space<vmem>>
    %dma_start3A_708 = tpu.memref_squeeze %dma_start3A_707 : memref<1x8x128xi32, #tpu.memory_space<vmem>> -> memref<8x128xi32, #tpu.memory_space<vmem>>
    %dma_start3A_709 = arith.constant 0 : i32
    %dma_start3A_710 = arith.constant 0 : i32
    %dma_start3A_711 = tpu.memref_slice %arg4[%arg0, %arg1, %dma_start3A_703, %dma_start3A_709, %dma_start3A_710] : memref<2x16x10x8x128xi32, #tpu.memory_space<hbm>> -> memref<1x1x1x8x128xi32, #tpu.memory_space<hbm>>
    %dma_start3A_712 = tpu.memref_squeeze %dma_start3A_711 : memref<1x1x1x8x128xi32, #tpu.memory_space<hbm>> -> memref<8x128xi32, #tpu.memory_space<hbm>>
    %dma_start3A_713 = arith.constant 0 : i32
    %dma_start3A_714 = arith.constant 0 : i32
    %dma_start3A_715 = tpu.memref_slice %arg11[%dma_start3A_704, %dma_start3A_713, %dma_start3A_714] : memref<2x8x128xi32, #tpu.memory_space<vmem>> -> memref<1x8x128xi32, #tpu.memory_space<vmem>>
    %dma_start3A_716 = tpu.memref_squeeze %dma_start3A_715 : memref<1x8x128xi32, #tpu.memory_space<vmem>> -> memref<8x128xi32, #tpu.memory_space<vmem>>
    %dma_start3A_717 = arith.constant 0 : i32
    %dma_start3A_718 = arith.constant 0 : i32
    %dma_start3A_719 = tpu.memref_slice %arg4[%arg0, %arg1, %dma_start3A_703, %dma_start3A_717, %dma_start3A_718] : memref<2x16x10x8x128xi32, #tpu.memory_space<hbm>> -> memref<1x1x1x8x128xi32, #tpu.memory_space<hbm>>
    %dma_start3A_720 = tpu.memref_squeeze %dma_start3A_719 : memref<1x1x1x8x128xi32, #tpu.memory_space<hbm>> -> memref<8x128xi32, #tpu.memory_space<hbm>>
    tpu.enqueue_dma source(%dma_start3A_720 : memref<8x128xi32, #tpu.memory_space<hbm>>) target(%dma_start3A_716 : memref<8x128xi32, #tpu.memory_space<vmem>>) target_semaphore(%arg19 : memref<!tpu.dma_semaphore, #tpu.memory_space<semaphore_mem>>)
    %scan3A_721 = arith.constant 0 : i32
    %scan3A_722 = arith.constant 0 : i32
    %scan3A_723 = arith.constant 4 : i32
    %scan3A_724 = arith.addi %scan3A_722, %scan3A_723 : i32
    %scan3A_725 = arith.constant 1 : i32
    scf.for %scan3A_828 = %scan3A_722 to %scan3A_724 step %scan3A_725  : i32 {
      %dma_wait3A_829 = arith.constant 0 : i32
      %dma_wait3A_830 = arith.constant 0 : i32
      %dma_wait3A_831 = arith.constant 0 : i32
      %dma_wait3A_832 = arith.constant 0 : i32
      %dma_wait3A_833 = tpu.memref_slice %arg11[%dma_wait3A_830, %dma_wait3A_831, %dma_wait3A_832] : memref<2x8x128xi32, #tpu.memory_space<vmem>> -> memref<1x8x128xi32, #tpu.memory_space<vmem>>
      %dma_wait3A_834 = tpu.memref_squeeze %dma_wait3A_833 : memref<1x8x128xi32, #tpu.memory_space<vmem>> -> memref<8x128xi32, #tpu.memory_space<vmem>>
      %dma_wait3A_835 = arith.constant 0 : i32
      %dma_wait3A_836 = arith.constant 0 : i32
      %dma_wait3A_837 = tpu.memref_slice %arg4[%arg0, %arg1, %dma_wait3A_829, %dma_wait3A_835, %dma_wait3A_836] : memref<2x16x10x8x128xi32, #tpu.memory_space<hbm>> -> memref<1x1x1x8x128xi32, #tpu.memory_space<hbm>>
      %dma_wait3A_838 = tpu.memref_squeeze %dma_wait3A_837 : memref<1x1x1x8x128xi32, #tpu.memory_space<hbm>> -> memref<8x128xi32, #tpu.memory_space<hbm>>
      %dma_wait3A_839 = arith.constant 0 : i32
      %dma_wait3A_840 = arith.constant 0 : i32
      %dma_wait3A_841 = tpu.memref_slice %arg11[%dma_wait3A_830, %dma_wait3A_839, %dma_wait3A_840] : memref<2x8x128xi32, #tpu.memory_space<vmem>> -> memref<1x8x128xi32, #tpu.memory_space<vmem>>
      %dma_wait3A_842 = tpu.memref_squeeze %dma_wait3A_841 : memref<1x8x128xi32, #tpu.memory_space<vmem>> -> memref<8x128xi32, #tpu.memory_space<vmem>>
      %dma_wait3A_843 = arith.constant 0 : i32
      %dma_wait3A_844 = arith.constant 0 : i32
      %dma_wait3A_845 = tpu.memref_slice %arg4[%arg0, %arg1, %dma_wait3A_829, %dma_wait3A_843, %dma_wait3A_844] : memref<2x16x10x8x128xi32, #tpu.memory_space<hbm>> -> memref<1x1x1x8x128xi32, #tpu.memory_space<hbm>>
      %dma_wait3A_846 = tpu.memref_squeeze %dma_wait3A_845 : memref<1x1x1x8x128xi32, #tpu.memory_space<hbm>> -> memref<8x128xi32, #tpu.memory_space<hbm>>
      tpu.wait_dma2 semaphore(%arg18 : memref<!tpu.dma_semaphore, #tpu.memory_space<semaphore_mem>>) src(%dma_wait3A_846 : memref<8x128xi32, #tpu.memory_space<hbm>>) dst(%dma_wait3A_842 : memref<8x128xi32, #tpu.memory_space<vmem>>)
      %run_scoped3A_847 = arith.constant 0 : i32
      %run_scoped3A_848 = arith.constant 0 : i32
      "tpu.region"() ({
        %run_scoped3A_943 = tpu.sem_alloc : memref<!tpu.dma_semaphore, #tpu.memory_space<semaphore_mem>>
        %dma_start3A_944 = arith.constant 0 : i32
        %dma_start3A_945 = tpu.memref_slice %arg11[%run_scoped3A_847, %run_scoped3A_848, %dma_start3A_944] : memref<2x8x128xi32, #tpu.memory_space<vmem>> -> memref<1x1x128xi32, #tpu.memory_space<vmem>>
        %dma_start3A_946 = tpu.memref_squeeze %dma_start3A_945 : memref<1x1x128xi32, #tpu.memory_space<vmem>> -> memref<128xi32, #tpu.memory_space<vmem>>
        %dma_start3A_947 = arith.constant 0 : i32
        %dma_start3A_948 = arith.constant 0 : i32
        %dma_start3A_949 = tpu.memref_slice %arg15[%dma_start3A_947, %dma_start3A_948] : memref<10240x128xf32, #tpu.memory_space<vmem_shared>> -> memref<10240x128xf32, #tpu.memory_space<vmem_shared>>
        tpu.enqueue_indirect_dma source(%arg13 : memref<128x128xf32, #tpu.memory_space<vmem>>) target(%dma_start3A_949 : memref<10240x128xf32, #tpu.memory_space<vmem_shared>>) offsets(%dma_start3A_946 : memref<128xi32, #tpu.memory_space<vmem>>) semaphore(%run_scoped3A_943 : memref<!tpu.dma_semaphore, #tpu.memory_space<semaphore_mem>>) {add = true}
        %dma_wait3A_950 = arith.constant 0 : i32
        %dma_wait3A_951 = tpu.memref_slice %arg11[%run_scoped3A_847, %run_scoped3A_848, %dma_wait3A_950] : memref<2x8x128xi32, #tpu.memory_space<vmem>> -> memref<1x1x128xi32, #tpu.memory_space<vmem>>
        %dma_wait3A_952 = tpu.memref_squeeze %dma_wait3A_951 : memref<1x1x128xi32, #tpu.memory_space<vmem>> -> memref<128xi32, #tpu.memory_space<vmem>>
        %dma_wait3A_953 = arith.constant 0 : i32
        %dma_wait3A_954 = arith.constant 0 : i32
        %dma_wait3A_955 = tpu.memref_slice %arg15[%dma_wait3A_953, %dma_wait3A_954] : memref<10240x128xf32, #tpu.memory_space<vmem_shared>> -> memref<10240x128xf32, #tpu.memory_space<vmem_shared>>
        tpu.wait_indirect_dma semaphore(%run_scoped3A_943 : memref<!tpu.dma_semaphore, #tpu.memory_space<semaphore_mem>>) src(%arg13 : memref<128x128xf32, #tpu.memory_space<vmem>>) dst(%dma_wait3A_955 : memref<10240x128xf32, #tpu.memory_space<vmem_shared>>)
        tpu.yield
      }) : () -> ()
      %run_scoped3A_849 = arith.constant 0 : i32
      %run_scoped3A_850 = arith.constant 1 : i32
      "tpu.region"() ({
        %run_scoped3A_943 = tpu.sem_alloc : memref<!tpu.dma_semaphore, #tpu.memory_space<semaphore_mem>>
        %dma_start3A_944 = arith.constant 0 : i32
        %dma_start3A_945 = tpu.memref_slice %arg11[%run_scoped3A_849, %run_scoped3A_850, %dma_start3A_944] : memref<2x8x128xi32, #tpu.memory_space<vmem>> -> memref<1x1x128xi32, #tpu.memory_space<vmem>>
        %dma_start3A_946 = tpu.memref_squeeze %dma_start3A_945 : memref<1x1x128xi32, #tpu.memory_space<vmem>> -> memref<128xi32, #tpu.memory_space<vmem>>
        %dma_start3A_947 = arith.constant 0 : i32
        %dma_start3A_948 = arith.constant 0 : i32
        %dma_start3A_949 = tpu.memref_slice %arg15[%dma_start3A_947, %dma_start3A_948] : memref<10240x128xf32, #tpu.memory_space<vmem_shared>> -> memref<10240x128xf32, #tpu.memory_space<vmem_shared>>
        tpu.enqueue_indirect_dma source(%arg13 : memref<128x128xf32, #tpu.memory_space<vmem>>) target(%dma_start3A_949 : memref<10240x128xf32, #tpu.memory_space<vmem_shared>>) offsets(%dma_start3A_946 : memref<128xi32, #tpu.memory_space<vmem>>) semaphore(%run_scoped3A_943 : memref<!tpu.dma_semaphore, #tpu.memory_space<semaphore_mem>>) {add = true}
        %dma_wait3A_950 = arith.constant 0 : i32
        %dma_wait3A_951 = tpu.memref_slice %arg11[%run_scoped3A_849, %run_scoped3A_850, %dma_wait3A_950] : memref<2x8x128xi32, #tpu.memory_space<vmem>> -> memref<1x1x128xi32, #tpu.memory_space<vmem>>
        %dma_wait3A_952 = tpu.memref_squeeze %dma_wait3A_951 : memref<1x1x128xi32, #tpu.memory_space<vmem>> -> memref<128xi32, #tpu.memory_space<vmem>>
        %dma_wait3A_953 = arith.constant 0 : i32
        %dma_wait3A_954 = arith.constant 0 : i32
        %dma_wait3A_955 = tpu.memref_slice %arg15[%dma_wait3A_953, %dma_wait3A_954] : memref<10240x128xf32, #tpu.memory_space<vmem_shared>> -> memref<10240x128xf32, #tpu.memory_space<vmem_shared>>
        tpu.wait_indirect_dma semaphore(%run_scoped3A_943 : memref<!tpu.dma_semaphore, #tpu.memory_space<semaphore_mem>>) src(%arg13 : memref<128x128xf32, #tpu.memory_space<vmem>>) dst(%dma_wait3A_955 : memref<10240x128xf32, #tpu.memory_space<vmem_shared>>)
        tpu.yield
      }) : () -> ()
      %run_scoped3A_851 = arith.constant 0 : i32
      %run_scoped3A_852 = arith.constant 2 : i32
      "tpu.region"() ({
        %run_scoped3A_943 = tpu.sem_alloc : memref<!tpu.dma_semaphore, #tpu.memory_space<semaphore_mem>>
        %dma_start3A_944 = arith.constant 0 : i32
        %dma_start3A_945 = tpu.memref_slice %arg11[%run_scoped3A_851, %run_scoped3A_852, %dma_start3A_944] : memref<2x8x128xi32, #tpu.memory_space<vmem>> -> memref<1x1x128xi32, #tpu.memory_space<vmem>>
        %dma_start3A_946 = tpu.memref_squeeze %dma_start3A_945 : memref<1x1x128xi32, #tpu.memory_space<vmem>> -> memref<128xi32, #tpu.memory_space<vmem>>
        %dma_start3A_947 = arith.constant 0 : i32
        %dma_start3A_948 = arith.constant 0 : i32
        %dma_start3A_949 = tpu.memref_slice %arg15[%dma_start3A_947, %dma_start3A_948] : memref<10240x128xf32, #tpu.memory_space<vmem_shared>> -> memref<10240x128xf32, #tpu.memory_space<vmem_shared>>
        tpu.enqueue_indirect_dma source(%arg13 : memref<128x128xf32, #tpu.memory_space<vmem>>) target(%dma_start3A_949 : memref<10240x128xf32, #tpu.memory_space<vmem_shared>>) offsets(%dma_start3A_946 : memref<128xi32, #tpu.memory_space<vmem>>) semaphore(%run_scoped3A_943 : memref<!tpu.dma_semaphore, #tpu.memory_space<semaphore_mem>>) {add = true}
        %dma_wait3A_950 = arith.constant 0 : i32
        %dma_wait3A_951 = tpu.memref_slice %arg11[%run_scoped3A_851, %run_scoped3A_852, %dma_wait3A_950] : memref<2x8x128xi32, #tpu.memory_space<vmem>> -> memref<1x1x128xi32, #tpu.memory_space<vmem>>
        %dma_wait3A_952 = tpu.memref_squeeze %dma_wait3A_951 : memref<1x1x128xi32, #tpu.memory_space<vmem>> -> memref<128xi32, #tpu.memory_space<vmem>>
        %dma_wait3A_953 = arith.constant 0 : i32
        %dma_wait3A_954 = arith.constant 0 : i32
        %dma_wait3A_955 = tpu.memref_slice %arg15[%dma_wait3A_953, %dma_wait3A_954] : memref<10240x128xf32, #tpu.memory_space<vmem_shared>> -> memref<10240x128xf32, #tpu.memory_space<vmem_shared>>
        tpu.wait_indirect_dma semaphore(%run_scoped3A_943 : memref<!tpu.dma_semaphore, #tpu.memory_space<semaphore_mem>>) src(%arg13 : memref<128x128xf32, #tpu.memory_space<vmem>>) dst(%dma_wait3A_955 : memref<10240x128xf32, #tpu.memory_space<vmem_shared>>)
        tpu.yield
      }) : () -> ()
      %run_scoped3A_853 = arith.constant 0 : i32
      %run_scoped3A_854 = arith.constant 3 : i32
      "tpu.region"() ({
        %run_scoped3A_943 = tpu.sem_alloc : memref<!tpu.dma_semaphore, #tpu.memory_space<semaphore_mem>>
        %dma_start3A_944 = arith.constant 0 : i32
        %dma_start3A_945 = tpu.memref_slice %arg11[%run_scoped3A_853, %run_scoped3A_854, %dma_start3A_944] : memref<2x8x128xi32, #tpu.memory_space<vmem>> -> memref<1x1x128xi32, #tpu.memory_space<vmem>>
        %dma_start3A_946 = tpu.memref_squeeze %dma_start3A_945 : memref<1x1x128xi32, #tpu.memory_space<vmem>> -> memref<128xi32, #tpu.memory_space<vmem>>
        %dma_start3A_947 = arith.constant 0 : i32
        %dma_start3A_948 = arith.constant 0 : i32
        %dma_start3A_949 = tpu.memref_slice %arg15[%dma_start3A_947, %dma_start3A_948] : memref<10240x128xf32, #tpu.memory_space<vmem_shared>> -> memref<10240x128xf32, #tpu.memory_space<vmem_shared>>
        tpu.enqueue_indirect_dma source(%arg13 : memref<128x128xf32, #tpu.memory_space<vmem>>) target(%dma_start3A_949 : memref<10240x128xf32, #tpu.memory_space<vmem_shared>>) offsets(%dma_start3A_946 : memref<128xi32, #tpu.memory_space<vmem>>) semaphore(%run_scoped3A_943 : memref<!tpu.dma_semaphore, #tpu.memory_space<semaphore_mem>>) {add = true}
        %dma_wait3A_950 = arith.constant 0 : i32
        %dma_wait3A_951 = tpu.memref_slice %arg11[%run_scoped3A_853, %run_scoped3A_854, %dma_wait3A_950] : memref<2x8x128xi32, #tpu.memory_space<vmem>> -> memref<1x1x128xi32, #tpu.memory_space<vmem>>
        %dma_wait3A_952 = tpu.memref_squeeze %dma_wait3A_951 : memref<1x1x128xi32, #tpu.memory_space<vmem>> -> memref<128xi32, #tpu.memory_space<vmem>>
        %dma_wait3A_953 = arith.constant 0 : i32
        %dma_wait3A_954 = arith.constant 0 : i32
        %dma_wait3A_955 = tpu.memref_slice %arg15[%dma_wait3A_953, %dma_wait3A_954] : memref<10240x128xf32, #tpu.memory_space<vmem_shared>> -> memref<10240x128xf32, #tpu.memory_space<vmem_shared>>
        tpu.wait_indirect_dma semaphore(%run_scoped3A_943 : memref<!tpu.dma_semaphore, #tpu.memory_space<semaphore_mem>>) src(%arg13 : memref<128x128xf32, #tpu.memory_space<vmem>>) dst(%dma_wait3A_955 : memref<10240x128xf32, #tpu.memory_space<vmem_shared>>)
        tpu.yield
      }) : () -> ()
      %run_scoped3A_855 = arith.constant 0 : i32
      %run_scoped3A_856 = arith.constant 4 : i32
      "tpu.region"() ({
        %run_scoped3A_943 = tpu.sem_alloc : memref<!tpu.dma_semaphore, #tpu.memory_space<semaphore_mem>>
        %dma_start3A_944 = arith.constant 0 : i32
        %dma_start3A_945 = tpu.memref_slice %arg11[%run_scoped3A_855, %run_scoped3A_856, %dma_start3A_944] : memref<2x8x128xi32, #tpu.memory_space<vmem>> -> memref<1x1x128xi32, #tpu.memory_space<vmem>>
        %dma_start3A_946 = tpu.memref_squeeze %dma_start3A_945 : memref<1x1x128xi32, #tpu.memory_space<vmem>> -> memref<128xi32, #tpu.memory_space<vmem>>
        %dma_start3A_947 = arith.constant 0 : i32
        %dma_start3A_948 = arith.constant 0 : i32
        %dma_start3A_949 = tpu.memref_slice %arg15[%dma_start3A_947, %dma_start3A_948] : memref<10240x128xf32, #tpu.memory_space<vmem_shared>> -> memref<10240x128xf32, #tpu.memory_space<vmem_shared>>
        tpu.enqueue_indirect_dma source(%arg13 : memref<128x128xf32, #tpu.memory_space<vmem>>) target(%dma_start3A_949 : memref<10240x128xf32, #tpu.memory_space<vmem_shared>>) offsets(%dma_start3A_946 : memref<128xi32, #tpu.memory_space<vmem>>) semaphore(%run_scoped3A_943 : memref<!tpu.dma_semaphore, #tpu.memory_space<semaphore_mem>>) {add = true}
        %dma_wait3A_950 = arith.constant 0 : i32
        %dma_wait3A_951 = tpu.memref_slice %arg11[%run_scoped3A_855, %run_scoped3A_856, %dma_wait3A_950] : memref<2x8x128xi32, #tpu.memory_space<vmem>> -> memref<1x1x128xi32, #tpu.memory_space<vmem>>
        %dma_wait3A_952 = tpu.memref_squeeze %dma_wait3A_951 : memref<1x1x128xi32, #tpu.memory_space<vmem>> -> memref<128xi32, #tpu.memory_space<vmem>>
        %dma_wait3A_953 = arith.constant 0 : i32
        %dma_wait3A_954 = arith.constant 0 : i32
        %dma_wait3A_955 = tpu.memref_slice %arg15[%dma_wait3A_953, %dma_wait3A_954] : memref<10240x128xf32, #tpu.memory_space<vmem_shared>> -> memref<10240x128xf32, #tpu.memory_space<vmem_shared>>
        tpu.wait_indirect_dma semaphore(%run_scoped3A_943 : memref<!tpu.dma_semaphore, #tpu.memory_space<semaphore_mem>>) src(%arg13 : memref<128x128xf32, #tpu.memory_space<vmem>>) dst(%dma_wait3A_955 : memref<10240x128xf32, #tpu.memory_space<vmem_shared>>)
        tpu.yield
      }) : () -> ()
      %run_scoped3A_857 = arith.constant 0 : i32
      %run_scoped3A_858 = arith.constant 5 : i32
      "tpu.region"() ({
        %run_scoped3A_943 = tpu.sem_alloc : memref<!tpu.dma_semaphore, #tpu.memory_space<semaphore_mem>>
        %dma_start3A_944 = arith.constant 0 : i32
        %dma_start3A_945 = tpu.memref_slice %arg11[%run_scoped3A_857, %run_scoped3A_858, %dma_start3A_944] : memref<2x8x128xi32, #tpu.memory_space<vmem>> -> memref<1x1x128xi32, #tpu.memory_space<vmem>>
        %dma_start3A_946 = tpu.memref_squeeze %dma_start3A_945 : memref<1x1x128xi32, #tpu.memory_space<vmem>> -> memref<128xi32, #tpu.memory_space<vmem>>
        %dma_start3A_947 = arith.constant 0 : i32
        %dma_start3A_948 = arith.constant 0 : i32
        %dma_start3A_949 = tpu.memref_slice %arg15[%dma_start3A_947, %dma_start3A_948] : memref<10240x128xf32, #tpu.memory_space<vmem_shared>> -> memref<10240x128xf32, #tpu.memory_space<vmem_shared>>
        tpu.enqueue_indirect_dma source(%arg13 : memref<128x128xf32, #tpu.memory_space<vmem>>) target(%dma_start3A_949 : memref<10240x128xf32, #tpu.memory_space<vmem_shared>>) offsets(%dma_start3A_946 : memref<128xi32, #tpu.memory_space<vmem>>) semaphore(%run_scoped3A_943 : memref<!tpu.dma_semaphore, #tpu.memory_space<semaphore_mem>>) {add = true}
        %dma_wait3A_950 = arith.constant 0 : i32
        %dma_wait3A_951 = tpu.memref_slice %arg11[%run_scoped3A_857, %run_scoped3A_858, %dma_wait3A_950] : memref<2x8x128xi32, #tpu.memory_space<vmem>> -> memref<1x1x128xi32, #tpu.memory_space<vmem>>
        %dma_wait3A_952 = tpu.memref_squeeze %dma_wait3A_951 : memref<1x1x128xi32, #tpu.memory_space<vmem>> -> memref<128xi32, #tpu.memory_space<vmem>>
        %dma_wait3A_953 = arith.constant 0 : i32
        %dma_wait3A_954 = arith.constant 0 : i32
        %dma_wait3A_955 = tpu.memref_slice %arg15[%dma_wait3A_953, %dma_wait3A_954] : memref<10240x128xf32, #tpu.memory_space<vmem_shared>> -> memref<10240x128xf32, #tpu.memory_space<vmem_shared>>
        tpu.wait_indirect_dma semaphore(%run_scoped3A_943 : memref<!tpu.dma_semaphore, #tpu.memory_space<semaphore_mem>>) src(%arg13 : memref<128x128xf32, #tpu.memory_space<vmem>>) dst(%dma_wait3A_955 : memref<10240x128xf32, #tpu.memory_space<vmem_shared>>)
        tpu.yield
      }) : () -> ()
      %run_scoped3A_859 = arith.constant 0 : i32
      %run_scoped3A_860 = arith.constant 6 : i32
      "tpu.region"() ({
        %run_scoped3A_943 = tpu.sem_alloc : memref<!tpu.dma_semaphore, #tpu.memory_space<semaphore_mem>>
        %dma_start3A_944 = arith.constant 0 : i32
        %dma_start3A_945 = tpu.memref_slice %arg11[%run_scoped3A_859, %run_scoped3A_860, %dma_start3A_944] : memref<2x8x128xi32, #tpu.memory_space<vmem>> -> memref<1x1x128xi32, #tpu.memory_space<vmem>>
        %dma_start3A_946 = tpu.memref_squeeze %dma_start3A_945 : memref<1x1x128xi32, #tpu.memory_space<vmem>> -> memref<128xi32, #tpu.memory_space<vmem>>
        %dma_start3A_947 = arith.constant 0 : i32
        %dma_start3A_948 = arith.constant 0 : i32
        %dma_start3A_949 = tpu.memref_slice %arg15[%dma_start3A_947, %dma_start3A_948] : memref<10240x128xf32, #tpu.memory_space<vmem_shared>> -> memref<10240x128xf32, #tpu.memory_space<vmem_shared>>
        tpu.enqueue_indirect_dma source(%arg13 : memref<128x128xf32, #tpu.memory_space<vmem>>) target(%dma_start3A_949 : memref<10240x128xf32, #tpu.memory_space<vmem_shared>>) offsets(%dma_start3A_946 : memref<128xi32, #tpu.memory_space<vmem>>) semaphore(%run_scoped3A_943 : memref<!tpu.dma_semaphore, #tpu.memory_space<semaphore_mem>>) {add = true}
        %dma_wait3A_950 = arith.constant 0 : i32
        %dma_wait3A_951 = tpu.memref_slice %arg11[%run_scoped3A_859, %run_scoped3A_860, %dma_wait3A_950] : memref<2x8x128xi32, #tpu.memory_space<vmem>> -> memref<1x1x128xi32, #tpu.memory_space<vmem>>
        %dma_wait3A_952 = tpu.memref_squeeze %dma_wait3A_951 : memref<1x1x128xi32, #tpu.memory_space<vmem>> -> memref<128xi32, #tpu.memory_space<vmem>>
        %dma_wait3A_953 = arith.constant 0 : i32
        %dma_wait3A_954 = arith.constant 0 : i32
        %dma_wait3A_955 = tpu.memref_slice %arg15[%dma_wait3A_953, %dma_wait3A_954] : memref<10240x128xf32, #tpu.memory_space<vmem_shared>> -> memref<10240x128xf32, #tpu.memory_space<vmem_shared>>
        tpu.wait_indirect_dma semaphore(%run_scoped3A_943 : memref<!tpu.dma_semaphore, #tpu.memory_space<semaphore_mem>>) src(%arg13 : memref<128x128xf32, #tpu.memory_space<vmem>>) dst(%dma_wait3A_955 : memref<10240x128xf32, #tpu.memory_space<vmem_shared>>)
        tpu.yield
      }) : () -> ()
      %run_scoped3A_861 = arith.constant 0 : i32
      %run_scoped3A_862 = arith.constant 7 : i32
      "tpu.region"() ({
        %run_scoped3A_943 = tpu.sem_alloc : memref<!tpu.dma_semaphore, #tpu.memory_space<semaphore_mem>>
        %dma_start3A_944 = arith.constant 0 : i32
        %dma_start3A_945 = tpu.memref_slice %arg11[%run_scoped3A_861, %run_scoped3A_862, %dma_start3A_944] : memref<2x8x128xi32, #tpu.memory_space<vmem>> -> memref<1x1x128xi32, #tpu.memory_space<vmem>>
        %dma_start3A_946 = tpu.memref_squeeze %dma_start3A_945 : memref<1x1x128xi32, #tpu.memory_space<vmem>> -> memref<128xi32, #tpu.memory_space<vmem>>
        %dma_start3A_947 = arith.constant 0 : i32
        %dma_start3A_948 = arith.constant 0 : i32
        %dma_start3A_949 = tpu.memref_slice %arg15[%dma_start3A_947, %dma_start3A_948] : memref<10240x128xf32, #tpu.memory_space<vmem_shared>> -> memref<10240x128xf32, #tpu.memory_space<vmem_shared>>
        tpu.enqueue_indirect_dma source(%arg13 : memref<128x128xf32, #tpu.memory_space<vmem>>) target(%dma_start3A_949 : memref<10240x128xf32, #tpu.memory_space<vmem_shared>>) offsets(%dma_start3A_946 : memref<128xi32, #tpu.memory_space<vmem>>) semaphore(%run_scoped3A_943 : memref<!tpu.dma_semaphore, #tpu.memory_space<semaphore_mem>>) {add = true}
        %dma_wait3A_950 = arith.constant 0 : i32
        %dma_wait3A_951 = tpu.memref_slice %arg11[%run_scoped3A_861, %run_scoped3A_862, %dma_wait3A_950] : memref<2x8x128xi32, #tpu.memory_space<vmem>> -> memref<1x1x128xi32, #tpu.memory_space<vmem>>
        %dma_wait3A_952 = tpu.memref_squeeze %dma_wait3A_951 : memref<1x1x128xi32, #tpu.memory_space<vmem>> -> memref<128xi32, #tpu.memory_space<vmem>>
        %dma_wait3A_953 = arith.constant 0 : i32
        %dma_wait3A_954 = arith.constant 0 : i32
        %dma_wait3A_955 = tpu.memref_slice %arg15[%dma_wait3A_953, %dma_wait3A_954] : memref<10240x128xf32, #tpu.memory_space<vmem_shared>> -> memref<10240x128xf32, #tpu.memory_space<vmem_shared>>
        tpu.wait_indirect_dma semaphore(%run_scoped3A_943 : memref<!tpu.dma_semaphore, #tpu.memory_space<semaphore_mem>>) src(%arg13 : memref<128x128xf32, #tpu.memory_space<vmem>>) dst(%dma_wait3A_955 : memref<10240x128xf32, #tpu.memory_space<vmem_shared>>)
        tpu.yield
      }) : () -> ()
      %mul3A_863 = arith.constant 2 : i32
      %mul3A_864 = arith.muli %mul3A_863, %scan3A_828 : i32
      %add3A_865 = arith.constant 2 : i32
      %add3A_866 = arith.addi %mul3A_864, %add3A_865 : i32
      %add3A_867 = arith.constant 0 : i32
      %add3A_868 = arith.addi %add3A_866, %add3A_867 : i32
      %dma_start3A_869 = arith.constant 0 : i32
      %dma_start3A_870 = arith.constant 0 : i32
      %dma_start3A_871 = arith.constant 0 : i32
      %dma_start3A_872 = tpu.memref_slice %arg11[%dma_start3A_869, %dma_start3A_870, %dma_start3A_871] : memref<2x8x128xi32, #tpu.memory_space<vmem>> -> memref<1x8x128xi32, #tpu.memory_space<vmem>>
      %dma_start3A_873 = tpu.memref_squeeze %dma_start3A_872 : memref<1x8x128xi32, #tpu.memory_space<vmem>> -> memref<8x128xi32, #tpu.memory_space<vmem>>
      %dma_start3A_874 = arith.constant 0 : i32
      %dma_start3A_875 = arith.constant 0 : i32
      %dma_start3A_876 = tpu.memref_slice %arg4[%arg0, %arg1, %add3A_868, %dma_start3A_874, %dma_start3A_875] : memref<2x16x10x8x128xi32, #tpu.memory_space<hbm>> -> memref<1x1x1x8x128xi32, #tpu.memory_space<hbm>>
      %dma_start3A_877 = tpu.memref_squeeze %dma_start3A_876 : memref<1x1x1x8x128xi32, #tpu.memory_space<hbm>> -> memref<8x128xi32, #tpu.memory_space<hbm>>
      %dma_start3A_878 = arith.constant 0 : i32
      %dma_start3A_879 = arith.constant 0 : i32
      %dma_start3A_880 = tpu.memref_slice %arg11[%dma_start3A_869, %dma_start3A_878, %dma_start3A_879] : memref<2x8x128xi32, #tpu.memory_space<vmem>> -> memref<1x8x128xi32, #tpu.memory_space<vmem>>
      %dma_start3A_881 = tpu.memref_squeeze %dma_start3A_880 : memref<1x8x128xi32, #tpu.memory_space<vmem>> -> memref<8x128xi32, #tpu.memory_space<vmem>>
      %dma_start3A_882 = arith.constant 0 : i32
      %dma_start3A_883 = arith.constant 0 : i32
      %dma_start3A_884 = tpu.memref_slice %arg4[%arg0, %arg1, %add3A_868, %dma_start3A_882, %dma_start3A_883] : memref<2x16x10x8x128xi32, #tpu.memory_space<hbm>> -> memref<1x1x1x8x128xi32, #tpu.memory_space<hbm>>
      %dma_start3A_885 = tpu.memref_squeeze %dma_start3A_884 : memref<1x1x1x8x128xi32, #tpu.memory_space<hbm>> -> memref<8x128xi32, #tpu.memory_space<hbm>>
      tpu.enqueue_dma source(%dma_start3A_885 : memref<8x128xi32, #tpu.memory_space<hbm>>) target(%dma_start3A_881 : memref<8x128xi32, #tpu.memory_space<vmem>>) target_semaphore(%arg18 : memref<!tpu.dma_semaphore, #tpu.memory_space<semaphore_mem>>)
      %dma_wait3A_886 = arith.constant 0 : i32
      %dma_wait3A_887 = arith.constant 1 : i32
      %dma_wait3A_888 = arith.constant 0 : i32
      %dma_wait3A_889 = arith.constant 0 : i32
      %dma_wait3A_890 = tpu.memref_slice %arg11[%dma_wait3A_887, %dma_wait3A_888, %dma_wait3A_889] : memref<2x8x128xi32, #tpu.memory_space<vmem>> -> memref<1x8x128xi32, #tpu.memory_space<vmem>>
      %dma_wait3A_891 = tpu.memref_squeeze %dma_wait3A_890 : memref<1x8x128xi32, #tpu.memory_space<vmem>> -> memref<8x128xi32, #tpu.memory_space<vmem>>
      %dma_wait3A_892 = arith.constant 0 : i32
      %dma_wait3A_893 = arith.constant 0 : i32
      %dma_wait3A_894 = tpu.memref_slice %arg4[%arg0, %arg1, %dma_wait3A_886, %dma_wait3A_892, %dma_wait3A_893] : memref<2x16x10x8x128xi32, #tpu.memory_space<hbm>> -> memref<1x1x1x8x128xi32, #tpu.memory_space<hbm>>
      %dma_wait3A_895 = tpu.memref_squeeze %dma_wait3A_894 : memref<1x1x1x8x128xi32, #tpu.memory_space<hbm>> -> memref<8x128xi32, #tpu.memory_space<hbm>>
      %dma_wait3A_896 = arith.constant 0 : i32
      %dma_wait3A_897 = arith.constant 0 : i32
      %dma_wait3A_898 = tpu.memref_slice %arg11[%dma_wait3A_887, %dma_wait3A_896, %dma_wait3A_897] : memref<2x8x128xi32, #tpu.memory_space<vmem>> -> memref<1x8x128xi32, #tpu.memory_space<vmem>>
      %dma_wait3A_899 = tpu.memref_squeeze %dma_wait3A_898 : memref<1x8x128xi32, #tpu.memory_space<vmem>> -> memref<8x128xi32, #tpu.memory_space<vmem>>
      %dma_wait3A_900 = arith.constant 0 : i32
      %dma_wait3A_901 = arith.constant 0 : i32
      %dma_wait3A_902 = tpu.memref_slice %arg4[%arg0, %arg1, %dma_wait3A_886, %dma_wait3A_900, %dma_wait3A_901] : memref<2x16x10x8x128xi32, #tpu.memory_space<hbm>> -> memref<1x1x1x8x128xi32, #tpu.memory_space<hbm>>
      %dma_wait3A_903 = tpu.memref_squeeze %dma_wait3A_902 : memref<1x1x1x8x128xi32, #tpu.memory_space<hbm>> -> memref<8x128xi32, #tpu.memory_space<hbm>>
      tpu.wait_dma2 semaphore(%arg19 : memref<!tpu.dma_semaphore, #tpu.memory_space<semaphore_mem>>) src(%dma_wait3A_903 : memref<8x128xi32, #tpu.memory_space<hbm>>) dst(%dma_wait3A_899 : memref<8x128xi32, #tpu.memory_space<vmem>>)
      %run_scoped3A_904 = arith.constant 1 : i32
      %run_scoped3A_905 = arith.constant 0 : i32
      "tpu.region"() ({
        %run_scoped3A_943 = tpu.sem_alloc : memref<!tpu.dma_semaphore, #tpu.memory_space<semaphore_mem>>
        %dma_start3A_944 = arith.constant 0 : i32
        %dma_start3A_945 = tpu.memref_slice %arg11[%run_scoped3A_904, %run_scoped3A_905, %dma_start3A_944] : memref<2x8x128xi32, #tpu.memory_space<vmem>> -> memref<1x1x128xi32, #tpu.memory_space<vmem>>
        %dma_start3A_946 = tpu.memref_squeeze %dma_start3A_945 : memref<1x1x128xi32, #tpu.memory_space<vmem>> -> memref<128xi32, #tpu.memory_space<vmem>>
        %dma_start3A_947 = arith.constant 0 : i32
        %dma_start3A_948 = arith.constant 0 : i32
        %dma_start3A_949 = tpu.memref_slice %arg15[%dma_start3A_947, %dma_start3A_948] : memref<10240x128xf32, #tpu.memory_space<vmem_shared>> -> memref<10240x128xf32, #tpu.memory_space<vmem_shared>>
        tpu.enqueue_indirect_dma source(%arg13 : memref<128x128xf32, #tpu.memory_space<vmem>>) target(%dma_start3A_949 : memref<10240x128xf32, #tpu.memory_space<vmem_shared>>) offsets(%dma_start3A_946 : memref<128xi32, #tpu.memory_space<vmem>>) semaphore(%run_scoped3A_943 : memref<!tpu.dma_semaphore, #tpu.memory_space<semaphore_mem>>) {add = true}
        %dma_wait3A_950 = arith.constant 0 : i32
        %dma_wait3A_951 = tpu.memref_slice %arg11[%run_scoped3A_904, %run_scoped3A_905, %dma_wait3A_950] : memref<2x8x128xi32, #tpu.memory_space<vmem>> -> memref<1x1x128xi32, #tpu.memory_space<vmem>>
        %dma_wait3A_952 = tpu.memref_squeeze %dma_wait3A_951 : memref<1x1x128xi32, #tpu.memory_space<vmem>> -> memref<128xi32, #tpu.memory_space<vmem>>
        %dma_wait3A_953 = arith.constant 0 : i32
        %dma_wait3A_954 = arith.constant 0 : i32
        %dma_wait3A_955 = tpu.memref_slice %arg15[%dma_wait3A_953, %dma_wait3A_954] : memref<10240x128xf32, #tpu.memory_space<vmem_shared>> -> memref<10240x128xf32, #tpu.memory_space<vmem_shared>>
        tpu.wait_indirect_dma semaphore(%run_scoped3A_943 : memref<!tpu.dma_semaphore, #tpu.memory_space<semaphore_mem>>) src(%arg13 : memref<128x128xf32, #tpu.memory_space<vmem>>) dst(%dma_wait3A_955 : memref<10240x128xf32, #tpu.memory_space<vmem_shared>>)
        tpu.yield
      }) : () -> ()
      %run_scoped3A_906 = arith.constant 1 : i32
      %run_scoped3A_907 = arith.constant 1 : i32
      "tpu.region"() ({
        %run_scoped3A_943 = tpu.sem_alloc : memref<!tpu.dma_semaphore, #tpu.memory_space<semaphore_mem>>
        %dma_start3A_944 = arith.constant 0 : i32
        %dma_start3A_945 = tpu.memref_slice %arg11[%run_scoped3A_906, %run_scoped3A_907, %dma_start3A_944] : memref<2x8x128xi32, #tpu.memory_space<vmem>> -> memref<1x1x128xi32, #tpu.memory_space<vmem>>
        %dma_start3A_946 = tpu.memref_squeeze %dma_start3A_945 : memref<1x1x128xi32, #tpu.memory_space<vmem>> -> memref<128xi32, #tpu.memory_space<vmem>>
        %dma_start3A_947 = arith.constant 0 : i32
        %dma_start3A_948 = arith.constant 0 : i32
        %dma_start3A_949 = tpu.memref_slice %arg15[%dma_start3A_947, %dma_start3A_948] : memref<10240x128xf32, #tpu.memory_space<vmem_shared>> -> memref<10240x128xf32, #tpu.memory_space<vmem_shared>>
        tpu.enqueue_indirect_dma source(%arg13 : memref<128x128xf32, #tpu.memory_space<vmem>>) target(%dma_start3A_949 : memref<10240x128xf32, #tpu.memory_space<vmem_shared>>) offsets(%dma_start3A_946 : memref<128xi32, #tpu.memory_space<vmem>>) semaphore(%run_scoped3A_943 : memref<!tpu.dma_semaphore, #tpu.memory_space<semaphore_mem>>) {add = true}
        %dma_wait3A_950 = arith.constant 0 : i32
        %dma_wait3A_951 = tpu.memref_slice %arg11[%run_scoped3A_906, %run_scoped3A_907, %dma_wait3A_950] : memref<2x8x128xi32, #tpu.memory_space<vmem>> -> memref<1x1x128xi32, #tpu.memory_space<vmem>>
        %dma_wait3A_952 = tpu.memref_squeeze %dma_wait3A_951 : memref<1x1x128xi32, #tpu.memory_space<vmem>> -> memref<128xi32, #tpu.memory_space<vmem>>
        %dma_wait3A_953 = arith.constant 0 : i32
        %dma_wait3A_954 = arith.constant 0 : i32
        %dma_wait3A_955 = tpu.memref_slice %arg15[%dma_wait3A_953, %dma_wait3A_954] : memref<10240x128xf32, #tpu.memory_space<vmem_shared>> -> memref<10240x128xf32, #tpu.memory_space<vmem_shared>>
        tpu.wait_indirect_dma semaphore(%run_scoped3A_943 : memref<!tpu.dma_semaphore, #tpu.memory_space<semaphore_mem>>) src(%arg13 : memref<128x128xf32, #tpu.memory_space<vmem>>) dst(%dma_wait3A_955 : memref<10240x128xf32, #tpu.memory_space<vmem_shared>>)
        tpu.yield
      }) : () -> ()
      %run_scoped3A_908 = arith.constant 1 : i32
      %run_scoped3A_909 = arith.constant 2 : i32
      "tpu.region"() ({
        %run_scoped3A_943 = tpu.sem_alloc : memref<!tpu.dma_semaphore, #tpu.memory_space<semaphore_mem>>
        %dma_start3A_944 = arith.constant 0 : i32
        %dma_start3A_945 = tpu.memref_slice %arg11[%run_scoped3A_908, %run_scoped3A_909, %dma_start3A_944] : memref<2x8x128xi32, #tpu.memory_space<vmem>> -> memref<1x1x128xi32, #tpu.memory_space<vmem>>
        %dma_start3A_946 = tpu.memref_squeeze %dma_start3A_945 : memref<1x1x128xi32, #tpu.memory_space<vmem>> -> memref<128xi32, #tpu.memory_space<vmem>>
        %dma_start3A_947 = arith.constant 0 : i32
        %dma_start3A_948 = arith.constant 0 : i32
        %dma_start3A_949 = tpu.memref_slice %arg15[%dma_start3A_947, %dma_start3A_948] : memref<10240x128xf32, #tpu.memory_space<vmem_shared>> -> memref<10240x128xf32, #tpu.memory_space<vmem_shared>>
        tpu.enqueue_indirect_dma source(%arg13 : memref<128x128xf32, #tpu.memory_space<vmem>>) target(%dma_start3A_949 : memref<10240x128xf32, #tpu.memory_space<vmem_shared>>) offsets(%dma_start3A_946 : memref<128xi32, #tpu.memory_space<vmem>>) semaphore(%run_scoped3A_943 : memref<!tpu.dma_semaphore, #tpu.memory_space<semaphore_mem>>) {add = true}
        %dma_wait3A_950 = arith.constant 0 : i32
        %dma_wait3A_951 = tpu.memref_slice %arg11[%run_scoped3A_908, %run_scoped3A_909, %dma_wait3A_950] : memref<2x8x128xi32, #tpu.memory_space<vmem>> -> memref<1x1x128xi32, #tpu.memory_space<vmem>>
        %dma_wait3A_952 = tpu.memref_squeeze %dma_wait3A_951 : memref<1x1x128xi32, #tpu.memory_space<vmem>> -> memref<128xi32, #tpu.memory_space<vmem>>
        %dma_wait3A_953 = arith.constant 0 : i32
        %dma_wait3A_954 = arith.constant 0 : i32
        %dma_wait3A_955 = tpu.memref_slice %arg15[%dma_wait3A_953, %dma_wait3A_954] : memref<10240x128xf32, #tpu.memory_space<vmem_shared>> -> memref<10240x128xf32, #tpu.memory_space<vmem_shared>>
        tpu.wait_indirect_dma semaphore(%run_scoped3A_943 : memref<!tpu.dma_semaphore, #tpu.memory_space<semaphore_mem>>) src(%arg13 : memref<128x128xf32, #tpu.memory_space<vmem>>) dst(%dma_wait3A_955 : memref<10240x128xf32, #tpu.memory_space<vmem_shared>>)
        tpu.yield
      }) : () -> ()
      %run_scoped3A_910 = arith.constant 1 : i32
      %run_scoped3A_911 = arith.constant 3 : i32
      "tpu.region"() ({
        %run_scoped3A_943 = tpu.sem_alloc : memref<!tpu.dma_semaphore, #tpu.memory_space<semaphore_mem>>
        %dma_start3A_944 = arith.constant 0 : i32
        %dma_start3A_945 = tpu.memref_slice %arg11[%run_scoped3A_910, %run_scoped3A_911, %dma_start3A_944] : memref<2x8x128xi32, #tpu.memory_space<vmem>> -> memref<1x1x128xi32, #tpu.memory_space<vmem>>
        %dma_start3A_946 = tpu.memref_squeeze %dma_start3A_945 : memref<1x1x128xi32, #tpu.memory_space<vmem>> -> memref<128xi32, #tpu.memory_space<vmem>>
        %dma_start3A_947 = arith.constant 0 : i32
        %dma_start3A_948 = arith.constant 0 : i32
        %dma_start3A_949 = tpu.memref_slice %arg15[%dma_start3A_947, %dma_start3A_948] : memref<10240x128xf32, #tpu.memory_space<vmem_shared>> -> memref<10240x128xf32, #tpu.memory_space<vmem_shared>>
        tpu.enqueue_indirect_dma source(%arg13 : memref<128x128xf32, #tpu.memory_space<vmem>>) target(%dma_start3A_949 : memref<10240x128xf32, #tpu.memory_space<vmem_shared>>) offsets(%dma_start3A_946 : memref<128xi32, #tpu.memory_space<vmem>>) semaphore(%run_scoped3A_943 : memref<!tpu.dma_semaphore, #tpu.memory_space<semaphore_mem>>) {add = true}
        %dma_wait3A_950 = arith.constant 0 : i32
        %dma_wait3A_951 = tpu.memref_slice %arg11[%run_scoped3A_910, %run_scoped3A_911, %dma_wait3A_950] : memref<2x8x128xi32, #tpu.memory_space<vmem>> -> memref<1x1x128xi32, #tpu.memory_space<vmem>>
        %dma_wait3A_952 = tpu.memref_squeeze %dma_wait3A_951 : memref<1x1x128xi32, #tpu.memory_space<vmem>> -> memref<128xi32, #tpu.memory_space<vmem>>
        %dma_wait3A_953 = arith.constant 0 : i32
        %dma_wait3A_954 = arith.constant 0 : i32
        %dma_wait3A_955 = tpu.memref_slice %arg15[%dma_wait3A_953, %dma_wait3A_954] : memref<10240x128xf32, #tpu.memory_space<vmem_shared>> -> memref<10240x128xf32, #tpu.memory_space<vmem_shared>>
        tpu.wait_indirect_dma semaphore(%run_scoped3A_943 : memref<!tpu.dma_semaphore, #tpu.memory_space<semaphore_mem>>) src(%arg13 : memref<128x128xf32, #tpu.memory_space<vmem>>) dst(%dma_wait3A_955 : memref<10240x128xf32, #tpu.memory_space<vmem_shared>>)
        tpu.yield
      }) : () -> ()
      %run_scoped3A_912 = arith.constant 1 : i32
      %run_scoped3A_913 = arith.constant 4 : i32
      "tpu.region"() ({
        %run_scoped3A_943 = tpu.sem_alloc : memref<!tpu.dma_semaphore, #tpu.memory_space<semaphore_mem>>
        %dma_start3A_944 = arith.constant 0 : i32
        %dma_start3A_945 = tpu.memref_slice %arg11[%run_scoped3A_912, %run_scoped3A_913, %dma_start3A_944] : memref<2x8x128xi32, #tpu.memory_space<vmem>> -> memref<1x1x128xi32, #tpu.memory_space<vmem>>
        %dma_start3A_946 = tpu.memref_squeeze %dma_start3A_945 : memref<1x1x128xi32, #tpu.memory_space<vmem>> -> memref<128xi32, #tpu.memory_space<vmem>>
        %dma_start3A_947 = arith.constant 0 : i32
        %dma_start3A_948 = arith.constant 0 : i32
        %dma_start3A_949 = tpu.memref_slice %arg15[%dma_start3A_947, %dma_start3A_948] : memref<10240x128xf32, #tpu.memory_space<vmem_shared>> -> memref<10240x128xf32, #tpu.memory_space<vmem_shared>>
        tpu.enqueue_indirect_dma source(%arg13 : memref<128x128xf32, #tpu.memory_space<vmem>>) target(%dma_start3A_949 : memref<10240x128xf32, #tpu.memory_space<vmem_shared>>) offsets(%dma_start3A_946 : memref<128xi32, #tpu.memory_space<vmem>>) semaphore(%run_scoped3A_943 : memref<!tpu.dma_semaphore, #tpu.memory_space<semaphore_mem>>) {add = true}
        %dma_wait3A_950 = arith.constant 0 : i32
        %dma_wait3A_951 = tpu.memref_slice %arg11[%run_scoped3A_912, %run_scoped3A_913, %dma_wait3A_950] : memref<2x8x128xi32, #tpu.memory_space<vmem>> -> memref<1x1x128xi32, #tpu.memory_space<vmem>>
        %dma_wait3A_952 = tpu.memref_squeeze %dma_wait3A_951 : memref<1x1x128xi32, #tpu.memory_space<vmem>> -> memref<128xi32, #tpu.memory_space<vmem>>
        %dma_wait3A_953 = arith.constant 0 : i32
        %dma_wait3A_954 = arith.constant 0 : i32
        %dma_wait3A_955 = tpu.memref_slice %arg15[%dma_wait3A_953, %dma_wait3A_954] : memref<10240x128xf32, #tpu.memory_space<vmem_shared>> -> memref<10240x128xf32, #tpu.memory_space<vmem_shared>>
        tpu.wait_indirect_dma semaphore(%run_scoped3A_943 : memref<!tpu.dma_semaphore, #tpu.memory_space<semaphore_mem>>) src(%arg13 : memref<128x128xf32, #tpu.memory_space<vmem>>) dst(%dma_wait3A_955 : memref<10240x128xf32, #tpu.memory_space<vmem_shared>>)
        tpu.yield
      }) : () -> ()
      %run_scoped3A_914 = arith.constant 1 : i32
      %run_scoped3A_915 = arith.constant 5 : i32
      "tpu.region"() ({
        %run_scoped3A_943 = tpu.sem_alloc : memref<!tpu.dma_semaphore, #tpu.memory_space<semaphore_mem>>
        %dma_start3A_944 = arith.constant 0 : i32
        %dma_start3A_945 = tpu.memref_slice %arg11[%run_scoped3A_914, %run_scoped3A_915, %dma_start3A_944] : memref<2x8x128xi32, #tpu.memory_space<vmem>> -> memref<1x1x128xi32, #tpu.memory_space<vmem>>
        %dma_start3A_946 = tpu.memref_squeeze %dma_start3A_945 : memref<1x1x128xi32, #tpu.memory_space<vmem>> -> memref<128xi32, #tpu.memory_space<vmem>>
        %dma_start3A_947 = arith.constant 0 : i32
        %dma_start3A_948 = arith.constant 0 : i32
        %dma_start3A_949 = tpu.memref_slice %arg15[%dma_start3A_947, %dma_start3A_948] : memref<10240x128xf32, #tpu.memory_space<vmem_shared>> -> memref<10240x128xf32, #tpu.memory_space<vmem_shared>>
        tpu.enqueue_indirect_dma source(%arg13 : memref<128x128xf32, #tpu.memory_space<vmem>>) target(%dma_start3A_949 : memref<10240x128xf32, #tpu.memory_space<vmem_shared>>) offsets(%dma_start3A_946 : memref<128xi32, #tpu.memory_space<vmem>>) semaphore(%run_scoped3A_943 : memref<!tpu.dma_semaphore, #tpu.memory_space<semaphore_mem>>) {add = true}
        %dma_wait3A_950 = arith.constant 0 : i32
        %dma_wait3A_951 = tpu.memref_slice %arg11[%run_scoped3A_914, %run_scoped3A_915, %dma_wait3A_950] : memref<2x8x128xi32, #tpu.memory_space<vmem>> -> memref<1x1x128xi32, #tpu.memory_space<vmem>>
        %dma_wait3A_952 = tpu.memref_squeeze %dma_wait3A_951 : memref<1x1x128xi32, #tpu.memory_space<vmem>> -> memref<128xi32, #tpu.memory_space<vmem>>
        %dma_wait3A_953 = arith.constant 0 : i32
        %dma_wait3A_954 = arith.constant 0 : i32
        %dma_wait3A_955 = tpu.memref_slice %arg15[%dma_wait3A_953, %dma_wait3A_954] : memref<10240x128xf32, #tpu.memory_space<vmem_shared>> -> memref<10240x128xf32, #tpu.memory_space<vmem_shared>>
        tpu.wait_indirect_dma semaphore(%run_scoped3A_943 : memref<!tpu.dma_semaphore, #tpu.memory_space<semaphore_mem>>) src(%arg13 : memref<128x128xf32, #tpu.memory_space<vmem>>) dst(%dma_wait3A_955 : memref<10240x128xf32, #tpu.memory_space<vmem_shared>>)
        tpu.yield
      }) : () -> ()
      %run_scoped3A_916 = arith.constant 1 : i32
      %run_scoped3A_917 = arith.constant 6 : i32
      "tpu.region"() ({
        %run_scoped3A_943 = tpu.sem_alloc : memref<!tpu.dma_semaphore, #tpu.memory_space<semaphore_mem>>
        %dma_start3A_944 = arith.constant 0 : i32
        %dma_start3A_945 = tpu.memref_slice %arg11[%run_scoped3A_916, %run_scoped3A_917, %dma_start3A_944] : memref<2x8x128xi32, #tpu.memory_space<vmem>> -> memref<1x1x128xi32, #tpu.memory_space<vmem>>
        %dma_start3A_946 = tpu.memref_squeeze %dma_start3A_945 : memref<1x1x128xi32, #tpu.memory_space<vmem>> -> memref<128xi32, #tpu.memory_space<vmem>>
        %dma_start3A_947 = arith.constant 0 : i32
        %dma_start3A_948 = arith.constant 0 : i32
        %dma_start3A_949 = tpu.memref_slice %arg15[%dma_start3A_947, %dma_start3A_948] : memref<10240x128xf32, #tpu.memory_space<vmem_shared>> -> memref<10240x128xf32, #tpu.memory_space<vmem_shared>>
        tpu.enqueue_indirect_dma source(%arg13 : memref<128x128xf32, #tpu.memory_space<vmem>>) target(%dma_start3A_949 : memref<10240x128xf32, #tpu.memory_space<vmem_shared>>) offsets(%dma_start3A_946 : memref<128xi32, #tpu.memory_space<vmem>>) semaphore(%run_scoped3A_943 : memref<!tpu.dma_semaphore, #tpu.memory_space<semaphore_mem>>) {add = true}
        %dma_wait3A_950 = arith.constant 0 : i32
        %dma_wait3A_951 = tpu.memref_slice %arg11[%run_scoped3A_916, %run_scoped3A_917, %dma_wait3A_950] : memref<2x8x128xi32, #tpu.memory_space<vmem>> -> memref<1x1x128xi32, #tpu.memory_space<vmem>>
        %dma_wait3A_952 = tpu.memref_squeeze %dma_wait3A_951 : memref<1x1x128xi32, #tpu.memory_space<vmem>> -> memref<128xi32, #tpu.memory_space<vmem>>
        %dma_wait3A_953 = arith.constant 0 : i32
        %dma_wait3A_954 = arith.constant 0 : i32
        %dma_wait3A_955 = tpu.memref_slice %arg15[%dma_wait3A_953, %dma_wait3A_954] : memref<10240x128xf32, #tpu.memory_space<vmem_shared>> -> memref<10240x128xf32, #tpu.memory_space<vmem_shared>>
        tpu.wait_indirect_dma semaphore(%run_scoped3A_943 : memref<!tpu.dma_semaphore, #tpu.memory_space<semaphore_mem>>) src(%arg13 : memref<128x128xf32, #tpu.memory_space<vmem>>) dst(%dma_wait3A_955 : memref<10240x128xf32, #tpu.memory_space<vmem_shared>>)
        tpu.yield
      }) : () -> ()
      %run_scoped3A_918 = arith.constant 1 : i32
      %run_scoped3A_919 = arith.constant 7 : i32
      "tpu.region"() ({
        %run_scoped3A_943 = tpu.sem_alloc : memref<!tpu.dma_semaphore, #tpu.memory_space<semaphore_mem>>
        %dma_start3A_944 = arith.constant 0 : i32
        %dma_start3A_945 = tpu.memref_slice %arg11[%run_scoped3A_918, %run_scoped3A_919, %dma_start3A_944] : memref<2x8x128xi32, #tpu.memory_space<vmem>> -> memref<1x1x128xi32, #tpu.memory_space<vmem>>
        %dma_start3A_946 = tpu.memref_squeeze %dma_start3A_945 : memref<1x1x128xi32, #tpu.memory_space<vmem>> -> memref<128xi32, #tpu.memory_space<vmem>>
        %dma_start3A_947 = arith.constant 0 : i32
        %dma_start3A_948 = arith.constant 0 : i32
        %dma_start3A_949 = tpu.memref_slice %arg15[%dma_start3A_947, %dma_start3A_948] : memref<10240x128xf32, #tpu.memory_space<vmem_shared>> -> memref<10240x128xf32, #tpu.memory_space<vmem_shared>>
        tpu.enqueue_indirect_dma source(%arg13 : memref<128x128xf32, #tpu.memory_space<vmem>>) target(%dma_start3A_949 : memref<10240x128xf32, #tpu.memory_space<vmem_shared>>) offsets(%dma_start3A_946 : memref<128xi32, #tpu.memory_space<vmem>>) semaphore(%run_scoped3A_943 : memref<!tpu.dma_semaphore, #tpu.memory_space<semaphore_mem>>) {add = true}
        %dma_wait3A_950 = arith.constant 0 : i32
        %dma_wait3A_951 = tpu.memref_slice %arg11[%run_scoped3A_918, %run_scoped3A_919, %dma_wait3A_950] : memref<2x8x128xi32, #tpu.memory_space<vmem>> -> memref<1x1x128xi32, #tpu.memory_space<vmem>>
        %dma_wait3A_952 = tpu.memref_squeeze %dma_wait3A_951 : memref<1x1x128xi32, #tpu.memory_space<vmem>> -> memref<128xi32, #tpu.memory_space<vmem>>
        %dma_wait3A_953 = arith.constant 0 : i32
        %dma_wait3A_954 = arith.constant 0 : i32
        %dma_wait3A_955 = tpu.memref_slice %arg15[%dma_wait3A_953, %dma_wait3A_954] : memref<10240x128xf32, #tpu.memory_space<vmem_shared>> -> memref<10240x128xf32, #tpu.memory_space<vmem_shared>>
        tpu.wait_indirect_dma semaphore(%run_scoped3A_943 : memref<!tpu.dma_semaphore, #tpu.memory_space<semaphore_mem>>) src(%arg13 : memref<128x128xf32, #tpu.memory_space<vmem>>) dst(%dma_wait3A_955 : memref<10240x128xf32, #tpu.memory_space<vmem_shared>>)
        tpu.yield
      }) : () -> ()
      %mul3A_920 = arith.constant 2 : i32
      %mul3A_921 = arith.muli %mul3A_920, %scan3A_828 : i32
      %add3A_922 = arith.constant 2 : i32
      %add3A_923 = arith.addi %mul3A_921, %add3A_922 : i32
      %add3A_924 = arith.constant 1 : i32
      %add3A_925 = arith.addi %add3A_923, %add3A_924 : i32
      %dma_start3A_926 = arith.constant 1 : i32
      %dma_start3A_927 = arith.constant 0 : i32
      %dma_start3A_928 = arith.constant 0 : i32
      %dma_start3A_929 = tpu.memref_slice %arg11[%dma_start3A_926, %dma_start3A_927, %dma_start3A_928] : memref<2x8x128xi32, #tpu.memory_space<vmem>> -> memref<1x8x128xi32, #tpu.memory_space<vmem>>
      %dma_start3A_930 = tpu.memref_squeeze %dma_start3A_929 : memref<1x8x128xi32, #tpu.memory_space<vmem>> -> memref<8x128xi32, #tpu.memory_space<vmem>>
      %dma_start3A_931 = arith.constant 0 : i32
      %dma_start3A_932 = arith.constant 0 : i32
      %dma_start3A_933 = tpu.memref_slice %arg4[%arg0, %arg1, %add3A_925, %dma_start3A_931, %dma_start3A_932] : memref<2x16x10x8x128xi32, #tpu.memory_space<hbm>> -> memref<1x1x1x8x128xi32, #tpu.memory_space<hbm>>
      %dma_start3A_934 = tpu.memref_squeeze %dma_start3A_933 : memref<1x1x1x8x128xi32, #tpu.memory_space<hbm>> -> memref<8x128xi32, #tpu.memory_space<hbm>>
      %dma_start3A_935 = arith.constant 0 : i32
      %dma_start3A_936 = arith.constant 0 : i32
      %dma_start3A_937 = tpu.memref_slice %arg11[%dma_start3A_926, %dma_start3A_935, %dma_start3A_936] : memref<2x8x128xi32, #tpu.memory_space<vmem>> -> memref<1x8x128xi32, #tpu.memory_space<vmem>>
      %dma_start3A_938 = tpu.memref_squeeze %dma_start3A_937 : memref<1x8x128xi32, #tpu.memory_space<vmem>> -> memref<8x128xi32, #tpu.memory_space<vmem>>
      %dma_start3A_939 = arith.constant 0 : i32
      %dma_start3A_940 = arith.constant 0 : i32
      %dma_start3A_941 = tpu.memref_slice %arg4[%arg0, %arg1, %add3A_925, %dma_start3A_939, %dma_start3A_940] : memref<2x16x10x8x128xi32, #tpu.memory_space<hbm>> -> memref<1x1x1x8x128xi32, #tpu.memory_space<hbm>>
      %dma_start3A_942 = tpu.memref_squeeze %dma_start3A_941 : memref<1x1x1x8x128xi32, #tpu.memory_space<hbm>> -> memref<8x128xi32, #tpu.memory_space<hbm>>
      tpu.enqueue_dma source(%dma_start3A_942 : memref<8x128xi32, #tpu.memory_space<hbm>>) target(%dma_start3A_938 : memref<8x128xi32, #tpu.memory_space<vmem>>) target_semaphore(%arg19 : memref<!tpu.dma_semaphore, #tpu.memory_space<semaphore_mem>>)
    }
    %scan3A_726 = arith.constant 4 : i32
    %dma_wait3A_727 = arith.constant 0 : i32
    %dma_wait3A_728 = arith.constant 0 : i32
    %dma_wait3A_729 = arith.constant 0 : i32
    %dma_wait3A_730 = arith.constant 0 : i32
    %dma_wait3A_731 = tpu.memref_slice %arg11[%dma_wait3A_728, %dma_wait3A_729, %dma_wait3A_730] : memref<2x8x128xi32, #tpu.memory_space<vmem>> -> memref<1x8x128xi32, #tpu.memory_space<vmem>>
    %dma_wait3A_732 = tpu.memref_squeeze %dma_wait3A_731 : memref<1x8x128xi32, #tpu.memory_space<vmem>> -> memref<8x128xi32, #tpu.memory_space<vmem>>
    %dma_wait3A_733 = arith.constant 0 : i32
    %dma_wait3A_734 = arith.constant 0 : i32
    %dma_wait3A_735 = tpu.memref_slice %arg4[%arg0, %arg1, %dma_wait3A_727, %dma_wait3A_733, %dma_wait3A_734] : memref<2x16x10x8x128xi32, #tpu.memory_space<hbm>> -> memref<1x1x1x8x128xi32, #tpu.memory_space<hbm>>
    %dma_wait3A_736 = tpu.memref_squeeze %dma_wait3A_735 : memref<1x1x1x8x128xi32, #tpu.memory_space<hbm>> -> memref<8x128xi32, #tpu.memory_space<hbm>>
    %dma_wait3A_737 = arith.constant 0 : i32
    %dma_wait3A_738 = arith.constant 0 : i32
    %dma_wait3A_739 = tpu.memref_slice %arg11[%dma_wait3A_728, %dma_wait3A_737, %dma_wait3A_738] : memref<2x8x128xi32, #tpu.memory_space<vmem>> -> memref<1x8x128xi32, #tpu.memory_space<vmem>>
    %dma_wait3A_740 = tpu.memref_squeeze %dma_wait3A_739 : memref<1x8x128xi32, #tpu.memory_space<vmem>> -> memref<8x128xi32, #tpu.memory_space<vmem>>
    %dma_wait3A_741 = arith.constant 0 : i32
    %dma_wait3A_742 = arith.constant 0 : i32
    %dma_wait3A_743 = tpu.memref_slice %arg4[%arg0, %arg1, %dma_wait3A_727, %dma_wait3A_741, %dma_wait3A_742] : memref<2x16x10x8x128xi32, #tpu.memory_space<hbm>> -> memref<1x1x1x8x128xi32, #tpu.memory_space<hbm>>
    %dma_wait3A_744 = tpu.memref_squeeze %dma_wait3A_743 : memref<1x1x1x8x128xi32, #tpu.memory_space<hbm>> -> memref<8x128xi32, #tpu.memory_space<hbm>>
    tpu.wait_dma2 semaphore(%arg18 : memref<!tpu.dma_semaphore, #tpu.memory_space<semaphore_mem>>) src(%dma_wait3A_744 : memref<8x128xi32, #tpu.memory_space<hbm>>) dst(%dma_wait3A_740 : memref<8x128xi32, #tpu.memory_space<vmem>>)
    %run_scoped3A_745 = arith.constant 0 : i32
    %run_scoped3A_746 = arith.constant 0 : i32
    "tpu.region"() ({
      %run_scoped3A_828 = tpu.sem_alloc : memref<!tpu.dma_semaphore, #tpu.memory_space<semaphore_mem>>
      %dma_start3A_829 = arith.constant 0 : i32
      %dma_start3A_830 = tpu.memref_slice %arg11[%run_scoped3A_745, %run_scoped3A_746, %dma_start3A_829] : memref<2x8x128xi32, #tpu.memory_space<vmem>> -> memref<1x1x128xi32, #tpu.memory_space<vmem>>
      %dma_start3A_831 = tpu.memref_squeeze %dma_start3A_830 : memref<1x1x128xi32, #tpu.memory_space<vmem>> -> memref<128xi32, #tpu.memory_space<vmem>>
      %dma_start3A_832 = arith.constant 0 : i32
      %dma_start3A_833 = arith.constant 0 : i32
      %dma_start3A_834 = tpu.memref_slice %arg15[%dma_start3A_832, %dma_start3A_833] : memref<10240x128xf32, #tpu.memory_space<vmem_shared>> -> memref<10240x128xf32, #tpu.memory_space<vmem_shared>>
      tpu.enqueue_indirect_dma source(%arg13 : memref<128x128xf32, #tpu.memory_space<vmem>>) target(%dma_start3A_834 : memref<10240x128xf32, #tpu.memory_space<vmem_shared>>) offsets(%dma_start3A_831 : memref<128xi32, #tpu.memory_space<vmem>>) semaphore(%run_scoped3A_828 : memref<!tpu.dma_semaphore, #tpu.memory_space<semaphore_mem>>) {add = true}
      %dma_wait3A_835 = arith.constant 0 : i32
      %dma_wait3A_836 = tpu.memref_slice %arg11[%run_scoped3A_745, %run_scoped3A_746, %dma_wait3A_835] : memref<2x8x128xi32, #tpu.memory_space<vmem>> -> memref<1x1x128xi32, #tpu.memory_space<vmem>>
      %dma_wait3A_837 = tpu.memref_squeeze %dma_wait3A_836 : memref<1x1x128xi32, #tpu.memory_space<vmem>> -> memref<128xi32, #tpu.memory_space<vmem>>
      %dma_wait3A_838 = arith.constant 0 : i32
      %dma_wait3A_839 = arith.constant 0 : i32
      %dma_wait3A_840 = tpu.memref_slice %arg15[%dma_wait3A_838, %dma_wait3A_839] : memref<10240x128xf32, #tpu.memory_space<vmem_shared>> -> memref<10240x128xf32, #tpu.memory_space<vmem_shared>>
      tpu.wait_indirect_dma semaphore(%run_scoped3A_828 : memref<!tpu.dma_semaphore, #tpu.memory_space<semaphore_mem>>) src(%arg13 : memref<128x128xf32, #tpu.memory_space<vmem>>) dst(%dma_wait3A_840 : memref<10240x128xf32, #tpu.memory_space<vmem_shared>>)
      tpu.yield
    }) : () -> ()
    %run_scoped3A_747 = arith.constant 0 : i32
    %run_scoped3A_748 = arith.constant 1 : i32
    "tpu.region"() ({
      %run_scoped3A_828 = tpu.sem_alloc : memref<!tpu.dma_semaphore, #tpu.memory_space<semaphore_mem>>
      %dma_start3A_829 = arith.constant 0 : i32
      %dma_start3A_830 = tpu.memref_slice %arg11[%run_scoped3A_747, %run_scoped3A_748, %dma_start3A_829] : memref<2x8x128xi32, #tpu.memory_space<vmem>> -> memref<1x1x128xi32, #tpu.memory_space<vmem>>
      %dma_start3A_831 = tpu.memref_squeeze %dma_start3A_830 : memref<1x1x128xi32, #tpu.memory_space<vmem>> -> memref<128xi32, #tpu.memory_space<vmem>>
      %dma_start3A_832 = arith.constant 0 : i32
      %dma_start3A_833 = arith.constant 0 : i32
      %dma_start3A_834 = tpu.memref_slice %arg15[%dma_start3A_832, %dma_start3A_833] : memref<10240x128xf32, #tpu.memory_space<vmem_shared>> -> memref<10240x128xf32, #tpu.memory_space<vmem_shared>>
      tpu.enqueue_indirect_dma source(%arg13 : memref<128x128xf32, #tpu.memory_space<vmem>>) target(%dma_start3A_834 : memref<10240x128xf32, #tpu.memory_space<vmem_shared>>) offsets(%dma_start3A_831 : memref<128xi32, #tpu.memory_space<vmem>>) semaphore(%run_scoped3A_828 : memref<!tpu.dma_semaphore, #tpu.memory_space<semaphore_mem>>) {add = true}
      %dma_wait3A_835 = arith.constant 0 : i32
      %dma_wait3A_836 = tpu.memref_slice %arg11[%run_scoped3A_747, %run_scoped3A_748, %dma_wait3A_835] : memref<2x8x128xi32, #tpu.memory_space<vmem>> -> memref<1x1x128xi32, #tpu.memory_space<vmem>>
      %dma_wait3A_837 = tpu.memref_squeeze %dma_wait3A_836 : memref<1x1x128xi32, #tpu.memory_space<vmem>> -> memref<128xi32, #tpu.memory_space<vmem>>
      %dma_wait3A_838 = arith.constant 0 : i32
      %dma_wait3A_839 = arith.constant 0 : i32
      %dma_wait3A_840 = tpu.memref_slice %arg15[%dma_wait3A_838, %dma_wait3A_839] : memref<10240x128xf32, #tpu.memory_space<vmem_shared>> -> memref<10240x128xf32, #tpu.memory_space<vmem_shared>>
      tpu.wait_indirect_dma semaphore(%run_scoped3A_828 : memref<!tpu.dma_semaphore, #tpu.memory_space<semaphore_mem>>) src(%arg13 : memref<128x128xf32, #tpu.memory_space<vmem>>) dst(%dma_wait3A_840 : memref<10240x128xf32, #tpu.memory_space<vmem_shared>>)
      tpu.yield
    }) : () -> ()
    %run_scoped3A_749 = arith.constant 0 : i32
    %run_scoped3A_750 = arith.constant 2 : i32
    "tpu.region"() ({
      %run_scoped3A_828 = tpu.sem_alloc : memref<!tpu.dma_semaphore, #tpu.memory_space<semaphore_mem>>
      %dma_start3A_829 = arith.constant 0 : i32
      %dma_start3A_830 = tpu.memref_slice %arg11[%run_scoped3A_749, %run_scoped3A_750, %dma_start3A_829] : memref<2x8x128xi32, #tpu.memory_space<vmem>> -> memref<1x1x128xi32, #tpu.memory_space<vmem>>
      %dma_start3A_831 = tpu.memref_squeeze %dma_start3A_830 : memref<1x1x128xi32, #tpu.memory_space<vmem>> -> memref<128xi32, #tpu.memory_space<vmem>>
      %dma_start3A_832 = arith.constant 0 : i32
      %dma_start3A_833 = arith.constant 0 : i32
      %dma_start3A_834 = tpu.memref_slice %arg15[%dma_start3A_832, %dma_start3A_833] : memref<10240x128xf32, #tpu.memory_space<vmem_shared>> -> memref<10240x128xf32, #tpu.memory_space<vmem_shared>>
      tpu.enqueue_indirect_dma source(%arg13 : memref<128x128xf32, #tpu.memory_space<vmem>>) target(%dma_start3A_834 : memref<10240x128xf32, #tpu.memory_space<vmem_shared>>) offsets(%dma_start3A_831 : memref<128xi32, #tpu.memory_space<vmem>>) semaphore(%run_scoped3A_828 : memref<!tpu.dma_semaphore, #tpu.memory_space<semaphore_mem>>) {add = true}
      %dma_wait3A_835 = arith.constant 0 : i32
      %dma_wait3A_836 = tpu.memref_slice %arg11[%run_scoped3A_749, %run_scoped3A_750, %dma_wait3A_835] : memref<2x8x128xi32, #tpu.memory_space<vmem>> -> memref<1x1x128xi32, #tpu.memory_space<vmem>>
      %dma_wait3A_837 = tpu.memref_squeeze %dma_wait3A_836 : memref<1x1x128xi32, #tpu.memory_space<vmem>> -> memref<128xi32, #tpu.memory_space<vmem>>
      %dma_wait3A_838 = arith.constant 0 : i32
      %dma_wait3A_839 = arith.constant 0 : i32
      %dma_wait3A_840 = tpu.memref_slice %arg15[%dma_wait3A_838, %dma_wait3A_839] : memref<10240x128xf32, #tpu.memory_space<vmem_shared>> -> memref<10240x128xf32, #tpu.memory_space<vmem_shared>>
      tpu.wait_indirect_dma semaphore(%run_scoped3A_828 : memref<!tpu.dma_semaphore, #tpu.memory_space<semaphore_mem>>) src(%arg13 : memref<128x128xf32, #tpu.memory_space<vmem>>) dst(%dma_wait3A_840 : memref<10240x128xf32, #tpu.memory_space<vmem_shared>>)
      tpu.yield
    }) : () -> ()
    %run_scoped3A_751 = arith.constant 0 : i32
    %run_scoped3A_752 = arith.constant 3 : i32
    "tpu.region"() ({
      %run_scoped3A_828 = tpu.sem_alloc : memref<!tpu.dma_semaphore, #tpu.memory_space<semaphore_mem>>
      %dma_start3A_829 = arith.constant 0 : i32
      %dma_start3A_830 = tpu.memref_slice %arg11[%run_scoped3A_751, %run_scoped3A_752, %dma_start3A_829] : memref<2x8x128xi32, #tpu.memory_space<vmem>> -> memref<1x1x128xi32, #tpu.memory_space<vmem>>
      %dma_start3A_831 = tpu.memref_squeeze %dma_start3A_830 : memref<1x1x128xi32, #tpu.memory_space<vmem>> -> memref<128xi32, #tpu.memory_space<vmem>>
      %dma_start3A_832 = arith.constant 0 : i32
      %dma_start3A_833 = arith.constant 0 : i32
      %dma_start3A_834 = tpu.memref_slice %arg15[%dma_start3A_832, %dma_start3A_833] : memref<10240x128xf32, #tpu.memory_space<vmem_shared>> -> memref<10240x128xf32, #tpu.memory_space<vmem_shared>>
      tpu.enqueue_indirect_dma source(%arg13 : memref<128x128xf32, #tpu.memory_space<vmem>>) target(%dma_start3A_834 : memref<10240x128xf32, #tpu.memory_space<vmem_shared>>) offsets(%dma_start3A_831 : memref<128xi32, #tpu.memory_space<vmem>>) semaphore(%run_scoped3A_828 : memref<!tpu.dma_semaphore, #tpu.memory_space<semaphore_mem>>) {add = true}
      %dma_wait3A_835 = arith.constant 0 : i32
      %dma_wait3A_836 = tpu.memref_slice %arg11[%run_scoped3A_751, %run_scoped3A_752, %dma_wait3A_835] : memref<2x8x128xi32, #tpu.memory_space<vmem>> -> memref<1x1x128xi32, #tpu.memory_space<vmem>>
      %dma_wait3A_837 = tpu.memref_squeeze %dma_wait3A_836 : memref<1x1x128xi32, #tpu.memory_space<vmem>> -> memref<128xi32, #tpu.memory_space<vmem>>
      %dma_wait3A_838 = arith.constant 0 : i32
      %dma_wait3A_839 = arith.constant 0 : i32
      %dma_wait3A_840 = tpu.memref_slice %arg15[%dma_wait3A_838, %dma_wait3A_839] : memref<10240x128xf32, #tpu.memory_space<vmem_shared>> -> memref<10240x128xf32, #tpu.memory_space<vmem_shared>>
      tpu.wait_indirect_dma semaphore(%run_scoped3A_828 : memref<!tpu.dma_semaphore, #tpu.memory_space<semaphore_mem>>) src(%arg13 : memref<128x128xf32, #tpu.memory_space<vmem>>) dst(%dma_wait3A_840 : memref<10240x128xf32, #tpu.memory_space<vmem_shared>>)
      tpu.yield
    }) : () -> ()
    %run_scoped3A_753 = arith.constant 0 : i32
    %run_scoped3A_754 = arith.constant 4 : i32
    "tpu.region"() ({
      %run_scoped3A_828 = tpu.sem_alloc : memref<!tpu.dma_semaphore, #tpu.memory_space<semaphore_mem>>
      %dma_start3A_829 = arith.constant 0 : i32
      %dma_start3A_830 = tpu.memref_slice %arg11[%run_scoped3A_753, %run_scoped3A_754, %dma_start3A_829] : memref<2x8x128xi32, #tpu.memory_space<vmem>> -> memref<1x1x128xi32, #tpu.memory_space<vmem>>
      %dma_start3A_831 = tpu.memref_squeeze %dma_start3A_830 : memref<1x1x128xi32, #tpu.memory_space<vmem>> -> memref<128xi32, #tpu.memory_space<vmem>>
      %dma_start3A_832 = arith.constant 0 : i32
      %dma_start3A_833 = arith.constant 0 : i32
      %dma_start3A_834 = tpu.memref_slice %arg15[%dma_start3A_832, %dma_start3A_833] : memref<10240x128xf32, #tpu.memory_space<vmem_shared>> -> memref<10240x128xf32, #tpu.memory_space<vmem_shared>>
      tpu.enqueue_indirect_dma source(%arg13 : memref<128x128xf32, #tpu.memory_space<vmem>>) target(%dma_start3A_834 : memref<10240x128xf32, #tpu.memory_space<vmem_shared>>) offsets(%dma_start3A_831 : memref<128xi32, #tpu.memory_space<vmem>>) semaphore(%run_scoped3A_828 : memref<!tpu.dma_semaphore, #tpu.memory_space<semaphore_mem>>) {add = true}
      %dma_wait3A_835 = arith.constant 0 : i32
      %dma_wait3A_836 = tpu.memref_slice %arg11[%run_scoped3A_753, %run_scoped3A_754, %dma_wait3A_835] : memref<2x8x128xi32, #tpu.memory_space<vmem>> -> memref<1x1x128xi32, #tpu.memory_space<vmem>>
      %dma_wait3A_837 = tpu.memref_squeeze %dma_wait3A_836 : memref<1x1x128xi32, #tpu.memory_space<vmem>> -> memref<128xi32, #tpu.memory_space<vmem>>
      %dma_wait3A_838 = arith.constant 0 : i32
      %dma_wait3A_839 = arith.constant 0 : i32
      %dma_wait3A_840 = tpu.memref_slice %arg15[%dma_wait3A_838, %dma_wait3A_839] : memref<10240x128xf32, #tpu.memory_space<vmem_shared>> -> memref<10240x128xf32, #tpu.memory_space<vmem_shared>>
      tpu.wait_indirect_dma semaphore(%run_scoped3A_828 : memref<!tpu.dma_semaphore, #tpu.memory_space<semaphore_mem>>) src(%arg13 : memref<128x128xf32, #tpu.memory_space<vmem>>) dst(%dma_wait3A_840 : memref<10240x128xf32, #tpu.memory_space<vmem_shared>>)
      tpu.yield
    }) : () -> ()
    %run_scoped3A_755 = arith.constant 0 : i32
    %run_scoped3A_756 = arith.constant 5 : i32
    "tpu.region"() ({
      %run_scoped3A_828 = tpu.sem_alloc : memref<!tpu.dma_semaphore, #tpu.memory_space<semaphore_mem>>
      %dma_start3A_829 = arith.constant 0 : i32
      %dma_start3A_830 = tpu.memref_slice %arg11[%run_scoped3A_755, %run_scoped3A_756, %dma_start3A_829] : memref<2x8x128xi32, #tpu.memory_space<vmem>> -> memref<1x1x128xi32, #tpu.memory_space<vmem>>
      %dma_start3A_831 = tpu.memref_squeeze %dma_start3A_830 : memref<1x1x128xi32, #tpu.memory_space<vmem>> -> memref<128xi32, #tpu.memory_space<vmem>>
      %dma_start3A_832 = arith.constant 0 : i32
      %dma_start3A_833 = arith.constant 0 : i32
      %dma_start3A_834 = tpu.memref_slice %arg15[%dma_start3A_832, %dma_start3A_833] : memref<10240x128xf32, #tpu.memory_space<vmem_shared>> -> memref<10240x128xf32, #tpu.memory_space<vmem_shared>>
      tpu.enqueue_indirect_dma source(%arg13 : memref<128x128xf32, #tpu.memory_space<vmem>>) target(%dma_start3A_834 : memref<10240x128xf32, #tpu.memory_space<vmem_shared>>) offsets(%dma_start3A_831 : memref<128xi32, #tpu.memory_space<vmem>>) semaphore(%run_scoped3A_828 : memref<!tpu.dma_semaphore, #tpu.memory_space<semaphore_mem>>) {add = true}
      %dma_wait3A_835 = arith.constant 0 : i32
      %dma_wait3A_836 = tpu.memref_slice %arg11[%run_scoped3A_755, %run_scoped3A_756, %dma_wait3A_835] : memref<2x8x128xi32, #tpu.memory_space<vmem>> -> memref<1x1x128xi32, #tpu.memory_space<vmem>>
      %dma_wait3A_837 = tpu.memref_squeeze %dma_wait3A_836 : memref<1x1x128xi32, #tpu.memory_space<vmem>> -> memref<128xi32, #tpu.memory_space<vmem>>
      %dma_wait3A_838 = arith.constant 0 : i32
      %dma_wait3A_839 = arith.constant 0 : i32
      %dma_wait3A_840 = tpu.memref_slice %arg15[%dma_wait3A_838, %dma_wait3A_839] : memref<10240x128xf32, #tpu.memory_space<vmem_shared>> -> memref<10240x128xf32, #tpu.memory_space<vmem_shared>>
      tpu.wait_indirect_dma semaphore(%run_scoped3A_828 : memref<!tpu.dma_semaphore, #tpu.memory_space<semaphore_mem>>) src(%arg13 : memref<128x128xf32, #tpu.memory_space<vmem>>) dst(%dma_wait3A_840 : memref<10240x128xf32, #tpu.memory_space<vmem_shared>>)
      tpu.yield
    }) : () -> ()
    %run_scoped3A_757 = arith.constant 0 : i32
    %run_scoped3A_758 = arith.constant 6 : i32
    "tpu.region"() ({
      %run_scoped3A_828 = tpu.sem_alloc : memref<!tpu.dma_semaphore, #tpu.memory_space<semaphore_mem>>
      %dma_start3A_829 = arith.constant 0 : i32
      %dma_start3A_830 = tpu.memref_slice %arg11[%run_scoped3A_757, %run_scoped3A_758, %dma_start3A_829] : memref<2x8x128xi32, #tpu.memory_space<vmem>> -> memref<1x1x128xi32, #tpu.memory_space<vmem>>
      %dma_start3A_831 = tpu.memref_squeeze %dma_start3A_830 : memref<1x1x128xi32, #tpu.memory_space<vmem>> -> memref<128xi32, #tpu.memory_space<vmem>>
      %dma_start3A_832 = arith.constant 0 : i32
      %dma_start3A_833 = arith.constant 0 : i32
      %dma_start3A_834 = tpu.memref_slice %arg15[%dma_start3A_832, %dma_start3A_833] : memref<10240x128xf32, #tpu.memory_space<vmem_shared>> -> memref<10240x128xf32, #tpu.memory_space<vmem_shared>>
      tpu.enqueue_indirect_dma source(%arg13 : memref<128x128xf32, #tpu.memory_space<vmem>>) target(%dma_start3A_834 : memref<10240x128xf32, #tpu.memory_space<vmem_shared>>) offsets(%dma_start3A_831 : memref<128xi32, #tpu.memory_space<vmem>>) semaphore(%run_scoped3A_828 : memref<!tpu.dma_semaphore, #tpu.memory_space<semaphore_mem>>) {add = true}
      %dma_wait3A_835 = arith.constant 0 : i32
      %dma_wait3A_836 = tpu.memref_slice %arg11[%run_scoped3A_757, %run_scoped3A_758, %dma_wait3A_835] : memref<2x8x128xi32, #tpu.memory_space<vmem>> -> memref<1x1x128xi32, #tpu.memory_space<vmem>>
      %dma_wait3A_837 = tpu.memref_squeeze %dma_wait3A_836 : memref<1x1x128xi32, #tpu.memory_space<vmem>> -> memref<128xi32, #tpu.memory_space<vmem>>
      %dma_wait3A_838 = arith.constant 0 : i32
      %dma_wait3A_839 = arith.constant 0 : i32
      %dma_wait3A_840 = tpu.memref_slice %arg15[%dma_wait3A_838, %dma_wait3A_839] : memref<10240x128xf32, #tpu.memory_space<vmem_shared>> -> memref<10240x128xf32, #tpu.memory_space<vmem_shared>>
      tpu.wait_indirect_dma semaphore(%run_scoped3A_828 : memref<!tpu.dma_semaphore, #tpu.memory_space<semaphore_mem>>) src(%arg13 : memref<128x128xf32, #tpu.memory_space<vmem>>) dst(%dma_wait3A_840 : memref<10240x128xf32, #tpu.memory_space<vmem_shared>>)
      tpu.yield
    }) : () -> ()
    %run_scoped3A_759 = arith.constant 0 : i32
    %run_scoped3A_760 = arith.constant 7 : i32
    "tpu.region"() ({
      %run_scoped3A_828 = tpu.sem_alloc : memref<!tpu.dma_semaphore, #tpu.memory_space<semaphore_mem>>
      %dma_start3A_829 = arith.constant 0 : i32
      %dma_start3A_830 = tpu.memref_slice %arg11[%run_scoped3A_759, %run_scoped3A_760, %dma_start3A_829] : memref<2x8x128xi32, #tpu.memory_space<vmem>> -> memref<1x1x128xi32, #tpu.memory_space<vmem>>
      %dma_start3A_831 = tpu.memref_squeeze %dma_start3A_830 : memref<1x1x128xi32, #tpu.memory_space<vmem>> -> memref<128xi32, #tpu.memory_space<vmem>>
      %dma_start3A_832 = arith.constant 0 : i32
      %dma_start3A_833 = arith.constant 0 : i32
      %dma_start3A_834 = tpu.memref_slice %arg15[%dma_start3A_832, %dma_start3A_833] : memref<10240x128xf32, #tpu.memory_space<vmem_shared>> -> memref<10240x128xf32, #tpu.memory_space<vmem_shared>>
      tpu.enqueue_indirect_dma source(%arg13 : memref<128x128xf32, #tpu.memory_space<vmem>>) target(%dma_start3A_834 : memref<10240x128xf32, #tpu.memory_space<vmem_shared>>) offsets(%dma_start3A_831 : memref<128xi32, #tpu.memory_space<vmem>>) semaphore(%run_scoped3A_828 : memref<!tpu.dma_semaphore, #tpu.memory_space<semaphore_mem>>) {add = true}
      %dma_wait3A_835 = arith.constant 0 : i32
      %dma_wait3A_836 = tpu.memref_slice %arg11[%run_scoped3A_759, %run_scoped3A_760, %dma_wait3A_835] : memref<2x8x128xi32, #tpu.memory_space<vmem>> -> memref<1x1x128xi32, #tpu.memory_space<vmem>>
      %dma_wait3A_837 = tpu.memref_squeeze %dma_wait3A_836 : memref<1x1x128xi32, #tpu.memory_space<vmem>> -> memref<128xi32, #tpu.memory_space<vmem>>
      %dma_wait3A_838 = arith.constant 0 : i32
      %dma_wait3A_839 = arith.constant 0 : i32
      %dma_wait3A_840 = tpu.memref_slice %arg15[%dma_wait3A_838, %dma_wait3A_839] : memref<10240x128xf32, #tpu.memory_space<vmem_shared>> -> memref<10240x128xf32, #tpu.memory_space<vmem_shared>>
      tpu.wait_indirect_dma semaphore(%run_scoped3A_828 : memref<!tpu.dma_semaphore, #tpu.memory_space<semaphore_mem>>) src(%arg13 : memref<128x128xf32, #tpu.memory_space<vmem>>) dst(%dma_wait3A_840 : memref<10240x128xf32, #tpu.memory_space<vmem_shared>>)
      tpu.yield
    }) : () -> ()
    %dma_wait3A_761 = arith.constant 0 : i32
    %dma_wait3A_762 = arith.constant 1 : i32
    %dma_wait3A_763 = arith.constant 0 : i32
    %dma_wait3A_764 = arith.constant 0 : i32
    %dma_wait3A_765 = tpu.memref_slice %arg11[%dma_wait3A_762, %dma_wait3A_763, %dma_wait3A_764] : memref<2x8x128xi32, #tpu.memory_space<vmem>> -> memref<1x8x128xi32, #tpu.memory_space<vmem>>
    %dma_wait3A_766 = tpu.memref_squeeze %dma_wait3A_765 : memref<1x8x128xi32, #tpu.memory_space<vmem>> -> memref<8x128xi32, #tpu.memory_space<vmem>>
    %dma_wait3A_767 = arith.constant 0 : i32
    %dma_wait3A_768 = arith.constant 0 : i32
    %dma_wait3A_769 = tpu.memref_slice %arg4[%arg0, %arg1, %dma_wait3A_761, %dma_wait3A_767, %dma_wait3A_768] : memref<2x16x10x8x128xi32, #tpu.memory_space<hbm>> -> memref<1x1x1x8x128xi32, #tpu.memory_space<hbm>>
    %dma_wait3A_770 = tpu.memref_squeeze %dma_wait3A_769 : memref<1x1x1x8x128xi32, #tpu.memory_space<hbm>> -> memref<8x128xi32, #tpu.memory_space<hbm>>
    %dma_wait3A_771 = arith.constant 0 : i32
    %dma_wait3A_772 = arith.constant 0 : i32
    %dma_wait3A_773 = tpu.memref_slice %arg11[%dma_wait3A_762, %dma_wait3A_771, %dma_wait3A_772] : memref<2x8x128xi32, #tpu.memory_space<vmem>> -> memref<1x8x128xi32, #tpu.memory_space<vmem>>
    %dma_wait3A_774 = tpu.memref_squeeze %dma_wait3A_773 : memref<1x8x128xi32, #tpu.memory_space<vmem>> -> memref<8x128xi32, #tpu.memory_space<vmem>>
    %dma_wait3A_775 = arith.constant 0 : i32
    %dma_wait3A_776 = arith.constant 0 : i32
    %dma_wait3A_777 = tpu.memref_slice %arg4[%arg0, %arg1, %dma_wait3A_761, %dma_wait3A_775, %dma_wait3A_776] : memref<2x16x10x8x128xi32, #tpu.memory_space<hbm>> -> memref<1x1x1x8x128xi32, #tpu.memory_space<hbm>>
    %dma_wait3A_778 = tpu.memref_squeeze %dma_wait3A_777 : memref<1x1x1x8x128xi32, #tpu.memory_space<hbm>> -> memref<8x128xi32, #tpu.memory_space<hbm>>
    tpu.wait_dma2 semaphore(%arg19 : memref<!tpu.dma_semaphore, #tpu.memory_space<semaphore_mem>>) src(%dma_wait3A_778 : memref<8x128xi32, #tpu.memory_space<hbm>>) dst(%dma_wait3A_774 : memref<8x128xi32, #tpu.memory_space<vmem>>)
    %run_scoped3A_779 = arith.constant 1 : i32
    %run_scoped3A_780 = arith.constant 0 : i32
    "tpu.region"() ({
      %run_scoped3A_828 = tpu.sem_alloc : memref<!tpu.dma_semaphore, #tpu.memory_space<semaphore_mem>>
      %dma_start3A_829 = arith.constant 0 : i32
      %dma_start3A_830 = tpu.memref_slice %arg11[%run_scoped3A_779, %run_scoped3A_780, %dma_start3A_829] : memref<2x8x128xi32, #tpu.memory_space<vmem>> -> memref<1x1x128xi32, #tpu.memory_space<vmem>>
      %dma_start3A_831 = tpu.memref_squeeze %dma_start3A_830 : memref<1x1x128xi32, #tpu.memory_space<vmem>> -> memref<128xi32, #tpu.memory_space<vmem>>
      %dma_start3A_832 = arith.constant 0 : i32
      %dma_start3A_833 = arith.constant 0 : i32
      %dma_start3A_834 = tpu.memref_slice %arg15[%dma_start3A_832, %dma_start3A_833] : memref<10240x128xf32, #tpu.memory_space<vmem_shared>> -> memref<10240x128xf32, #tpu.memory_space<vmem_shared>>
      tpu.enqueue_indirect_dma source(%arg13 : memref<128x128xf32, #tpu.memory_space<vmem>>) target(%dma_start3A_834 : memref<10240x128xf32, #tpu.memory_space<vmem_shared>>) offsets(%dma_start3A_831 : memref<128xi32, #tpu.memory_space<vmem>>) semaphore(%run_scoped3A_828 : memref<!tpu.dma_semaphore, #tpu.memory_space<semaphore_mem>>) {add = true}
      %dma_wait3A_835 = arith.constant 0 : i32
      %dma_wait3A_836 = tpu.memref_slice %arg11[%run_scoped3A_779, %run_scoped3A_780, %dma_wait3A_835] : memref<2x8x128xi32, #tpu.memory_space<vmem>> -> memref<1x1x128xi32, #tpu.memory_space<vmem>>
      %dma_wait3A_837 = tpu.memref_squeeze %dma_wait3A_836 : memref<1x1x128xi32, #tpu.memory_space<vmem>> -> memref<128xi32, #tpu.memory_space<vmem>>
      %dma_wait3A_838 = arith.constant 0 : i32
      %dma_wait3A_839 = arith.constant 0 : i32
      %dma_wait3A_840 = tpu.memref_slice %arg15[%dma_wait3A_838, %dma_wait3A_839] : memref<10240x128xf32, #tpu.memory_space<vmem_shared>> -> memref<10240x128xf32, #tpu.memory_space<vmem_shared>>
      tpu.wait_indirect_dma semaphore(%run_scoped3A_828 : memref<!tpu.dma_semaphore, #tpu.memory_space<semaphore_mem>>) src(%arg13 : memref<128x128xf32, #tpu.memory_space<vmem>>) dst(%dma_wait3A_840 : memref<10240x128xf32, #tpu.memory_space<vmem_shared>>)
      tpu.yield
    }) : () -> ()
    %run_scoped3A_781 = arith.constant 1 : i32
    %run_scoped3A_782 = arith.constant 1 : i32
    "tpu.region"() ({
      %run_scoped3A_828 = tpu.sem_alloc : memref<!tpu.dma_semaphore, #tpu.memory_space<semaphore_mem>>
      %dma_start3A_829 = arith.constant 0 : i32
      %dma_start3A_830 = tpu.memref_slice %arg11[%run_scoped3A_781, %run_scoped3A_782, %dma_start3A_829] : memref<2x8x128xi32, #tpu.memory_space<vmem>> -> memref<1x1x128xi32, #tpu.memory_space<vmem>>
      %dma_start3A_831 = tpu.memref_squeeze %dma_start3A_830 : memref<1x1x128xi32, #tpu.memory_space<vmem>> -> memref<128xi32, #tpu.memory_space<vmem>>
      %dma_start3A_832 = arith.constant 0 : i32
      %dma_start3A_833 = arith.constant 0 : i32
      %dma_start3A_834 = tpu.memref_slice %arg15[%dma_start3A_832, %dma_start3A_833] : memref<10240x128xf32, #tpu.memory_space<vmem_shared>> -> memref<10240x128xf32, #tpu.memory_space<vmem_shared>>
      tpu.enqueue_indirect_dma source(%arg13 : memref<128x128xf32, #tpu.memory_space<vmem>>) target(%dma_start3A_834 : memref<10240x128xf32, #tpu.memory_space<vmem_shared>>) offsets(%dma_start3A_831 : memref<128xi32, #tpu.memory_space<vmem>>) semaphore(%run_scoped3A_828 : memref<!tpu.dma_semaphore, #tpu.memory_space<semaphore_mem>>) {add = true}
      %dma_wait3A_835 = arith.constant 0 : i32
      %dma_wait3A_836 = tpu.memref_slice %arg11[%run_scoped3A_781, %run_scoped3A_782, %dma_wait3A_835] : memref<2x8x128xi32, #tpu.memory_space<vmem>> -> memref<1x1x128xi32, #tpu.memory_space<vmem>>
      %dma_wait3A_837 = tpu.memref_squeeze %dma_wait3A_836 : memref<1x1x128xi32, #tpu.memory_space<vmem>> -> memref<128xi32, #tpu.memory_space<vmem>>
      %dma_wait3A_838 = arith.constant 0 : i32
      %dma_wait3A_839 = arith.constant 0 : i32
      %dma_wait3A_840 = tpu.memref_slice %arg15[%dma_wait3A_838, %dma_wait3A_839] : memref<10240x128xf32, #tpu.memory_space<vmem_shared>> -> memref<10240x128xf32, #tpu.memory_space<vmem_shared>>
      tpu.wait_indirect_dma semaphore(%run_scoped3A_828 : memref<!tpu.dma_semaphore, #tpu.memory_space<semaphore_mem>>) src(%arg13 : memref<128x128xf32, #tpu.memory_space<vmem>>) dst(%dma_wait3A_840 : memref<10240x128xf32, #tpu.memory_space<vmem_shared>>)
      tpu.yield
    }) : () -> ()
    %run_scoped3A_783 = arith.constant 1 : i32
    %run_scoped3A_784 = arith.constant 2 : i32
    "tpu.region"() ({
      %run_scoped3A_828 = tpu.sem_alloc : memref<!tpu.dma_semaphore, #tpu.memory_space<semaphore_mem>>
      %dma_start3A_829 = arith.constant 0 : i32
      %dma_start3A_830 = tpu.memref_slice %arg11[%run_scoped3A_783, %run_scoped3A_784, %dma_start3A_829] : memref<2x8x128xi32, #tpu.memory_space<vmem>> -> memref<1x1x128xi32, #tpu.memory_space<vmem>>
      %dma_start3A_831 = tpu.memref_squeeze %dma_start3A_830 : memref<1x1x128xi32, #tpu.memory_space<vmem>> -> memref<128xi32, #tpu.memory_space<vmem>>
      %dma_start3A_832 = arith.constant 0 : i32
      %dma_start3A_833 = arith.constant 0 : i32
      %dma_start3A_834 = tpu.memref_slice %arg15[%dma_start3A_832, %dma_start3A_833] : memref<10240x128xf32, #tpu.memory_space<vmem_shared>> -> memref<10240x128xf32, #tpu.memory_space<vmem_shared>>
      tpu.enqueue_indirect_dma source(%arg13 : memref<128x128xf32, #tpu.memory_space<vmem>>) target(%dma_start3A_834 : memref<10240x128xf32, #tpu.memory_space<vmem_shared>>) offsets(%dma_start3A_831 : memref<128xi32, #tpu.memory_space<vmem>>) semaphore(%run_scoped3A_828 : memref<!tpu.dma_semaphore, #tpu.memory_space<semaphore_mem>>) {add = true}
      %dma_wait3A_835 = arith.constant 0 : i32
      %dma_wait3A_836 = tpu.memref_slice %arg11[%run_scoped3A_783, %run_scoped3A_784, %dma_wait3A_835] : memref<2x8x128xi32, #tpu.memory_space<vmem>> -> memref<1x1x128xi32, #tpu.memory_space<vmem>>
      %dma_wait3A_837 = tpu.memref_squeeze %dma_wait3A_836 : memref<1x1x128xi32, #tpu.memory_space<vmem>> -> memref<128xi32, #tpu.memory_space<vmem>>
      %dma_wait3A_838 = arith.constant 0 : i32
      %dma_wait3A_839 = arith.constant 0 : i32
      %dma_wait3A_840 = tpu.memref_slice %arg15[%dma_wait3A_838, %dma_wait3A_839] : memref<10240x128xf32, #tpu.memory_space<vmem_shared>> -> memref<10240x128xf32, #tpu.memory_space<vmem_shared>>
      tpu.wait_indirect_dma semaphore(%run_scoped3A_828 : memref<!tpu.dma_semaphore, #tpu.memory_space<semaphore_mem>>) src(%arg13 : memref<128x128xf32, #tpu.memory_space<vmem>>) dst(%dma_wait3A_840 : memref<10240x128xf32, #tpu.memory_space<vmem_shared>>)
      tpu.yield
    }) : () -> ()
    %run_scoped3A_785 = arith.constant 1 : i32
    %run_scoped3A_786 = arith.constant 3 : i32
    "tpu.region"() ({
      %run_scoped3A_828 = tpu.sem_alloc : memref<!tpu.dma_semaphore, #tpu.memory_space<semaphore_mem>>
      %dma_start3A_829 = arith.constant 0 : i32
      %dma_start3A_830 = tpu.memref_slice %arg11[%run_scoped3A_785, %run_scoped3A_786, %dma_start3A_829] : memref<2x8x128xi32, #tpu.memory_space<vmem>> -> memref<1x1x128xi32, #tpu.memory_space<vmem>>
      %dma_start3A_831 = tpu.memref_squeeze %dma_start3A_830 : memref<1x1x128xi32, #tpu.memory_space<vmem>> -> memref<128xi32, #tpu.memory_space<vmem>>
      %dma_start3A_832 = arith.constant 0 : i32
      %dma_start3A_833 = arith.constant 0 : i32
      %dma_start3A_834 = tpu.memref_slice %arg15[%dma_start3A_832, %dma_start3A_833] : memref<10240x128xf32, #tpu.memory_space<vmem_shared>> -> memref<10240x128xf32, #tpu.memory_space<vmem_shared>>
      tpu.enqueue_indirect_dma source(%arg13 : memref<128x128xf32, #tpu.memory_space<vmem>>) target(%dma_start3A_834 : memref<10240x128xf32, #tpu.memory_space<vmem_shared>>) offsets(%dma_start3A_831 : memref<128xi32, #tpu.memory_space<vmem>>) semaphore(%run_scoped3A_828 : memref<!tpu.dma_semaphore, #tpu.memory_space<semaphore_mem>>) {add = true}
      %dma_wait3A_835 = arith.constant 0 : i32
      %dma_wait3A_836 = tpu.memref_slice %arg11[%run_scoped3A_785, %run_scoped3A_786, %dma_wait3A_835] : memref<2x8x128xi32, #tpu.memory_space<vmem>> -> memref<1x1x128xi32, #tpu.memory_space<vmem>>
      %dma_wait3A_837 = tpu.memref_squeeze %dma_wait3A_836 : memref<1x1x128xi32, #tpu.memory_space<vmem>> -> memref<128xi32, #tpu.memory_space<vmem>>
      %dma_wait3A_838 = arith.constant 0 : i32
      %dma_wait3A_839 = arith.constant 0 : i32
      %dma_wait3A_840 = tpu.memref_slice %arg15[%dma_wait3A_838, %dma_wait3A_839] : memref<10240x128xf32, #tpu.memory_space<vmem_shared>> -> memref<10240x128xf32, #tpu.memory_space<vmem_shared>>
      tpu.wait_indirect_dma semaphore(%run_scoped3A_828 : memref<!tpu.dma_semaphore, #tpu.memory_space<semaphore_mem>>) src(%arg13 : memref<128x128xf32, #tpu.memory_space<vmem>>) dst(%dma_wait3A_840 : memref<10240x128xf32, #tpu.memory_space<vmem_shared>>)
      tpu.yield
    }) : () -> ()
    %run_scoped3A_787 = arith.constant 1 : i32
    %run_scoped3A_788 = arith.constant 4 : i32
    "tpu.region"() ({
      %run_scoped3A_828 = tpu.sem_alloc : memref<!tpu.dma_semaphore, #tpu.memory_space<semaphore_mem>>
      %dma_start3A_829 = arith.constant 0 : i32
      %dma_start3A_830 = tpu.memref_slice %arg11[%run_scoped3A_787, %run_scoped3A_788, %dma_start3A_829] : memref<2x8x128xi32, #tpu.memory_space<vmem>> -> memref<1x1x128xi32, #tpu.memory_space<vmem>>
      %dma_start3A_831 = tpu.memref_squeeze %dma_start3A_830 : memref<1x1x128xi32, #tpu.memory_space<vmem>> -> memref<128xi32, #tpu.memory_space<vmem>>
      %dma_start3A_832 = arith.constant 0 : i32
      %dma_start3A_833 = arith.constant 0 : i32
      %dma_start3A_834 = tpu.memref_slice %arg15[%dma_start3A_832, %dma_start3A_833] : memref<10240x128xf32, #tpu.memory_space<vmem_shared>> -> memref<10240x128xf32, #tpu.memory_space<vmem_shared>>
      tpu.enqueue_indirect_dma source(%arg13 : memref<128x128xf32, #tpu.memory_space<vmem>>) target(%dma_start3A_834 : memref<10240x128xf32, #tpu.memory_space<vmem_shared>>) offsets(%dma_start3A_831 : memref<128xi32, #tpu.memory_space<vmem>>) semaphore(%run_scoped3A_828 : memref<!tpu.dma_semaphore, #tpu.memory_space<semaphore_mem>>) {add = true}
      %dma_wait3A_835 = arith.constant 0 : i32
      %dma_wait3A_836 = tpu.memref_slice %arg11[%run_scoped3A_787, %run_scoped3A_788, %dma_wait3A_835] : memref<2x8x128xi32, #tpu.memory_space<vmem>> -> memref<1x1x128xi32, #tpu.memory_space<vmem>>
      %dma_wait3A_837 = tpu.memref_squeeze %dma_wait3A_836 : memref<1x1x128xi32, #tpu.memory_space<vmem>> -> memref<128xi32, #tpu.memory_space<vmem>>
      %dma_wait3A_838 = arith.constant 0 : i32
      %dma_wait3A_839 = arith.constant 0 : i32
      %dma_wait3A_840 = tpu.memref_slice %arg15[%dma_wait3A_838, %dma_wait3A_839] : memref<10240x128xf32, #tpu.memory_space<vmem_shared>> -> memref<10240x128xf32, #tpu.memory_space<vmem_shared>>
      tpu.wait_indirect_dma semaphore(%run_scoped3A_828 : memref<!tpu.dma_semaphore, #tpu.memory_space<semaphore_mem>>) src(%arg13 : memref<128x128xf32, #tpu.memory_space<vmem>>) dst(%dma_wait3A_840 : memref<10240x128xf32, #tpu.memory_space<vmem_shared>>)
      tpu.yield
    }) : () -> ()
    %run_scoped3A_789 = arith.constant 1 : i32
    %run_scoped3A_790 = arith.constant 5 : i32
    "tpu.region"() ({
      %run_scoped3A_828 = tpu.sem_alloc : memref<!tpu.dma_semaphore, #tpu.memory_space<semaphore_mem>>
      %dma_start3A_829 = arith.constant 0 : i32
      %dma_start3A_830 = tpu.memref_slice %arg11[%run_scoped3A_789, %run_scoped3A_790, %dma_start3A_829] : memref<2x8x128xi32, #tpu.memory_space<vmem>> -> memref<1x1x128xi32, #tpu.memory_space<vmem>>
      %dma_start3A_831 = tpu.memref_squeeze %dma_start3A_830 : memref<1x1x128xi32, #tpu.memory_space<vmem>> -> memref<128xi32, #tpu.memory_space<vmem>>
      %dma_start3A_832 = arith.constant 0 : i32
      %dma_start3A_833 = arith.constant 0 : i32
      %dma_start3A_834 = tpu.memref_slice %arg15[%dma_start3A_832, %dma_start3A_833] : memref<10240x128xf32, #tpu.memory_space<vmem_shared>> -> memref<10240x128xf32, #tpu.memory_space<vmem_shared>>
      tpu.enqueue_indirect_dma source(%arg13 : memref<128x128xf32, #tpu.memory_space<vmem>>) target(%dma_start3A_834 : memref<10240x128xf32, #tpu.memory_space<vmem_shared>>) offsets(%dma_start3A_831 : memref<128xi32, #tpu.memory_space<vmem>>) semaphore(%run_scoped3A_828 : memref<!tpu.dma_semaphore, #tpu.memory_space<semaphore_mem>>) {add = true}
      %dma_wait3A_835 = arith.constant 0 : i32
      %dma_wait3A_836 = tpu.memref_slice %arg11[%run_scoped3A_789, %run_scoped3A_790, %dma_wait3A_835] : memref<2x8x128xi32, #tpu.memory_space<vmem>> -> memref<1x1x128xi32, #tpu.memory_space<vmem>>
      %dma_wait3A_837 = tpu.memref_squeeze %dma_wait3A_836 : memref<1x1x128xi32, #tpu.memory_space<vmem>> -> memref<128xi32, #tpu.memory_space<vmem>>
      %dma_wait3A_838 = arith.constant 0 : i32
      %dma_wait3A_839 = arith.constant 0 : i32
      %dma_wait3A_840 = tpu.memref_slice %arg15[%dma_wait3A_838, %dma_wait3A_839] : memref<10240x128xf32, #tpu.memory_space<vmem_shared>> -> memref<10240x128xf32, #tpu.memory_space<vmem_shared>>
      tpu.wait_indirect_dma semaphore(%run_scoped3A_828 : memref<!tpu.dma_semaphore, #tpu.memory_space<semaphore_mem>>) src(%arg13 : memref<128x128xf32, #tpu.memory_space<vmem>>) dst(%dma_wait3A_840 : memref<10240x128xf32, #tpu.memory_space<vmem_shared>>)
      tpu.yield
    }) : () -> ()
    %run_scoped3A_791 = arith.constant 1 : i32
    %run_scoped3A_792 = arith.constant 6 : i32
    "tpu.region"() ({
      %run_scoped3A_828 = tpu.sem_alloc : memref<!tpu.dma_semaphore, #tpu.memory_space<semaphore_mem>>
      %dma_start3A_829 = arith.constant 0 : i32
      %dma_start3A_830 = tpu.memref_slice %arg11[%run_scoped3A_791, %run_scoped3A_792, %dma_start3A_829] : memref<2x8x128xi32, #tpu.memory_space<vmem>> -> memref<1x1x128xi32, #tpu.memory_space<vmem>>
      %dma_start3A_831 = tpu.memref_squeeze %dma_start3A_830 : memref<1x1x128xi32, #tpu.memory_space<vmem>> -> memref<128xi32, #tpu.memory_space<vmem>>
      %dma_start3A_832 = arith.constant 0 : i32
      %dma_start3A_833 = arith.constant 0 : i32
      %dma_start3A_834 = tpu.memref_slice %arg15[%dma_start3A_832, %dma_start3A_833] : memref<10240x128xf32, #tpu.memory_space<vmem_shared>> -> memref<10240x128xf32, #tpu.memory_space<vmem_shared>>
      tpu.enqueue_indirect_dma source(%arg13 : memref<128x128xf32, #tpu.memory_space<vmem>>) target(%dma_start3A_834 : memref<10240x128xf32, #tpu.memory_space<vmem_shared>>) offsets(%dma_start3A_831 : memref<128xi32, #tpu.memory_space<vmem>>) semaphore(%run_scoped3A_828 : memref<!tpu.dma_semaphore, #tpu.memory_space<semaphore_mem>>) {add = true}
      %dma_wait3A_835 = arith.constant 0 : i32
      %dma_wait3A_836 = tpu.memref_slice %arg11[%run_scoped3A_791, %run_scoped3A_792, %dma_wait3A_835] : memref<2x8x128xi32, #tpu.memory_space<vmem>> -> memref<1x1x128xi32, #tpu.memory_space<vmem>>
      %dma_wait3A_837 = tpu.memref_squeeze %dma_wait3A_836 : memref<1x1x128xi32, #tpu.memory_space<vmem>> -> memref<128xi32, #tpu.memory_space<vmem>>
      %dma_wait3A_838 = arith.constant 0 : i32
      %dma_wait3A_839 = arith.constant 0 : i32
      %dma_wait3A_840 = tpu.memref_slice %arg15[%dma_wait3A_838, %dma_wait3A_839] : memref<10240x128xf32, #tpu.memory_space<vmem_shared>> -> memref<10240x128xf32, #tpu.memory_space<vmem_shared>>
      tpu.wait_indirect_dma semaphore(%run_scoped3A_828 : memref<!tpu.dma_semaphore, #tpu.memory_space<semaphore_mem>>) src(%arg13 : memref<128x128xf32, #tpu.memory_space<vmem>>) dst(%dma_wait3A_840 : memref<10240x128xf32, #tpu.memory_space<vmem_shared>>)
      tpu.yield
    }) : () -> ()
    %run_scoped3A_793 = arith.constant 1 : i32
    %run_scoped3A_794 = arith.constant 7 : i32
    "tpu.region"() ({
      %run_scoped3A_828 = tpu.sem_alloc : memref<!tpu.dma_semaphore, #tpu.memory_space<semaphore_mem>>
      %dma_start3A_829 = arith.constant 0 : i32
      %dma_start3A_830 = tpu.memref_slice %arg11[%run_scoped3A_793, %run_scoped3A_794, %dma_start3A_829] : memref<2x8x128xi32, #tpu.memory_space<vmem>> -> memref<1x1x128xi32, #tpu.memory_space<vmem>>
      %dma_start3A_831 = tpu.memref_squeeze %dma_start3A_830 : memref<1x1x128xi32, #tpu.memory_space<vmem>> -> memref<128xi32, #tpu.memory_space<vmem>>
      %dma_start3A_832 = arith.constant 0 : i32
      %dma_start3A_833 = arith.constant 0 : i32
      %dma_start3A_834 = tpu.memref_slice %arg15[%dma_start3A_832, %dma_start3A_833] : memref<10240x128xf32, #tpu.memory_space<vmem_shared>> -> memref<10240x128xf32, #tpu.memory_space<vmem_shared>>
      tpu.enqueue_indirect_dma source(%arg13 : memref<128x128xf32, #tpu.memory_space<vmem>>) target(%dma_start3A_834 : memref<10240x128xf32, #tpu.memory_space<vmem_shared>>) offsets(%dma_start3A_831 : memref<128xi32, #tpu.memory_space<vmem>>) semaphore(%run_scoped3A_828 : memref<!tpu.dma_semaphore, #tpu.memory_space<semaphore_mem>>) {add = true}
      %dma_wait3A_835 = arith.constant 0 : i32
      %dma_wait3A_836 = tpu.memref_slice %arg11[%run_scoped3A_793, %run_scoped3A_794, %dma_wait3A_835] : memref<2x8x128xi32, #tpu.memory_space<vmem>> -> memref<1x1x128xi32, #tpu.memory_space<vmem>>
      %dma_wait3A_837 = tpu.memref_squeeze %dma_wait3A_836 : memref<1x1x128xi32, #tpu.memory_space<vmem>> -> memref<128xi32, #tpu.memory_space<vmem>>
      %dma_wait3A_838 = arith.constant 0 : i32
      %dma_wait3A_839 = arith.constant 0 : i32
      %dma_wait3A_840 = tpu.memref_slice %arg15[%dma_wait3A_838, %dma_wait3A_839] : memref<10240x128xf32, #tpu.memory_space<vmem_shared>> -> memref<10240x128xf32, #tpu.memory_space<vmem_shared>>
      tpu.wait_indirect_dma semaphore(%run_scoped3A_828 : memref<!tpu.dma_semaphore, #tpu.memory_space<semaphore_mem>>) src(%arg13 : memref<128x128xf32, #tpu.memory_space<vmem>>) dst(%dma_wait3A_840 : memref<10240x128xf32, #tpu.memory_space<vmem_shared>>)
      tpu.yield
    }) : () -> ()
    %barrier3A_795 = arith.constant 0 : index
    tpu.barrier barrier_id(%barrier3A_795)
    %add3A_796 = arith.constant 0 : i32
    %add3A_797 = arith.addi %mul3A_0, %add3A_796 : i32
    "tpu.region"() ({
      %run_scoped3A_828 = tpu.sem_alloc : memref<!tpu.dma_semaphore, #tpu.memory_space<semaphore_mem>>
      %dma_start3A_829 = arith.constant 0 : i32
      %dma_start3A_830 = tpu.memref_slice %arg15[%add3A_797, %dma_start3A_829] : memref<10240x128xf32, #tpu.memory_space<vmem_shared>> -> memref<80x128xf32, #tpu.memory_space<vmem_shared>>
      %dma_start3A_831 = arith.constant 0 : i32
      %dma_start3A_832 = tpu.memref_slice %arg15[%add3A_797, %dma_start3A_831] : memref<10240x128xf32, #tpu.memory_space<vmem_shared>> -> memref<80x128xf32, #tpu.memory_space<vmem_shared>>
      tpu.enqueue_dma source(%dma_start3A_832 : memref<80x128xf32, #tpu.memory_space<vmem_shared>>) target(%arg14 : memref<80x128xf32, #tpu.memory_space<vmem>>) target_semaphore(%run_scoped3A_828 : memref<!tpu.dma_semaphore, #tpu.memory_space<semaphore_mem>>)
      %dma_wait3A_833 = arith.constant 0 : i32
      %dma_wait3A_834 = tpu.memref_slice %arg15[%add3A_797, %dma_wait3A_833] : memref<10240x128xf32, #tpu.memory_space<vmem_shared>> -> memref<80x128xf32, #tpu.memory_space<vmem_shared>>
      %dma_wait3A_835 = arith.constant 0 : i32
      %dma_wait3A_836 = tpu.memref_slice %arg15[%add3A_797, %dma_wait3A_835] : memref<10240x128xf32, #tpu.memory_space<vmem_shared>> -> memref<80x128xf32, #tpu.memory_space<vmem_shared>>
      tpu.wait_dma2 semaphore(%run_scoped3A_828 : memref<!tpu.dma_semaphore, #tpu.memory_space<semaphore_mem>>) src(%dma_wait3A_836 : memref<80x128xf32, #tpu.memory_space<vmem_shared>>) dst(%arg14 : memref<80x128xf32, #tpu.memory_space<vmem>>)
      tpu.yield
    }) : () -> ()
    %add3A_798 = arith.constant 0 : i32
    %add3A_799 = arith.addi %mul3A_0, %add3A_798 : i32
    "tpu.region"() ({
      %run_scoped3A_828 = tpu.sem_alloc : memref<!tpu.dma_semaphore, #tpu.memory_space<semaphore_mem>>
      %dma_start3A_829 = arith.constant 0 : i32
      %dma_start3A_830 = tpu.memref_slice %arg8[%arg0, %add3A_799, %dma_start3A_829] : memref<2x10240x128xf32, #tpu.memory_space<hbm>> -> memref<1x80x128xf32, #tpu.memory_space<hbm>>
      %dma_start3A_831 = tpu.memref_squeeze %dma_start3A_830 : memref<1x80x128xf32, #tpu.memory_space<hbm>> -> memref<80x128xf32, #tpu.memory_space<hbm>>
      %dma_start3A_832 = arith.constant 0 : i32
      %dma_start3A_833 = tpu.memref_slice %arg8[%arg0, %add3A_799, %dma_start3A_832] : memref<2x10240x128xf32, #tpu.memory_space<hbm>> -> memref<1x80x128xf32, #tpu.memory_space<hbm>>
      %dma_start3A_834 = tpu.memref_squeeze %dma_start3A_833 : memref<1x80x128xf32, #tpu.memory_space<hbm>> -> memref<80x128xf32, #tpu.memory_space<hbm>>
      tpu.enqueue_dma source(%arg14 : memref<80x128xf32, #tpu.memory_space<vmem>>) target(%dma_start3A_834 : memref<80x128xf32, #tpu.memory_space<hbm>>) target_semaphore(%run_scoped3A_828 : memref<!tpu.dma_semaphore, #tpu.memory_space<semaphore_mem>>)
      %dma_wait3A_835 = arith.constant 0 : i32
      %dma_wait3A_836 = tpu.memref_slice %arg8[%arg0, %add3A_799, %dma_wait3A_835] : memref<2x10240x128xf32, #tpu.memory_space<hbm>> -> memref<1x80x128xf32, #tpu.memory_space<hbm>>
      %dma_wait3A_837 = tpu.memref_squeeze %dma_wait3A_836 : memref<1x80x128xf32, #tpu.memory_space<hbm>> -> memref<80x128xf32, #tpu.memory_space<hbm>>
      %dma_wait3A_838 = arith.constant 0 : i32
      %dma_wait3A_839 = tpu.memref_slice %arg8[%arg0, %add3A_799, %dma_wait3A_838] : memref<2x10240x128xf32, #tpu.memory_space<hbm>> -> memref<1x80x128xf32, #tpu.memory_space<hbm>>
      %dma_wait3A_840 = tpu.memref_squeeze %dma_wait3A_839 : memref<1x80x128xf32, #tpu.memory_space<hbm>> -> memref<80x128xf32, #tpu.memory_space<hbm>>
      tpu.wait_dma2 semaphore(%run_scoped3A_828 : memref<!tpu.dma_semaphore, #tpu.memory_space<semaphore_mem>>) src(%arg14 : memref<80x128xf32, #tpu.memory_space<vmem>>) dst(%dma_wait3A_840 : memref<80x128xf32, #tpu.memory_space<hbm>>)
      tpu.yield
    }) : () -> ()
    %add3A_800 = arith.constant 80 : i32
    %add3A_801 = arith.addi %mul3A_0, %add3A_800 : i32
    "tpu.region"() ({
      %run_scoped3A_828 = tpu.sem_alloc : memref<!tpu.dma_semaphore, #tpu.memory_space<semaphore_mem>>
      %dma_start3A_829 = arith.constant 0 : i32
      %dma_start3A_830 = tpu.memref_slice %arg15[%add3A_801, %dma_start3A_829] : memref<10240x128xf32, #tpu.memory_space<vmem_shared>> -> memref<80x128xf32, #tpu.memory_space<vmem_shared>>
      %dma_start3A_831 = arith.constant 0 : i32
      %dma_start3A_832 = tpu.memref_slice %arg15[%add3A_801, %dma_start3A_831] : memref<10240x128xf32, #tpu.memory_space<vmem_shared>> -> memref<80x128xf32, #tpu.memory_space<vmem_shared>>
      tpu.enqueue_dma source(%dma_start3A_832 : memref<80x128xf32, #tpu.memory_space<vmem_shared>>) target(%arg14 : memref<80x128xf32, #tpu.memory_space<vmem>>) target_semaphore(%run_scoped3A_828 : memref<!tpu.dma_semaphore, #tpu.memory_space<semaphore_mem>>)
      %dma_wait3A_833 = arith.constant 0 : i32
      %dma_wait3A_834 = tpu.memref_slice %arg15[%add3A_801, %dma_wait3A_833] : memref<10240x128xf32, #tpu.memory_space<vmem_shared>> -> memref<80x128xf32, #tpu.memory_space<vmem_shared>>
      %dma_wait3A_835 = arith.constant 0 : i32
      %dma_wait3A_836 = tpu.memref_slice %arg15[%add3A_801, %dma_wait3A_835] : memref<10240x128xf32, #tpu.memory_space<vmem_shared>> -> memref<80x128xf32, #tpu.memory_space<vmem_shared>>
      tpu.wait_dma2 semaphore(%run_scoped3A_828 : memref<!tpu.dma_semaphore, #tpu.memory_space<semaphore_mem>>) src(%dma_wait3A_836 : memref<80x128xf32, #tpu.memory_space<vmem_shared>>) dst(%arg14 : memref<80x128xf32, #tpu.memory_space<vmem>>)
      tpu.yield
    }) : () -> ()
    %add3A_802 = arith.constant 80 : i32
    %add3A_803 = arith.addi %mul3A_0, %add3A_802 : i32
    "tpu.region"() ({
      %run_scoped3A_828 = tpu.sem_alloc : memref<!tpu.dma_semaphore, #tpu.memory_space<semaphore_mem>>
      %dma_start3A_829 = arith.constant 0 : i32
      %dma_start3A_830 = tpu.memref_slice %arg8[%arg0, %add3A_803, %dma_start3A_829] : memref<2x10240x128xf32, #tpu.memory_space<hbm>> -> memref<1x80x128xf32, #tpu.memory_space<hbm>>
      %dma_start3A_831 = tpu.memref_squeeze %dma_start3A_830 : memref<1x80x128xf32, #tpu.memory_space<hbm>> -> memref<80x128xf32, #tpu.memory_space<hbm>>
      %dma_start3A_832 = arith.constant 0 : i32
      %dma_start3A_833 = tpu.memref_slice %arg8[%arg0, %add3A_803, %dma_start3A_832] : memref<2x10240x128xf32, #tpu.memory_space<hbm>> -> memref<1x80x128xf32, #tpu.memory_space<hbm>>
      %dma_start3A_834 = tpu.memref_squeeze %dma_start3A_833 : memref<1x80x128xf32, #tpu.memory_space<hbm>> -> memref<80x128xf32, #tpu.memory_space<hbm>>
      tpu.enqueue_dma source(%arg14 : memref<80x128xf32, #tpu.memory_space<vmem>>) target(%dma_start3A_834 : memref<80x128xf32, #tpu.memory_space<hbm>>) target_semaphore(%run_scoped3A_828 : memref<!tpu.dma_semaphore, #tpu.memory_space<semaphore_mem>>)
      %dma_wait3A_835 = arith.constant 0 : i32
      %dma_wait3A_836 = tpu.memref_slice %arg8[%arg0, %add3A_803, %dma_wait3A_835] : memref<2x10240x128xf32, #tpu.memory_space<hbm>> -> memref<1x80x128xf32, #tpu.memory_space<hbm>>
      %dma_wait3A_837 = tpu.memref_squeeze %dma_wait3A_836 : memref<1x80x128xf32, #tpu.memory_space<hbm>> -> memref<80x128xf32, #tpu.memory_space<hbm>>
      %dma_wait3A_838 = arith.constant 0 : i32
      %dma_wait3A_839 = tpu.memref_slice %arg8[%arg0, %add3A_803, %dma_wait3A_838] : memref<2x10240x128xf32, #tpu.memory_space<hbm>> -> memref<1x80x128xf32, #tpu.memory_space<hbm>>
      %dma_wait3A_840 = tpu.memref_squeeze %dma_wait3A_839 : memref<1x80x128xf32, #tpu.memory_space<hbm>> -> memref<80x128xf32, #tpu.memory_space<hbm>>
      tpu.wait_dma2 semaphore(%run_scoped3A_828 : memref<!tpu.dma_semaphore, #tpu.memory_space<semaphore_mem>>) src(%arg14 : memref<80x128xf32, #tpu.memory_space<vmem>>) dst(%dma_wait3A_840 : memref<80x128xf32, #tpu.memory_space<hbm>>)
      tpu.yield
    }) : () -> ()
    %add3A_804 = arith.constant 160 : i32
    %add3A_805 = arith.addi %mul3A_0, %add3A_804 : i32
    "tpu.region"() ({
      %run_scoped3A_828 = tpu.sem_alloc : memref<!tpu.dma_semaphore, #tpu.memory_space<semaphore_mem>>
      %dma_start3A_829 = arith.constant 0 : i32
      %dma_start3A_830 = tpu.memref_slice %arg15[%add3A_805, %dma_start3A_829] : memref<10240x128xf32, #tpu.memory_space<vmem_shared>> -> memref<80x128xf32, #tpu.memory_space<vmem_shared>>
      %dma_start3A_831 = arith.constant 0 : i32
      %dma_start3A_832 = tpu.memref_slice %arg15[%add3A_805, %dma_start3A_831] : memref<10240x128xf32, #tpu.memory_space<vmem_shared>> -> memref<80x128xf32, #tpu.memory_space<vmem_shared>>
      tpu.enqueue_dma source(%dma_start3A_832 : memref<80x128xf32, #tpu.memory_space<vmem_shared>>) target(%arg14 : memref<80x128xf32, #tpu.memory_space<vmem>>) target_semaphore(%run_scoped3A_828 : memref<!tpu.dma_semaphore, #tpu.memory_space<semaphore_mem>>)
      %dma_wait3A_833 = arith.constant 0 : i32
      %dma_wait3A_834 = tpu.memref_slice %arg15[%add3A_805, %dma_wait3A_833] : memref<10240x128xf32, #tpu.memory_space<vmem_shared>> -> memref<80x128xf32, #tpu.memory_space<vmem_shared>>
      %dma_wait3A_835 = arith.constant 0 : i32
      %dma_wait3A_836 = tpu.memref_slice %arg15[%add3A_805, %dma_wait3A_835] : memref<10240x128xf32, #tpu.memory_space<vmem_shared>> -> memref<80x128xf32, #tpu.memory_space<vmem_shared>>
      tpu.wait_dma2 semaphore(%run_scoped3A_828 : memref<!tpu.dma_semaphore, #tpu.memory_space<semaphore_mem>>) src(%dma_wait3A_836 : memref<80x128xf32, #tpu.memory_space<vmem_shared>>) dst(%arg14 : memref<80x128xf32, #tpu.memory_space<vmem>>)
      tpu.yield
    }) : () -> ()
    %add3A_806 = arith.constant 160 : i32
    %add3A_807 = arith.addi %mul3A_0, %add3A_806 : i32
    "tpu.region"() ({
      %run_scoped3A_828 = tpu.sem_alloc : memref<!tpu.dma_semaphore, #tpu.memory_space<semaphore_mem>>
      %dma_start3A_829 = arith.constant 0 : i32
      %dma_start3A_830 = tpu.memref_slice %arg8[%arg0, %add3A_807, %dma_start3A_829] : memref<2x10240x128xf32, #tpu.memory_space<hbm>> -> memref<1x80x128xf32, #tpu.memory_space<hbm>>
      %dma_start3A_831 = tpu.memref_squeeze %dma_start3A_830 : memref<1x80x128xf32, #tpu.memory_space<hbm>> -> memref<80x128xf32, #tpu.memory_space<hbm>>
      %dma_start3A_832 = arith.constant 0 : i32
      %dma_start3A_833 = tpu.memref_slice %arg8[%arg0, %add3A_807, %dma_start3A_832] : memref<2x10240x128xf32, #tpu.memory_space<hbm>> -> memref<1x80x128xf32, #tpu.memory_space<hbm>>
      %dma_start3A_834 = tpu.memref_squeeze %dma_start3A_833 : memref<1x80x128xf32, #tpu.memory_space<hbm>> -> memref<80x128xf32, #tpu.memory_space<hbm>>
      tpu.enqueue_dma source(%arg14 : memref<80x128xf32, #tpu.memory_space<vmem>>) target(%dma_start3A_834 : memref<80x128xf32, #tpu.memory_space<hbm>>) target_semaphore(%run_scoped3A_828 : memref<!tpu.dma_semaphore, #tpu.memory_space<semaphore_mem>>)
      %dma_wait3A_835 = arith.constant 0 : i32
      %dma_wait3A_836 = tpu.memref_slice %arg8[%arg0, %add3A_807, %dma_wait3A_835] : memref<2x10240x128xf32, #tpu.memory_space<hbm>> -> memref<1x80x128xf32, #tpu.memory_space<hbm>>
      %dma_wait3A_837 = tpu.memref_squeeze %dma_wait3A_836 : memref<1x80x128xf32, #tpu.memory_space<hbm>> -> memref<80x128xf32, #tpu.memory_space<hbm>>
      %dma_wait3A_838 = arith.constant 0 : i32
      %dma_wait3A_839 = tpu.memref_slice %arg8[%arg0, %add3A_807, %dma_wait3A_838] : memref<2x10240x128xf32, #tpu.memory_space<hbm>> -> memref<1x80x128xf32, #tpu.memory_space<hbm>>
      %dma_wait3A_840 = tpu.memref_squeeze %dma_wait3A_839 : memref<1x80x128xf32, #tpu.memory_space<hbm>> -> memref<80x128xf32, #tpu.memory_space<hbm>>
      tpu.wait_dma2 semaphore(%run_scoped3A_828 : memref<!tpu.dma_semaphore, #tpu.memory_space<semaphore_mem>>) src(%arg14 : memref<80x128xf32, #tpu.memory_space<vmem>>) dst(%dma_wait3A_840 : memref<80x128xf32, #tpu.memory_space<hbm>>)
      tpu.yield
    }) : () -> ()
    %add3A_808 = arith.constant 240 : i32
    %add3A_809 = arith.addi %mul3A_0, %add3A_808 : i32
    "tpu.region"() ({
      %run_scoped3A_828 = tpu.sem_alloc : memref<!tpu.dma_semaphore, #tpu.memory_space<semaphore_mem>>
      %dma_start3A_829 = arith.constant 0 : i32
      %dma_start3A_830 = tpu.memref_slice %arg15[%add3A_809, %dma_start3A_829] : memref<10240x128xf32, #tpu.memory_space<vmem_shared>> -> memref<80x128xf32, #tpu.memory_space<vmem_shared>>
      %dma_start3A_831 = arith.constant 0 : i32
      %dma_start3A_832 = tpu.memref_slice %arg15[%add3A_809, %dma_start3A_831] : memref<10240x128xf32, #tpu.memory_space<vmem_shared>> -> memref<80x128xf32, #tpu.memory_space<vmem_shared>>
      tpu.enqueue_dma source(%dma_start3A_832 : memref<80x128xf32, #tpu.memory_space<vmem_shared>>) target(%arg14 : memref<80x128xf32, #tpu.memory_space<vmem>>) target_semaphore(%run_scoped3A_828 : memref<!tpu.dma_semaphore, #tpu.memory_space<semaphore_mem>>)
      %dma_wait3A_833 = arith.constant 0 : i32
      %dma_wait3A_834 = tpu.memref_slice %arg15[%add3A_809, %dma_wait3A_833] : memref<10240x128xf32, #tpu.memory_space<vmem_shared>> -> memref<80x128xf32, #tpu.memory_space<vmem_shared>>
      %dma_wait3A_835 = arith.constant 0 : i32
      %dma_wait3A_836 = tpu.memref_slice %arg15[%add3A_809, %dma_wait3A_835] : memref<10240x128xf32, #tpu.memory_space<vmem_shared>> -> memref<80x128xf32, #tpu.memory_space<vmem_shared>>
      tpu.wait_dma2 semaphore(%run_scoped3A_828 : memref<!tpu.dma_semaphore, #tpu.memory_space<semaphore_mem>>) src(%dma_wait3A_836 : memref<80x128xf32, #tpu.memory_space<vmem_shared>>) dst(%arg14 : memref<80x128xf32, #tpu.memory_space<vmem>>)
      tpu.yield
    }) : () -> ()
    %add3A_810 = arith.constant 240 : i32
    %add3A_811 = arith.addi %mul3A_0, %add3A_810 : i32
    "tpu.region"() ({
      %run_scoped3A_828 = tpu.sem_alloc : memref<!tpu.dma_semaphore, #tpu.memory_space<semaphore_mem>>
      %dma_start3A_829 = arith.constant 0 : i32
      %dma_start3A_830 = tpu.memref_slice %arg8[%arg0, %add3A_811, %dma_start3A_829] : memref<2x10240x128xf32, #tpu.memory_space<hbm>> -> memref<1x80x128xf32, #tpu.memory_space<hbm>>
      %dma_start3A_831 = tpu.memref_squeeze %dma_start3A_830 : memref<1x80x128xf32, #tpu.memory_space<hbm>> -> memref<80x128xf32, #tpu.memory_space<hbm>>
      %dma_start3A_832 = arith.constant 0 : i32
      %dma_start3A_833 = tpu.memref_slice %arg8[%arg0, %add3A_811, %dma_start3A_832] : memref<2x10240x128xf32, #tpu.memory_space<hbm>> -> memref<1x80x128xf32, #tpu.memory_space<hbm>>
      %dma_start3A_834 = tpu.memref_squeeze %dma_start3A_833 : memref<1x80x128xf32, #tpu.memory_space<hbm>> -> memref<80x128xf32, #tpu.memory_space<hbm>>
      tpu.enqueue_dma source(%arg14 : memref<80x128xf32, #tpu.memory_space<vmem>>) target(%dma_start3A_834 : memref<80x128xf32, #tpu.memory_space<hbm>>) target_semaphore(%run_scoped3A_828 : memref<!tpu.dma_semaphore, #tpu.memory_space<semaphore_mem>>)
      %dma_wait3A_835 = arith.constant 0 : i32
      %dma_wait3A_836 = tpu.memref_slice %arg8[%arg0, %add3A_811, %dma_wait3A_835] : memref<2x10240x128xf32, #tpu.memory_space<hbm>> -> memref<1x80x128xf32, #tpu.memory_space<hbm>>
      %dma_wait3A_837 = tpu.memref_squeeze %dma_wait3A_836 : memref<1x80x128xf32, #tpu.memory_space<hbm>> -> memref<80x128xf32, #tpu.memory_space<hbm>>
      %dma_wait3A_838 = arith.constant 0 : i32
      %dma_wait3A_839 = tpu.memref_slice %arg8[%arg0, %add3A_811, %dma_wait3A_838] : memref<2x10240x128xf32, #tpu.memory_space<hbm>> -> memref<1x80x128xf32, #tpu.memory_space<hbm>>
      %dma_wait3A_840 = tpu.memref_squeeze %dma_wait3A_839 : memref<1x80x128xf32, #tpu.memory_space<hbm>> -> memref<80x128xf32, #tpu.memory_space<hbm>>
      tpu.wait_dma2 semaphore(%run_scoped3A_828 : memref<!tpu.dma_semaphore, #tpu.memory_space<semaphore_mem>>) src(%arg14 : memref<80x128xf32, #tpu.memory_space<vmem>>) dst(%dma_wait3A_840 : memref<80x128xf32, #tpu.memory_space<hbm>>)
      tpu.yield
    }) : () -> ()
    %add3A_812 = arith.constant 320 : i32
    %add3A_813 = arith.addi %mul3A_0, %add3A_812 : i32
    "tpu.region"() ({
      %run_scoped3A_828 = tpu.sem_alloc : memref<!tpu.dma_semaphore, #tpu.memory_space<semaphore_mem>>
      %dma_start3A_829 = arith.constant 0 : i32
      %dma_start3A_830 = tpu.memref_slice %arg15[%add3A_813, %dma_start3A_829] : memref<10240x128xf32, #tpu.memory_space<vmem_shared>> -> memref<80x128xf32, #tpu.memory_space<vmem_shared>>
      %dma_start3A_831 = arith.constant 0 : i32
      %dma_start3A_832 = tpu.memref_slice %arg15[%add3A_813, %dma_start3A_831] : memref<10240x128xf32, #tpu.memory_space<vmem_shared>> -> memref<80x128xf32, #tpu.memory_space<vmem_shared>>
      tpu.enqueue_dma source(%dma_start3A_832 : memref<80x128xf32, #tpu.memory_space<vmem_shared>>) target(%arg14 : memref<80x128xf32, #tpu.memory_space<vmem>>) target_semaphore(%run_scoped3A_828 : memref<!tpu.dma_semaphore, #tpu.memory_space<semaphore_mem>>)
      %dma_wait3A_833 = arith.constant 0 : i32
      %dma_wait3A_834 = tpu.memref_slice %arg15[%add3A_813, %dma_wait3A_833] : memref<10240x128xf32, #tpu.memory_space<vmem_shared>> -> memref<80x128xf32, #tpu.memory_space<vmem_shared>>
      %dma_wait3A_835 = arith.constant 0 : i32
      %dma_wait3A_836 = tpu.memref_slice %arg15[%add3A_813, %dma_wait3A_835] : memref<10240x128xf32, #tpu.memory_space<vmem_shared>> -> memref<80x128xf32, #tpu.memory_space<vmem_shared>>
      tpu.wait_dma2 semaphore(%run_scoped3A_828 : memref<!tpu.dma_semaphore, #tpu.memory_space<semaphore_mem>>) src(%dma_wait3A_836 : memref<80x128xf32, #tpu.memory_space<vmem_shared>>) dst(%arg14 : memref<80x128xf32, #tpu.memory_space<vmem>>)
      tpu.yield
    }) : () -> ()
    %add3A_814 = arith.constant 320 : i32
    %add3A_815 = arith.addi %mul3A_0, %add3A_814 : i32
    "tpu.region"() ({
      %run_scoped3A_828 = tpu.sem_alloc : memref<!tpu.dma_semaphore, #tpu.memory_space<semaphore_mem>>
      %dma_start3A_829 = arith.constant 0 : i32
      %dma_start3A_830 = tpu.memref_slice %arg8[%arg0, %add3A_815, %dma_start3A_829] : memref<2x10240x128xf32, #tpu.memory_space<hbm>> -> memref<1x80x128xf32, #tpu.memory_space<hbm>>
      %dma_start3A_831 = tpu.memref_squeeze %dma_start3A_830 : memref<1x80x128xf32, #tpu.memory_space<hbm>> -> memref<80x128xf32, #tpu.memory_space<hbm>>
      %dma_start3A_832 = arith.constant 0 : i32
      %dma_start3A_833 = tpu.memref_slice %arg8[%arg0, %add3A_815, %dma_start3A_832] : memref<2x10240x128xf32, #tpu.memory_space<hbm>> -> memref<1x80x128xf32, #tpu.memory_space<hbm>>
      %dma_start3A_834 = tpu.memref_squeeze %dma_start3A_833 : memref<1x80x128xf32, #tpu.memory_space<hbm>> -> memref<80x128xf32, #tpu.memory_space<hbm>>
      tpu.enqueue_dma source(%arg14 : memref<80x128xf32, #tpu.memory_space<vmem>>) target(%dma_start3A_834 : memref<80x128xf32, #tpu.memory_space<hbm>>) target_semaphore(%run_scoped3A_828 : memref<!tpu.dma_semaphore, #tpu.memory_space<semaphore_mem>>)
      %dma_wait3A_835 = arith.constant 0 : i32
      %dma_wait3A_836 = tpu.memref_slice %arg8[%arg0, %add3A_815, %dma_wait3A_835] : memref<2x10240x128xf32, #tpu.memory_space<hbm>> -> memref<1x80x128xf32, #tpu.memory_space<hbm>>
      %dma_wait3A_837 = tpu.memref_squeeze %dma_wait3A_836 : memref<1x80x128xf32, #tpu.memory_space<hbm>> -> memref<80x128xf32, #tpu.memory_space<hbm>>
      %dma_wait3A_838 = arith.constant 0 : i32
      %dma_wait3A_839 = tpu.memref_slice %arg8[%arg0, %add3A_815, %dma_wait3A_838] : memref<2x10240x128xf32, #tpu.memory_space<hbm>> -> memref<1x80x128xf32, #tpu.memory_space<hbm>>
      %dma_wait3A_840 = tpu.memref_squeeze %dma_wait3A_839 : memref<1x80x128xf32, #tpu.memory_space<hbm>> -> memref<80x128xf32, #tpu.memory_space<hbm>>
      tpu.wait_dma2 semaphore(%run_scoped3A_828 : memref<!tpu.dma_semaphore, #tpu.memory_space<semaphore_mem>>) src(%arg14 : memref<80x128xf32, #tpu.memory_space<vmem>>) dst(%dma_wait3A_840 : memref<80x128xf32, #tpu.memory_space<hbm>>)
      tpu.yield
    }) : () -> ()
    %add3A_816 = arith.constant 400 : i32
    %add3A_817 = arith.addi %mul3A_0, %add3A_816 : i32
    "tpu.region"() ({
      %run_scoped3A_828 = tpu.sem_alloc : memref<!tpu.dma_semaphore, #tpu.memory_space<semaphore_mem>>
      %dma_start3A_829 = arith.constant 0 : i32
      %dma_start3A_830 = tpu.memref_slice %arg15[%add3A_817, %dma_start3A_829] : memref<10240x128xf32, #tpu.memory_space<vmem_shared>> -> memref<80x128xf32, #tpu.memory_space<vmem_shared>>
      %dma_start3A_831 = arith.constant 0 : i32
      %dma_start3A_832 = tpu.memref_slice %arg15[%add3A_817, %dma_start3A_831] : memref<10240x128xf32, #tpu.memory_space<vmem_shared>> -> memref<80x128xf32, #tpu.memory_space<vmem_shared>>
      tpu.enqueue_dma source(%dma_start3A_832 : memref<80x128xf32, #tpu.memory_space<vmem_shared>>) target(%arg14 : memref<80x128xf32, #tpu.memory_space<vmem>>) target_semaphore(%run_scoped3A_828 : memref<!tpu.dma_semaphore, #tpu.memory_space<semaphore_mem>>)
      %dma_wait3A_833 = arith.constant 0 : i32
      %dma_wait3A_834 = tpu.memref_slice %arg15[%add3A_817, %dma_wait3A_833] : memref<10240x128xf32, #tpu.memory_space<vmem_shared>> -> memref<80x128xf32, #tpu.memory_space<vmem_shared>>
      %dma_wait3A_835 = arith.constant 0 : i32
      %dma_wait3A_836 = tpu.memref_slice %arg15[%add3A_817, %dma_wait3A_835] : memref<10240x128xf32, #tpu.memory_space<vmem_shared>> -> memref<80x128xf32, #tpu.memory_space<vmem_shared>>
      tpu.wait_dma2 semaphore(%run_scoped3A_828 : memref<!tpu.dma_semaphore, #tpu.memory_space<semaphore_mem>>) src(%dma_wait3A_836 : memref<80x128xf32, #tpu.memory_space<vmem_shared>>) dst(%arg14 : memref<80x128xf32, #tpu.memory_space<vmem>>)
      tpu.yield
    }) : () -> ()
    %add3A_818 = arith.constant 400 : i32
    %add3A_819 = arith.addi %mul3A_0, %add3A_818 : i32
    "tpu.region"() ({
      %run_scoped3A_828 = tpu.sem_alloc : memref<!tpu.dma_semaphore, #tpu.memory_space<semaphore_mem>>
      %dma_start3A_829 = arith.constant 0 : i32
      %dma_start3A_830 = tpu.memref_slice %arg8[%arg0, %add3A_819, %dma_start3A_829] : memref<2x10240x128xf32, #tpu.memory_space<hbm>> -> memref<1x80x128xf32, #tpu.memory_space<hbm>>
      %dma_start3A_831 = tpu.memref_squeeze %dma_start3A_830 : memref<1x80x128xf32, #tpu.memory_space<hbm>> -> memref<80x128xf32, #tpu.memory_space<hbm>>
      %dma_start3A_832 = arith.constant 0 : i32
      %dma_start3A_833 = tpu.memref_slice %arg8[%arg0, %add3A_819, %dma_start3A_832] : memref<2x10240x128xf32, #tpu.memory_space<hbm>> -> memref<1x80x128xf32, #tpu.memory_space<hbm>>
      %dma_start3A_834 = tpu.memref_squeeze %dma_start3A_833 : memref<1x80x128xf32, #tpu.memory_space<hbm>> -> memref<80x128xf32, #tpu.memory_space<hbm>>
      tpu.enqueue_dma source(%arg14 : memref<80x128xf32, #tpu.memory_space<vmem>>) target(%dma_start3A_834 : memref<80x128xf32, #tpu.memory_space<hbm>>) target_semaphore(%run_scoped3A_828 : memref<!tpu.dma_semaphore, #tpu.memory_space<semaphore_mem>>)
      %dma_wait3A_835 = arith.constant 0 : i32
      %dma_wait3A_836 = tpu.memref_slice %arg8[%arg0, %add3A_819, %dma_wait3A_835] : memref<2x10240x128xf32, #tpu.memory_space<hbm>> -> memref<1x80x128xf32, #tpu.memory_space<hbm>>
      %dma_wait3A_837 = tpu.memref_squeeze %dma_wait3A_836 : memref<1x80x128xf32, #tpu.memory_space<hbm>> -> memref<80x128xf32, #tpu.memory_space<hbm>>
      %dma_wait3A_838 = arith.constant 0 : i32
      %dma_wait3A_839 = tpu.memref_slice %arg8[%arg0, %add3A_819, %dma_wait3A_838] : memref<2x10240x128xf32, #tpu.memory_space<hbm>> -> memref<1x80x128xf32, #tpu.memory_space<hbm>>
      %dma_wait3A_840 = tpu.memref_squeeze %dma_wait3A_839 : memref<1x80x128xf32, #tpu.memory_space<hbm>> -> memref<80x128xf32, #tpu.memory_space<hbm>>
      tpu.wait_dma2 semaphore(%run_scoped3A_828 : memref<!tpu.dma_semaphore, #tpu.memory_space<semaphore_mem>>) src(%arg14 : memref<80x128xf32, #tpu.memory_space<vmem>>) dst(%dma_wait3A_840 : memref<80x128xf32, #tpu.memory_space<hbm>>)
      tpu.yield
    }) : () -> ()
    %add3A_820 = arith.constant 480 : i32
    %add3A_821 = arith.addi %mul3A_0, %add3A_820 : i32
    "tpu.region"() ({
      %run_scoped3A_828 = tpu.sem_alloc : memref<!tpu.dma_semaphore, #tpu.memory_space<semaphore_mem>>
      %dma_start3A_829 = arith.constant 0 : i32
      %dma_start3A_830 = tpu.memref_slice %arg15[%add3A_821, %dma_start3A_829] : memref<10240x128xf32, #tpu.memory_space<vmem_shared>> -> memref<80x128xf32, #tpu.memory_space<vmem_shared>>
      %dma_start3A_831 = arith.constant 0 : i32
      %dma_start3A_832 = tpu.memref_slice %arg15[%add3A_821, %dma_start3A_831] : memref<10240x128xf32, #tpu.memory_space<vmem_shared>> -> memref<80x128xf32, #tpu.memory_space<vmem_shared>>
      tpu.enqueue_dma source(%dma_start3A_832 : memref<80x128xf32, #tpu.memory_space<vmem_shared>>) target(%arg14 : memref<80x128xf32, #tpu.memory_space<vmem>>) target_semaphore(%run_scoped3A_828 : memref<!tpu.dma_semaphore, #tpu.memory_space<semaphore_mem>>)
      %dma_wait3A_833 = arith.constant 0 : i32
      %dma_wait3A_834 = tpu.memref_slice %arg15[%add3A_821, %dma_wait3A_833] : memref<10240x128xf32, #tpu.memory_space<vmem_shared>> -> memref<80x128xf32, #tpu.memory_space<vmem_shared>>
      %dma_wait3A_835 = arith.constant 0 : i32
      %dma_wait3A_836 = tpu.memref_slice %arg15[%add3A_821, %dma_wait3A_835] : memref<10240x128xf32, #tpu.memory_space<vmem_shared>> -> memref<80x128xf32, #tpu.memory_space<vmem_shared>>
      tpu.wait_dma2 semaphore(%run_scoped3A_828 : memref<!tpu.dma_semaphore, #tpu.memory_space<semaphore_mem>>) src(%dma_wait3A_836 : memref<80x128xf32, #tpu.memory_space<vmem_shared>>) dst(%arg14 : memref<80x128xf32, #tpu.memory_space<vmem>>)
      tpu.yield
    }) : () -> ()
    %add3A_822 = arith.constant 480 : i32
    %add3A_823 = arith.addi %mul3A_0, %add3A_822 : i32
    "tpu.region"() ({
      %run_scoped3A_828 = tpu.sem_alloc : memref<!tpu.dma_semaphore, #tpu.memory_space<semaphore_mem>>
      %dma_start3A_829 = arith.constant 0 : i32
      %dma_start3A_830 = tpu.memref_slice %arg8[%arg0, %add3A_823, %dma_start3A_829] : memref<2x10240x128xf32, #tpu.memory_space<hbm>> -> memref<1x80x128xf32, #tpu.memory_space<hbm>>
      %dma_start3A_831 = tpu.memref_squeeze %dma_start3A_830 : memref<1x80x128xf32, #tpu.memory_space<hbm>> -> memref<80x128xf32, #tpu.memory_space<hbm>>
      %dma_start3A_832 = arith.constant 0 : i32
      %dma_start3A_833 = tpu.memref_slice %arg8[%arg0, %add3A_823, %dma_start3A_832] : memref<2x10240x128xf32, #tpu.memory_space<hbm>> -> memref<1x80x128xf32, #tpu.memory_space<hbm>>
      %dma_start3A_834 = tpu.memref_squeeze %dma_start3A_833 : memref<1x80x128xf32, #tpu.memory_space<hbm>> -> memref<80x128xf32, #tpu.memory_space<hbm>>
      tpu.enqueue_dma source(%arg14 : memref<80x128xf32, #tpu.memory_space<vmem>>) target(%dma_start3A_834 : memref<80x128xf32, #tpu.memory_space<hbm>>) target_semaphore(%run_scoped3A_828 : memref<!tpu.dma_semaphore, #tpu.memory_space<semaphore_mem>>)
      %dma_wait3A_835 = arith.constant 0 : i32
      %dma_wait3A_836 = tpu.memref_slice %arg8[%arg0, %add3A_823, %dma_wait3A_835] : memref<2x10240x128xf32, #tpu.memory_space<hbm>> -> memref<1x80x128xf32, #tpu.memory_space<hbm>>
      %dma_wait3A_837 = tpu.memref_squeeze %dma_wait3A_836 : memref<1x80x128xf32, #tpu.memory_space<hbm>> -> memref<80x128xf32, #tpu.memory_space<hbm>>
      %dma_wait3A_838 = arith.constant 0 : i32
      %dma_wait3A_839 = tpu.memref_slice %arg8[%arg0, %add3A_823, %dma_wait3A_838] : memref<2x10240x128xf32, #tpu.memory_space<hbm>> -> memref<1x80x128xf32, #tpu.memory_space<hbm>>
      %dma_wait3A_840 = tpu.memref_squeeze %dma_wait3A_839 : memref<1x80x128xf32, #tpu.memory_space<hbm>> -> memref<80x128xf32, #tpu.memory_space<hbm>>
      tpu.wait_dma2 semaphore(%run_scoped3A_828 : memref<!tpu.dma_semaphore, #tpu.memory_space<semaphore_mem>>) src(%arg14 : memref<80x128xf32, #tpu.memory_space<vmem>>) dst(%dma_wait3A_840 : memref<80x128xf32, #tpu.memory_space<hbm>>)
      tpu.yield
    }) : () -> ()
    %add3A_824 = arith.constant 560 : i32
    %add3A_825 = arith.addi %mul3A_0, %add3A_824 : i32
    "tpu.region"() ({
      %run_scoped3A_828 = tpu.sem_alloc : memref<!tpu.dma_semaphore, #tpu.memory_space<semaphore_mem>>
      %dma_start3A_829 = arith.constant 0 : i32
      %dma_start3A_830 = tpu.memref_slice %arg15[%add3A_825, %dma_start3A_829] : memref<10240x128xf32, #tpu.memory_space<vmem_shared>> -> memref<80x128xf32, #tpu.memory_space<vmem_shared>>
      %dma_start3A_831 = arith.constant 0 : i32
      %dma_start3A_832 = tpu.memref_slice %arg15[%add3A_825, %dma_start3A_831] : memref<10240x128xf32, #tpu.memory_space<vmem_shared>> -> memref<80x128xf32, #tpu.memory_space<vmem_shared>>
      tpu.enqueue_dma source(%dma_start3A_832 : memref<80x128xf32, #tpu.memory_space<vmem_shared>>) target(%arg14 : memref<80x128xf32, #tpu.memory_space<vmem>>) target_semaphore(%run_scoped3A_828 : memref<!tpu.dma_semaphore, #tpu.memory_space<semaphore_mem>>)
      %dma_wait3A_833 = arith.constant 0 : i32
      %dma_wait3A_834 = tpu.memref_slice %arg15[%add3A_825, %dma_wait3A_833] : memref<10240x128xf32, #tpu.memory_space<vmem_shared>> -> memref<80x128xf32, #tpu.memory_space<vmem_shared>>
      %dma_wait3A_835 = arith.constant 0 : i32
      %dma_wait3A_836 = tpu.memref_slice %arg15[%add3A_825, %dma_wait3A_835] : memref<10240x128xf32, #tpu.memory_space<vmem_shared>> -> memref<80x128xf32, #tpu.memory_space<vmem_shared>>
      tpu.wait_dma2 semaphore(%run_scoped3A_828 : memref<!tpu.dma_semaphore, #tpu.memory_space<semaphore_mem>>) src(%dma_wait3A_836 : memref<80x128xf32, #tpu.memory_space<vmem_shared>>) dst(%arg14 : memref<80x128xf32, #tpu.memory_space<vmem>>)
      tpu.yield
    }) : () -> ()
    %add3A_826 = arith.constant 560 : i32
    %add3A_827 = arith.addi %mul3A_0, %add3A_826 : i32
    "tpu.region"() ({
      %run_scoped3A_828 = tpu.sem_alloc : memref<!tpu.dma_semaphore, #tpu.memory_space<semaphore_mem>>
      %dma_start3A_829 = arith.constant 0 : i32
      %dma_start3A_830 = tpu.memref_slice %arg8[%arg0, %add3A_827, %dma_start3A_829] : memref<2x10240x128xf32, #tpu.memory_space<hbm>> -> memref<1x80x128xf32, #tpu.memory_space<hbm>>
      %dma_start3A_831 = tpu.memref_squeeze %dma_start3A_830 : memref<1x80x128xf32, #tpu.memory_space<hbm>> -> memref<80x128xf32, #tpu.memory_space<hbm>>
      %dma_start3A_832 = arith.constant 0 : i32
      %dma_start3A_833 = tpu.memref_slice %arg8[%arg0, %add3A_827, %dma_start3A_832] : memref<2x10240x128xf32, #tpu.memory_space<hbm>> -> memref<1x80x128xf32, #tpu.memory_space<hbm>>
      %dma_start3A_834 = tpu.memref_squeeze %dma_start3A_833 : memref<1x80x128xf32, #tpu.memory_space<hbm>> -> memref<80x128xf32, #tpu.memory_space<hbm>>
      tpu.enqueue_dma source(%arg14 : memref<80x128xf32, #tpu.memory_space<vmem>>) target(%dma_start3A_834 : memref<80x128xf32, #tpu.memory_space<hbm>>) target_semaphore(%run_scoped3A_828 : memref<!tpu.dma_semaphore, #tpu.memory_space<semaphore_mem>>)
      %dma_wait3A_835 = arith.constant 0 : i32
      %dma_wait3A_836 = tpu.memref_slice %arg8[%arg0, %add3A_827, %dma_wait3A_835] : memref<2x10240x128xf32, #tpu.memory_space<hbm>> -> memref<1x80x128xf32, #tpu.memory_space<hbm>>
      %dma_wait3A_837 = tpu.memref_squeeze %dma_wait3A_836 : memref<1x80x128xf32, #tpu.memory_space<hbm>> -> memref<80x128xf32, #tpu.memory_space<hbm>>
      %dma_wait3A_838 = arith.constant 0 : i32
      %dma_wait3A_839 = tpu.memref_slice %arg8[%arg0, %add3A_827, %dma_wait3A_838] : memref<2x10240x128xf32, #tpu.memory_space<hbm>> -> memref<1x80x128xf32, #tpu.memory_space<hbm>>
      %dma_wait3A_840 = tpu.memref_squeeze %dma_wait3A_839 : memref<1x80x128xf32, #tpu.memory_space<hbm>> -> memref<80x128xf32, #tpu.memory_space<hbm>>
      tpu.wait_dma2 semaphore(%run_scoped3A_828 : memref<!tpu.dma_semaphore, #tpu.memory_space<semaphore_mem>>) src(%arg14 : memref<80x128xf32, #tpu.memory_space<vmem>>) dst(%dma_wait3A_840 : memref<80x128xf32, #tpu.memory_space<hbm>>)
      tpu.yield
    }) : () -> ()
    return
  }
}

module attributes {stable_mosaic.version = 14 : i64} {
  func.func @_tc_body(%arg0: i32, %arg1: memref<1x1000x128xf32, #tpu.memory_space<vmem>>, %arg2: memref<1x1000x128xf32, #tpu.memory_space<vmem>>, %arg3: memref<1x1000x128xf32, #tpu.memory_space<vmem>>, %arg4: memref<1x1000x128xf32, #tpu.memory_space<vmem>>, %arg5: memref<1000x128xf32, #tpu.memory_space<vmem>>, %arg6: memref<128x128xf32, #tpu.memory_space<vmem>>, %arg7: memref<128x128xf32, #tpu.memory_space<vmem>>, %arg8: memref<1x128xf32, #tpu.memory_space<vmem>>, %arg9: memref<1000x128xf32, #tpu.memory_space<vmem>>) attributes {dimension_semantics = [#tpu.dimension_semantics<arbitrary>], iteration_bounds = array<i64: 10>, scalar_prefetch = 0 : i64, scratch_operands = 0 : i64, tpu.core_type = #tpu.core_type<tc>, window_params = [{transform_indices = @transform_0, window_bounds = array<i64: 1, 1000, 128>}, {transform_indices = @transform_1, window_bounds = array<i64: 1, 1000, 128>}, {transform_indices = @transform_2, window_bounds = array<i64: 1, 1000, 128>}, {transform_indices = @transform_3, window_bounds = array<i64: 1, 1000, 128>}, {transform_indices = @transform_4, window_bounds = array<i64: 1000, 128>}, {pipeline_mode = #tpu.pipeline_mode<synchronous>, transform_indices = @transform_5, window_bounds = array<i64: 128, 128>}, {pipeline_mode = #tpu.pipeline_mode<synchronous>, transform_indices = @transform_6, window_bounds = array<i64: 128, 128>}, {pipeline_mode = #tpu.pipeline_mode<synchronous>, transform_indices = @transform_7, window_bounds = array<i64: 1, 128>}, {transform_indices = @transform_8, window_bounds = array<i64: 1000, 128>}]} {
    %get3A = arith.constant 0 : index
    %get3A_0 = arith.constant 0 : index
    %get3A_1 = arith.constant 0 : index
    %get3A_2 = vector.load %arg3[%get3A, %get3A_0, %get3A_1] : memref<1x1000x128xf32, #tpu.memory_space<vmem>>, vector<1x1000x128xf32>
    %get3A_3 = vector.shape_cast %get3A_2 : vector<1x1000x128xf32> to vector<1000x128xf32>
    %get3A_4 = arith.constant 0 : index
    %get3A_5 = arith.constant 0 : index
    %get3A_6 = arith.constant 0 : index
    %get3A_7 = vector.load %arg4[%get3A_4, %get3A_5, %get3A_6] : memref<1x1000x128xf32, #tpu.memory_space<vmem>>, vector<1x1000x128xf32>
    %get3A_8 = vector.shape_cast %get3A_7 : vector<1x1000x128xf32> to vector<1000x128xf32>
    %add3A = arith.addf %get3A_3, %get3A_8 : vector<1000x128xf32>
    %slice3A = vector.extract_strided_slice %add3A {offsets = [0, 0], sizes = [1000, 1], strides = [1, 1]} : vector<1000x128xf32> to vector<1000x1xf32>
    %max3A = arith.constant 1.000000e+00 : f32
    %max3A_9 = vector.broadcast %max3A : f32 to vector<1000x1xf32>
    %max3A_10 = arith.maximumf %slice3A, %max3A_9 : vector<1000x1xf32>
    %get3A_11 = arith.constant 0 : index
    %get3A_12 = arith.constant 0 : index
    %get3A_13 = arith.constant 0 : index
    %get3A_14 = vector.load %arg1[%get3A_11, %get3A_12, %get3A_13] : memref<1x1000x128xf32, #tpu.memory_space<vmem>>, vector<1x1000x128xf32>
    %get3A_15 = vector.shape_cast %get3A_14 : vector<1x1000x128xf32> to vector<1000x128xf32>
    %get3A_16 = arith.constant 0 : index
    %get3A_17 = arith.constant 0 : index
    %get3A_18 = arith.constant 0 : index
    %get3A_19 = vector.load %arg2[%get3A_16, %get3A_17, %get3A_18] : memref<1x1000x128xf32, #tpu.memory_space<vmem>>, vector<1x1000x128xf32>
    %get3A_20 = vector.shape_cast %get3A_19 : vector<1x1000x128xf32> to vector<1000x128xf32>
    %add3A_21 = arith.addf %get3A_15, %get3A_20 : vector<1000x128xf32>
    %div3A = vector.broadcast %max3A_10 : vector<1000x1xf32> to vector<1000x128xf32>
    %div3A_22 = arith.divf %add3A_21, %div3A : vector<1000x128xf32>
    %get3A_23 = arith.constant 0 : index
    %get3A_24 = arith.constant 0 : index
    %get3A_25 = vector.load %arg6[%get3A_23, %get3A_24] : memref<128x128xf32, #tpu.memory_space<vmem>>, vector<128x128xf32>
    %dot_general3A = arith.constant dense<0.000000e+00> : vector<1000x128xf32>
    %dot_general3A_26 = tpu.matmul %div3A_22, %get3A_25, %dot_general3A {dimension_numbers = #tpu.dot_dimension_numbers<[1], [0], [0], [1], [0, 0, 1, 1], [], []>, transpose_lhs_hint = false} : vector<1000x128xf32>, vector<128x128xf32>, vector<1000x128xf32> -> vector<1000x128xf32>
    %get3A_27 = arith.constant 0 : index
    %get3A_28 = arith.constant 0 : index
    %get3A_29 = vector.load %arg5[%get3A_27, %get3A_28] : memref<1000x128xf32, #tpu.memory_space<vmem>>, vector<1000x128xf32>
    %get3A_30 = arith.constant 0 : index
    %get3A_31 = arith.constant 0 : index
    %get3A_32 = vector.load %arg7[%get3A_30, %get3A_31] : memref<128x128xf32, #tpu.memory_space<vmem>>, vector<128x128xf32>
    %dot_general3A_33 = arith.constant dense<0.000000e+00> : vector<1000x128xf32>
    %dot_general3A_34 = tpu.matmul %get3A_29, %get3A_32, %dot_general3A_33 {dimension_numbers = #tpu.dot_dimension_numbers<[1], [0], [0], [1], [0, 0, 1, 1], [], []>, transpose_lhs_hint = false} : vector<1000x128xf32>, vector<128x128xf32>, vector<1000x128xf32> -> vector<1000x128xf32>
    %add3A_35 = arith.addf %dot_general3A_26, %dot_general3A_34 : vector<1000x128xf32>
    %get3A_36 = arith.constant 0 : index
    %get3A_37 = arith.constant 0 : index
    %get3A_38 = vector.load %arg8[%get3A_36, %get3A_37] : memref<1x128xf32, #tpu.memory_space<vmem>>, vector<1x128xf32>
    %add3A_39 = vector.broadcast %get3A_38 : vector<1x128xf32> to vector<1000x128xf32>
    %add3A_40 = arith.addf %add3A_35, %add3A_39 : vector<1000x128xf32>
    %swap3A = arith.constant 0 : index
    %swap3A_41 = arith.constant 0 : index
    %swap3A_42 = vector.load %arg9[%swap3A, %swap3A_41] : memref<1000x128xf32, #tpu.memory_space<vmem>>, vector<1000x128xf32>
    tpu.vector_store %arg9[%swap3A, %swap3A_41], %add3A_40 {strides = array<i32>} : memref<1000x128xf32, #tpu.memory_space<vmem>>, vector<1000x128xf32>,
    return
  }
  func.func @transform_0(%arg0: i32) -> (i32, i32, i32) {
    %c0_i32 = arith.constant 0 : i32
    %c0_i32_0 = arith.constant 0 : i32
    %c0_i32_1 = arith.constant 0 : i32
    return %c0_i32, %arg0, %c0_i32_0 : i32, i32, i32
  }
  func.func @transform_1(%arg0: i32) -> (i32, i32, i32) {
    %c1_i32 = arith.constant 1 : i32
    %c0_i32 = arith.constant 0 : i32
    %c0_i32_0 = arith.constant 0 : i32
    return %c1_i32, %arg0, %c0_i32 : i32, i32, i32
  }
  func.func @transform_2(%arg0: i32) -> (i32, i32, i32) {
    %c0_i32 = arith.constant 0 : i32
    %c0_i32_0 = arith.constant 0 : i32
    %c0_i32_1 = arith.constant 0 : i32
    return %c0_i32, %arg0, %c0_i32_0 : i32, i32, i32
  }
  func.func @transform_3(%arg0: i32) -> (i32, i32, i32) {
    %c1_i32 = arith.constant 1 : i32
    %c0_i32 = arith.constant 0 : i32
    %c0_i32_0 = arith.constant 0 : i32
    return %c1_i32, %arg0, %c0_i32 : i32, i32, i32
  }
  func.func @transform_4(%arg0: i32) -> (i32, i32) {
    %c0_i32 = arith.constant 0 : i32
    %c0_i32_0 = arith.constant 0 : i32
    return %arg0, %c0_i32 : i32, i32
  }
  func.func @transform_5(%arg0: i32) -> (i32, i32) {
    %c0_i32 = arith.constant 0 : i32
    %c0_i32_0 = arith.constant 0 : i32
    %c0_i32_1 = arith.constant 0 : i32
    return %c0_i32, %c0_i32_0 : i32, i32
  }
  func.func @transform_6(%arg0: i32) -> (i32, i32) {
    %c0_i32 = arith.constant 0 : i32
    %c0_i32_0 = arith.constant 0 : i32
    %c0_i32_1 = arith.constant 0 : i32
    return %c0_i32, %c0_i32_0 : i32, i32
  }
  func.func @transform_7(%arg0: i32) -> (i32, i32) {
    %c0_i32 = arith.constant 0 : i32
    %c0_i32_0 = arith.constant 0 : i32
    %c0_i32_1 = arith.constant 0 : i32
    return %c0_i32, %c0_i32_0 : i32, i32
  }
  func.func @transform_8(%arg0: i32) -> (i32, i32) {
    %c0_i32 = arith.constant 0 : i32
    %c0_i32_0 = arith.constant 0 : i32
    return %arg0, %c0_i32 : i32, i32
  }
}

</mosaic_0001>

<sc_bundles>
// kernel: kernel.4.cloned.1.call-start
scs
__scs_entry_jumppad:
0x0: {  	(pc) =	sbr.rel $0x88, $3  }
0x1: {  	(tag) =	ssettag $0x0;
	lr =	simm.s32 $0x1  }
0x2: {  	[smem:$0x3F9C] =	sst lr;
	_ =	strace $0xD0000000  }
0x3: {  	_ = 	snop  }
0x4: {  	_ = 	snop  }
0x5: {  	_ = 	snop  }
0x6: {  	_ = 	snop  }
0x7: {  	_ = 	snop  }
__scs_overlays_trampoline_lowered:
0x8: {  	[smem:$0x3FAB] =	sst s0  }
0x9: {  	[smem:$0x3FAC] =	sst s1  }
0xa: {  	[smem:$0x3FAD] =	sst s2  }
0xb: {  	[smem:$0x3FAE] =	sst s3  }
0xc: {  	[smem:$0x3FAF] =	sst s4  }
0xd: {  	[smem:$0x3FB0] =	sst s5  }
0xe: {  	[smem:$0x3FB1] =	sst s6  }
0xf: {  	[smem:$0x3FB2] =	sst s7  }
0x10: {  	[smem:$0x3FB3] =	sst s8  }
0x11: {  	[smem:$0x3FB4] =	sst s9;
	s0 =	simm.s32 @!p0 $0x0  }
0x12: {  	s1 =	sld [smem:$0x3F9A];
	s0 =	simm.s32 @p0 $0x1  }
0x13: {  	[smem:$0x3FB5] =	sst s0;
	s0 =	simm.s32 @!p1 $0x0  }
0x14: {  	s2 =	sld [smem:$0x3F99];
	s0 =	simm.s32 @p1 $0x1  }
0x15: {  	[smem:$0x3FB6] =	sst s0;
	s0 =	simm.s32 @!p2 $0x0  }
0x16: {  	s3 =	sld [smem:$0x3FDB];
	s0 =	simm.s32 @p2 $0x1  }
0x17: {  	s4 =	simm.s32 $0x1BF5;
	[smem:$0x3FB8] =	sst s0  }
0x18: {  	s0 =	sld [smem:$0x3F9B];
	_ =	swait.ge [sflag:s4], $0x0  }
0x19: {  	s7 =	sld [smem:$0x3F9C]  }
0x1a: {  	s8 =	sadd.s32 $0xFFFFE003, lr  }
0x1b: {  	s9 =	sadd.s32 $0xFFFFFEF7, lr;
	s5 =	simm.s32 $0xFFFFFFFF;
	p2 =	slt.u32 s8, $0xFFFFF086  }
0x1c: {  	p1 =	slt.u32 s9, $0xF7A;
	s5 =	simm.s32 @!p2 $0x0  }
0x1d: {  	s5 =	simm.s32 @p1 $0x1;
	p0 =	seq.s32 s7, s2  }
0x1e: {  	s7 =	smul.u32 @!p0 $0xF7A, s2;
	p2 =	seq.s32 @!p0 s5, $0x0  }
0x1f: {  	s9 =	smul.u32 $0xF7A, s1;
	s8 =	simm.s32 @!p0 $0x1BF5;
	p2 =	por !p2, p0  }
0x20: {  	[sflag:s8] =	ssyncset.s32 @!p0 $0xFFFFF086;
	s6 =	sadd.s32 @!p0 s3, s7;
	s7 =	simm.s32 @!p0 $0x108  }
0x21: {  	s3 =	sadd.s32 s3, s9;
	s6 =	sadd.s32 @!p0 $0x88, s6;
	s7 =	simm.s32 @p2 $0x1082  }
0x22: {  	[simem:s7], [sflag:s8] =	dma.local @!p0 [hbm:s6], $0xF7A  }
0x23: {  	s9 =	sor.u32 $0xD0000000, s2;
	s6 =	simm.s32 $0x108;
	_ =	swait.ge @!p0 [sflag:s8], $0x0  }
0x24: {  	s3 =	sadd.s32 $0x88, s3;
	s6 =	simm.s32 @!p1 $0x1082;
	[sflag:s4] =	ssyncset.s32 $0xFFFFF086  }
0x25: {  	[simem:s6], [sflag:s4] =	dma.local [hbm:s3], $0xF7A  }
0x26: {  	[smem:$0x3F9C] =	sst s1;
	(tag) =	ssettag s2;
	_ =	strace s9  }
0x27: {  	s1 =	sld [smem:$0x3FAC]  }
0x28: {  	s2 =	sld [smem:$0x3FAD]  }
0x29: {  	s4 =	sld [smem:$0x3FAF]  }
0x2a: {  	p0 =	seq.s32 s5, $0x0;
	s5 =	sld [smem:$0x3FB0]  }
0x2b: {  	s6 =	sld [smem:$0x3FB1]  }
0x2c: {  	s7 =	sld [smem:$0x3FB2]  }
0x2d: {  	s3 =	simm.s32 $0x108;
	s8 =	sld [smem:$0x3FB3]  }
0x2e: {  	s3 =	simm.s32 @!p0 $0x1082;
	s9 =	sld [smem:$0x3FB4]  }
0x2f: {  	lr =	sadd.s32 s0, s3;
	s0 =	sld [smem:$0x3FAB]  }
0x30: {  	s3 =	sld [smem:$0x3FAE]  }
0x31: {  	[smem:$0x3FB7] =	sst s10  }
0x32: {  	s10 =	sld [smem:$0x3FB5];
	_ =	sdelay $0x3  }
0x33: {  	p0 =	seq.s32 s10, $0x1;
	s10 =	sld [smem:$0x3FB7];
	_ =	sdelay $0x3  }
0x34: {  	[smem:$0x3FB7] =	sst s10  }
0x35: {  	s10 =	sld [smem:$0x3FB6];
	_ =	sdelay $0x3  }
0x36: {  	p1 =	seq.s32 s10, $0x1;
	s10 =	sld [smem:$0x3FB7];
	_ =	sdelay $0x3  }
0x37: {  	[smem:$0x3FB7] =	sst s10  }
0x38: {  	s10 =	sld [smem:$0x3FB8]  }
0x39: {  	_ = 	snop;
	(pc) =	sbr.ind lr, $3  }
0x3a: {  	_ = 	snop  }
0x3b: {  	_ = 	snop  }
0x3c: {  	p2 =	seq.s32 s10, $0x1;
	s10 =	sld [smem:$0x3FB7]  }
0x3d: {  	_ =	shalt  }
0x3e: {  	_ =	shalt  }
0x3f: {  	_ =	shalt  }
0x40: {  	_ =	shalt  }
0x41: {  	_ =	shalt  }
0x42: {  	_ =	shalt  }
0x43: {  	_ =	shalt  }
0x44: {  	_ =	shalt  }
0x45: {  	_ =	shalt  }
0x46: {  	_ =	shalt  }
0x47: {  	_ =	shalt  }
0x48: {  	_ =	shalt  }
0x49: {  	_ =	shalt  }
0x4a: {  	_ =	shalt  }
0x4b: {  	_ =	shalt  }
0x4c: {  	_ =	shalt  }
0x4d: {  	_ =	shalt  }
0x4e: {  	_ =	shalt  }
0x4f: {  	_ =	shalt  }
0x50: {  	_ =	shalt  }
0x51: {  	_ =	shalt  }
0x52: {  	_ =	shalt  }
0x53: {  	_ =	shalt  }
0x54: {  	_ =	shalt  }
0x55: {  	_ =	shalt  }
0x56: {  	_ =	shalt  }
0x57: {  	_ =	shalt  }
0x58: {  	_ =	shalt  }
0x59: {  	_ =	shalt  }
0x5a: {  	_ =	shalt  }
0x5b: {  	_ =	shalt  }
0x5c: {  	_ =	shalt  }
0x5d: {  	_ =	shalt  }
0x5e: {  	_ =	shalt  }
0x5f: {  	_ =	shalt  }
0x60: {  	_ =	shalt  }
0x61: {  	_ =	shalt  }
0x62: {  	_ =	shalt  }
0x63: {  	_ =	shalt  }
0x64: {  	_ =	shalt  }
0x65: {  	_ =	shalt  }
0x66: {  	_ =	shalt  }
0x67: {  	_ =	shalt  }
0x68: {  	_ =	shalt  }
0x69: {  	_ =	shalt  }
0x6a: {  	_ =	shalt  }
0x6b: {  	_ =	shalt  }
0x6c: {  	_ =	shalt  }
0x6d: {  	_ =	shalt  }
0x6e: {  	_ =	shalt  }
0x6f: {  	_ =	shalt  }
0x70: {  	_ =	shalt  }
0x71: {  	_ =	shalt  }
0x72: {  	_ =	shalt  }
0x73: {  	_ =	shalt  }
0x74: {  	_ =	shalt  }
0x75: {  	_ =	shalt  }
0x76: {  	_ =	shalt  }
0x77: {  	_ =	shalt  }
0x78: {  	_ =	shalt  }
0x79: {  	_ =	shalt  }
0x7a: {  	_ =	shalt  }
0x7b: {  	_ =	shalt  }
0x7c: {  	_ =	shalt  }
0x7d: {  	_ =	shalt  }
0x7e: {  	_ =	shalt  }
0x7f: {  	_ =	shalt  }
0x80: {  	_ =	shalt  }
0x81: {  	_ =	shalt  }
0x82: {  	_ =	shalt  }
0x83: {  	_ =	shalt  }
0x84: {  	_ =	shalt  }
0x85: {  	_ =	shalt  }
0x86: {  	_ =	shalt  }
0x87: {  	_ =	shalt  }
.Lfunc_end0:
.L_simem_size_0:
called_computation_lowered:
.L_overlay_start_0:
0x88: {  	s2 =	sld [smem:$0x3FD9]  }
0x89: {  	s3 =	sld [smem:$0x3FFE];
	_ =	sdelay $0x1  }
0x8a: {  	s1 =	srdreg.scid  }
0x8b: {  	s0 =	sand.u32 $0x1, s1  }
0x8c: {  	s17 =	sshll.u32 s0, $0xA;
	s2 =	sadd.s32 s3, s2  }
0x8d: {  	s2 =	sadd.s32 s2, s17  }
0x8e: {  	[smem:$0x3FC3] =	sst s2  }
0x8f: {  	_ = 	snop  }
0x90: {  	s2 =	sld [smem:$0x3FC9]  }
0x91: {  	s18 =	sld [smem:$0x3FD0];
	(tm) =	ssettm $0x1  }
0x92: {  	s4 =	sld [smem:$0x3FFB];
	_ =	sdelay $0x3  }
0x93: {  	_ =	strace s4  }
0x94: {  	s4 =	sld [smem:$0x3FFC];
	_ =	sdelay $0x3  }
0x95: {  	_ =	strace s4  }
0x96: {  	s4 =	sld [smem:$0x3FFD];
	_ =	sdelay $0x3  }
0x97: {  	_ =	strace s4  }
0x98: {  	_ =	strace $0x8FFFFFFF  }
0x99: {  	s19 =	sld [smem:$0x3FDB];
	_ =	sdelay $0x1  }
0x9a: {  	s5 =	simm.s32 $_scs_section_size  }
0x9b: {  	s6 =	simm.s32 $_size__tile_overlayer_lowered;
	s7 =	simm.s32 $_tile_overlayer_lowered  }
0x9c: {  	s22 =	simm.s32 $0x1BFF;
	s21 =	sshll.u32 s7, $0x1;
	s4 =	sadd.s32 s5, s19  }
0x9d: {  	s8 =	simm.s32 $0x0;
	s20 =	sshll.u32 s6, $0x1;
	s6 =	sadd.s32 s21, s4  }
0x9e: {  	[timem:s8], [sflag:s22] =	dma.local [hbm:s6], s20  }
0x9f: {  	_ =	swait.ge [sflag:s22], s20  }
0xa0: {  	s5 =	ssub.s32 $0x0, s20;
	[sflag:s22] =	ssyncset.done $0x0  }
0xa1: {  	[sflag:s22] =	ssyncadd.s32 s5;
	_ =	sdelay $0x1  }
0xa2: {  	s23 =	simm.s32 $0x1B8B  }
0xa3: {  	_ =	swait.ge [sflag:s23], $0x1  }
0xa4: {  	[sflag:s23] =	ssyncset.done $0x0  }
0xa5: {  	s25 =	simm.s32 $0x1B8E;
	s24 =	sld [smem:$0x3FFE];
	[sflag:s23] =	ssyncadd.s32 $0xFFFFFFFF  }
0xa6: {  	s26 =	simm.s32 $execute0_lowered;
	[smem:$0x3FD2] =	sst s25  }
0xa7: {  	s6 =	sshll.u32 s26, $0x1;
	_ =	strace $0x80000046;
	[dreg:$0x1] =	wrdreg $0xFFFFFFFF  }
0xa8: {  	s28 =	simm.s32 $_size_execute0_lowered;
	s4 =	sadd.s32 s4, s6;
	[dreg:$0x0] =	wrdreg $0x0  }
0xa9: {  	s6 =	sshll.u32 s28, $0x1;
	[dreg:$0x2] =	wrdreg s4  }
0xaa: {  	[dreg:$0x3] =	wrdreg s6  }
0xab: {  	[dreg:$0x4] =	wrdreg $0xC0  }
0xac: {  	_ =	task [dreg:s8], $0x5FFFF  }
0xad: {  	[dreg:$0x1] =	wrdreg $0xFFFFFFFF  }
0xae: {  	[dreg:$0x0] =	wrdreg $0x60  }
0xaf: {  	[dreg:$0x2] =	wrdreg s2  }
0xb0: {  	[dreg:$0x3] =	wrdreg s24  }
0xb1: {  	[dreg:$0x4] =	wrdreg s18  }
0xb2: {  	[dreg:$0x5] =	wrdreg $0xC0000  }
0xb3: {  	[dreg:$0x6] =	wrdreg $0x9  }
0xb4: {  	_ =	task.clear_ibuf [dreg:s8], $0x7FFFF;
	_ =	strace $0x90000046  }
0xb5: {  	s29 =	simm.s32 $0x9;
	_ =	strace $0x80000048  }
0xb6: {  	_ =	swait.ge [sflag:s29], $0x1  }
0xb7: {  	[sflag:s29] =	ssyncadd.s32 $0xFFFFFFFF  }
0xb8: {  	_ =	strace $0x90000048  }
0xb9: {  	_ =	sfence  }
0xba: {  	s30 =	sld [smem:$0x0];
	_ =	sdelay $0x2  }
0xbb: {  	s31 =	sshll.u32 s1, $0xD;
	s1 =	sshrl.u32 s1, $0x2  }
0xbc: {  	s3 =	sand.u32 $0x4000, s31;
	s1 =	sadd.s32 s1, s30  }
0xbd: {  	s0 =	sor.u32 s3, s0;
	s1 =	sshll.u32 s1, $0x11  }
0xbe: {  	s0 =	sor.u32 s1, s0  }
0xbf: {  	s0 =	sadd.s32 $0x8F2B, s0  }
0xc0: {  	[sflag:s0] =	ssyncadd.remote.s32 $0x1  }
0xc1: {  	_ =	sfence.sel $0xFFFF  }
0xc2: {  	[dreg:$0x0] =	wrdreg $0xFFFFFFFF;
	(pc) =	sbr.abs _section_cstart, $3  }
0xc3: {  	[dreg:$0x1] =	wrdreg $0xFFFFFFFF  }
0xc4: {  	_ =	task.clear_ibuf [dreg:s8], $0x2FFFF;
	_ =	strace $0x9FFFFFFF  }
0xc5: {  	(tm) =	ssettm $0x7FFFFFFF  }
tec
execute0_lowered:
.L_overlay_start_1:
0x0: {  	(tag) =	ssettag $0x1  }
0x1: {  	s1 =	rddreg [dreg:$0x0]  }
0x2: {  	s0 =	rddreg [dreg:$0x1]  }
0x3: {  	s24 =	rddreg [dreg:$0x2];
	s25 =	stileid.u32  }
0x4: {  	s3 =	rddreg [dreg:$0x3];
	s13 =	smul.u32 $0x14000, s25  }
0x5: {  	s2 =	srdreg.scid;
	s15 =	smul.u32 $0x5000, s25  }
0x6: {  	s5 =	simm.s32 $0x0;
	s12 =	sand.u32 $0x1, s2;
	s19 =	smul.u32 $0x2800, s25  }
0x7: {  	[smem:$0x7FF] =	sst s5;
	s14 =	sadd.s32 $0x1200, s0;
	s11 =	smul.u32 $0x50000, s12  }
0x8: {  	s2 =	ssub.s32 $0x2, s12;
	_ =	strace $0x80000047;
	s16 =	smul.u32 $0x140000, s12  }
0x9: {  	s12 =	smul.u32 $0x28000, s12;
	s4 =	sshrl.u32 s2, $0x1;
	s6 =	sadd.s32 $0x5000, s13  }
0xa: {  	s7 =	sadd.s32 $0x7800, s13;
	s8 =	sadd.s32 $0xA000, s13;
	s9 =	sadd.s32 $0xC800, s13  }
0xb: {  	s10 =	sadd.s32 $0xF000, s13;
	s29 =	sadd.s32 $0x11800, s13;
	s2 =	ssub.s32 s2, s4  }
0xc: {  	s4 =	sor.u32 $0x2800, s13;
	s15 =	sadd.s32 s15, s11;
	s13 =	sadd.s32 s13, s16  }
0xd: {  	s18 =	sadd.s32 s16, s6;
	s12 =	sadd.s32 s19, s12;
	s21 =	sadd.s32 s16, s7  }
0xe: {  	s17 =	sshrl.u32 s15, $0x3;
	s13 =	sshrl.u32 s13, $0x3;
	s30 =	sadd.s32 s16, s4  }
0xf: {  	s18 =	sshrl.u32 s18, $0x3;
	s20 =	sadd.s32 $0xA0C00, s15;
	s11 =	sor.u32 $0xC00, s15  }
0x10: {  	s22 =	sadd.s32 $0xA0800, s15;
	s2 =	smax.u32 s2, $0x1;
	s26 =	sadd.s32 s14, s17  }
0x11: {  	s31 =	sshrl.u32 s20, $0x3;
	s20 =	sshrl.u32 s11, $0x3;
	[smem:$0x7F2] =	sst s2  }
0x12: {  	s23 =	sshrl.u32 s22, $0x3;
	s19 =	sadd.s32 s31, s14;
	[dreg:$0xa] =	wrdreg s26  }
0x13: {  	s22 =	sadd.s32 $0x2A000, s0;
	s20 =	sadd.s32 s20, s14;
	[dreg:$0x5] =	wrdreg s19  }
0x14: {  	s15 =	sor.u32 $0x800, s15;
	s28 =	sadd.s32 s22, s13;
	[dreg:$0x6] =	wrdreg s20  }
0x15: {  	s17 =	sshrl.u32 s30, $0x3;
	s19 =	sadd.s32 s23, s14;
	[dreg:$0xb] =	wrdreg s28  }
0x16: {  	s15 =	sshrl.u32 s15, $0x3;
	s28 =	sadd.s32 s22, s17;
	[dreg:$0x7] =	wrdreg s19  }
0x17: {  	s21 =	sshrl.u32 s21, $0x3;
	s14 =	sadd.s32 s15, s14;
	[dreg:$0xc] =	wrdreg s28  }
0x18: {  	s23 =	sadd.s32 $0x7A000, s0;
	s28 =	sadd.s32 s22, s18;
	[dreg:$0x8] =	wrdreg s14  }
0x19: {  	s30 =	sadd.s32 s16, s8;
	s13 =	sadd.s32 s23, s13;
	[dreg:$0xd] =	wrdreg s28  }
0x1a: {  	s31 =	sadd.s32 s16, s9;
	s17 =	sadd.s32 s23, s17;
	[dreg:$0x13] =	wrdreg s13  }
0x1b: {  	s20 =	sshrl.u32 s30, $0x3;
	s30 =	sadd.s32 s23, s21;
	[dreg:$0x14] =	wrdreg s17  }
0x1c: {  	s19 =	sshrl.u32 s31, $0x3;
	s31 =	sadd.s32 s23, s20;
	[dreg:$0x16] =	wrdreg s30  }
0x1d: {  	s11 =	sadd.s32 s16, s10;
	s28 =	sadd.s32 s22, s21;
	[dreg:$0x17] =	wrdreg s31  }
0x1e: {  	s15 =	sshrl.u32 s11, $0x3;
	s11 =	sadd.s32 s23, s19;
	[dreg:$0xe] =	wrdreg s28  }
0x1f: {  	s30 =	sadd.s32 $0x80, s26;
	[dreg:$0x18] =	wrdreg s11  }
0x20: {  	s31 =	sadd.s32 $0x14080, s26;
	[smem:$0x7F5] =	sst s30  }
0x21: {  	s8 =	sadd.s32 s8, s3;
	s28 =	sadd.s32 s22, s20;
	[smem:$0x7F6] =	sst s31  }
0x22: {  	s2 =	simm.s32 $0x800;
	s20 =	sadd.s32 $0x29200, s0;
	[dreg:$0xf] =	wrdreg s28  }
0x23: {  	s16 =	sadd.s32 s16, s29;
	s0 =	sadd.s32 $0x29A00, s0;
	[dreg:$0x1b] =	wrdreg s20  }
0x24: {  	s17 =	sadd.s32 $0xC00, s12;
	s11 =	sadd.s32 s10, s3;
	[dreg:$0x1c] =	wrdreg s0  }
0x25: {  	s13 =	sshrl.u32 s17, $0x3;
	s28 =	sadd.s32 s22, s19;
	[smem:$0x7FC] =	sst s11  }
0x26: {  	s16 =	sshrl.u32 s16, $0x3;
	s13 =	sadd.s32 s13, s24;
	[dreg:$0x10] =	wrdreg s28  }
0x27: {  	s14 =	simm.s32 $0x5800;
	s28 =	sadd.s32 s22, s15;
	[dreg:$0x9] =	wrdreg s13  }
0x28: {  	s17 =	simm.s32 $0xC00;
	s22 =	sadd.s32 s22, s16;
	[dreg:$0x11] =	wrdreg s28  }
0x29: {  	s10 =	simm.s32 $0x1;
	s15 =	sadd.s32 s23, s15;
	[dreg:$0x12] =	wrdreg s22  }
0x2a: {  	s20 =	simm.s32 $0x3;
	s16 =	sadd.s32 s23, s16;
	[dreg:$0x19] =	wrdreg s15  }
0x2b: {  	s13 =	sadd.s32 s29, s3;
	s29 =	sadd.s32 $0x14000, s26;
	[dreg:$0x1a] =	wrdreg s16  }
0x2c: {  	s22 =	sadd.s32 s23, s18;
	s18 =	smul.u32 $0x50000, s25;
	[smem:$0x7F4] =	sst s29  }
0x2d: {  	s25 =	sadd.s32 s7, s3;
	s28 =	sadd.s32 s9, s3;
	[smem:$0x7FD] =	sst s13  }
0x2e: {  	s23 =	sadd.s32 $0x800, s12;
	s15 =	simm.s32 $0x5;
	[dreg:$0x15] =	wrdreg s22  }
0x2f: {  	s7 =	simm.s32 $0x9800;
	s16 =	simm.s32 $0x400;
	[smem:$0x7F3] =	sst s23  }
0x30: {  	s22 =	sshrl.u32 s12, $0x3;
	s23 =	simm.s32 $0x80;
	[smem:$0x7F9] =	sst s25  }
0x31: {  	s12 =	simm.s32 $0x2;
	[smem:$0x7FB] =	sst s28;
	s0 =	sadd.s32 s24, s22  }
0x32: {  	s19 =	sshrl.u32 s18, $0x2;
	s18 =	sadd.s32 s4, s3;
	[smem:$0x7F7] =	sst s0  }
0x33: {  	s24 =	smov.u32 s8;
	s22 =	simm.s32 $0x1800;
	[dreg:$0x1e] =	wrdreg s18  }
0x34: {  	s8 =	simm.s32 $0x3800;
	s0 =	sadd.s32 $0x80, s0;
	[smem:$0x7FA] =	sst s24  }
0x35: {  	s21 =	sadd.s32 s19, s3;
	s19 =	sadd.s32 s6, s3;
	[smem:$0x7F8] =	sst s0  }
0x36: {  	s4 =	simm.s32 $0x0;
	s9 =	smov.u32 s21;
	[dreg:$0x1f] =	wrdreg s19  }
0x37: {  	s21 =	simm.s32 $0x40;
	s0 =	simm.s32 $0x4;
	[dreg:$0x1d] =	wrdreg s9  }
.LBB2_1:
0x38: {  	[smem:$0x7F1] =	sst s4  }
0x39: {  	s6 =	rddreg [dreg:$0x1b]  }
0x3a: {  	[tilespmem:s14], [sflag:$0x5] =	stream.linear.gather [hbm4b:s6+s5], $0x4000, $0x38;
	v63 =	vld [tilespmem:$0x0]  }
0x3b: {  	_ =	swait.ge [sflag:s15], $0x4000  }
0x3c: {  	[sflag:s15] =	ssyncset.done $0x0  }
0x3d: {  	s4 =	rddreg [dreg:$0x1c];
	[sflag:s15] =	ssyncadd.s32 $0xFFFFC000  }
0x3e: {  	[tilespmem:s7], [sflag:$0x5] =	stream.linear.gather [hbm4b:s4+s5], $0x2800, $0x38;
	v63 =	vld [tilespmem:$0x0]  }
0x3f: {  	_ =	swait.ge [sflag:s15], $0x2800  }
0x40: {  	[sflag:s15] =	ssyncset.done $0x0  }
0x41: {  	[sflag:s15] =	ssyncadd.s32 $0xFFFFD800  }
0x42: {  	[spmem:s9] =	stream.linear.scatter [tilespmem:s7], [sflag:$0x5], $0x2800, $0x38;
	v63 =	vld [tilespmem:$0x0]  }
0x43: {  	_ =	swait.ge [sflag:s15], $0x2800  }
0x44: {  	[sflag:s15] =	ssyncset.done $0x0  }
0x45: {  	[sflag:s15] =	ssyncadd.s32 $0xFFFFD800  }
0x46: {  	[spmem:s18] =	stream.linear.scatter [tilespmem:s7], [sflag:$0x5], $0x2800, $0x38;
	v63 =	vld [tilespmem:$0x0]  }
0x47: {  	_ =	swait.ge [sflag:s15], $0x2800  }
0x48: {  	[sflag:s15] =	ssyncset.done $0x0  }
0x49: {  	[sflag:s15] =	ssyncadd.s32 $0xFFFFD800  }
0x4a: {  	[spmem:s19] =	stream.linear.scatter [tilespmem:s7], [sflag:$0x5], $0x2800, $0x38;
	v63 =	vld [tilespmem:$0x0]  }
0x4b: {  	_ =	swait.ge [sflag:s15], $0x2800  }
0x4c: {  	[sflag:s15] =	ssyncset.done $0x0  }
0x4d: {  	[sflag:s15] =	ssyncadd.s32 $0xFFFFD800  }
0x4e: {  	[spmem:s25] =	stream.linear.scatter [tilespmem:s7], [sflag:$0x5], $0x2800, $0x38;
	v63 =	vld [tilespmem:$0x0]  }
0x4f: {  	_ =	swait.ge [sflag:s15], $0x2800  }
0x50: {  	[sflag:s15] =	ssyncset.done $0x0  }
0x51: {  	[sflag:s15] =	ssyncadd.s32 $0xFFFFD800  }
0x52: {  	[spmem:s24] =	stream.linear.scatter [tilespmem:s7], [sflag:$0x5], $0x2800, $0x38;
	v63 =	vld [tilespmem:$0x0]  }
0x53: {  	_ =	swait.ge [sflag:s15], $0x2800  }
0x54: {  	[sflag:s15] =	ssyncset.done $0x0  }
0x55: {  	[sflag:s15] =	ssyncadd.s32 $0xFFFFD800  }
0x56: {  	[spmem:s28] =	stream.linear.scatter [tilespmem:s7], [sflag:$0x5], $0x2800, $0x38;
	v63 =	vld [tilespmem:$0x0]  }
0x57: {  	_ =	swait.ge [sflag:s15], $0x2800  }
0x58: {  	[sflag:s15] =	ssyncset.done $0x0  }
0x59: {  	[sflag:s15] =	ssyncadd.s32 $0xFFFFD800  }
0x5a: {  	[spmem:s11] =	stream.linear.scatter [tilespmem:s7], [sflag:$0x5], $0x2800, $0x38;
	v63 =	vld [tilespmem:$0x0]  }
0x5b: {  	_ =	swait.ge [sflag:s15], $0x2800  }
0x5c: {  	[sflag:s15] =	ssyncset.done $0x0  }
0x5d: {  	[sflag:s15] =	ssyncadd.s32 $0xFFFFD800  }
0x5e: {  	[spmem:s13] =	stream.linear.scatter [tilespmem:s7], [sflag:$0x5], $0x2800, $0x38;
	v63 =	vld [tilespmem:$0x0]  }
0x5f: {  	_ =	swait.ge [sflag:s15], $0x2800  }
0x60: {  	[sflag:s15] =	ssyncset.done $0x0  }
0x61: {  	[sflag:s15] =	ssyncadd.s32 $0xFFFFD800  }
0x62: {  	[bflag:$0x0] =	sbarrier.arrive $0xFFFF  }
0x63: {  	s11 =	rddreg [dreg:$0xa]  }
0x64: {  	s13 =	sld [smem:$0x7F4]  }
0x65: {  	[tilespmem:s5], [sflag:$0x3] =	stream.linear.gather [hbm4b:s11+s5], $0x400, $0x38;
	v63 =	vld [tilespmem:$0x0]  }
0x66: {  	s18 =	sld [smem:$0x7F5]  }
0x67: {  	[tilespmem:s2], [sflag:$0x3] =	stream.linear.gather [hbm4b:s13+s5], $0x400, $0x38;
	v63 =	vld [tilespmem:$0x0]  }
0x68: {  	s19 =	sld [smem:$0x7F6]  }
0x69: {  	[tilespmem:s16], [sflag:$0x4] =	stream.linear.gather [hbm4b:s18+s5], $0x400, $0x38;
	v63 =	vld [tilespmem:$0x0]  }
0x6a: {  	_ = 	snop  }
0x6b: {  	[tilespmem:s17], [sflag:$0x4] =	stream.linear.gather [hbm4b:s19+s5], $0x400, $0x38;
	v63 =	vld [tilespmem:$0x0]  }
0x6c: {  	_ =	swait.ge [sflag:s20], $0x400  }
0x6d: {  	[sflag:s20] =	ssyncset.done $0x0  }
0x6e: {  	[sflag:s20] =	ssyncadd.s32 $0xFFFFFC00  }
0x6f: {  	_ =	swait.ge [sflag:s20], $0x400  }
0x70: {  	[sflag:s20] =	ssyncset.done $0x0  }
0x71: {  	[sflag:s20] =	ssyncadd.s32 $0xFFFFFC00  }
0x72: {  	[tilespmem:s22], [sflag:$0x1] =	stream.indirect.gather [hbm4b:s1+s21], $0x80, s5, s21, $0xb8;
	v63 =	vld [tilespmem:$0x0]  }
0x73: {  	_ = 	snop  }
0x74: {  	[tilespmem:s8], [sflag:$0x2] =	stream.indirect.gather [hbm4b:s1+s21], $0x80, s23, s21, $0xb8;
	v63 =	vld [tilespmem:$0x0]  }
0x75: {  	_ =	swait.ge [sflag:s10], $0x2000  }
0x76: {  	[sflag:s10] =	ssyncset.done $0x0  }
0x77: {  	[sflag:s10] =	ssyncadd.s32 $0xFFFFE000  }
0x78: {  	[spmem:s3] =	stream.indirect.scatter.add.f32 [tilespmem:s22], [sflag:$0x5], $0x80, s2, s21, $0xb8;
	v63 =	vld [tilespmem:$0x0]  }
0x79: {  	_ =	swait.ge [sflag:s15], $0x2000  }
0x7a: {  	[sflag:s15] =	ssyncset.done $0x0  }
0x7b: {  	s6 =	simm.s32 $0x100;
	[sflag:s15] =	ssyncadd.s32 $0xFFFFE000  }
0x7c: {  	[tilespmem:s22], [sflag:$0x1] =	stream.indirect.gather [hbm4b:s1+s21], $0x80, s6, s21, $0xb8;
	v63 =	vld [tilespmem:$0x0]  }
0x7d: {  	_ =	swait.ge [sflag:s12], $0x2000  }
0x7e: {  	[sflag:s12] =	ssyncset.done $0x0  }
0x7f: {  	s24 =	simm.s32 $0x880;
	[sflag:s12] =	ssyncadd.s32 $0xFFFFE000  }
0x80: {  	[spmem:s3] =	stream.indirect.scatter.add.f32 [tilespmem:s8], [sflag:$0x5], $0x80, s24, s21, $0xb8;
	v63 =	vld [tilespmem:$0x0]  }
0x81: {  	_ =	swait.ge [sflag:s15], $0x2000  }
0x82: {  	[sflag:s15] =	ssyncset.done $0x0  }
0x83: {  	s25 =	simm.s32 $0x180;
	[sflag:s15] =	ssyncadd.s32 $0xFFFFE000  }
0x84: {  	[tilespmem:s8], [sflag:$0x2] =	stream.indirect.gather [hbm4b:s1+s21], $0x80, s25, s21, $0xb8;
	v63 =	vld [tilespmem:$0x0]  }
0x85: {  	_ =	swait.ge [sflag:s10], $0x2000  }
0x86: {  	[sflag:s10] =	ssyncset.done $0x0  }
0x87: {  	s26 =	simm.s32 $0x900;
	[sflag:s10] =	ssyncadd.s32 $0xFFFFE000  }
0x88: {  	[spmem:s3] =	stream.indirect.scatter.add.f32 [tilespmem:s22], [sflag:$0x5], $0x80, s26, s21, $0xb8;
	v63 =	vld [tilespmem:$0x0]  }
0x89: {  	_ =	swait.ge [sflag:s15], $0x2000  }
0x8a: {  	[sflag:s15] =	ssyncset.done $0x0  }
0x8b: {  	s4 =	simm.s32 $0x200;
	[sflag:s15] =	ssyncadd.s32 $0xFFFFE000  }
0x8c: {  	[tilespmem:s22], [sflag:$0x1] =	stream.indirect.gather [hbm4b:s1+s21], $0x80, s4, s21, $0xb8;
	v63 =	vld [tilespmem:$0x0]  }
0x8d: {  	_ =	swait.ge [sflag:s12], $0x2000  }
0x8e: {  	[sflag:s12] =	ssyncset.done $0x0  }
0x8f: {  	s7 =	simm.s32 $0x980;
	[sflag:s12] =	ssyncadd.s32 $0xFFFFE000  }
0x90: {  	[spmem:s3] =	stream.indirect.scatter.add.f32 [tilespmem:s8], [sflag:$0x5], $0x80, s7, s21, $0xb8;
	v63 =	vld [tilespmem:$0x0]  }
0x91: {  	_ =	swait.ge [sflag:s15], $0x2000  }
0x92: {  	[sflag:s15] =	ssyncset.done $0x0  }
0x93: {  	s9 =	simm.s32 $0x280;
	[sflag:s15] =	ssyncadd.s32 $0xFFFFE000  }
0x94: {  	[tilespmem:s8], [sflag:$0x2] =	stream.indirect.gather [hbm4b:s1+s21], $0x80, s9, s21, $0xb8;
	v63 =	vld [tilespmem:$0x0]  }
0x95: {  	_ =	swait.ge [sflag:s10], $0x2000  }
0x96: {  	[sflag:s10] =	ssyncset.done $0x0  }
0x97: {  	s11 =	simm.s32 $0xA00;
	[sflag:s10] =	ssyncadd.s32 $0xFFFFE000  }
0x98: {  	[spmem:s3] =	stream.indirect.scatter.add.f32 [tilespmem:s22], [sflag:$0x5], $0x80, s11, s21, $0xb8;
	v63 =	vld [tilespmem:$0x0]  }
0x99: {  	_ =	swait.ge [sflag:s15], $0x2000  }
0x9a: {  	[sflag:s15] =	ssyncset.done $0x0  }
0x9b: {  	s13 =	simm.s32 $0x300;
	[sflag:s15] =	ssyncadd.s32 $0xFFFFE000  }
0x9c: {  	[tilespmem:s22], [sflag:$0x1] =	stream.indirect.gather [hbm4b:s1+s21], $0x80, s13, s21, $0xb8;
	v63 =	vld [tilespmem:$0x0]  }
0x9d: {  	_ =	swait.ge [sflag:s12], $0x2000  }
0x9e: {  	[sflag:s12] =	ssyncset.done $0x0  }
0x9f: {  	s16 =	simm.s32 $0xA80;
	[sflag:s12] =	ssyncadd.s32 $0xFFFFE000  }
0xa0: {  	[spmem:s3] =	stream.indirect.scatter.add.f32 [tilespmem:s8], [sflag:$0x5], $0x80, s16, s21, $0xb8;
	v63 =	vld [tilespmem:$0x0]  }
0xa1: {  	_ =	swait.ge [sflag:s15], $0x2000  }
0xa2: {  	[sflag:s15] =	ssyncset.done $0x0  }
0xa3: {  	s17 =	simm.s32 $0x380;
	[sflag:s15] =	ssyncadd.s32 $0xFFFFE000  }
0xa4: {  	[tilespmem:s8], [sflag:$0x2] =	stream.indirect.gather [hbm4b:s1+s21], $0x80, s17, s21, $0xb8;
	v63 =	vld [tilespmem:$0x0]  }
0xa5: {  	_ =	swait.ge [sflag:s10], $0x2000  }
0xa6: {  	[sflag:s10] =	ssyncset.done $0x0  }
0xa7: {  	s24 =	simm.s32 $0xB00;
	[sflag:s10] =	ssyncadd.s32 $0xFFFFE000  }
0xa8: {  	[spmem:s3] =	stream.indirect.scatter.add.f32 [tilespmem:s22], [sflag:$0x5], $0x80, s24, s21, $0xb8;
	v63 =	vld [tilespmem:$0x0]  }
0xa9: {  	_ =	swait.ge [sflag:s15], $0x2000  }
0xaa: {  	[sflag:s15] =	ssyncset.done $0x0  }
0xab: {  	[sflag:s15] =	ssyncadd.s32 $0xFFFFE000  }
0xac: {  	_ =	swait.ge [sflag:s0], $0x400  }
0xad: {  	[sflag:s0] =	ssyncset.done $0x0  }
0xae: {  	[sflag:s0] =	ssyncadd.s32 $0xFFFFFC00  }
0xaf: {  	_ =	swait.ge [sflag:s0], $0x400  }
0xb0: {  	[sflag:s0] =	ssyncset.done $0x0  }
0xb1: {  	s19 =	simm.s32 $0x400;
	[sflag:s0] =	ssyncadd.s32 $0xFFFFFC00  }
0xb2: {  	[tilespmem:s22], [sflag:$0x1] =	stream.indirect.gather [hbm4b:s1+s21], $0x80, s19, s21, $0xb8;
	v63 =	vld [tilespmem:$0x0]  }
0xb3: {  	_ =	swait.ge [sflag:s12], $0x2000  }
0xb4: {  	[sflag:s12] =	ssyncset.done $0x0  }
0xb5: {  	s25 =	simm.s32 $0xB80;
	[sflag:s12] =	ssyncadd.s32 $0xFFFFE000  }
0xb6: {  	[spmem:s3] =	stream.indirect.scatter.add.f32 [tilespmem:s8], [sflag:$0x5], $0x80, s25, s21, $0xb8;
	v63 =	vld [tilespmem:$0x0]  }
0xb7: {  	_ =	swait.ge [sflag:s15], $0x2000  }
0xb8: {  	s26 =	rddreg [dreg:$0x8];
	[sflag:s15] =	ssyncset.done $0x0  }
0xb9: {  	s2 =	rddreg [dreg:$0x7];
	[sflag:s15] =	ssyncadd.s32 $0xFFFFE000;
	s7 =	sadd.s32 $0x0, s26  }
0xba: {  	[tilespmem:s5], [sflag:$0x3] =	stream.linear.gather [hbm4b:s7+s5], $0x400, $0x38;
	v63 =	vld [tilespmem:$0x0]  }
0xbb: {  	s18 =	simm.s32 $0x800;
	s9 =	sadd.s32 $0x0, s2  }
0xbc: {  	[tilespmem:s18], [sflag:$0x3] =	stream.linear.gather [hbm4b:s9+s5], $0x400, $0x38;
	v63 =	vld [tilespmem:$0x0]  }
0xbd: {  	s11 =	simm.s32 $0x480  }
0xbe: {  	[tilespmem:s8], [sflag:$0x2] =	stream.indirect.gather [hbm4b:s1+s21], $0x80, s11, s21, $0xb8;
	v63 =	vld [tilespmem:$0x0]  }
0xbf: {  	_ =	swait.ge [sflag:s10], $0x2000  }
0xc0: {  	[sflag:s10] =	ssyncset.done $0x0  }
0xc1: {  	s4 =	simm.s32 $0xC00;
	[sflag:s10] =	ssyncadd.s32 $0xFFFFE000  }
0xc2: {  	[spmem:s3] =	stream.indirect.scatter.add.f32 [tilespmem:s22], [sflag:$0x5], $0x80, s4, s21, $0xb8;
	v63 =	vld [tilespmem:$0x0]  }
0xc3: {  	_ =	swait.ge [sflag:s15], $0x2000  }
0xc4: {  	[sflag:s15] =	ssyncset.done $0x0  }
0xc5: {  	s9 =	simm.s32 $0x500;
	[sflag:s15] =	ssyncadd.s32 $0xFFFFE000  }
0xc6: {  	[tilespmem:s22], [sflag:$0x1] =	stream.indirect.gather [hbm4b:s1+s21], $0x80, s9, s21, $0xb8;
	v63 =	vld [tilespmem:$0x0]  }
0xc7: {  	_ =	swait.ge [sflag:s12], $0x2000  }
0xc8: {  	[sflag:s12] =	ssyncset.done $0x0  }
0xc9: {  	s16 =	simm.s32 $0xC80;
	[sflag:s12] =	ssyncadd.s32 $0xFFFFE000  }
0xca: {  	[spmem:s3] =	stream.indirect.scatter.add.f32 [tilespmem:s8], [sflag:$0x5], $0x80, s16, s21, $0xb8;
	v63 =	vld [tilespmem:$0x0]  }
0xcb: {  	_ =	swait.ge [sflag:s15], $0x2000  }
0xcc: {  	[sflag:s15] =	ssyncset.done $0x0  }
0xcd: {  	s17 =	simm.s32 $0x580;
	[sflag:s15] =	ssyncadd.s32 $0xFFFFE000  }
0xce: {  	[tilespmem:s8], [sflag:$0x2] =	stream.indirect.gather [hbm4b:s1+s21], $0x80, s17, s21, $0xb8;
	v63 =	vld [tilespmem:$0x0]  }
0xcf: {  	_ =	swait.ge [sflag:s10], $0x2000  }
0xd0: {  	[sflag:s10] =	ssyncset.done $0x0  }
0xd1: {  	s24 =	simm.s32 $0xD00;
	[sflag:s10] =	ssyncadd.s32 $0xFFFFE000  }
0xd2: {  	[spmem:s3] =	stream.indirect.scatter.add.f32 [tilespmem:s22], [sflag:$0x5], $0x80, s24, s21, $0xb8;
	v63 =	vld [tilespmem:$0x0]  }
0xd3: {  	_ =	swait.ge [sflag:s15], $0x2000  }
0xd4: {  	[sflag:s15] =	ssyncset.done $0x0  }
0xd5: {  	s25 =	simm.s32 $0x600;
	[sflag:s15] =	ssyncadd.s32 $0xFFFFE000  }
0xd6: {  	[tilespmem:s22], [sflag:$0x1] =	stream.indirect.gather [hbm4b:s1+s21], $0x80, s25, s21, $0xb8;
	v63 =	vld [tilespmem:$0x0]  }
0xd7: {  	_ =	swait.ge [sflag:s12], $0x2000  }
0xd8: {  	[sflag:s12] =	ssyncset.done $0x0  }
0xd9: {  	s26 =	simm.s32 $0xD80;
	[sflag:s12] =	ssyncadd.s32 $0xFFFFE000  }
0xda: {  	[spmem:s3] =	stream.indirect.scatter.add.f32 [tilespmem:s8], [sflag:$0x5], $0x80, s26, s21, $0xb8;
	v63 =	vld [tilespmem:$0x0]  }
0xdb: {  	_ =	swait.ge [sflag:s15], $0x2000  }
0xdc: {  	[sflag:s15] =	ssyncset.done $0x0  }
0xdd: {  	s28 =	simm.s32 $0x680;
	[sflag:s15] =	ssyncadd.s32 $0xFFFFE000  }
0xde: {  	[tilespmem:s8], [sflag:$0x2] =	stream.indirect.gather [hbm4b:s1+s21], $0x80, s28, s21, $0xb8;
	v63 =	vld [tilespmem:$0x0]  }
0xdf: {  	_ =	swait.ge [sflag:s10], $0x2000  }
0xe0: {  	[sflag:s10] =	ssyncset.done $0x0  }
0xe1: {  	s29 =	simm.s32 $0xE00;
	[sflag:s10] =	ssyncadd.s32 $0xFFFFE000  }
0xe2: {  	[spmem:s3] =	stream.indirect.scatter.add.f32 [tilespmem:s22], [sflag:$0x5], $0x80, s29, s21, $0xb8;
	v63 =	vld [tilespmem:$0x0]  }
0xe3: {  	_ =	swait.ge [sflag:s15], $0x2000  }
0xe4: {  	[sflag:s15] =	ssyncset.done $0x0  }
0xe5: {  	s30 =	simm.s32 $0x700;
	[sflag:s15] =	ssyncadd.s32 $0xFFFFE000  }
0xe6: {  	[tilespmem:s22], [sflag:$0x1] =	stream.indirect.gather [hbm4b:s1+s21], $0x80, s30, s21, $0xb8;
	v63 =	vld [tilespmem:$0x0]  }
0xe7: {  	_ =	swait.ge [sflag:s12], $0x2000  }
0xe8: {  	[sflag:s12] =	ssyncset.done $0x0  }
0xe9: {  	s31 =	simm.s32 $0xE80;
	[sflag:s12] =	ssyncadd.s32 $0xFFFFE000  }
0xea: {  	[spmem:s3] =	stream.indirect.scatter.add.f32 [tilespmem:s8], [sflag:$0x5], $0x80, s31, s21, $0xb8;
	v63 =	vld [tilespmem:$0x0]  }
0xeb: {  	_ =	swait.ge [sflag:s15], $0x2000  }
0xec: {  	[sflag:s15] =	ssyncset.done $0x0  }
0xed: {  	s13 =	simm.s32 $0x780;
	[sflag:s15] =	ssyncadd.s32 $0xFFFFE000  }
0xee: {  	[tilespmem:s8], [sflag:$0x2] =	stream.indirect.gather [hbm4b:s1+s21], $0x80, s13, s21, $0xb8;
	v63 =	vld [tilespmem:$0x0]  }
0xef: {  	_ =	swait.ge [sflag:s10], $0x2000  }
0xf0: {  	[sflag:s10] =	ssyncset.done $0x0  }
0xf1: {  	s7 =	simm.s32 $0xF00;
	[sflag:s10] =	ssyncadd.s32 $0xFFFFE000  }
0xf2: {  	[spmem:s3] =	stream.indirect.scatter.add.f32 [tilespmem:s22], [sflag:$0x5], $0x80, s7, s21, $0xb8;
	v63 =	vld [tilespmem:$0x0]  }
0xf3: {  	_ =	swait.ge [sflag:s15], $0x2000  }
0xf4: {  	[sflag:s15] =	ssyncset.done $0x0  }
0xf5: {  	[sflag:s15] =	ssyncadd.s32 $0xFFFFE000  }
0xf6: {  	_ =	swait.ge [sflag:s20], $0x400  }
0xf7: {  	[sflag:s20] =	ssyncset.done $0x0  }
0xf8: {  	[sflag:s20] =	ssyncadd.s32 $0xFFFFFC00  }
0xf9: {  	_ =	swait.ge [sflag:s20], $0x400  }
0xfa: {  	[sflag:s20] =	ssyncset.done $0x0  }
0xfb: {  	[sflag:s20] =	ssyncadd.s32 $0xFFFFFC00  }
0xfc: {  	[tilespmem:s22], [sflag:$0x1] =	stream.indirect.gather [hbm4b:s1+s21], $0x80, s5, s21, $0xb8;
	v63 =	vld [tilespmem:$0x0]  }
0xfd: {  	_ =	swait.ge [sflag:s12], $0x2000  }
0xfe: {  	[sflag:s12] =	ssyncset.done $0x0  }
0xff: {  	s2 =	simm.s32 $0xF80;
	[sflag:s12] =	ssyncadd.s32 $0xFFFFE000  }
0x100: {  	[spmem:s3] =	stream.indirect.scatter.add.f32 [tilespmem:s8], [sflag:$0x5], $0x80, s2, s21, $0xb8;
	v63 =	vld [tilespmem:$0x0]  }
0x101: {  	_ =	swait.ge [sflag:s15], $0x2000  }
0x102: {  	s11 =	rddreg [dreg:$0x6];
	[sflag:s15] =	ssyncset.done $0x0  }
0x103: {  	s13 =	rddreg [dreg:$0x5];
	[sflag:s15] =	ssyncadd.s32 $0xFFFFE000;
	s7 =	sadd.s32 $0x0, s11  }
0x104: {  	[tilespmem:s19], [sflag:$0x4] =	stream.linear.gather [hbm4b:s7+s5], $0x400, $0x38;
	v63 =	vld [tilespmem:$0x0]  }
0x105: {  	s13 =	sadd.s32 $0x0, s13;
	s11 =	simm.s32 $0x100  }
0x106: {  	[tilespmem:s4], [sflag:$0x4] =	stream.linear.gather [hbm4b:s13+s5], $0x400, $0x38;
	v63 =	vld [tilespmem:$0x0]  }
.LBB2_2:
0x107: {  	[tilespmem:s8], [sflag:$0x2] =	stream.indirect.gather [hbm4b:s1+s21], $0x80, s23, s21, $0xb8;
	v63 =	vld [tilespmem:$0x0]  }
0x108: {  	_ =	swait.ge [sflag:s10], $0x2000  }
0x109: {  	[sflag:s10] =	ssyncset.done $0x0  }
0x10a: {  	[sflag:s10] =	ssyncadd.s32 $0xFFFFE000  }
0x10b: {  	[spmem:s3] =	stream.indirect.scatter.add.f32 [tilespmem:s22], [sflag:$0x5], $0x80, s18, s21, $0xb8;
	v63 =	vld [tilespmem:$0x0]  }
0x10c: {  	_ =	swait.ge [sflag:s15], $0x2000  }
0x10d: {  	[sflag:s15] =	ssyncset.done $0x0  }
0x10e: {  	[sflag:s15] =	ssyncadd.s32 $0xFFFFE000  }
0x10f: {  	[tilespmem:s22], [sflag:$0x1] =	stream.indirect.gather [hbm4b:s1+s21], $0x80, s6, s21, $0xb8;
	v63 =	vld [tilespmem:$0x0]  }
0x110: {  	_ =	swait.ge [sflag:s12], $0x2000  }
0x111: {  	[sflag:s12] =	ssyncset.done $0x0  }
0x112: {  	s7 =	simm.s32 $0x880;
	[sflag:s12] =	ssyncadd.s32 $0xFFFFE000  }
0x113: {  	[spmem:s3] =	stream.indirect.scatter.add.f32 [tilespmem:s8], [sflag:$0x5], $0x80, s7, s21, $0xb8;
	v63 =	vld [tilespmem:$0x0]  }
0x114: {  	_ =	swait.ge [sflag:s15], $0x2000  }
0x115: {  	[sflag:s15] =	ssyncset.done $0x0  }
0x116: {  	s7 =	simm.s32 $0x180;
	[sflag:s15] =	ssyncadd.s32 $0xFFFFE000  }
0x117: {  	[tilespmem:s8], [sflag:$0x2] =	stream.indirect.gather [hbm4b:s1+s21], $0x80, s7, s21, $0xb8;
	v63 =	vld [tilespmem:$0x0]  }
0x118: {  	_ =	swait.ge [sflag:s10], $0x2000  }
0x119: {  	[sflag:s10] =	ssyncset.done $0x0  }
0x11a: {  	s7 =	simm.s32 $0x900;
	[sflag:s10] =	ssyncadd.s32 $0xFFFFE000  }
0x11b: {  	[spmem:s3] =	stream.indirect.scatter.add.f32 [tilespmem:s22], [sflag:$0x5], $0x80, s7, s21, $0xb8;
	v63 =	vld [tilespmem:$0x0]  }
0x11c: {  	_ =	swait.ge [sflag:s15], $0x2000  }
0x11d: {  	[sflag:s15] =	ssyncset.done $0x0  }
0x11e: {  	s7 =	simm.s32 $0x200;
	[sflag:s15] =	ssyncadd.s32 $0xFFFFE000  }
0x11f: {  	[tilespmem:s22], [sflag:$0x1] =	stream.indirect.gather [hbm4b:s1+s21], $0x80, s7, s21, $0xb8;
	v63 =	vld [tilespmem:$0x0]  }
0x120: {  	_ =	swait.ge [sflag:s12], $0x2000  }
0x121: {  	[sflag:s12] =	ssyncset.done $0x0  }
0x122: {  	s7 =	simm.s32 $0x980;
	[sflag:s12] =	ssyncadd.s32 $0xFFFFE000  }
0x123: {  	[spmem:s3] =	stream.indirect.scatter.add.f32 [tilespmem:s8], [sflag:$0x5], $0x80, s7, s21, $0xb8;
	v63 =	vld [tilespmem:$0x0]  }
0x124: {  	_ =	swait.ge [sflag:s15], $0x2000  }
0x125: {  	[sflag:s15] =	ssyncset.done $0x0  }
0x126: {  	s7 =	simm.s32 $0x280;
	[sflag:s15] =	ssyncadd.s32 $0xFFFFE000  }
0x127: {  	[tilespmem:s8], [sflag:$0x2] =	stream.indirect.gather [hbm4b:s1+s21], $0x80, s7, s21, $0xb8;
	v63 =	vld [tilespmem:$0x0]  }
0x128: {  	_ =	swait.ge [sflag:s10], $0x2000  }
0x129: {  	[sflag:s10] =	ssyncset.done $0x0  }
0x12a: {  	s7 =	simm.s32 $0xA00;
	[sflag:s10] =	ssyncadd.s32 $0xFFFFE000  }
0x12b: {  	[spmem:s3] =	stream.indirect.scatter.add.f32 [tilespmem:s22], [sflag:$0x5], $0x80, s7, s21, $0xb8;
	v63 =	vld [tilespmem:$0x0]  }
0x12c: {  	_ =	swait.ge [sflag:s15], $0x2000  }
0x12d: {  	[sflag:s15] =	ssyncset.done $0x0  }
0x12e: {  	s7 =	simm.s32 $0x300;
	[sflag:s15] =	ssyncadd.s32 $0xFFFFE000  }
0x12f: {  	[tilespmem:s22], [sflag:$0x1] =	stream.indirect.gather [hbm4b:s1+s21], $0x80, s7, s21, $0xb8;
	v63 =	vld [tilespmem:$0x0]  }
0x130: {  	_ =	swait.ge [sflag:s12], $0x2000  }
0x131: {  	[sflag:s12] =	ssyncset.done $0x0  }
0x132: {  	s7 =	simm.s32 $0xA80;
	[sflag:s12] =	ssyncadd.s32 $0xFFFFE000  }
0x133: {  	[spmem:s3] =	stream.indirect.scatter.add.f32 [tilespmem:s8], [sflag:$0x5], $0x80, s7, s21, $0xb8;
	v63 =	vld [tilespmem:$0x0]  }
0x134: {  	_ =	swait.ge [sflag:s15], $0x2000  }
0x135: {  	[sflag:s15] =	ssyncset.done $0x0  }
0x136: {  	s7 =	simm.s32 $0x380;
	[sflag:s15] =	ssyncadd.s32 $0xFFFFE000  }
0x137: {  	[tilespmem:s8], [sflag:$0x2] =	stream.indirect.gather [hbm4b:s1+s21], $0x80, s7, s21, $0xb8;
	v63 =	vld [tilespmem:$0x0]  }
0x138: {  	_ =	swait.ge [sflag:s10], $0x2000  }
0x139: {  	[sflag:s10] =	ssyncset.done $0x0  }
0x13a: {  	s7 =	simm.s32 $0xB00;
	[sflag:s10] =	ssyncadd.s32 $0xFFFFE000  }
0x13b: {  	[spmem:s3] =	stream.indirect.scatter.add.f32 [tilespmem:s22], [sflag:$0x5], $0x80, s7, s21, $0xb8;
	v63 =	vld [tilespmem:$0x0]  }
0x13c: {  	_ =	swait.ge [sflag:s15], $0x2000  }
0x13d: {  	[sflag:s15] =	ssyncset.done $0x0  }
0x13e: {  	[sflag:s15] =	ssyncadd.s32 $0xFFFFE000  }
0x13f: {  	_ =	swait.ge [sflag:s0], $0x400  }
0x140: {  	[sflag:s0] =	ssyncset.done $0x0  }
0x141: {  	[sflag:s0] =	ssyncadd.s32 $0xFFFFFC00  }
0x142: {  	_ =	swait.ge [sflag:s0], $0x400  }
0x143: {  	[sflag:s0] =	ssyncset.done $0x0  }
0x144: {  	[sflag:s0] =	ssyncadd.s32 $0xFFFFFC00  }
0x145: {  	[tilespmem:s22], [sflag:$0x1] =	stream.indirect.gather [hbm4b:s1+s21], $0x80, s19, s21, $0xb8;
	v63 =	vld [tilespmem:$0x0]  }
0x146: {  	_ =	swait.ge [sflag:s12], $0x2000  }
0x147: {  	[sflag:s12] =	ssyncset.done $0x0  }
0x148: {  	s7 =	simm.s32 $0xB80;
	[sflag:s12] =	ssyncadd.s32 $0xFFFFE000  }
0x149: {  	[spmem:s3] =	stream.indirect.scatter.add.f32 [tilespmem:s8], [sflag:$0x5], $0x80, s7, s21, $0xb8;
	v63 =	vld [tilespmem:$0x0]  }
0x14a: {  	_ =	swait.ge [sflag:s15], $0x2000  }
0x14b: {  	s13 =	smov.u32 s11;
	s7 =	rddreg [dreg:$0x8];
	[sflag:s15] =	ssyncset.done $0x0  }
0x14c: {  	s6 =	rddreg [dreg:$0x7];
	[sflag:s15] =	ssyncadd.s32 $0xFFFFE000;
	s7 =	sadd.s32 s13, s7  }
0x14d: {  	[tilespmem:s5], [sflag:$0x3] =	stream.linear.gather [hbm4b:s7+s5], $0x400, $0x38;
	v63 =	vld [tilespmem:$0x0]  }
0x14e: {  	s6 =	sadd.s32 s13, s6  }
0x14f: {  	[tilespmem:s18], [sflag:$0x3] =	stream.linear.gather [hbm4b:s6+s5], $0x400, $0x38;
	v63 =	vld [tilespmem:$0x0]  }
0x150: {  	s7 =	simm.s32 $0x480  }
0x151: {  	[tilespmem:s8], [sflag:$0x2] =	stream.indirect.gather [hbm4b:s1+s21], $0x80, s7, s21, $0xb8;
	v63 =	vld [tilespmem:$0x0]  }
0x152: {  	_ =	swait.ge [sflag:s10], $0x2000  }
0x153: {  	[sflag:s10] =	ssyncset.done $0x0  }
0x154: {  	[sflag:s10] =	ssyncadd.s32 $0xFFFFE000  }
0x155: {  	[spmem:s3] =	stream.indirect.scatter.add.f32 [tilespmem:s22], [sflag:$0x5], $0x80, s4, s21, $0xb8;
	v63 =	vld [tilespmem:$0x0]  }
0x156: {  	_ =	swait.ge [sflag:s15], $0x2000  }
0x157: {  	[sflag:s15] =	ssyncset.done $0x0  }
0x158: {  	[sflag:s15] =	ssyncadd.s32 $0xFFFFE000  }
0x159: {  	[tilespmem:s22], [sflag:$0x1] =	stream.indirect.gather [hbm4b:s1+s21], $0x80, s9, s21, $0xb8;
	v63 =	vld [tilespmem:$0x0]  }
0x15a: {  	_ =	swait.ge [sflag:s12], $0x2000  }
0x15b: {  	[sflag:s12] =	ssyncset.done $0x0  }
0x15c: {  	[sflag:s12] =	ssyncadd.s32 $0xFFFFE000  }
0x15d: {  	[spmem:s3] =	stream.indirect.scatter.add.f32 [tilespmem:s8], [sflag:$0x5], $0x80, s16, s21, $0xb8;
	v63 =	vld [tilespmem:$0x0]  }
0x15e: {  	_ =	swait.ge [sflag:s15], $0x2000  }
0x15f: {  	[sflag:s15] =	ssyncset.done $0x0  }
0x160: {  	[sflag:s15] =	ssyncadd.s32 $0xFFFFE000  }
0x161: {  	[tilespmem:s8], [sflag:$0x2] =	stream.indirect.gather [hbm4b:s1+s21], $0x80, s17, s21, $0xb8;
	v63 =	vld [tilespmem:$0x0]  }
0x162: {  	_ =	swait.ge [sflag:s10], $0x2000  }
0x163: {  	[sflag:s10] =	ssyncset.done $0x0  }
0x164: {  	[sflag:s10] =	ssyncadd.s32 $0xFFFFE000  }
0x165: {  	[spmem:s3] =	stream.indirect.scatter.add.f32 [tilespmem:s22], [sflag:$0x5], $0x80, s24, s21, $0xb8;
	v63 =	vld [tilespmem:$0x0]  }
0x166: {  	_ =	swait.ge [sflag:s15], $0x2000  }
0x167: {  	[sflag:s15] =	ssyncset.done $0x0  }
0x168: {  	[sflag:s15] =	ssyncadd.s32 $0xFFFFE000  }
0x169: {  	[tilespmem:s22], [sflag:$0x1] =	stream.indirect.gather [hbm4b:s1+s21], $0x80, s25, s21, $0xb8;
	v63 =	vld [tilespmem:$0x0]  }
0x16a: {  	_ =	swait.ge [sflag:s12], $0x2000  }
0x16b: {  	[sflag:s12] =	ssyncset.done $0x0  }
0x16c: {  	[sflag:s12] =	ssyncadd.s32 $0xFFFFE000  }
0x16d: {  	[spmem:s3] =	stream.indirect.scatter.add.f32 [tilespmem:s8], [sflag:$0x5], $0x80, s26, s21, $0xb8;
	v63 =	vld [tilespmem:$0x0]  }
0x16e: {  	_ =	swait.ge [sflag:s15], $0x2000  }
0x16f: {  	[sflag:s15] =	ssyncset.done $0x0  }
0x170: {  	[sflag:s15] =	ssyncadd.s32 $0xFFFFE000  }
0x171: {  	[tilespmem:s8], [sflag:$0x2] =	stream.indirect.gather [hbm4b:s1+s21], $0x80, s28, s21, $0xb8;
	v63 =	vld [tilespmem:$0x0]  }
0x172: {  	_ =	swait.ge [sflag:s10], $0x2000  }
0x173: {  	[sflag:s10] =	ssyncset.done $0x0  }
0x174: {  	[sflag:s10] =	ssyncadd.s32 $0xFFFFE000  }
0x175: {  	[spmem:s3] =	stream.indirect.scatter.add.f32 [tilespmem:s22], [sflag:$0x5], $0x80, s29, s21, $0xb8;
	v63 =	vld [tilespmem:$0x0]  }
0x176: {  	_ =	swait.ge [sflag:s15], $0x2000  }
0x177: {  	[sflag:s15] =	ssyncset.done $0x0  }
0x178: {  	[sflag:s15] =	ssyncadd.s32 $0xFFFFE000  }
0x179: {  	[tilespmem:s22], [sflag:$0x1] =	stream.indirect.gather [hbm4b:s1+s21], $0x80, s30, s21, $0xb8;
	v63 =	vld [tilespmem:$0x0]  }
0x17a: {  	_ =	swait.ge [sflag:s12], $0x2000  }
0x17b: {  	[sflag:s12] =	ssyncset.done $0x0  }
0x17c: {  	[sflag:s12] =	ssyncadd.s32 $0xFFFFE000  }
0x17d: {  	[spmem:s3] =	stream.indirect.scatter.add.f32 [tilespmem:s8], [sflag:$0x5], $0x80, s31, s21, $0xb8;
	v63 =	vld [tilespmem:$0x0]  }
0x17e: {  	_ =	swait.ge [sflag:s15], $0x2000  }
0x17f: {  	[sflag:s15] =	ssyncset.done $0x0  }
0x180: {  	s7 =	simm.s32 $0x780;
	[sflag:s15] =	ssyncadd.s32 $0xFFFFE000  }
0x181: {  	[tilespmem:s8], [sflag:$0x2] =	stream.indirect.gather [hbm4b:s1+s21], $0x80, s7, s21, $0xb8;
	v63 =	vld [tilespmem:$0x0]  }
0x182: {  	_ =	swait.ge [sflag:s10], $0x2000  }
0x183: {  	[sflag:s10] =	ssyncset.done $0x0  }
0x184: {  	s7 =	simm.s32 $0xF00;
	[sflag:s10] =	ssyncadd.s32 $0xFFFFE000  }
0x185: {  	[spmem:s3] =	stream.indirect.scatter.add.f32 [tilespmem:s22], [sflag:$0x5], $0x80, s7, s21, $0xb8;
	v63 =	vld [tilespmem:$0x0]  }
0x186: {  	_ =	swait.ge [sflag:s15], $0x2000  }
0x187: {  	[sflag:s15] =	ssyncset.done $0x0  }
0x188: {  	[sflag:s15] =	ssyncadd.s32 $0xFFFFE000  }
0x189: {  	_ =	swait.ge [sflag:s20], $0x400  }
0x18a: {  	[sflag:s20] =	ssyncset.done $0x0  }
0x18b: {  	[sflag:s20] =	ssyncadd.s32 $0xFFFFFC00  }
0x18c: {  	_ =	swait.ge [sflag:s20], $0x400  }
0x18d: {  	[sflag:s20] =	ssyncset.done $0x0  }
0x18e: {  	[sflag:s20] =	ssyncadd.s32 $0xFFFFFC00  }
0x18f: {  	[tilespmem:s22], [sflag:$0x1] =	stream.indirect.gather [hbm4b:s1+s21], $0x80, s5, s21, $0xb8;
	v63 =	vld [tilespmem:$0x0]  }
0x190: {  	_ =	swait.ge [sflag:s12], $0x2000  }
0x191: {  	[sflag:s12] =	ssyncset.done $0x0  }
0x192: {  	[sflag:s12] =	ssyncadd.s32 $0xFFFFE000  }
0x193: {  	[spmem:s3] =	stream.indirect.scatter.add.f32 [tilespmem:s8], [sflag:$0x5], $0x80, s2, s21, $0xb8;
	v63 =	vld [tilespmem:$0x0]  }
0x194: {  	p0 =	sne.s32 s11, $0x800;
	_ =	swait.ge [sflag:s15], $0x2000  }
.Ltmp0:
0x195: {  	s6 =	rddreg [dreg:$0x6];
	[sflag:s15] =	ssyncset.done $0x0;
	(pc) =	sbr.rel @p0 .LBB2_2-.Ltmp0, $4  }
0x196: {  	s7 =	rddreg [dreg:$0x5];
	[sflag:s15] =	ssyncadd.s32 $0xFFFFE000;
	s6 =	sadd.s32 s13, s6  }
0x197: {  	[tilespmem:s19], [sflag:$0x4] =	stream.linear.gather [hbm4b:s6+s5], $0x400, $0x38;
	v63 =	vld [tilespmem:$0x0]  }
0x198: {  	s11 =	sadd.s32 $0x100, s11;
	s13 =	sadd.s32 s13, s7;
	s6 =	simm.s32 $0x100  }
0x199: {  	[tilespmem:s4], [sflag:$0x4] =	stream.linear.gather [hbm4b:s13+s5], $0x400, $0x38;
	v63 =	vld [tilespmem:$0x0]  }
0x19a: {  	[tilespmem:s8], [sflag:$0x2] =	stream.indirect.gather [hbm4b:s1+s21], $0x80, s23, s21, $0xb8;
	v63 =	vld [tilespmem:$0x0]  }
0x19b: {  	_ =	swait.ge [sflag:s10], $0x2000  }
0x19c: {  	[sflag:s10] =	ssyncset.done $0x0  }
0x19d: {  	[sflag:s10] =	ssyncadd.s32 $0xFFFFE000  }
0x19e: {  	[spmem:s3] =	stream.indirect.scatter.add.f32 [tilespmem:s22], [sflag:$0x5], $0x80, s18, s21, $0xb8;
	v63 =	vld [tilespmem:$0x0]  }
0x19f: {  	_ =	swait.ge [sflag:s15], $0x2000  }
0x1a0: {  	[sflag:s15] =	ssyncset.done $0x0  }
0x1a1: {  	[sflag:s15] =	ssyncadd.s32 $0xFFFFE000  }
0x1a2: {  	[tilespmem:s22], [sflag:$0x1] =	stream.indirect.gather [hbm4b:s1+s21], $0x80, s6, s21, $0xb8;
	v63 =	vld [tilespmem:$0x0]  }
0x1a3: {  	_ =	swait.ge [sflag:s12], $0x2000  }
0x1a4: {  	[sflag:s12] =	ssyncset.done $0x0  }
0x1a5: {  	s11 =	simm.s32 $0x880;
	[sflag:s12] =	ssyncadd.s32 $0xFFFFE000  }
0x1a6: {  	[spmem:s3] =	stream.indirect.scatter.add.f32 [tilespmem:s8], [sflag:$0x5], $0x80, s11, s21, $0xb8;
	v63 =	vld [tilespmem:$0x0]  }
0x1a7: {  	_ =	swait.ge [sflag:s15], $0x2000  }
0x1a8: {  	[sflag:s15] =	ssyncset.done $0x0  }
0x1a9: {  	s13 =	simm.s32 $0x180;
	[sflag:s15] =	ssyncadd.s32 $0xFFFFE000  }
0x1aa: {  	[tilespmem:s8], [sflag:$0x2] =	stream.indirect.gather [hbm4b:s1+s21], $0x80, s13, s21, $0xb8;
	v63 =	vld [tilespmem:$0x0]  }
0x1ab: {  	_ =	swait.ge [sflag:s10], $0x2000  }
0x1ac: {  	[sflag:s10] =	ssyncset.done $0x0  }
0x1ad: {  	s18 =	simm.s32 $0x900;
	[sflag:s10] =	ssyncadd.s32 $0xFFFFE000  }
0x1ae: {  	[spmem:s3] =	stream.indirect.scatter.add.f32 [tilespmem:s22], [sflag:$0x5], $0x80, s18, s21, $0xb8;
	v63 =	vld [tilespmem:$0x0]  }
0x1af: {  	_ =	swait.ge [sflag:s15], $0x2000  }
0x1b0: {  	[sflag:s15] =	ssyncset.done $0x0  }
0x1b1: {  	s7 =	simm.s32 $0x200;
	[sflag:s15] =	ssyncadd.s32 $0xFFFFE000  }
0x1b2: {  	[tilespmem:s22], [sflag:$0x1] =	stream.indirect.gather [hbm4b:s1+s21], $0x80, s7, s21, $0xb8;
	v63 =	vld [tilespmem:$0x0]  }
0x1b3: {  	_ =	swait.ge [sflag:s12], $0x2000  }
0x1b4: {  	[sflag:s12] =	ssyncset.done $0x0  }
0x1b5: {  	s11 =	simm.s32 $0x980;
	[sflag:s12] =	ssyncadd.s32 $0xFFFFE000  }
0x1b6: {  	[spmem:s3] =	stream.indirect.scatter.add.f32 [tilespmem:s8], [sflag:$0x5], $0x80, s11, s21, $0xb8;
	v63 =	vld [tilespmem:$0x0]  }
0x1b7: {  	_ =	swait.ge [sflag:s15], $0x2000  }
0x1b8: {  	[sflag:s15] =	ssyncset.done $0x0  }
0x1b9: {  	s13 =	simm.s32 $0x280;
	[sflag:s15] =	ssyncadd.s32 $0xFFFFE000  }
0x1ba: {  	[tilespmem:s8], [sflag:$0x2] =	stream.indirect.gather [hbm4b:s1+s21], $0x80, s13, s21, $0xb8;
	v63 =	vld [tilespmem:$0x0]  }
0x1bb: {  	_ =	swait.ge [sflag:s10], $0x2000  }
0x1bc: {  	[sflag:s10] =	ssyncset.done $0x0  }
0x1bd: {  	s18 =	simm.s32 $0xA00;
	[sflag:s10] =	ssyncadd.s32 $0xFFFFE000  }
0x1be: {  	[spmem:s3] =	stream.indirect.scatter.add.f32 [tilespmem:s22], [sflag:$0x5], $0x80, s18, s21, $0xb8;
	v63 =	vld [tilespmem:$0x0]  }
0x1bf: {  	_ =	swait.ge [sflag:s15], $0x2000  }
0x1c0: {  	[sflag:s15] =	ssyncset.done $0x0  }
0x1c1: {  	s7 =	simm.s32 $0x300;
	[sflag:s15] =	ssyncadd.s32 $0xFFFFE000  }
0x1c2: {  	[tilespmem:s22], [sflag:$0x1] =	stream.indirect.gather [hbm4b:s1+s21], $0x80, s7, s21, $0xb8;
	v63 =	vld [tilespmem:$0x0]  }
0x1c3: {  	_ =	swait.ge [sflag:s12], $0x2000  }
0x1c4: {  	[sflag:s12] =	ssyncset.done $0x0  }
0x1c5: {  	s11 =	simm.s32 $0xA80;
	[sflag:s12] =	ssyncadd.s32 $0xFFFFE000  }
0x1c6: {  	[spmem:s3] =	stream.indirect.scatter.add.f32 [tilespmem:s8], [sflag:$0x5], $0x80, s11, s21, $0xb8;
	v63 =	vld [tilespmem:$0x0]  }
0x1c7: {  	_ =	swait.ge [sflag:s15], $0x2000  }
0x1c8: {  	[sflag:s15] =	ssyncset.done $0x0  }
0x1c9: {  	s13 =	simm.s32 $0x380;
	[sflag:s15] =	ssyncadd.s32 $0xFFFFE000  }
0x1ca: {  	[tilespmem:s8], [sflag:$0x2] =	stream.indirect.gather [hbm4b:s1+s21], $0x80, s13, s21, $0xb8;
	v63 =	vld [tilespmem:$0x0]  }
0x1cb: {  	_ =	swait.ge [sflag:s10], $0x2000  }
0x1cc: {  	[sflag:s10] =	ssyncset.done $0x0  }
0x1cd: {  	s18 =	simm.s32 $0xB00;
	[sflag:s10] =	ssyncadd.s32 $0xFFFFE000  }
0x1ce: {  	[spmem:s3] =	stream.indirect.scatter.add.f32 [tilespmem:s22], [sflag:$0x5], $0x80, s18, s21, $0xb8;
	v63 =	vld [tilespmem:$0x0]  }
0x1cf: {  	_ =	swait.ge [sflag:s15], $0x2000  }
0x1d0: {  	[sflag:s15] =	ssyncset.done $0x0  }
0x1d1: {  	[sflag:s15] =	ssyncadd.s32 $0xFFFFE000  }
0x1d2: {  	_ =	swait.ge [sflag:s0], $0x400  }
0x1d3: {  	[sflag:s0] =	ssyncset.done $0x0  }
0x1d4: {  	[sflag:s0] =	ssyncadd.s32 $0xFFFFFC00  }
0x1d5: {  	_ =	swait.ge [sflag:s0], $0x400  }
0x1d6: {  	[sflag:s0] =	ssyncset.done $0x0  }
0x1d7: {  	[sflag:s0] =	ssyncadd.s32 $0xFFFFFC00  }
0x1d8: {  	[tilespmem:s22], [sflag:$0x1] =	stream.indirect.gather [hbm4b:s1+s21], $0x80, s19, s21, $0xb8;
	v63 =	vld [tilespmem:$0x0]  }
0x1d9: {  	_ =	swait.ge [sflag:s12], $0x2000  }
0x1da: {  	[sflag:s12] =	ssyncset.done $0x0  }
0x1db: {  	s19 =	simm.s32 $0xB80;
	[sflag:s12] =	ssyncadd.s32 $0xFFFFE000  }
0x1dc: {  	[spmem:s3] =	stream.indirect.scatter.add.f32 [tilespmem:s8], [sflag:$0x5], $0x80, s19, s21, $0xb8;
	v63 =	vld [tilespmem:$0x0]  }
0x1dd: {  	_ =	swait.ge [sflag:s15], $0x2000  }
0x1de: {  	[sflag:s15] =	ssyncset.done $0x0  }
0x1df: {  	s7 =	simm.s32 $0x480;
	[sflag:s15] =	ssyncadd.s32 $0xFFFFE000  }
0x1e0: {  	[tilespmem:s8], [sflag:$0x2] =	stream.indirect.gather [hbm4b:s1+s21], $0x80, s7, s21, $0xb8;
	v63 =	vld [tilespmem:$0x0]  }
0x1e1: {  	_ =	swait.ge [sflag:s10], $0x2000  }
0x1e2: {  	[sflag:s10] =	ssyncset.done $0x0  }
0x1e3: {  	[sflag:s10] =	ssyncadd.s32 $0xFFFFE000  }
0x1e4: {  	[spmem:s3] =	stream.indirect.scatter.add.f32 [tilespmem:s22], [sflag:$0x5], $0x80, s4, s21, $0xb8;
	v63 =	vld [tilespmem:$0x0]  }
0x1e5: {  	_ =	swait.ge [sflag:s15], $0x2000  }
0x1e6: {  	[sflag:s15] =	ssyncset.done $0x0  }
0x1e7: {  	[sflag:s15] =	ssyncadd.s32 $0xFFFFE000  }
0x1e8: {  	[tilespmem:s22], [sflag:$0x1] =	stream.indirect.gather [hbm4b:s1+s21], $0x80, s9, s21, $0xb8;
	v63 =	vld [tilespmem:$0x0]  }
0x1e9: {  	_ =	swait.ge [sflag:s12], $0x2000  }
0x1ea: {  	[sflag:s12] =	ssyncset.done $0x0  }
0x1eb: {  	[sflag:s12] =	ssyncadd.s32 $0xFFFFE000  }
0x1ec: {  	[spmem:s3] =	stream.indirect.scatter.add.f32 [tilespmem:s8], [sflag:$0x5], $0x80, s16, s21, $0xb8;
	v63 =	vld [tilespmem:$0x0]  }
0x1ed: {  	_ =	swait.ge [sflag:s15], $0x2000  }
0x1ee: {  	[sflag:s15] =	ssyncset.done $0x0  }
0x1ef: {  	[sflag:s15] =	ssyncadd.s32 $0xFFFFE000  }
0x1f0: {  	[tilespmem:s8], [sflag:$0x2] =	stream.indirect.gather [hbm4b:s1+s21], $0x80, s17, s21, $0xb8;
	v63 =	vld [tilespmem:$0x0]  }
0x1f1: {  	_ =	swait.ge [sflag:s10], $0x2000  }
0x1f2: {  	[sflag:s10] =	ssyncset.done $0x0  }
0x1f3: {  	[sflag:s10] =	ssyncadd.s32 $0xFFFFE000  }
0x1f4: {  	[spmem:s3] =	stream.indirect.scatter.add.f32 [tilespmem:s22], [sflag:$0x5], $0x80, s24, s21, $0xb8;
	v63 =	vld [tilespmem:$0x0]  }
0x1f5: {  	_ =	swait.ge [sflag:s15], $0x2000  }
0x1f6: {  	[sflag:s15] =	ssyncset.done $0x0  }
0x1f7: {  	[sflag:s15] =	ssyncadd.s32 $0xFFFFE000  }
0x1f8: {  	[tilespmem:s22], [sflag:$0x1] =	stream.indirect.gather [hbm4b:s1+s21], $0x80, s25, s21, $0xb8;
	v63 =	vld [tilespmem:$0x0]  }
0x1f9: {  	_ =	swait.ge [sflag:s12], $0x2000  }
0x1fa: {  	[sflag:s12] =	ssyncset.done $0x0  }
0x1fb: {  	[sflag:s12] =	ssyncadd.s32 $0xFFFFE000  }
0x1fc: {  	[spmem:s3] =	stream.indirect.scatter.add.f32 [tilespmem:s8], [sflag:$0x5], $0x80, s26, s21, $0xb8;
	v63 =	vld [tilespmem:$0x0]  }
0x1fd: {  	_ =	swait.ge [sflag:s15], $0x2000  }
0x1fe: {  	[sflag:s15] =	ssyncset.done $0x0  }
0x1ff: {  	[sflag:s15] =	ssyncadd.s32 $0xFFFFE000  }
0x200: {  	[tilespmem:s8], [sflag:$0x2] =	stream.indirect.gather [hbm4b:s1+s21], $0x80, s28, s21, $0xb8;
	v63 =	vld [tilespmem:$0x0]  }
0x201: {  	_ =	swait.ge [sflag:s10], $0x2000  }
0x202: {  	[sflag:s10] =	ssyncset.done $0x0  }
0x203: {  	[sflag:s10] =	ssyncadd.s32 $0xFFFFE000  }
0x204: {  	[spmem:s3] =	stream.indirect.scatter.add.f32 [tilespmem:s22], [sflag:$0x5], $0x80, s29, s21, $0xb8;
	v63 =	vld [tilespmem:$0x0]  }
0x205: {  	_ =	swait.ge [sflag:s15], $0x2000  }
0x206: {  	[sflag:s15] =	ssyncset.done $0x0  }
0x207: {  	[sflag:s15] =	ssyncadd.s32 $0xFFFFE000  }
0x208: {  	[tilespmem:s22], [sflag:$0x1] =	stream.indirect.gather [hbm4b:s1+s21], $0x80, s30, s21, $0xb8;
	v63 =	vld [tilespmem:$0x0]  }
0x209: {  	_ =	swait.ge [sflag:s12], $0x2000  }
0x20a: {  	[sflag:s12] =	ssyncset.done $0x0  }
0x20b: {  	[sflag:s12] =	ssyncadd.s32 $0xFFFFE000  }
0x20c: {  	[spmem:s3] =	stream.indirect.scatter.add.f32 [tilespmem:s8], [sflag:$0x5], $0x80, s31, s21, $0xb8;
	v63 =	vld [tilespmem:$0x0]  }
0x20d: {  	_ =	swait.ge [sflag:s15], $0x2000  }
0x20e: {  	[sflag:s15] =	ssyncset.done $0x0  }
0x20f: {  	s9 =	simm.s32 $0x780;
	[sflag:s15] =	ssyncadd.s32 $0xFFFFE000  }
0x210: {  	[tilespmem:s8], [sflag:$0x2] =	stream.indirect.gather [hbm4b:s1+s21], $0x80, s9, s21, $0xb8;
	v63 =	vld [tilespmem:$0x0]  }
0x211: {  	_ =	swait.ge [sflag:s10], $0x2000  }
0x212: {  	[sflag:s10] =	ssyncset.done $0x0  }
0x213: {  	s11 =	simm.s32 $0xF00;
	[sflag:s10] =	ssyncadd.s32 $0xFFFFE000  }
0x214: {  	[spmem:s3] =	stream.indirect.scatter.add.f32 [tilespmem:s22], [sflag:$0x5], $0x80, s11, s21, $0xb8;
	v63 =	vld [tilespmem:$0x0]  }
0x215: {  	_ =	swait.ge [sflag:s15], $0x2000  }
0x216: {  	[sflag:s15] =	ssyncset.done $0x0  }
0x217: {  	[sflag:s15] =	ssyncadd.s32 $0xFFFFE000  }
0x218: {  	_ =	swait.ge [sflag:s12], $0x2000  }
0x219: {  	[sflag:s12] =	ssyncset.done $0x0  }
0x21a: {  	[sflag:s12] =	ssyncadd.s32 $0xFFFFE000  }
0x21b: {  	[spmem:s3] =	stream.indirect.scatter.add.f32 [tilespmem:s8], [sflag:$0x5], $0x80, s2, s21, $0xb8;
	v63 =	vld [tilespmem:$0x0]  }
0x21c: {  	_ =	swait.ge [sflag:s15], $0x2000  }
0x21d: {  	[sflag:s15] =	ssyncset.done $0x0  }
0x21e: {  	[sflag:s15] =	ssyncadd.s32 $0xFFFFE000  }
0x21f: {  	[bflag:$0x0] =	sbarrier.arrive $0xFFFF  }
0x220: {  	s13 =	simm.s32 $0x9800;
	s2 =	rddreg [dreg:$0x1d]  }
0x221: {  	[tilespmem:s13], [sflag:$0x5] =	stream.linear.gather [spmem:s2], $0x2800, $0x38;
	v63 =	vld [tilespmem:$0x0]  }
0x222: {  	_ =	swait.ge [sflag:s15], $0x2800  }
0x223: {  	[sflag:s15] =	ssyncset.done $0x0  }
0x224: {  	s11 =	simm.s32 $0x0;
	s19 =	rddreg [dreg:$0xb];
	[sflag:s15] =	ssyncadd.s32 $0xFFFFD800  }
0x225: {  	[hbm4b:s19+s11] =	stream.linear.scatter [tilespmem:s13], [sflag:$0x5], $0x2800, $0x38;
	v63 =	vld [tilespmem:$0x0]  }
0x226: {  	_ =	swait.ge [sflag:s15], $0x2800  }
0x227: {  	[sflag:s15] =	ssyncset.done $0x0  }
0x228: {  	s9 =	rddreg [dreg:$0x1e];
	[sflag:s15] =	ssyncadd.s32 $0xFFFFD800  }
0x229: {  	[tilespmem:s13], [sflag:$0x5] =	stream.linear.gather [spmem:s9], $0x2800, $0x38;
	v63 =	vld [tilespmem:$0x0]  }
0x22a: {  	_ =	swait.ge [sflag:s15], $0x2800  }
0x22b: {  	[sflag:s15] =	ssyncset.done $0x0  }
0x22c: {  	s24 =	rddreg [dreg:$0xc];
	[sflag:s15] =	ssyncadd.s32 $0xFFFFD800  }
0x22d: {  	[hbm4b:s24+s11] =	stream.linear.scatter [tilespmem:s13], [sflag:$0x5], $0x2800, $0x38;
	v63 =	vld [tilespmem:$0x0]  }
0x22e: {  	_ =	swait.ge [sflag:s15], $0x2800  }
0x22f: {  	[sflag:s15] =	ssyncset.done $0x0  }
0x230: {  	s16 =	rddreg [dreg:$0x1f];
	[sflag:s15] =	ssyncadd.s32 $0xFFFFD800  }
0x231: {  	[tilespmem:s13], [sflag:$0x5] =	stream.linear.gather [spmem:s16], $0x2800, $0x38;
	v63 =	vld [tilespmem:$0x0]  }
0x232: {  	_ =	swait.ge [sflag:s15], $0x2800  }
0x233: {  	[sflag:s15] =	ssyncset.done $0x0  }
0x234: {  	s25 =	rddreg [dreg:$0xd];
	[sflag:s15] =	ssyncadd.s32 $0xFFFFD800  }
0x235: {  	[hbm4b:s25+s11] =	stream.linear.scatter [tilespmem:s13], [sflag:$0x5], $0x2800, $0x38;
	v63 =	vld [tilespmem:$0x0]  }
0x236: {  	_ =	swait.ge [sflag:s15], $0x2800  }
0x237: {  	s17 =	sld [smem:$0x7F9]  }
0x238: {  	[sflag:s15] =	ssyncset.done $0x0  }
0x239: {  	[sflag:s15] =	ssyncadd.s32 $0xFFFFD800  }
0x23a: {  	[tilespmem:s13], [sflag:$0x5] =	stream.linear.gather [spmem:s17], $0x2800, $0x38;
	v63 =	vld [tilespmem:$0x0]  }
0x23b: {  	_ =	swait.ge [sflag:s15], $0x2800  }
0x23c: {  	[sflag:s15] =	ssyncset.done $0x0  }
0x23d: {  	s26 =	rddreg [dreg:$0xe];
	[sflag:s15] =	ssyncadd.s32 $0xFFFFD800  }
0x23e: {  	[hbm4b:s26+s11] =	stream.linear.scatter [tilespmem:s13], [sflag:$0x5], $0x2800, $0x38;
	v63 =	vld [tilespmem:$0x0]  }
0x23f: {  	_ =	swait.ge [sflag:s15], $0x2800  }
0x240: {  	s18 =	sld [smem:$0x7FA]  }
0x241: {  	[sflag:s15] =	ssyncset.done $0x0  }
0x242: {  	[sflag:s15] =	ssyncadd.s32 $0xFFFFD800  }
0x243: {  	[tilespmem:s13], [sflag:$0x5] =	stream.linear.gather [spmem:s18], $0x2800, $0x38;
	v63 =	vld [tilespmem:$0x0]  }
0x244: {  	_ =	swait.ge [sflag:s15], $0x2800  }
0x245: {  	[sflag:s15] =	ssyncset.done $0x0  }
0x246: {  	s7 =	rddreg [dreg:$0xf];
	[sflag:s15] =	ssyncadd.s32 $0xFFFFD800  }
0x247: {  	[hbm4b:s7+s11] =	stream.linear.scatter [tilespmem:s13], [sflag:$0x5], $0x2800, $0x38;
	v63 =	vld [tilespmem:$0x0]  }
0x248: {  	_ =	swait.ge [sflag:s15], $0x2800  }
0x249: {  	s4 =	sld [smem:$0x7FB]  }
0x24a: {  	[sflag:s15] =	ssyncset.done $0x0  }
0x24b: {  	s7 =	simm.s32 $0x9800;
	[sflag:s15] =	ssyncadd.s32 $0xFFFFD800  }
0x24c: {  	[tilespmem:s7], [sflag:$0x5] =	stream.linear.gather [spmem:s4], $0x2800, $0x38;
	v63 =	vld [tilespmem:$0x0]  }
0x24d: {  	_ =	swait.ge [sflag:s15], $0x2800  }
0x24e: {  	[sflag:s15] =	ssyncset.done $0x0  }
0x24f: {  	s13 =	rddreg [dreg:$0x10];
	[sflag:s15] =	ssyncadd.s32 $0xFFFFD800  }
0x250: {  	[hbm4b:s13+s11] =	stream.linear.scatter [tilespmem:s7], [sflag:$0x5], $0x2800, $0x38;
	v63 =	vld [tilespmem:$0x0]  }
0x251: {  	_ =	swait.ge [sflag:s15], $0x2800  }
0x252: {  	s24 =	sld [smem:$0x7FC]  }
0x253: {  	[sflag:s15] =	ssyncset.done $0x0  }
0x254: {  	[sflag:s15] =	ssyncadd.s32 $0xFFFFD800  }
0x255: {  	[tilespmem:s7], [sflag:$0x5] =	stream.linear.gather [spmem:s24], $0x2800, $0x38;
	v63 =	vld [tilespmem:$0x0]  }
0x256: {  	_ =	swait.ge [sflag:s15], $0x2800  }
0x257: {  	[sflag:s15] =	ssyncset.done $0x0  }
0x258: {  	s19 =	rddreg [dreg:$0x11];
	[sflag:s15] =	ssyncadd.s32 $0xFFFFD800  }
0x259: {  	[hbm4b:s19+s11] =	stream.linear.scatter [tilespmem:s7], [sflag:$0x5], $0x2800, $0x38;
	v63 =	vld [tilespmem:$0x0]  }
0x25a: {  	_ =	swait.ge [sflag:s15], $0x2800  }
0x25b: {  	s13 =	sld [smem:$0x7FD]  }
0x25c: {  	[sflag:s15] =	ssyncset.done $0x0  }
0x25d: {  	[sflag:s15] =	ssyncadd.s32 $0xFFFFD800  }
0x25e: {  	[tilespmem:s7], [sflag:$0x5] =	stream.linear.gather [spmem:s13], $0x2800, $0x38;
	v63 =	vld [tilespmem:$0x0]  }
0x25f: {  	_ =	swait.ge [sflag:s15], $0x2800  }
0x260: {  	[sflag:s15] =	ssyncset.done $0x0  }
0x261: {  	s25 =	rddreg [dreg:$0x12];
	[sflag:s15] =	ssyncadd.s32 $0xFFFFD800  }
0x262: {  	[hbm4b:s25+s11] =	stream.linear.scatter [tilespmem:s7], [sflag:$0x5], $0x2800, $0x38;
	v63 =	vld [tilespmem:$0x0]  }
0x263: {  	_ =	swait.ge [sflag:s15], $0x2800  }
0x264: {  	[sflag:s15] =	ssyncset.done $0x0  }
0x265: {  	[sflag:s15] =	ssyncadd.s32 $0xFFFFD800  }
0x266: {  	[bflag:$0x0] =	sbarrier.arrive $0xFFFF  }
0x267: {  	s26 =	rddreg [dreg:$0x1c]  }
0x268: {  	[tilespmem:s7], [sflag:$0x5] =	stream.linear.gather [hbm4b:s26+s11], $0x2800, $0x38;
	v63 =	vld [tilespmem:$0x0]  }
0x269: {  	_ =	swait.ge [sflag:s15], $0x2800  }
0x26a: {  	[sflag:s15] =	ssyncset.done $0x0  }
0x26b: {  	[sflag:s15] =	ssyncadd.s32 $0xFFFFD800  }
0x26c: {  	[spmem:s2] =	stream.linear.scatter [tilespmem:s7], [sflag:$0x5], $0x2800, $0x38;
	v63 =	vld [tilespmem:$0x0]  }
0x26d: {  	_ =	swait.ge [sflag:s15], $0x2800  }
0x26e: {  	[sflag:s15] =	ssyncset.done $0x0  }
0x26f: {  	[sflag:s15] =	ssyncadd.s32 $0xFFFFD800  }
0x270: {  	[spmem:s9] =	stream.linear.scatter [tilespmem:s7], [sflag:$0x5], $0x2800, $0x38;
	v63 =	vld [tilespmem:$0x0]  }
0x271: {  	_ =	swait.ge [sflag:s15], $0x2800  }
0x272: {  	[sflag:s15] =	ssyncset.done $0x0  }
0x273: {  	[sflag:s15] =	ssyncadd.s32 $0xFFFFD800  }
0x274: {  	[spmem:s16] =	stream.linear.scatter [tilespmem:s7], [sflag:$0x5], $0x2800, $0x38;
	v63 =	vld [tilespmem:$0x0]  }
0x275: {  	_ =	swait.ge [sflag:s15], $0x2800  }
0x276: {  	[sflag:s15] =	ssyncset.done $0x0  }
0x277: {  	[sflag:s15] =	ssyncadd.s32 $0xFFFFD800  }
0x278: {  	[spmem:s17] =	stream.linear.scatter [tilespmem:s7], [sflag:$0x5], $0x2800, $0x38;
	v63 =	vld [tilespmem:$0x0]  }
0x279: {  	_ =	swait.ge [sflag:s15], $0x2800  }
0x27a: {  	[sflag:s15] =	ssyncset.done $0x0  }
0x27b: {  	[sflag:s15] =	ssyncadd.s32 $0xFFFFD800  }
0x27c: {  	[spmem:s18] =	stream.linear.scatter [tilespmem:s7], [sflag:$0x5], $0x2800, $0x38;
	v63 =	vld [tilespmem:$0x0]  }
0x27d: {  	_ =	swait.ge [sflag:s15], $0x2800  }
0x27e: {  	[sflag:s15] =	ssyncset.done $0x0  }
0x27f: {  	[sflag:s15] =	ssyncadd.s32 $0xFFFFD800  }
0x280: {  	[spmem:s4] =	stream.linear.scatter [tilespmem:s7], [sflag:$0x5], $0x2800, $0x38;
	v63 =	vld [tilespmem:$0x0]  }
0x281: {  	_ =	swait.ge [sflag:s15], $0x2800  }
0x282: {  	[sflag:s15] =	ssyncset.done $0x0  }
0x283: {  	[sflag:s15] =	ssyncadd.s32 $0xFFFFD800  }
0x284: {  	[spmem:s24] =	stream.linear.scatter [tilespmem:s7], [sflag:$0x5], $0x2800, $0x38;
	v63 =	vld [tilespmem:$0x0]  }
0x285: {  	_ =	swait.ge [sflag:s15], $0x2800  }
0x286: {  	[sflag:s15] =	ssyncset.done $0x0  }
0x287: {  	[sflag:s15] =	ssyncadd.s32 $0xFFFFD800  }
0x288: {  	[spmem:s13] =	stream.linear.scatter [tilespmem:s7], [sflag:$0x5], $0x2800, $0x38;
	v63 =	vld [tilespmem:$0x0]  }
0x289: {  	_ =	swait.ge [sflag:s15], $0x2800  }
0x28a: {  	[sflag:s15] =	ssyncset.done $0x0  }
0x28b: {  	[sflag:s15] =	ssyncadd.s32 $0xFFFFD800  }
0x28c: {  	[bflag:$0x0] =	sbarrier.arrive $0xFFFF  }
0x28d: {  	s18 =	sld [smem:$0x7F7];
	_ =	sdelay $0x1  }
0x28e: {  	s2 =	simm.s32 $0x1000;
	s19 =	sld [smem:$0x7F8]  }
0x28f: {  	[tilespmem:s2], [sflag:$0x3] =	stream.linear.gather [hbm4b:s18+s11], $0x400, $0x38;
	v63 =	vld [tilespmem:$0x0]  }
0x290: {  	s16 =	simm.s32 $0x1400  }
0x291: {  	[tilespmem:s16], [sflag:$0x4] =	stream.linear.gather [hbm4b:s19+s11], $0x400, $0x38;
	v63 =	vld [tilespmem:$0x0]  }
0x292: {  	_ =	swait.ge [sflag:s20], $0x400  }
0x293: {  	[sflag:s20] =	ssyncset.done $0x0  }
0x294: {  	[sflag:s20] =	ssyncadd.s32 $0xFFFFFC00  }
0x295: {  	[spmem:s3] =	stream.indirect.scatter.add.f32 [tilespmem:s14], [sflag:$0x5], $0x80, s2, s23, $0xb8;
	v63 =	vld [tilespmem:$0x0]  }
0x296: {  	_ =	swait.ge [sflag:s15], $0x4000  }
0x297: {  	[sflag:s15] =	ssyncset.done $0x0  }
0x298: {  	s24 =	simm.s32 $0x1080;
	[sflag:s15] =	ssyncadd.s32 $0xFFFFC000  }
0x299: {  	[spmem:s3] =	stream.indirect.scatter.add.f32 [tilespmem:s14], [sflag:$0x5], $0x80, s24, s23, $0xb8;
	v63 =	vld [tilespmem:$0x0]  }
0x29a: {  	_ =	swait.ge [sflag:s15], $0x4000  }
0x29b: {  	[sflag:s15] =	ssyncset.done $0x0  }
0x29c: {  	s25 =	simm.s32 $0x1100;
	[sflag:s15] =	ssyncadd.s32 $0xFFFFC000  }
0x29d: {  	[spmem:s3] =	stream.indirect.scatter.add.f32 [tilespmem:s14], [sflag:$0x5], $0x80, s25, s23, $0xb8;
	v63 =	vld [tilespmem:$0x0]  }
0x29e: {  	_ =	swait.ge [sflag:s15], $0x4000  }
0x29f: {  	[sflag:s15] =	ssyncset.done $0x0  }
0x2a0: {  	s26 =	simm.s32 $0x1180;
	[sflag:s15] =	ssyncadd.s32 $0xFFFFC000  }
0x2a1: {  	[spmem:s3] =	stream.indirect.scatter.add.f32 [tilespmem:s14], [sflag:$0x5], $0x80, s26, s23, $0xb8;
	v63 =	vld [tilespmem:$0x0]  }
0x2a2: {  	_ =	swait.ge [sflag:s15], $0x4000  }
0x2a3: {  	[sflag:s15] =	ssyncset.done $0x0  }
0x2a4: {  	s25 =	simm.s32 $0x1200;
	[sflag:s15] =	ssyncadd.s32 $0xFFFFC000  }
0x2a5: {  	[spmem:s3] =	stream.indirect.scatter.add.f32 [tilespmem:s14], [sflag:$0x5], $0x80, s25, s23, $0xb8;
	v63 =	vld [tilespmem:$0x0]  }
0x2a6: {  	_ =	swait.ge [sflag:s15], $0x4000  }
0x2a7: {  	[sflag:s15] =	ssyncset.done $0x0  }
0x2a8: {  	s26 =	simm.s32 $0x1280;
	[sflag:s15] =	ssyncadd.s32 $0xFFFFC000  }
0x2a9: {  	[spmem:s3] =	stream.indirect.scatter.add.f32 [tilespmem:s14], [sflag:$0x5], $0x80, s26, s23, $0xb8;
	v63 =	vld [tilespmem:$0x0]  }
0x2aa: {  	_ =	swait.ge [sflag:s15], $0x4000  }
0x2ab: {  	[sflag:s15] =	ssyncset.done $0x0  }
0x2ac: {  	s28 =	simm.s32 $0x1300;
	[sflag:s15] =	ssyncadd.s32 $0xFFFFC000  }
0x2ad: {  	[spmem:s3] =	stream.indirect.scatter.add.f32 [tilespmem:s14], [sflag:$0x5], $0x80, s28, s23, $0xb8;
	v63 =	vld [tilespmem:$0x0]  }
0x2ae: {  	_ =	swait.ge [sflag:s15], $0x4000  }
0x2af: {  	[sflag:s15] =	ssyncset.done $0x0  }
0x2b0: {  	s29 =	simm.s32 $0x1380;
	[sflag:s15] =	ssyncadd.s32 $0xFFFFC000  }
0x2b1: {  	[spmem:s3] =	stream.indirect.scatter.add.f32 [tilespmem:s14], [sflag:$0x5], $0x80, s29, s23, $0xb8;
	v63 =	vld [tilespmem:$0x0]  }
0x2b2: {  	_ =	swait.ge [sflag:s15], $0x4000  }
0x2b3: {  	s13 =	sld [smem:$0x7F3]  }
0x2b4: {  	[sflag:s15] =	ssyncset.done $0x0  }
0x2b5: {  	[sflag:s15] =	ssyncadd.s32 $0xFFFFC000  }
0x2b6: {  	s24 =	rddreg [dreg:$0x2];
	s4 =	sshrl.u32 s13, $0x3  }
0x2b7: {  	s6 =	sadd.s32 s24, s4  }
0x2b8: {  	[tilespmem:s2], [sflag:$0x3] =	stream.linear.gather [hbm4b:s6+s5], $0x400, $0x38;
	v63 =	vld [tilespmem:$0x0]  }
0x2b9: {  	_ =	swait.ge [sflag:s0], $0x400  }
0x2ba: {  	[sflag:s0] =	ssyncset.done $0x0  }
0x2bb: {  	[sflag:s0] =	ssyncadd.s32 $0xFFFFFC00  }
0x2bc: {  	[spmem:s3] =	stream.indirect.scatter.add.f32 [tilespmem:s14], [sflag:$0x5], $0x80, s16, s23, $0xb8;
	v63 =	vld [tilespmem:$0x0]  }
0x2bd: {  	_ =	swait.ge [sflag:s15], $0x4000  }
0x2be: {  	[sflag:s15] =	ssyncset.done $0x0  }
0x2bf: {  	s30 =	simm.s32 $0x1480;
	[sflag:s15] =	ssyncadd.s32 $0xFFFFC000  }
0x2c0: {  	[spmem:s3] =	stream.indirect.scatter.add.f32 [tilespmem:s14], [sflag:$0x5], $0x80, s30, s23, $0xb8;
	v63 =	vld [tilespmem:$0x0]  }
0x2c1: {  	_ =	swait.ge [sflag:s15], $0x4000  }
0x2c2: {  	[sflag:s15] =	ssyncset.done $0x0  }
0x2c3: {  	s31 =	simm.s32 $0x1500;
	[sflag:s15] =	ssyncadd.s32 $0xFFFFC000  }
0x2c4: {  	[spmem:s3] =	stream.indirect.scatter.add.f32 [tilespmem:s14], [sflag:$0x5], $0x80, s31, s23, $0xb8;
	v63 =	vld [tilespmem:$0x0]  }
0x2c5: {  	_ =	swait.ge [sflag:s15], $0x4000  }
0x2c6: {  	[sflag:s15] =	ssyncset.done $0x0  }
0x2c7: {  	s9 =	simm.s32 $0x1580;
	[sflag:s15] =	ssyncadd.s32 $0xFFFFC000  }
0x2c8: {  	[spmem:s3] =	stream.indirect.scatter.add.f32 [tilespmem:s14], [sflag:$0x5], $0x80, s9, s23, $0xb8;
	v63 =	vld [tilespmem:$0x0]  }
0x2c9: {  	_ =	swait.ge [sflag:s15], $0x4000  }
0x2ca: {  	[sflag:s15] =	ssyncset.done $0x0  }
0x2cb: {  	s4 =	simm.s32 $0x1600;
	[sflag:s15] =	ssyncadd.s32 $0xFFFFC000  }
0x2cc: {  	[spmem:s3] =	stream.indirect.scatter.add.f32 [tilespmem:s14], [sflag:$0x5], $0x80, s4, s23, $0xb8;
	v63 =	vld [tilespmem:$0x0]  }
0x2cd: {  	_ =	swait.ge [sflag:s15], $0x4000  }
0x2ce: {  	[sflag:s15] =	ssyncset.done $0x0  }
0x2cf: {  	s17 =	simm.s32 $0x1680;
	[sflag:s15] =	ssyncadd.s32 $0xFFFFC000  }
0x2d0: {  	[spmem:s3] =	stream.indirect.scatter.add.f32 [tilespmem:s14], [sflag:$0x5], $0x80, s17, s23, $0xb8;
	v63 =	vld [tilespmem:$0x0]  }
0x2d1: {  	_ =	swait.ge [sflag:s15], $0x4000  }
0x2d2: {  	[sflag:s15] =	ssyncset.done $0x0  }
0x2d3: {  	s18 =	simm.s32 $0x1700;
	[sflag:s15] =	ssyncadd.s32 $0xFFFFC000  }
0x2d4: {  	[spmem:s3] =	stream.indirect.scatter.add.f32 [tilespmem:s14], [sflag:$0x5], $0x80, s18, s23, $0xb8;
	v63 =	vld [tilespmem:$0x0]  }
0x2d5: {  	_ =	swait.ge [sflag:s15], $0x4000  }
0x2d6: {  	[sflag:s15] =	ssyncset.done $0x0  }
0x2d7: {  	s19 =	simm.s32 $0x1780;
	[sflag:s15] =	ssyncadd.s32 $0xFFFFC000  }
0x2d8: {  	[spmem:s3] =	stream.indirect.scatter.add.f32 [tilespmem:s14], [sflag:$0x5], $0x80, s19, s23, $0xb8;
	v63 =	vld [tilespmem:$0x0]  }
0x2d9: {  	_ =	swait.ge [sflag:s15], $0x4000  }
0x2da: {  	s11 =	simm.s32 $0x100;
	s7 =	rddreg [dreg:$0x9];
	[sflag:s15] =	ssyncset.done $0x0  }
0x2db: {  	s13 =	sadd.s32 $0x800, s13;
	[sflag:s15] =	ssyncadd.s32 $0xFFFFC000;
	s7 =	sadd.s32 $0x0, s7  }
.LBB2_4:
0x2dc: {  	[tilespmem:s16], [sflag:$0x4] =	stream.linear.gather [hbm4b:s7+s5], $0x400, $0x38;
	v63 =	vld [tilespmem:$0x0]  }
0x2dd: {  	_ =	swait.ge [sflag:s20], $0x400  }
0x2de: {  	[sflag:s20] =	ssyncset.done $0x0  }
0x2df: {  	[sflag:s20] =	ssyncadd.s32 $0xFFFFFC00  }
0x2e0: {  	[spmem:s3] =	stream.indirect.scatter.add.f32 [tilespmem:s14], [sflag:$0x5], $0x80, s2, s23, $0xb8;
	v63 =	vld [tilespmem:$0x0]  }
0x2e1: {  	_ =	swait.ge [sflag:s15], $0x4000  }
0x2e2: {  	[sflag:s15] =	ssyncset.done $0x0  }
0x2e3: {  	s6 =	simm.s32 $0x1080;
	[sflag:s15] =	ssyncadd.s32 $0xFFFFC000  }
0x2e4: {  	[spmem:s3] =	stream.indirect.scatter.add.f32 [tilespmem:s14], [sflag:$0x5], $0x80, s6, s23, $0xb8;
	v63 =	vld [tilespmem:$0x0]  }
0x2e5: {  	_ =	swait.ge [sflag:s15], $0x4000  }
0x2e6: {  	[sflag:s15] =	ssyncset.done $0x0  }
0x2e7: {  	s6 =	simm.s32 $0x1100;
	[sflag:s15] =	ssyncadd.s32 $0xFFFFC000  }
0x2e8: {  	[spmem:s3] =	stream.indirect.scatter.add.f32 [tilespmem:s14], [sflag:$0x5], $0x80, s6, s23, $0xb8;
	v63 =	vld [tilespmem:$0x0]  }
0x2e9: {  	_ =	swait.ge [sflag:s15], $0x4000  }
0x2ea: {  	[sflag:s15] =	ssyncset.done $0x0  }
0x2eb: {  	s6 =	simm.s32 $0x1180;
	[sflag:s15] =	ssyncadd.s32 $0xFFFFC000  }
0x2ec: {  	[spmem:s3] =	stream.indirect.scatter.add.f32 [tilespmem:s14], [sflag:$0x5], $0x80, s6, s23, $0xb8;
	v63 =	vld [tilespmem:$0x0]  }
0x2ed: {  	_ =	swait.ge [sflag:s15], $0x4000  }
0x2ee: {  	[sflag:s15] =	ssyncset.done $0x0  }
0x2ef: {  	[sflag:s15] =	ssyncadd.s32 $0xFFFFC000  }
0x2f0: {  	[spmem:s3] =	stream.indirect.scatter.add.f32 [tilespmem:s14], [sflag:$0x5], $0x80, s25, s23, $0xb8;
	v63 =	vld [tilespmem:$0x0]  }
0x2f1: {  	_ =	swait.ge [sflag:s15], $0x4000  }
0x2f2: {  	[sflag:s15] =	ssyncset.done $0x0  }
0x2f3: {  	[sflag:s15] =	ssyncadd.s32 $0xFFFFC000  }
0x2f4: {  	[spmem:s3] =	stream.indirect.scatter.add.f32 [tilespmem:s14], [sflag:$0x5], $0x80, s26, s23, $0xb8;
	v63 =	vld [tilespmem:$0x0]  }
0x2f5: {  	_ =	swait.ge [sflag:s15], $0x4000  }
0x2f6: {  	[sflag:s15] =	ssyncset.done $0x0  }
0x2f7: {  	[sflag:s15] =	ssyncadd.s32 $0xFFFFC000  }
0x2f8: {  	[spmem:s3] =	stream.indirect.scatter.add.f32 [tilespmem:s14], [sflag:$0x5], $0x80, s28, s23, $0xb8;
	v63 =	vld [tilespmem:$0x0]  }
0x2f9: {  	_ =	swait.ge [sflag:s15], $0x4000  }
0x2fa: {  	[sflag:s15] =	ssyncset.done $0x0  }
0x2fb: {  	[sflag:s15] =	ssyncadd.s32 $0xFFFFC000  }
0x2fc: {  	[spmem:s3] =	stream.indirect.scatter.add.f32 [tilespmem:s14], [sflag:$0x5], $0x80, s29, s23, $0xb8;
	v63 =	vld [tilespmem:$0x0]  }
0x2fd: {  	_ =	swait.ge [sflag:s15], $0x4000  }
0x2fe: {  	s6 =	sshrl.u32 s13, $0x3;
	[sflag:s15] =	ssyncset.done $0x0  }
0x2ff: {  	s6 =	sadd.s32 s24, s6;
	[sflag:s15] =	ssyncadd.s32 $0xFFFFC000  }
0x300: {  	[tilespmem:s2], [sflag:$0x3] =	stream.linear.gather [hbm4b:s6+s5], $0x400, $0x38;
	v63 =	vld [tilespmem:$0x0]  }
0x301: {  	_ =	swait.ge [sflag:s0], $0x400  }
0x302: {  	[sflag:s0] =	ssyncset.done $0x0  }
0x303: {  	[sflag:s0] =	ssyncadd.s32 $0xFFFFFC00  }
0x304: {  	[spmem:s3] =	stream.indirect.scatter.add.f32 [tilespmem:s14], [sflag:$0x5], $0x80, s16, s23, $0xb8;
	v63 =	vld [tilespmem:$0x0]  }
0x305: {  	_ =	swait.ge [sflag:s15], $0x4000  }
0x306: {  	[sflag:s15] =	ssyncset.done $0x0  }
0x307: {  	[sflag:s15] =	ssyncadd.s32 $0xFFFFC000  }
0x308: {  	[spmem:s3] =	stream.indirect.scatter.add.f32 [tilespmem:s14], [sflag:$0x5], $0x80, s30, s23, $0xb8;
	v63 =	vld [tilespmem:$0x0]  }
0x309: {  	_ =	swait.ge [sflag:s15], $0x4000  }
0x30a: {  	[sflag:s15] =	ssyncset.done $0x0  }
0x30b: {  	[sflag:s15] =	ssyncadd.s32 $0xFFFFC000  }
0x30c: {  	[spmem:s3] =	stream.indirect.scatter.add.f32 [tilespmem:s14], [sflag:$0x5], $0x80, s31, s23, $0xb8;
	v63 =	vld [tilespmem:$0x0]  }
0x30d: {  	_ =	swait.ge [sflag:s15], $0x4000  }
0x30e: {  	[sflag:s15] =	ssyncset.done $0x0  }
0x30f: {  	[sflag:s15] =	ssyncadd.s32 $0xFFFFC000  }
0x310: {  	[spmem:s3] =	stream.indirect.scatter.add.f32 [tilespmem:s14], [sflag:$0x5], $0x80, s9, s23, $0xb8;
	v63 =	vld [tilespmem:$0x0]  }
0x311: {  	_ =	swait.ge [sflag:s15], $0x4000  }
0x312: {  	[sflag:s15] =	ssyncset.done $0x0  }
0x313: {  	[sflag:s15] =	ssyncadd.s32 $0xFFFFC000  }
0x314: {  	[spmem:s3] =	stream.indirect.scatter.add.f32 [tilespmem:s14], [sflag:$0x5], $0x80, s4, s23, $0xb8;
	v63 =	vld [tilespmem:$0x0]  }
0x315: {  	_ =	swait.ge [sflag:s15], $0x4000  }
0x316: {  	[sflag:s15] =	ssyncset.done $0x0  }
0x317: {  	[sflag:s15] =	ssyncadd.s32 $0xFFFFC000  }
0x318: {  	[spmem:s3] =	stream.indirect.scatter.add.f32 [tilespmem:s14], [sflag:$0x5], $0x80, s17, s23, $0xb8;
	v63 =	vld [tilespmem:$0x0]  }
0x319: {  	_ =	swait.ge [sflag:s15], $0x4000  }
0x31a: {  	[sflag:s15] =	ssyncset.done $0x0  }
0x31b: {  	[sflag:s15] =	ssyncadd.s32 $0xFFFFC000  }
0x31c: {  	[spmem:s3] =	stream.indirect.scatter.add.f32 [tilespmem:s14], [sflag:$0x5], $0x80, s18, s23, $0xb8;
	v63 =	vld [tilespmem:$0x0]  }
0x31d: {  	_ =	swait.ge [sflag:s15], $0x4000  }
0x31e: {  	p0 =	sne.s32 s11, $0x300;
	[sflag:s15] =	ssyncset.done $0x0  }
.Ltmp1:
0x31f: {  	[sflag:s15] =	ssyncadd.s32 $0xFFFFC000;
	(pc) =	sbr.rel @p0 .LBB2_4-.Ltmp1, $4  }
0x320: {  	[spmem:s3] =	stream.indirect.scatter.add.f32 [tilespmem:s14], [sflag:$0x5], $0x80, s19, s23, $0xb8;
	v63 =	vld [tilespmem:$0x0]  }
0x321: {  	s7 =	smov.u32 s11;
	_ =	swait.ge [sflag:s15], $0x4000  }
0x322: {  	s11 =	sadd.s32 $0x100, s11;
	[sflag:s15] =	ssyncset.done $0x0;
	s6 =	rddreg [dreg:$0x9]  }
0x323: {  	s13 =	sadd.s32 $0x800, s13;
	[sflag:s15] =	ssyncadd.s32 $0xFFFFC000;
	s7 =	sadd.s32 s7, s6  }
0x324: {  	[tilespmem:s16], [sflag:$0x4] =	stream.linear.gather [hbm4b:s7+s5], $0x400, $0x38;
	v63 =	vld [tilespmem:$0x0]  }
0x325: {  	_ =	swait.ge [sflag:s20], $0x400  }
0x326: {  	[sflag:s20] =	ssyncset.done $0x0  }
0x327: {  	[sflag:s20] =	ssyncadd.s32 $0xFFFFFC00  }
0x328: {  	[spmem:s3] =	stream.indirect.scatter.add.f32 [tilespmem:s14], [sflag:$0x5], $0x80, s2, s23, $0xb8;
	v63 =	vld [tilespmem:$0x0]  }
0x329: {  	_ =	swait.ge [sflag:s15], $0x4000  }
0x32a: {  	[sflag:s15] =	ssyncset.done $0x0  }
0x32b: {  	s11 =	simm.s32 $0x1080;
	[sflag:s15] =	ssyncadd.s32 $0xFFFFC000  }
0x32c: {  	[spmem:s3] =	stream.indirect.scatter.add.f32 [tilespmem:s14], [sflag:$0x5], $0x80, s11, s23, $0xb8;
	v63 =	vld [tilespmem:$0x0]  }
0x32d: {  	_ =	swait.ge [sflag:s15], $0x4000  }
0x32e: {  	[sflag:s15] =	ssyncset.done $0x0  }
0x32f: {  	s13 =	simm.s32 $0x1100;
	[sflag:s15] =	ssyncadd.s32 $0xFFFFC000  }
0x330: {  	[spmem:s3] =	stream.indirect.scatter.add.f32 [tilespmem:s14], [sflag:$0x5], $0x80, s13, s23, $0xb8;
	v63 =	vld [tilespmem:$0x0]  }
0x331: {  	_ =	swait.ge [sflag:s15], $0x4000  }
0x332: {  	[sflag:s15] =	ssyncset.done $0x0  }
0x333: {  	s24 =	simm.s32 $0x1180;
	[sflag:s15] =	ssyncadd.s32 $0xFFFFC000  }
0x334: {  	[spmem:s3] =	stream.indirect.scatter.add.f32 [tilespmem:s14], [sflag:$0x5], $0x80, s24, s23, $0xb8;
	v63 =	vld [tilespmem:$0x0]  }
0x335: {  	_ =	swait.ge [sflag:s15], $0x4000  }
0x336: {  	[sflag:s15] =	ssyncset.done $0x0  }
0x337: {  	[sflag:s15] =	ssyncadd.s32 $0xFFFFC000  }
0x338: {  	[spmem:s3] =	stream.indirect.scatter.add.f32 [tilespmem:s14], [sflag:$0x5], $0x80, s25, s23, $0xb8;
	v63 =	vld [tilespmem:$0x0]  }
0x339: {  	_ =	swait.ge [sflag:s15], $0x4000  }
0x33a: {  	[sflag:s15] =	ssyncset.done $0x0  }
0x33b: {  	[sflag:s15] =	ssyncadd.s32 $0xFFFFC000  }
0x33c: {  	[spmem:s3] =	stream.indirect.scatter.add.f32 [tilespmem:s14], [sflag:$0x5], $0x80, s26, s23, $0xb8;
	v63 =	vld [tilespmem:$0x0]  }
0x33d: {  	_ =	swait.ge [sflag:s15], $0x4000  }
0x33e: {  	[sflag:s15] =	ssyncset.done $0x0  }
0x33f: {  	[sflag:s15] =	ssyncadd.s32 $0xFFFFC000  }
0x340: {  	[spmem:s3] =	stream.indirect.scatter.add.f32 [tilespmem:s14], [sflag:$0x5], $0x80, s28, s23, $0xb8;
	v63 =	vld [tilespmem:$0x0]  }
0x341: {  	_ =	swait.ge [sflag:s15], $0x4000  }
0x342: {  	[sflag:s15] =	ssyncset.done $0x0  }
0x343: {  	[sflag:s15] =	ssyncadd.s32 $0xFFFFC000  }
0x344: {  	[spmem:s3] =	stream.indirect.scatter.add.f32 [tilespmem:s14], [sflag:$0x5], $0x80, s29, s23, $0xb8;
	v63 =	vld [tilespmem:$0x0]  }
0x345: {  	_ =	swait.ge [sflag:s15], $0x4000  }
0x346: {  	[sflag:s15] =	ssyncset.done $0x0  }
0x347: {  	[sflag:s15] =	ssyncadd.s32 $0xFFFFC000  }
0x348: {  	_ =	swait.ge [sflag:s0], $0x400  }
0x349: {  	[sflag:s0] =	ssyncset.done $0x0  }
0x34a: {  	[sflag:s0] =	ssyncadd.s32 $0xFFFFFC00  }
0x34b: {  	[spmem:s3] =	stream.indirect.scatter.add.f32 [tilespmem:s14], [sflag:$0x5], $0x80, s16, s23, $0xb8;
	v63 =	vld [tilespmem:$0x0]  }
0x34c: {  	_ =	swait.ge [sflag:s15], $0x4000  }
0x34d: {  	[sflag:s15] =	ssyncset.done $0x0  }
0x34e: {  	[sflag:s15] =	ssyncadd.s32 $0xFFFFC000  }
0x34f: {  	[spmem:s3] =	stream.indirect.scatter.add.f32 [tilespmem:s14], [sflag:$0x5], $0x80, s30, s23, $0xb8;
	v63 =	vld [tilespmem:$0x0]  }
0x350: {  	_ =	swait.ge [sflag:s15], $0x4000  }
0x351: {  	[sflag:s15] =	ssyncset.done $0x0  }
0x352: {  	[sflag:s15] =	ssyncadd.s32 $0xFFFFC000  }
0x353: {  	[spmem:s3] =	stream.indirect.scatter.add.f32 [tilespmem:s14], [sflag:$0x5], $0x80, s31, s23, $0xb8;
	v63 =	vld [tilespmem:$0x0]  }
0x354: {  	_ =	swait.ge [sflag:s15], $0x4000  }
0x355: {  	[sflag:s15] =	ssyncset.done $0x0  }
0x356: {  	[sflag:s15] =	ssyncadd.s32 $0xFFFFC000  }
0x357: {  	[spmem:s3] =	stream.indirect.scatter.add.f32 [tilespmem:s14], [sflag:$0x5], $0x80, s9, s23, $0xb8;
	v63 =	vld [tilespmem:$0x0]  }
0x358: {  	_ =	swait.ge [sflag:s15], $0x4000  }
0x359: {  	[sflag:s15] =	ssyncset.done $0x0  }
0x35a: {  	[sflag:s15] =	ssyncadd.s32 $0xFFFFC000  }
0x35b: {  	[spmem:s3] =	stream.indirect.scatter.add.f32 [tilespmem:s14], [sflag:$0x5], $0x80, s4, s23, $0xb8;
	v63 =	vld [tilespmem:$0x0]  }
0x35c: {  	_ =	swait.ge [sflag:s15], $0x4000  }
0x35d: {  	[sflag:s15] =	ssyncset.done $0x0  }
0x35e: {  	[sflag:s15] =	ssyncadd.s32 $0xFFFFC000  }
0x35f: {  	[spmem:s3] =	stream.indirect.scatter.add.f32 [tilespmem:s14], [sflag:$0x5], $0x80, s17, s23, $0xb8;
	v63 =	vld [tilespmem:$0x0]  }
0x360: {  	_ =	swait.ge [sflag:s15], $0x4000  }
0x361: {  	[sflag:s15] =	ssyncset.done $0x0  }
0x362: {  	[sflag:s15] =	ssyncadd.s32 $0xFFFFC000  }
0x363: {  	[spmem:s3] =	stream.indirect.scatter.add.f32 [tilespmem:s14], [sflag:$0x5], $0x80, s18, s23, $0xb8;
	v63 =	vld [tilespmem:$0x0]  }
0x364: {  	_ =	swait.ge [sflag:s15], $0x4000  }
0x365: {  	[sflag:s15] =	ssyncset.done $0x0  }
0x366: {  	[sflag:s15] =	ssyncadd.s32 $0xFFFFC000  }
0x367: {  	[spmem:s3] =	stream.indirect.scatter.add.f32 [tilespmem:s14], [sflag:$0x5], $0x80, s19, s23, $0xb8;
	v63 =	vld [tilespmem:$0x0]  }
0x368: {  	_ =	swait.ge [sflag:s15], $0x4000  }
0x369: {  	[sflag:s15] =	ssyncset.done $0x0  }
0x36a: {  	[sflag:s15] =	ssyncadd.s32 $0xFFFFC000  }
0x36b: {  	[bflag:$0x0] =	sbarrier.arrive $0xFFFF  }
0x36c: {  	s7 =	simm.s32 $0x9800;
	s9 =	rddreg [dreg:$0x1d]  }
0x36d: {  	[tilespmem:s7], [sflag:$0x5] =	stream.linear.gather [spmem:s9], $0x2800, $0x38;
	v63 =	vld [tilespmem:$0x0]  }
0x36e: {  	_ =	swait.ge [sflag:s15], $0x2800  }
0x36f: {  	[sflag:s15] =	ssyncset.done $0x0  }
0x370: {  	s6 =	rddreg [dreg:$0x13];
	[sflag:s15] =	ssyncadd.s32 $0xFFFFD800  }
0x371: {  	[hbm4b:s6+s5] =	stream.linear.scatter [tilespmem:s7], [sflag:$0x5], $0x2800, $0x38;
	v63 =	vld [tilespmem:$0x0]  }
0x372: {  	_ =	swait.ge [sflag:s15], $0x2800  }
0x373: {  	[sflag:s15] =	ssyncset.done $0x0  }
0x374: {  	s18 =	rddreg [dreg:$0x1e];
	[sflag:s15] =	ssyncadd.s32 $0xFFFFD800  }
0x375: {  	[tilespmem:s7], [sflag:$0x5] =	stream.linear.gather [spmem:s18], $0x2800, $0x38;
	v63 =	vld [tilespmem:$0x0]  }
0x376: {  	_ =	swait.ge [sflag:s15], $0x2800  }
0x377: {  	[sflag:s15] =	ssyncset.done $0x0  }
0x378: {  	s4 =	rddreg [dreg:$0x14];
	[sflag:s15] =	ssyncadd.s32 $0xFFFFD800  }
0x379: {  	[hbm4b:s4+s5] =	stream.linear.scatter [tilespmem:s7], [sflag:$0x5], $0x2800, $0x38;
	v63 =	vld [tilespmem:$0x0]  }
0x37a: {  	_ =	swait.ge [sflag:s15], $0x2800  }
0x37b: {  	[sflag:s15] =	ssyncset.done $0x0  }
0x37c: {  	s19 =	rddreg [dreg:$0x1f];
	[sflag:s15] =	ssyncadd.s32 $0xFFFFD800  }
0x37d: {  	[tilespmem:s7], [sflag:$0x5] =	stream.linear.gather [spmem:s19], $0x2800, $0x38;
	v63 =	vld [tilespmem:$0x0]  }
0x37e: {  	_ =	swait.ge [sflag:s15], $0x2800  }
0x37f: {  	[sflag:s15] =	ssyncset.done $0x0  }
0x380: {  	s11 =	rddreg [dreg:$0x15];
	[sflag:s15] =	ssyncadd.s32 $0xFFFFD800  }
0x381: {  	[hbm4b:s11+s5] =	stream.linear.scatter [tilespmem:s7], [sflag:$0x5], $0x2800, $0x38;
	v63 =	vld [tilespmem:$0x0]  }
0x382: {  	_ =	swait.ge [sflag:s15], $0x2800  }
0x383: {  	s25 =	sld [smem:$0x7F9]  }
0x384: {  	[sflag:s15] =	ssyncset.done $0x0  }
0x385: {  	[sflag:s15] =	ssyncadd.s32 $0xFFFFD800  }
0x386: {  	[tilespmem:s7], [sflag:$0x5] =	stream.linear.gather [spmem:s25], $0x2800, $0x38;
	v63 =	vld [tilespmem:$0x0]  }
0x387: {  	_ =	swait.ge [sflag:s15], $0x2800  }
0x388: {  	[sflag:s15] =	ssyncset.done $0x0  }
0x389: {  	s13 =	rddreg [dreg:$0x16];
	[sflag:s15] =	ssyncadd.s32 $0xFFFFD800  }
0x38a: {  	[hbm4b:s13+s5] =	stream.linear.scatter [tilespmem:s7], [sflag:$0x5], $0x2800, $0x38;
	v63 =	vld [tilespmem:$0x0]  }
0x38b: {  	_ =	swait.ge [sflag:s15], $0x2800  }
0x38c: {  	s24 =	sld [smem:$0x7FA]  }
0x38d: {  	[sflag:s15] =	ssyncset.done $0x0  }
0x38e: {  	[sflag:s15] =	ssyncadd.s32 $0xFFFFD800  }
0x38f: {  	[tilespmem:s7], [sflag:$0x5] =	stream.linear.gather [spmem:s24], $0x2800, $0x38;
	v63 =	vld [tilespmem:$0x0]  }
0x390: {  	_ =	swait.ge [sflag:s15], $0x2800  }
0x391: {  	[sflag:s15] =	ssyncset.done $0x0  }
0x392: {  	s16 =	rddreg [dreg:$0x17];
	[sflag:s15] =	ssyncadd.s32 $0xFFFFD800  }
0x393: {  	[hbm4b:s16+s5] =	stream.linear.scatter [tilespmem:s7], [sflag:$0x5], $0x2800, $0x38;
	v63 =	vld [tilespmem:$0x0]  }
0x394: {  	_ =	swait.ge [sflag:s15], $0x2800  }
0x395: {  	s28 =	sld [smem:$0x7FB]  }
0x396: {  	[sflag:s15] =	ssyncset.done $0x0  }
0x397: {  	[sflag:s15] =	ssyncadd.s32 $0xFFFFD800  }
0x398: {  	[tilespmem:s7], [sflag:$0x5] =	stream.linear.gather [spmem:s28], $0x2800, $0x38;
	v63 =	vld [tilespmem:$0x0]  }
0x399: {  	_ =	swait.ge [sflag:s15], $0x2800  }
0x39a: {  	[sflag:s15] =	ssyncset.done $0x0  }
0x39b: {  	s17 =	rddreg [dreg:$0x18];
	[sflag:s15] =	ssyncadd.s32 $0xFFFFD800  }
0x39c: {  	[hbm4b:s17+s5] =	stream.linear.scatter [tilespmem:s7], [sflag:$0x5], $0x2800, $0x38;
	v63 =	vld [tilespmem:$0x0]  }
0x39d: {  	_ =	swait.ge [sflag:s15], $0x2800  }
0x39e: {  	s11 =	sld [smem:$0x7FC]  }
0x39f: {  	[sflag:s15] =	ssyncset.done $0x0  }
0x3a0: {  	[sflag:s15] =	ssyncadd.s32 $0xFFFFD800  }
0x3a1: {  	[tilespmem:s7], [sflag:$0x5] =	stream.linear.gather [spmem:s11], $0x2800, $0x38;
	v63 =	vld [tilespmem:$0x0]  }
0x3a2: {  	_ =	swait.ge [sflag:s15], $0x2800  }
0x3a3: {  	[sflag:s15] =	ssyncset.done $0x0  }
0x3a4: {  	s26 =	rddreg [dreg:$0x19];
	[sflag:s15] =	ssyncadd.s32 $0xFFFFD800  }
0x3a5: {  	[hbm4b:s26+s5] =	stream.linear.scatter [tilespmem:s7], [sflag:$0x5], $0x2800, $0x38;
	v63 =	vld [tilespmem:$0x0]  }
0x3a6: {  	_ =	swait.ge [sflag:s15], $0x2800  }
0x3a7: {  	s13 =	sld [smem:$0x7FD]  }
0x3a8: {  	[sflag:s15] =	ssyncset.done $0x0  }
0x3a9: {  	[sflag:s15] =	ssyncadd.s32 $0xFFFFD800  }
0x3aa: {  	[tilespmem:s7], [sflag:$0x5] =	stream.linear.gather [spmem:s13], $0x2800, $0x38;
	v63 =	vld [tilespmem:$0x0]  }
0x3ab: {  	_ =	swait.ge [sflag:s15], $0x2800  }
0x3ac: {  	[sflag:s15] =	ssyncset.done $0x0  }
0x3ad: {  	s29 =	rddreg [dreg:$0x1a];
	[sflag:s15] =	ssyncadd.s32 $0xFFFFD800  }
0x3ae: {  	[hbm4b:s29+s5] =	stream.linear.scatter [tilespmem:s7], [sflag:$0x5], $0x2800, $0x38;
	v63 =	vld [tilespmem:$0x0]  }
0x3af: {  	_ =	swait.ge [sflag:s15], $0x2800  }
0x3b0: {  	s30 =	sld [smem:$0x7F1]  }
0x3b1: {  	s31 =	sld [smem:$0x7F2];
	_ =	sdelay $0x1  }
0x3b2: {  	s4 =	sadd.s32 $0x1, s30  }
0x3b3: {  	p0 =	sne.s32 s4, s31  }
.Ltmp2:
0x3b4: {  	_ = 	snop;
	(pc) =	sbr.rel @p0 .LBB2_1-.Ltmp2, $3  }
0x3b5: {  	_ =	sdelay $0x1  }
0x3b6: {  	s2 =	simm.s32 $0x800;
	[sflag:s15] =	ssyncset.done $0x0  }
0x3b7: {  	s16 =	simm.s32 $0x400;
	s17 =	simm.s32 $0xC00;
	[sflag:s15] =	ssyncadd.s32 $0xFFFFD800  }
0x3b8: {  	_ =	sfence.sel $0x180000  }
0x3b9: {  	[bflag:$0x0] =	sbarrier.arrive $0xFFFF  }
0x3ba: {  	_ =	strace $0x90000047  }
0x3bb: {  	s0 =	stileid.u32;
	[bflag:$0x2] =	sbarrier.arrive $0xFFFF  }
0x3bc: {  	p0 =	sne.s32 s0, $0x0;
	s0 =	rddreg [dreg:$0x4]  }
0x3bd: {  	s0 =	sadd.s32 @!p0 $0x100000, s0  }
0x3be: {  	[sflag:s0] =	ssyncadd.tile.s32 @!p0 $0x1;
	_ =	shalt  }
.Lfunc_end2:
_tile_overlayer_lowered:
.L_overlay_start_2:
0x3bf: {  	(tag) =	ssettag $0x2  }
0x3c0: {  	s0 =	rddreg [dreg:$0x0];
	s2 =	stileid.u32  }
0x3c1: {  	s1 =	rddreg [dreg:$0x1];
	p0 =	sne.s32 s2, $0x0  }
0x3c2: {  	s3 =	rddreg [dreg:$0x2];
	[bflag:$0x3] =	sbarrier.arrive $0xFFFF;
	s2 =	simm.s32 @!p0 $0x1C05  }
0x3c3: {  	[timem:s3], [sflag:s2] =	dma.local @!p0 [hbm:s0], s1  }
0x3c4: {  	s0 =	simm.s32 @!p0 $0x5  }
0x3c5: {  	_ =	swait.ge @!p0 [sflag:s0], s1  }
0x3c6: {  	s1 =	ssub.s32 @!p0 $0x0, s1;
	[sflag:s0] =	ssyncset.done @!p0 $0x0  }
0x3c7: {  	[sflag:s0] =	ssyncadd.s32 @!p0 s1  }
0x3c8: {  	[bflag:$0x3] =	sbarrier.arrive $0xFFFF  }
0x3c9: {  	_ =	shalt  }

</sc_bundles>
